<compile_context>
chip_gen: v7x
topology: tpu7x:2x2x1
jax: 0.10.2.dev20260603
libtpu: 0.0.44.dev20260713+nightly
codegen_flags: <defaults>
</compile_context>

<pallas_src>
import functools

import jax
import jax.numpy as jnp
from jax import lax
from jax.experimental import pallas as pl
from jax.experimental.pallas import tpu as pltpu
from jax.experimental.pallas import tpu_sc as plsc

_EMBED_DIM = 32
_NC = 2
_NS = 16
_NW = _NC * _NS
_NBUF = 4
_LOOKAHEAD = 2
_CHUNK = 800


def _sc_gather(table, idx32, batch, hist):
  n = batch * hist
  b_per_w = n // _NW
  rows_per_w = batch // _NW
  n_chunks = b_per_w // _CHUNK
  n_outer = n_chunks // _NBUF
  rows_per_chunk = _CHUNK // hist
  assert n_chunks % _NBUF == 0 and _CHUNK % hist == 0
  mesh = plsc.VectorSubcoreMesh(core_axis_name="c", subcore_axis_name="s")

  @functools.partial(
      pl.kernel,
      mesh=mesh,
      out_type=jax.ShapeDtypeStruct((batch, hist, _EMBED_DIM), jnp.float32),
      compiler_params=pltpu.CompilerParams(use_tc_tiling_on_sc=False),
      scratch_types=[
          pltpu.VMEM((b_per_w,), jnp.int32),
          *[pltpu.VMEM((_CHUNK, _EMBED_DIM), jnp.float32) for _ in range(_NBUF)],
          *[pltpu.SemaphoreType.DMA for _ in range(2 * _NBUF)],
      ],
  )
  def k(table_hbm, idx_hbm, out_hbm, idx_v, *bufs_and_sems):
    rows = bufs_and_sems[:_NBUF]
    sg = bufs_and_sems[_NBUF:2 * _NBUF]
    sw = bufs_and_sems[2 * _NBUF:]
    wid = lax.axis_index("s") * _NC + lax.axis_index("c")
    row_base = wid * rows_per_w

    pltpu.sync_copy(idx_hbm.at[wid], idx_v)

    def gather_desc(g, b):
      return pltpu.make_async_copy(
          table_hbm.at[idx_v.at[pl.ds(g * _CHUNK, _CHUNK)]], rows[b], sg[b])

    def wb_descs(g, b):
      for j in range(rows_per_chunk):
        yield pltpu.make_async_copy(
            rows[b].at[pl.ds(j * hist, hist)],
            out_hbm.at[row_base + g * rows_per_chunk + j],
            sw[b])

    for b in range(_LOOKAHEAD):
      gather_desc(b, b).start()

    def body(t, _):
      for b in range(_NBUF):
        g = t * _NBUF + b
        nxt = g + _LOOKAHEAD
        nb = (b + _LOOKAHEAD) % _NBUF
        prev = nxt - _NBUF

        @pl.when(jnp.logical_and(nxt < n_chunks, prev >= 0))
        def _():
          for d in wb_descs(prev, nb):
            d.wait()

        @pl.when(nxt < n_chunks)
        def _():
          gather_desc(nxt, nb).start()

        gather_desc(g, b).wait()
        for d in wb_descs(g, b):
          d.start()
      return ()

    lax.fori_loop(0, n_outer, body, ())

    for g in range(n_chunks - (_NBUF - _LOOKAHEAD), n_chunks):
      for d in wb_descs(g, g % _NBUF):
        d.wait()

  return k(table, idx32)


def kernel(input_tokens, table):
  batch, hist = input_tokens.shape
  idx32 = input_tokens.reshape(_NW, (batch * hist) // _NW).astype(jnp.int32)
  return _sc_gather(table, idx32, batch, hist)

# --- scband reference (transcript-rebuilt; emitter-appended) ---
"""Pipeline reference for scband-embeddings-46806553591950 (READ-ONLY COPY).

The authoritative reference and input builder live on the scoring server;
editing this copy changes nothing except your own understanding.
"""

import jax, jax.numpy as jnp
import numpy as np

VOCAB = 1000000
EMBED_DIM = 32
BATCH = 16384
HIST = 50

def setup_inputs(seed: int = 0) -> dict:
    key = jax.random.key(seed)
    k_idx, k_tab = jax.random.split(key)
    input_tokens = jax.random.randint(k_idx, (BATCH, HIST), 0, VOCAB, dtype=jnp.int64 if jax.config.jax_enable_x64 else jnp.int32)
    table = jax.random.normal(k_tab, (VOCAB, EMBED_DIM), dtype=jnp.float32)
    return {"input_tokens": input_tokens, "table": table}

def reference(input_tokens, table):
    # nn.Embedding lookup: gather rows of the table by token id
    embed = jnp.take(table, input_tokens, axis=0)
    return embed

if __name__ == "__main__":
    import jax
    _d = setup_inputs()
    print(jax.jit(kernel)(*tuple(_d.values())))

</pallas_src>

<mosaic_0001>
#map = affine_map<(d0, d1) -> (0, 0)>
#map1 = affine_map<(d0, d1) -> (0, 0, 0)>
module attributes {stable_mosaic.version = 14 : i64} {
  func.func @k(%arg0: i32, %arg1: i32, %arg2: memref<1000000x32xf32, #tpu.memory_space<hbm>>, %arg3: memref<32x25600xi32, #tpu.memory_space<hbm>>, %arg4: memref<16384x50x32xf32, #tpu.memory_space<hbm>>, %arg5: memref<25600xi32, #tpu.memory_space<vmem>>, %arg6: memref<800x32xf32, #tpu.memory_space<vmem>>, %arg7: memref<800x32xf32, #tpu.memory_space<vmem>>, %arg8: memref<800x32xf32, #tpu.memory_space<vmem>>, %arg9: memref<800x32xf32, #tpu.memory_space<vmem>>, %arg10: memref<!tpu.dma_semaphore, #tpu.memory_space<semaphore_mem>>, %arg11: memref<!tpu.dma_semaphore, #tpu.memory_space<semaphore_mem>>, %arg12: memref<!tpu.dma_semaphore, #tpu.memory_space<semaphore_mem>>, %arg13: memref<!tpu.dma_semaphore, #tpu.memory_space<semaphore_mem>>, %arg14: memref<!tpu.dma_semaphore, #tpu.memory_space<semaphore_mem>>, %arg15: memref<!tpu.dma_semaphore, #tpu.memory_space<semaphore_mem>>, %arg16: memref<!tpu.dma_semaphore, #tpu.memory_space<semaphore_mem>>, %arg17: memref<!tpu.dma_semaphore, #tpu.memory_space<semaphore_mem>>) attributes {dimension_semantics = [#tpu.dimension_semantics<core_parallel>, #tpu.dimension_semantics<subcore_parallel>], iteration_bounds = array<i64: 2, 16>, scalar_prefetch = 0 : i64, scratch_operands = 13 : i64, tpu.core_type = #tpu.core_type<sc_vector_subcore>, window_params = [{transform_indices = #map}, {transform_indices = #map}, {transform_indices = #map1}]} {
    %mul3A = arith.constant 2 : i32
    %mul3A_0 = arith.muli %arg1, %mul3A : i32
    %add3A = arith.addi %mul3A_0, %arg0 : i32
    %mul3A_1 = arith.constant 512 : i32
    %mul3A_2 = arith.muli %add3A, %mul3A_1 : i32
    "tpu.region"() ({
      %run_scoped3A = tpu.sem_alloc : memref<!tpu.dma_semaphore, #tpu.memory_space<semaphore_mem>>
      %dma_start3A_591 = arith.constant 0 : i32
      %dma_start3A_592 = tpu.memref_slice %arg3[%add3A, %dma_start3A_591] : memref<32x25600xi32, #tpu.memory_space<hbm>> -> memref<1x25600xi32, #tpu.memory_space<hbm>>
      %dma_start3A_593 = tpu.memref_squeeze %dma_start3A_592 : memref<1x25600xi32, #tpu.memory_space<hbm>> -> memref<25600xi32, #tpu.memory_space<hbm>>
      %dma_start3A_594 = arith.constant 0 : i32
      %dma_start3A_595 = tpu.memref_slice %arg3[%add3A, %dma_start3A_594] : memref<32x25600xi32, #tpu.memory_space<hbm>> -> memref<1x25600xi32, #tpu.memory_space<hbm>>
      %dma_start3A_596 = tpu.memref_squeeze %dma_start3A_595 : memref<1x25600xi32, #tpu.memory_space<hbm>> -> memref<25600xi32, #tpu.memory_space<hbm>>
      tpu.enqueue_dma source(%dma_start3A_596 : memref<25600xi32, #tpu.memory_space<hbm>>) target(%arg5 : memref<25600xi32, #tpu.memory_space<vmem>>) target_semaphore(%run_scoped3A : memref<!tpu.dma_semaphore, #tpu.memory_space<semaphore_mem>>)
      %dma_wait3A_597 = arith.constant 0 : i32
      %dma_wait3A_598 = tpu.memref_slice %arg3[%add3A, %dma_wait3A_597] : memref<32x25600xi32, #tpu.memory_space<hbm>> -> memref<1x25600xi32, #tpu.memory_space<hbm>>
      %dma_wait3A_599 = tpu.memref_squeeze %dma_wait3A_598 : memref<1x25600xi32, #tpu.memory_space<hbm>> -> memref<25600xi32, #tpu.memory_space<hbm>>
      %dma_wait3A_600 = arith.constant 0 : i32
      %dma_wait3A_601 = tpu.memref_slice %arg3[%add3A, %dma_wait3A_600] : memref<32x25600xi32, #tpu.memory_space<hbm>> -> memref<1x25600xi32, #tpu.memory_space<hbm>>
      %dma_wait3A_602 = tpu.memref_squeeze %dma_wait3A_601 : memref<1x25600xi32, #tpu.memory_space<hbm>> -> memref<25600xi32, #tpu.memory_space<hbm>>
      tpu.wait_dma2 semaphore(%run_scoped3A : memref<!tpu.dma_semaphore, #tpu.memory_space<semaphore_mem>>) src(%dma_wait3A_602 : memref<25600xi32, #tpu.memory_space<hbm>>) dst(%arg5 : memref<25600xi32, #tpu.memory_space<vmem>>)
      tpu.yield
    }) : () -> ()
    %dma_start3A = arith.constant 0 : i32
    %dma_start3A_3 = tpu.memref_slice %arg5[%dma_start3A] : memref<25600xi32, #tpu.memory_space<vmem>> -> memref<800xi32, #tpu.memory_space<vmem>>
    %dma_start3A_4 = arith.constant 0 : i32
    %dma_start3A_5 = arith.constant 0 : i32
    %dma_start3A_6 = tpu.memref_slice %arg2[%dma_start3A_4, %dma_start3A_5] : memref<1000000x32xf32, #tpu.memory_space<hbm>> -> memref<1000000x32xf32, #tpu.memory_space<hbm>>
    tpu.enqueue_indirect_dma source(%dma_start3A_6 : memref<1000000x32xf32, #tpu.memory_space<hbm>>) target(%arg6 : memref<800x32xf32, #tpu.memory_space<vmem>>) offsets(%dma_start3A_3 : memref<800xi32, #tpu.memory_space<vmem>>) semaphore(%arg10 : memref<!tpu.dma_semaphore, #tpu.memory_space<semaphore_mem>>)
    %dma_start3A_7 = arith.constant 800 : i32
    %dma_start3A_8 = tpu.memref_slice %arg5[%dma_start3A_7] : memref<25600xi32, #tpu.memory_space<vmem>> -> memref<800xi32, #tpu.memory_space<vmem>>
    %dma_start3A_9 = arith.constant 0 : i32
    %dma_start3A_10 = arith.constant 0 : i32
    %dma_start3A_11 = tpu.memref_slice %arg2[%dma_start3A_9, %dma_start3A_10] : memref<1000000x32xf32, #tpu.memory_space<hbm>> -> memref<1000000x32xf32, #tpu.memory_space<hbm>>
    tpu.enqueue_indirect_dma source(%dma_start3A_11 : memref<1000000x32xf32, #tpu.memory_space<hbm>>) target(%arg7 : memref<800x32xf32, #tpu.memory_space<vmem>>) offsets(%dma_start3A_8 : memref<800xi32, #tpu.memory_space<vmem>>) semaphore(%arg11 : memref<!tpu.dma_semaphore, #tpu.memory_space<semaphore_mem>>)
    %scan3A = arith.constant 0 : i32
    %scan3A_12 = arith.constant 8 : i32
    %scan3A_13 = arith.addi %scan3A, %scan3A_12 : i32
    %scan3A_14 = arith.constant 1 : i32
    scf.for %scan3A_591 = %scan3A to %scan3A_13 step %scan3A_14  : i32 {
      %mul3A_592 = arith.constant 4 : i32
      %mul3A_593 = arith.muli %scan3A_591, %mul3A_592 : i32
      %add3A_594 = arith.constant 0 : i32
      %add3A_595 = arith.addi %mul3A_593, %add3A_594 : i32
      %add3A_596 = arith.constant 2 : i32
      %add3A_597 = arith.addi %add3A_595, %add3A_596 : i32
      %sub3A = arith.constant 4 : i32
      %sub3A_598 = arith.subi %add3A_597, %sub3A : i32
      %lt3A = arith.constant 32 : i32
      %lt3A_599 = arith.cmpi slt, %add3A_597, %lt3A : i32
      %ge3A = arith.constant 0 : i32
      %ge3A_600 = arith.cmpi sge, %sub3A_598, %ge3A : i32
      %and3A = arith.andi %lt3A_599, %ge3A_600 : i1
      %convert_element_type3A = arith.extui %and3A : i1 to i32
      %cond3A = arith.constant 0 : i32
      %cond3A_601 = arith.cmpi ne, %convert_element_type3A, %cond3A : i32
      scf.if %cond3A_601 {
        %mul3A_1910 = arith.constant 16 : i32
        %mul3A_1911 = arith.muli %sub3A_598, %mul3A_1910 : i32
        %add3A_1912 = arith.addi %mul3A_2, %mul3A_1911 : i32
        %add3A_1913 = arith.constant 0 : i32
        %add3A_1914 = arith.addi %add3A_1912, %add3A_1913 : i32
        %dma_wait3A_1915 = arith.constant 0 : i32
        %dma_wait3A_1916 = arith.constant 0 : i32
        %dma_wait3A_1917 = tpu.memref_slice %arg8[%dma_wait3A_1915, %dma_wait3A_1916] : memref<800x32xf32, #tpu.memory_space<vmem>> -> memref<50x32xf32, #tpu.memory_space<vmem>>
        %dma_wait3A_1918 = arith.constant 0 : i32
        %dma_wait3A_1919 = arith.constant 0 : i32
        %dma_wait3A_1920 = tpu.memref_slice %arg4[%add3A_1914, %dma_wait3A_1918, %dma_wait3A_1919] : memref<16384x50x32xf32, #tpu.memory_space<hbm>> -> memref<1x50x32xf32, #tpu.memory_space<hbm>>
        %dma_wait3A_1921 = tpu.memref_squeeze %dma_wait3A_1920 : memref<1x50x32xf32, #tpu.memory_space<hbm>> -> memref<50x32xf32, #tpu.memory_space<hbm>>
        %dma_wait3A_1922 = arith.constant 0 : i32
        %dma_wait3A_1923 = arith.constant 0 : i32
        %dma_wait3A_1924 = tpu.memref_slice %arg4[%add3A_1914, %dma_wait3A_1922, %dma_wait3A_1923] : memref<16384x50x32xf32, #tpu.memory_space<hbm>> -> memref<1x50x32xf32, #tpu.memory_space<hbm>>
        %dma_wait3A_1925 = tpu.memref_squeeze %dma_wait3A_1924 : memref<1x50x32xf32, #tpu.memory_space<hbm>> -> memref<50x32xf32, #tpu.memory_space<hbm>>
        %dma_wait3A_1926 = arith.constant 0 : i32
        %dma_wait3A_1927 = arith.constant 0 : i32
        %dma_wait3A_1928 = tpu.memref_slice %arg8[%dma_wait3A_1926, %dma_wait3A_1927] : memref<800x32xf32, #tpu.memory_space<vmem>> -> memref<50x32xf32, #tpu.memory_space<vmem>>
        tpu.wait_dma2 semaphore(%arg16 : memref<!tpu.dma_semaphore, #tpu.memory_space<semaphore_mem>>) src(%dma_wait3A_1928 : memref<50x32xf32, #tpu.memory_space<vmem>>) dst(%dma_wait3A_1925 : memref<50x32xf32, #tpu.memory_space<hbm>>)
        %mul3A_1929 = arith.constant 16 : i32
        %mul3A_1930 = arith.muli %sub3A_598, %mul3A_1929 : i32
        %add3A_1931 = arith.addi %mul3A_2, %mul3A_1930 : i32
        %add3A_1932 = arith.constant 1 : i32
        %add3A_1933 = arith.addi %add3A_1931, %add3A_1932 : i32
        %dma_wait3A_1934 = arith.constant 50 : i32
        %dma_wait3A_1935 = arith.constant 0 : i32
        %dma_wait3A_1936 = tpu.memref_slice %arg8[%dma_wait3A_1934, %dma_wait3A_1935] : memref<800x32xf32, #tpu.memory_space<vmem>> -> memref<50x32xf32, #tpu.memory_space<vmem>>
        %dma_wait3A_1937 = arith.constant 0 : i32
        %dma_wait3A_1938 = arith.constant 0 : i32
        %dma_wait3A_1939 = tpu.memref_slice %arg4[%add3A_1933, %dma_wait3A_1937, %dma_wait3A_1938] : memref<16384x50x32xf32, #tpu.memory_space<hbm>> -> memref<1x50x32xf32, #tpu.memory_space<hbm>>
        %dma_wait3A_1940 = tpu.memref_squeeze %dma_wait3A_1939 : memref<1x50x32xf32, #tpu.memory_space<hbm>> -> memref<50x32xf32, #tpu.memory_space<hbm>>
        %dma_wait3A_1941 = arith.constant 0 : i32
        %dma_wait3A_1942 = arith.constant 0 : i32
        %dma_wait3A_1943 = tpu.memref_slice %arg4[%add3A_1933, %dma_wait3A_1941, %dma_wait3A_1942] : memref<16384x50x32xf32, #tpu.memory_space<hbm>> -> memref<1x50x32xf32, #tpu.memory_space<hbm>>
        %dma_wait3A_1944 = tpu.memref_squeeze %dma_wait3A_1943 : memref<1x50x32xf32, #tpu.memory_space<hbm>> -> memref<50x32xf32, #tpu.memory_space<hbm>>
        %dma_wait3A_1945 = arith.constant 50 : i32
        %dma_wait3A_1946 = arith.constant 0 : i32
        %dma_wait3A_1947 = tpu.memref_slice %arg8[%dma_wait3A_1945, %dma_wait3A_1946] : memref<800x32xf32, #tpu.memory_space<vmem>> -> memref<50x32xf32, #tpu.memory_space<vmem>>
        tpu.wait_dma2 semaphore(%arg16 : memref<!tpu.dma_semaphore, #tpu.memory_space<semaphore_mem>>) src(%dma_wait3A_1947 : memref<50x32xf32, #tpu.memory_space<vmem>>) dst(%dma_wait3A_1944 : memref<50x32xf32, #tpu.memory_space<hbm>>)
        %mul3A_1948 = arith.constant 16 : i32
        %mul3A_1949 = arith.muli %sub3A_598, %mul3A_1948 : i32
        %add3A_1950 = arith.addi %mul3A_2, %mul3A_1949 : i32
        %add3A_1951 = arith.constant 2 : i32
        %add3A_1952 = arith.addi %add3A_1950, %add3A_1951 : i32
        %dma_wait3A_1953 = arith.constant 100 : i32
        %dma_wait3A_1954 = arith.constant 0 : i32
        %dma_wait3A_1955 = tpu.memref_slice %arg8[%dma_wait3A_1953, %dma_wait3A_1954] : memref<800x32xf32, #tpu.memory_space<vmem>> -> memref<50x32xf32, #tpu.memory_space<vmem>>
        %dma_wait3A_1956 = arith.constant 0 : i32
        %dma_wait3A_1957 = arith.constant 0 : i32
        %dma_wait3A_1958 = tpu.memref_slice %arg4[%add3A_1952, %dma_wait3A_1956, %dma_wait3A_1957] : memref<16384x50x32xf32, #tpu.memory_space<hbm>> -> memref<1x50x32xf32, #tpu.memory_space<hbm>>
        %dma_wait3A_1959 = tpu.memref_squeeze %dma_wait3A_1958 : memref<1x50x32xf32, #tpu.memory_space<hbm>> -> memref<50x32xf32, #tpu.memory_space<hbm>>
        %dma_wait3A_1960 = arith.constant 0 : i32
        %dma_wait3A_1961 = arith.constant 0 : i32
        %dma_wait3A_1962 = tpu.memref_slice %arg4[%add3A_1952, %dma_wait3A_1960, %dma_wait3A_1961] : memref<16384x50x32xf32, #tpu.memory_space<hbm>> -> memref<1x50x32xf32, #tpu.memory_space<hbm>>
        %dma_wait3A_1963 = tpu.memref_squeeze %dma_wait3A_1962 : memref<1x50x32xf32, #tpu.memory_space<hbm>> -> memref<50x32xf32, #tpu.memory_space<hbm>>
        %dma_wait3A_1964 = arith.constant 100 : i32
        %dma_wait3A_1965 = arith.constant 0 : i32
        %dma_wait3A_1966 = tpu.memref_slice %arg8[%dma_wait3A_1964, %dma_wait3A_1965] : memref<800x32xf32, #tpu.memory_space<vmem>> -> memref<50x32xf32, #tpu.memory_space<vmem>>
        tpu.wait_dma2 semaphore(%arg16 : memref<!tpu.dma_semaphore, #tpu.memory_space<semaphore_mem>>) src(%dma_wait3A_1966 : memref<50x32xf32, #tpu.memory_space<vmem>>) dst(%dma_wait3A_1963 : memref<50x32xf32, #tpu.memory_space<hbm>>)
        %mul3A_1967 = arith.constant 16 : i32
        %mul3A_1968 = arith.muli %sub3A_598, %mul3A_1967 : i32
        %add3A_1969 = arith.addi %mul3A_2, %mul3A_1968 : i32
        %add3A_1970 = arith.constant 3 : i32
        %add3A_1971 = arith.addi %add3A_1969, %add3A_1970 : i32
        %dma_wait3A_1972 = arith.constant 150 : i32
        %dma_wait3A_1973 = arith.constant 0 : i32
        %dma_wait3A_1974 = tpu.memref_slice %arg8[%dma_wait3A_1972, %dma_wait3A_1973] : memref<800x32xf32, #tpu.memory_space<vmem>> -> memref<50x32xf32, #tpu.memory_space<vmem>>
        %dma_wait3A_1975 = arith.constant 0 : i32
        %dma_wait3A_1976 = arith.constant 0 : i32
        %dma_wait3A_1977 = tpu.memref_slice %arg4[%add3A_1971, %dma_wait3A_1975, %dma_wait3A_1976] : memref<16384x50x32xf32, #tpu.memory_space<hbm>> -> memref<1x50x32xf32, #tpu.memory_space<hbm>>
        %dma_wait3A_1978 = tpu.memref_squeeze %dma_wait3A_1977 : memref<1x50x32xf32, #tpu.memory_space<hbm>> -> memref<50x32xf32, #tpu.memory_space<hbm>>
        %dma_wait3A_1979 = arith.constant 0 : i32
        %dma_wait3A_1980 = arith.constant 0 : i32
        %dma_wait3A_1981 = tpu.memref_slice %arg4[%add3A_1971, %dma_wait3A_1979, %dma_wait3A_1980] : memref<16384x50x32xf32, #tpu.memory_space<hbm>> -> memref<1x50x32xf32, #tpu.memory_space<hbm>>
        %dma_wait3A_1982 = tpu.memref_squeeze %dma_wait3A_1981 : memref<1x50x32xf32, #tpu.memory_space<hbm>> -> memref<50x32xf32, #tpu.memory_space<hbm>>
        %dma_wait3A_1983 = arith.constant 150 : i32
        %dma_wait3A_1984 = arith.constant 0 : i32
        %dma_wait3A_1985 = tpu.memref_slice %arg8[%dma_wait3A_1983, %dma_wait3A_1984] : memref<800x32xf32, #tpu.memory_space<vmem>> -> memref<50x32xf32, #tpu.memory_space<vmem>>
        tpu.wait_dma2 semaphore(%arg16 : memref<!tpu.dma_semaphore, #tpu.memory_space<semaphore_mem>>) src(%dma_wait3A_1985 : memref<50x32xf32, #tpu.memory_space<vmem>>) dst(%dma_wait3A_1982 : memref<50x32xf32, #tpu.memory_space<hbm>>)
        %mul3A_1986 = arith.constant 16 : i32
        %mul3A_1987 = arith.muli %sub3A_598, %mul3A_1986 : i32
        %add3A_1988 = arith.addi %mul3A_2, %mul3A_1987 : i32
        %add3A_1989 = arith.constant 4 : i32
        %add3A_1990 = arith.addi %add3A_1988, %add3A_1989 : i32
        %dma_wait3A_1991 = arith.constant 200 : i32
        %dma_wait3A_1992 = arith.constant 0 : i32
        %dma_wait3A_1993 = tpu.memref_slice %arg8[%dma_wait3A_1991, %dma_wait3A_1992] : memref<800x32xf32, #tpu.memory_space<vmem>> -> memref<50x32xf32, #tpu.memory_space<vmem>>
        %dma_wait3A_1994 = arith.constant 0 : i32
        %dma_wait3A_1995 = arith.constant 0 : i32
        %dma_wait3A_1996 = tpu.memref_slice %arg4[%add3A_1990, %dma_wait3A_1994, %dma_wait3A_1995] : memref<16384x50x32xf32, #tpu.memory_space<hbm>> -> memref<1x50x32xf32, #tpu.memory_space<hbm>>
        %dma_wait3A_1997 = tpu.memref_squeeze %dma_wait3A_1996 : memref<1x50x32xf32, #tpu.memory_space<hbm>> -> memref<50x32xf32, #tpu.memory_space<hbm>>
        %dma_wait3A_1998 = arith.constant 0 : i32
        %dma_wait3A_1999 = arith.constant 0 : i32
        %dma_wait3A_2000 = tpu.memref_slice %arg4[%add3A_1990, %dma_wait3A_1998, %dma_wait3A_1999] : memref<16384x50x32xf32, #tpu.memory_space<hbm>> -> memref<1x50x32xf32, #tpu.memory_space<hbm>>
        %dma_wait3A_2001 = tpu.memref_squeeze %dma_wait3A_2000 : memref<1x50x32xf32, #tpu.memory_space<hbm>> -> memref<50x32xf32, #tpu.memory_space<hbm>>
        %dma_wait3A_2002 = arith.constant 200 : i32
        %dma_wait3A_2003 = arith.constant 0 : i32
        %dma_wait3A_2004 = tpu.memref_slice %arg8[%dma_wait3A_2002, %dma_wait3A_2003] : memref<800x32xf32, #tpu.memory_space<vmem>> -> memref<50x32xf32, #tpu.memory_space<vmem>>
        tpu.wait_dma2 semaphore(%arg16 : memref<!tpu.dma_semaphore, #tpu.memory_space<semaphore_mem>>) src(%dma_wait3A_2004 : memref<50x32xf32, #tpu.memory_space<vmem>>) dst(%dma_wait3A_2001 : memref<50x32xf32, #tpu.memory_space<hbm>>)
        %mul3A_2005 = arith.constant 16 : i32
        %mul3A_2006 = arith.muli %sub3A_598, %mul3A_2005 : i32
        %add3A_2007 = arith.addi %mul3A_2, %mul3A_2006 : i32
        %add3A_2008 = arith.constant 5 : i32
        %add3A_2009 = arith.addi %add3A_2007, %add3A_2008 : i32
        %dma_wait3A_2010 = arith.constant 250 : i32
        %dma_wait3A_2011 = arith.constant 0 : i32
        %dma_wait3A_2012 = tpu.memref_slice %arg8[%dma_wait3A_2010, %dma_wait3A_2011] : memref<800x32xf32, #tpu.memory_space<vmem>> -> memref<50x32xf32, #tpu.memory_space<vmem>>
        %dma_wait3A_2013 = arith.constant 0 : i32
        %dma_wait3A_2014 = arith.constant 0 : i32
        %dma_wait3A_2015 = tpu.memref_slice %arg4[%add3A_2009, %dma_wait3A_2013, %dma_wait3A_2014] : memref<16384x50x32xf32, #tpu.memory_space<hbm>> -> memref<1x50x32xf32, #tpu.memory_space<hbm>>
        %dma_wait3A_2016 = tpu.memref_squeeze %dma_wait3A_2015 : memref<1x50x32xf32, #tpu.memory_space<hbm>> -> memref<50x32xf32, #tpu.memory_space<hbm>>
        %dma_wait3A_2017 = arith.constant 0 : i32
        %dma_wait3A_2018 = arith.constant 0 : i32
        %dma_wait3A_2019 = tpu.memref_slice %arg4[%add3A_2009, %dma_wait3A_2017, %dma_wait3A_2018] : memref<16384x50x32xf32, #tpu.memory_space<hbm>> -> memref<1x50x32xf32, #tpu.memory_space<hbm>>
        %dma_wait3A_2020 = tpu.memref_squeeze %dma_wait3A_2019 : memref<1x50x32xf32, #tpu.memory_space<hbm>> -> memref<50x32xf32, #tpu.memory_space<hbm>>
        %dma_wait3A_2021 = arith.constant 250 : i32
        %dma_wait3A_2022 = arith.constant 0 : i32
        %dma_wait3A_2023 = tpu.memref_slice %arg8[%dma_wait3A_2021, %dma_wait3A_2022] : memref<800x32xf32, #tpu.memory_space<vmem>> -> memref<50x32xf32, #tpu.memory_space<vmem>>
        tpu.wait_dma2 semaphore(%arg16 : memref<!tpu.dma_semaphore, #tpu.memory_space<semaphore_mem>>) src(%dma_wait3A_2023 : memref<50x32xf32, #tpu.memory_space<vmem>>) dst(%dma_wait3A_2020 : memref<50x32xf32, #tpu.memory_space<hbm>>)
        %mul3A_2024 = arith.constant 16 : i32
        %mul3A_2025 = arith.muli %sub3A_598, %mul3A_2024 : i32
        %add3A_2026 = arith.addi %mul3A_2, %mul3A_2025 : i32
        %add3A_2027 = arith.constant 6 : i32
        %add3A_2028 = arith.addi %add3A_2026, %add3A_2027 : i32
        %dma_wait3A_2029 = arith.constant 300 : i32
        %dma_wait3A_2030 = arith.constant 0 : i32
        %dma_wait3A_2031 = tpu.memref_slice %arg8[%dma_wait3A_2029, %dma_wait3A_2030] : memref<800x32xf32, #tpu.memory_space<vmem>> -> memref<50x32xf32, #tpu.memory_space<vmem>>
        %dma_wait3A_2032 = arith.constant 0 : i32
        %dma_wait3A_2033 = arith.constant 0 : i32
        %dma_wait3A_2034 = tpu.memref_slice %arg4[%add3A_2028, %dma_wait3A_2032, %dma_wait3A_2033] : memref<16384x50x32xf32, #tpu.memory_space<hbm>> -> memref<1x50x32xf32, #tpu.memory_space<hbm>>
        %dma_wait3A_2035 = tpu.memref_squeeze %dma_wait3A_2034 : memref<1x50x32xf32, #tpu.memory_space<hbm>> -> memref<50x32xf32, #tpu.memory_space<hbm>>
        %dma_wait3A_2036 = arith.constant 0 : i32
        %dma_wait3A_2037 = arith.constant 0 : i32
        %dma_wait3A_2038 = tpu.memref_slice %arg4[%add3A_2028, %dma_wait3A_2036, %dma_wait3A_2037] : memref<16384x50x32xf32, #tpu.memory_space<hbm>> -> memref<1x50x32xf32, #tpu.memory_space<hbm>>
        %dma_wait3A_2039 = tpu.memref_squeeze %dma_wait3A_2038 : memref<1x50x32xf32, #tpu.memory_space<hbm>> -> memref<50x32xf32, #tpu.memory_space<hbm>>
        %dma_wait3A_2040 = arith.constant 300 : i32
        %dma_wait3A_2041 = arith.constant 0 : i32
        %dma_wait3A_2042 = tpu.memref_slice %arg8[%dma_wait3A_2040, %dma_wait3A_2041] : memref<800x32xf32, #tpu.memory_space<vmem>> -> memref<50x32xf32, #tpu.memory_space<vmem>>
        tpu.wait_dma2 semaphore(%arg16 : memref<!tpu.dma_semaphore, #tpu.memory_space<semaphore_mem>>) src(%dma_wait3A_2042 : memref<50x32xf32, #tpu.memory_space<vmem>>) dst(%dma_wait3A_2039 : memref<50x32xf32, #tpu.memory_space<hbm>>)
        %mul3A_2043 = arith.constant 16 : i32
        %mul3A_2044 = arith.muli %sub3A_598, %mul3A_2043 : i32
        %add3A_2045 = arith.addi %mul3A_2, %mul3A_2044 : i32
        %add3A_2046 = arith.constant 7 : i32
        %add3A_2047 = arith.addi %add3A_2045, %add3A_2046 : i32
        %dma_wait3A_2048 = arith.constant 350 : i32
        %dma_wait3A_2049 = arith.constant 0 : i32
        %dma_wait3A_2050 = tpu.memref_slice %arg8[%dma_wait3A_2048, %dma_wait3A_2049] : memref<800x32xf32, #tpu.memory_space<vmem>> -> memref<50x32xf32, #tpu.memory_space<vmem>>
        %dma_wait3A_2051 = arith.constant 0 : i32
        %dma_wait3A_2052 = arith.constant 0 : i32
        %dma_wait3A_2053 = tpu.memref_slice %arg4[%add3A_2047, %dma_wait3A_2051, %dma_wait3A_2052] : memref<16384x50x32xf32, #tpu.memory_space<hbm>> -> memref<1x50x32xf32, #tpu.memory_space<hbm>>
        %dma_wait3A_2054 = tpu.memref_squeeze %dma_wait3A_2053 : memref<1x50x32xf32, #tpu.memory_space<hbm>> -> memref<50x32xf32, #tpu.memory_space<hbm>>
        %dma_wait3A_2055 = arith.constant 0 : i32
        %dma_wait3A_2056 = arith.constant 0 : i32
        %dma_wait3A_2057 = tpu.memref_slice %arg4[%add3A_2047, %dma_wait3A_2055, %dma_wait3A_2056] : memref<16384x50x32xf32, #tpu.memory_space<hbm>> -> memref<1x50x32xf32, #tpu.memory_space<hbm>>
        %dma_wait3A_2058 = tpu.memref_squeeze %dma_wait3A_2057 : memref<1x50x32xf32, #tpu.memory_space<hbm>> -> memref<50x32xf32, #tpu.memory_space<hbm>>
        %dma_wait3A_2059 = arith.constant 350 : i32
        %dma_wait3A_2060 = arith.constant 0 : i32
        %dma_wait3A_2061 = tpu.memref_slice %arg8[%dma_wait3A_2059, %dma_wait3A_2060] : memref<800x32xf32, #tpu.memory_space<vmem>> -> memref<50x32xf32, #tpu.memory_space<vmem>>
        tpu.wait_dma2 semaphore(%arg16 : memref<!tpu.dma_semaphore, #tpu.memory_space<semaphore_mem>>) src(%dma_wait3A_2061 : memref<50x32xf32, #tpu.memory_space<vmem>>) dst(%dma_wait3A_2058 : memref<50x32xf32, #tpu.memory_space<hbm>>)
        %mul3A_2062 = arith.constant 16 : i32
        %mul3A_2063 = arith.muli %sub3A_598, %mul3A_2062 : i32
        %add3A_2064 = arith.addi %mul3A_2, %mul3A_2063 : i32
        %add3A_2065 = arith.constant 8 : i32
        %add3A_2066 = arith.addi %add3A_2064, %add3A_2065 : i32
        %dma_wait3A_2067 = arith.constant 400 : i32
        %dma_wait3A_2068 = arith.constant 0 : i32
        %dma_wait3A_2069 = tpu.memref_slice %arg8[%dma_wait3A_2067, %dma_wait3A_2068] : memref<800x32xf32, #tpu.memory_space<vmem>> -> memref<50x32xf32, #tpu.memory_space<vmem>>
        %dma_wait3A_2070 = arith.constant 0 : i32
        %dma_wait3A_2071 = arith.constant 0 : i32
        %dma_wait3A_2072 = tpu.memref_slice %arg4[%add3A_2066, %dma_wait3A_2070, %dma_wait3A_2071] : memref<16384x50x32xf32, #tpu.memory_space<hbm>> -> memref<1x50x32xf32, #tpu.memory_space<hbm>>
        %dma_wait3A_2073 = tpu.memref_squeeze %dma_wait3A_2072 : memref<1x50x32xf32, #tpu.memory_space<hbm>> -> memref<50x32xf32, #tpu.memory_space<hbm>>
        %dma_wait3A_2074 = arith.constant 0 : i32
        %dma_wait3A_2075 = arith.constant 0 : i32
        %dma_wait3A_2076 = tpu.memref_slice %arg4[%add3A_2066, %dma_wait3A_2074, %dma_wait3A_2075] : memref<16384x50x32xf32, #tpu.memory_space<hbm>> -> memref<1x50x32xf32, #tpu.memory_space<hbm>>
        %dma_wait3A_2077 = tpu.memref_squeeze %dma_wait3A_2076 : memref<1x50x32xf32, #tpu.memory_space<hbm>> -> memref<50x32xf32, #tpu.memory_space<hbm>>
        %dma_wait3A_2078 = arith.constant 400 : i32
        %dma_wait3A_2079 = arith.constant 0 : i32
        %dma_wait3A_2080 = tpu.memref_slice %arg8[%dma_wait3A_2078, %dma_wait3A_2079] : memref<800x32xf32, #tpu.memory_space<vmem>> -> memref<50x32xf32, #tpu.memory_space<vmem>>
        tpu.wait_dma2 semaphore(%arg16 : memref<!tpu.dma_semaphore, #tpu.memory_space<semaphore_mem>>) src(%dma_wait3A_2080 : memref<50x32xf32, #tpu.memory_space<vmem>>) dst(%dma_wait3A_2077 : memref<50x32xf32, #tpu.memory_space<hbm>>)
        %mul3A_2081 = arith.constant 16 : i32
        %mul3A_2082 = arith.muli %sub3A_598, %mul3A_2081 : i32
        %add3A_2083 = arith.addi %mul3A_2, %mul3A_2082 : i32
        %add3A_2084 = arith.constant 9 : i32
        %add3A_2085 = arith.addi %add3A_2083, %add3A_2084 : i32
        %dma_wait3A_2086 = arith.constant 450 : i32
        %dma_wait3A_2087 = arith.constant 0 : i32
        %dma_wait3A_2088 = tpu.memref_slice %arg8[%dma_wait3A_2086, %dma_wait3A_2087] : memref<800x32xf32, #tpu.memory_space<vmem>> -> memref<50x32xf32, #tpu.memory_space<vmem>>
        %dma_wait3A_2089 = arith.constant 0 : i32
        %dma_wait3A_2090 = arith.constant 0 : i32
        %dma_wait3A_2091 = tpu.memref_slice %arg4[%add3A_2085, %dma_wait3A_2089, %dma_wait3A_2090] : memref<16384x50x32xf32, #tpu.memory_space<hbm>> -> memref<1x50x32xf32, #tpu.memory_space<hbm>>
        %dma_wait3A_2092 = tpu.memref_squeeze %dma_wait3A_2091 : memref<1x50x32xf32, #tpu.memory_space<hbm>> -> memref<50x32xf32, #tpu.memory_space<hbm>>
        %dma_wait3A_2093 = arith.constant 0 : i32
        %dma_wait3A_2094 = arith.constant 0 : i32
        %dma_wait3A_2095 = tpu.memref_slice %arg4[%add3A_2085, %dma_wait3A_2093, %dma_wait3A_2094] : memref<16384x50x32xf32, #tpu.memory_space<hbm>> -> memref<1x50x32xf32, #tpu.memory_space<hbm>>
        %dma_wait3A_2096 = tpu.memref_squeeze %dma_wait3A_2095 : memref<1x50x32xf32, #tpu.memory_space<hbm>> -> memref<50x32xf32, #tpu.memory_space<hbm>>
        %dma_wait3A_2097 = arith.constant 450 : i32
        %dma_wait3A_2098 = arith.constant 0 : i32
        %dma_wait3A_2099 = tpu.memref_slice %arg8[%dma_wait3A_2097, %dma_wait3A_2098] : memref<800x32xf32, #tpu.memory_space<vmem>> -> memref<50x32xf32, #tpu.memory_space<vmem>>
        tpu.wait_dma2 semaphore(%arg16 : memref<!tpu.dma_semaphore, #tpu.memory_space<semaphore_mem>>) src(%dma_wait3A_2099 : memref<50x32xf32, #tpu.memory_space<vmem>>) dst(%dma_wait3A_2096 : memref<50x32xf32, #tpu.memory_space<hbm>>)
        %mul3A_2100 = arith.constant 16 : i32
        %mul3A_2101 = arith.muli %sub3A_598, %mul3A_2100 : i32
        %add3A_2102 = arith.addi %mul3A_2, %mul3A_2101 : i32
        %add3A_2103 = arith.constant 10 : i32
        %add3A_2104 = arith.addi %add3A_2102, %add3A_2103 : i32
        %dma_wait3A_2105 = arith.constant 500 : i32
        %dma_wait3A_2106 = arith.constant 0 : i32
        %dma_wait3A_2107 = tpu.memref_slice %arg8[%dma_wait3A_2105, %dma_wait3A_2106] : memref<800x32xf32, #tpu.memory_space<vmem>> -> memref<50x32xf32, #tpu.memory_space<vmem>>
        %dma_wait3A_2108 = arith.constant 0 : i32
        %dma_wait3A_2109 = arith.constant 0 : i32
        %dma_wait3A_2110 = tpu.memref_slice %arg4[%add3A_2104, %dma_wait3A_2108, %dma_wait3A_2109] : memref<16384x50x32xf32, #tpu.memory_space<hbm>> -> memref<1x50x32xf32, #tpu.memory_space<hbm>>
        %dma_wait3A_2111 = tpu.memref_squeeze %dma_wait3A_2110 : memref<1x50x32xf32, #tpu.memory_space<hbm>> -> memref<50x32xf32, #tpu.memory_space<hbm>>
        %dma_wait3A_2112 = arith.constant 0 : i32
        %dma_wait3A_2113 = arith.constant 0 : i32
        %dma_wait3A_2114 = tpu.memref_slice %arg4[%add3A_2104, %dma_wait3A_2112, %dma_wait3A_2113] : memref<16384x50x32xf32, #tpu.memory_space<hbm>> -> memref<1x50x32xf32, #tpu.memory_space<hbm>>
        %dma_wait3A_2115 = tpu.memref_squeeze %dma_wait3A_2114 : memref<1x50x32xf32, #tpu.memory_space<hbm>> -> memref<50x32xf32, #tpu.memory_space<hbm>>
        %dma_wait3A_2116 = arith.constant 500 : i32
        %dma_wait3A_2117 = arith.constant 0 : i32
        %dma_wait3A_2118 = tpu.memref_slice %arg8[%dma_wait3A_2116, %dma_wait3A_2117] : memref<800x32xf32, #tpu.memory_space<vmem>> -> memref<50x32xf32, #tpu.memory_space<vmem>>
        tpu.wait_dma2 semaphore(%arg16 : memref<!tpu.dma_semaphore, #tpu.memory_space<semaphore_mem>>) src(%dma_wait3A_2118 : memref<50x32xf32, #tpu.memory_space<vmem>>) dst(%dma_wait3A_2115 : memref<50x32xf32, #tpu.memory_space<hbm>>)
        %mul3A_2119 = arith.constant 16 : i32
        %mul3A_2120 = arith.muli %sub3A_598, %mul3A_2119 : i32
        %add3A_2121 = arith.addi %mul3A_2, %mul3A_2120 : i32
        %add3A_2122 = arith.constant 11 : i32
        %add3A_2123 = arith.addi %add3A_2121, %add3A_2122 : i32
        %dma_wait3A_2124 = arith.constant 550 : i32
        %dma_wait3A_2125 = arith.constant 0 : i32
        %dma_wait3A_2126 = tpu.memref_slice %arg8[%dma_wait3A_2124, %dma_wait3A_2125] : memref<800x32xf32, #tpu.memory_space<vmem>> -> memref<50x32xf32, #tpu.memory_space<vmem>>
        %dma_wait3A_2127 = arith.constant 0 : i32
        %dma_wait3A_2128 = arith.constant 0 : i32
        %dma_wait3A_2129 = tpu.memref_slice %arg4[%add3A_2123, %dma_wait3A_2127, %dma_wait3A_2128] : memref<16384x50x32xf32, #tpu.memory_space<hbm>> -> memref<1x50x32xf32, #tpu.memory_space<hbm>>
        %dma_wait3A_2130 = tpu.memref_squeeze %dma_wait3A_2129 : memref<1x50x32xf32, #tpu.memory_space<hbm>> -> memref<50x32xf32, #tpu.memory_space<hbm>>
        %dma_wait3A_2131 = arith.constant 0 : i32
        %dma_wait3A_2132 = arith.constant 0 : i32
        %dma_wait3A_2133 = tpu.memref_slice %arg4[%add3A_2123, %dma_wait3A_2131, %dma_wait3A_2132] : memref<16384x50x32xf32, #tpu.memory_space<hbm>> -> memref<1x50x32xf32, #tpu.memory_space<hbm>>
        %dma_wait3A_2134 = tpu.memref_squeeze %dma_wait3A_2133 : memref<1x50x32xf32, #tpu.memory_space<hbm>> -> memref<50x32xf32, #tpu.memory_space<hbm>>
        %dma_wait3A_2135 = arith.constant 550 : i32
        %dma_wait3A_2136 = arith.constant 0 : i32
        %dma_wait3A_2137 = tpu.memref_slice %arg8[%dma_wait3A_2135, %dma_wait3A_2136] : memref<800x32xf32, #tpu.memory_space<vmem>> -> memref<50x32xf32, #tpu.memory_space<vmem>>
        tpu.wait_dma2 semaphore(%arg16 : memref<!tpu.dma_semaphore, #tpu.memory_space<semaphore_mem>>) src(%dma_wait3A_2137 : memref<50x32xf32, #tpu.memory_space<vmem>>) dst(%dma_wait3A_2134 : memref<50x32xf32, #tpu.memory_space<hbm>>)
        %mul3A_2138 = arith.constant 16 : i32
        %mul3A_2139 = arith.muli %sub3A_598, %mul3A_2138 : i32
        %add3A_2140 = arith.addi %mul3A_2, %mul3A_2139 : i32
        %add3A_2141 = arith.constant 12 : i32
        %add3A_2142 = arith.addi %add3A_2140, %add3A_2141 : i32
        %dma_wait3A_2143 = arith.constant 600 : i32
        %dma_wait3A_2144 = arith.constant 0 : i32
        %dma_wait3A_2145 = tpu.memref_slice %arg8[%dma_wait3A_2143, %dma_wait3A_2144] : memref<800x32xf32, #tpu.memory_space<vmem>> -> memref<50x32xf32, #tpu.memory_space<vmem>>
        %dma_wait3A_2146 = arith.constant 0 : i32
        %dma_wait3A_2147 = arith.constant 0 : i32
        %dma_wait3A_2148 = tpu.memref_slice %arg4[%add3A_2142, %dma_wait3A_2146, %dma_wait3A_2147] : memref<16384x50x32xf32, #tpu.memory_space<hbm>> -> memref<1x50x32xf32, #tpu.memory_space<hbm>>
        %dma_wait3A_2149 = tpu.memref_squeeze %dma_wait3A_2148 : memref<1x50x32xf32, #tpu.memory_space<hbm>> -> memref<50x32xf32, #tpu.memory_space<hbm>>
        %dma_wait3A_2150 = arith.constant 0 : i32
        %dma_wait3A_2151 = arith.constant 0 : i32
        %dma_wait3A_2152 = tpu.memref_slice %arg4[%add3A_2142, %dma_wait3A_2150, %dma_wait3A_2151] : memref<16384x50x32xf32, #tpu.memory_space<hbm>> -> memref<1x50x32xf32, #tpu.memory_space<hbm>>
        %dma_wait3A_2153 = tpu.memref_squeeze %dma_wait3A_2152 : memref<1x50x32xf32, #tpu.memory_space<hbm>> -> memref<50x32xf32, #tpu.memory_space<hbm>>
        %dma_wait3A_2154 = arith.constant 600 : i32
        %dma_wait3A_2155 = arith.constant 0 : i32
        %dma_wait3A_2156 = tpu.memref_slice %arg8[%dma_wait3A_2154, %dma_wait3A_2155] : memref<800x32xf32, #tpu.memory_space<vmem>> -> memref<50x32xf32, #tpu.memory_space<vmem>>
        tpu.wait_dma2 semaphore(%arg16 : memref<!tpu.dma_semaphore, #tpu.memory_space<semaphore_mem>>) src(%dma_wait3A_2156 : memref<50x32xf32, #tpu.memory_space<vmem>>) dst(%dma_wait3A_2153 : memref<50x32xf32, #tpu.memory_space<hbm>>)
        %mul3A_2157 = arith.constant 16 : i32
        %mul3A_2158 = arith.muli %sub3A_598, %mul3A_2157 : i32
        %add3A_2159 = arith.addi %mul3A_2, %mul3A_2158 : i32
        %add3A_2160 = arith.constant 13 : i32
        %add3A_2161 = arith.addi %add3A_2159, %add3A_2160 : i32
        %dma_wait3A_2162 = arith.constant 650 : i32
        %dma_wait3A_2163 = arith.constant 0 : i32
        %dma_wait3A_2164 = tpu.memref_slice %arg8[%dma_wait3A_2162, %dma_wait3A_2163] : memref<800x32xf32, #tpu.memory_space<vmem>> -> memref<50x32xf32, #tpu.memory_space<vmem>>
        %dma_wait3A_2165 = arith.constant 0 : i32
        %dma_wait3A_2166 = arith.constant 0 : i32
        %dma_wait3A_2167 = tpu.memref_slice %arg4[%add3A_2161, %dma_wait3A_2165, %dma_wait3A_2166] : memref<16384x50x32xf32, #tpu.memory_space<hbm>> -> memref<1x50x32xf32, #tpu.memory_space<hbm>>
        %dma_wait3A_2168 = tpu.memref_squeeze %dma_wait3A_2167 : memref<1x50x32xf32, #tpu.memory_space<hbm>> -> memref<50x32xf32, #tpu.memory_space<hbm>>
        %dma_wait3A_2169 = arith.constant 0 : i32
        %dma_wait3A_2170 = arith.constant 0 : i32
        %dma_wait3A_2171 = tpu.memref_slice %arg4[%add3A_2161, %dma_wait3A_2169, %dma_wait3A_2170] : memref<16384x50x32xf32, #tpu.memory_space<hbm>> -> memref<1x50x32xf32, #tpu.memory_space<hbm>>
        %dma_wait3A_2172 = tpu.memref_squeeze %dma_wait3A_2171 : memref<1x50x32xf32, #tpu.memory_space<hbm>> -> memref<50x32xf32, #tpu.memory_space<hbm>>
        %dma_wait3A_2173 = arith.constant 650 : i32
        %dma_wait3A_2174 = arith.constant 0 : i32
        %dma_wait3A_2175 = tpu.memref_slice %arg8[%dma_wait3A_2173, %dma_wait3A_2174] : memref<800x32xf32, #tpu.memory_space<vmem>> -> memref<50x32xf32, #tpu.memory_space<vmem>>
        tpu.wait_dma2 semaphore(%arg16 : memref<!tpu.dma_semaphore, #tpu.memory_space<semaphore_mem>>) src(%dma_wait3A_2175 : memref<50x32xf32, #tpu.memory_space<vmem>>) dst(%dma_wait3A_2172 : memref<50x32xf32, #tpu.memory_space<hbm>>)
        %mul3A_2176 = arith.constant 16 : i32
        %mul3A_2177 = arith.muli %sub3A_598, %mul3A_2176 : i32
        %add3A_2178 = arith.addi %mul3A_2, %mul3A_2177 : i32
        %add3A_2179 = arith.constant 14 : i32
        %add3A_2180 = arith.addi %add3A_2178, %add3A_2179 : i32
        %dma_wait3A_2181 = arith.constant 700 : i32
        %dma_wait3A_2182 = arith.constant 0 : i32
        %dma_wait3A_2183 = tpu.memref_slice %arg8[%dma_wait3A_2181, %dma_wait3A_2182] : memref<800x32xf32, #tpu.memory_space<vmem>> -> memref<50x32xf32, #tpu.memory_space<vmem>>
        %dma_wait3A_2184 = arith.constant 0 : i32
        %dma_wait3A_2185 = arith.constant 0 : i32
        %dma_wait3A_2186 = tpu.memref_slice %arg4[%add3A_2180, %dma_wait3A_2184, %dma_wait3A_2185] : memref<16384x50x32xf32, #tpu.memory_space<hbm>> -> memref<1x50x32xf32, #tpu.memory_space<hbm>>
        %dma_wait3A_2187 = tpu.memref_squeeze %dma_wait3A_2186 : memref<1x50x32xf32, #tpu.memory_space<hbm>> -> memref<50x32xf32, #tpu.memory_space<hbm>>
        %dma_wait3A_2188 = arith.constant 0 : i32
        %dma_wait3A_2189 = arith.constant 0 : i32
        %dma_wait3A_2190 = tpu.memref_slice %arg4[%add3A_2180, %dma_wait3A_2188, %dma_wait3A_2189] : memref<16384x50x32xf32, #tpu.memory_space<hbm>> -> memref<1x50x32xf32, #tpu.memory_space<hbm>>
        %dma_wait3A_2191 = tpu.memref_squeeze %dma_wait3A_2190 : memref<1x50x32xf32, #tpu.memory_space<hbm>> -> memref<50x32xf32, #tpu.memory_space<hbm>>
        %dma_wait3A_2192 = arith.constant 700 : i32
        %dma_wait3A_2193 = arith.constant 0 : i32
        %dma_wait3A_2194 = tpu.memref_slice %arg8[%dma_wait3A_2192, %dma_wait3A_2193] : memref<800x32xf32, #tpu.memory_space<vmem>> -> memref<50x32xf32, #tpu.memory_space<vmem>>
        tpu.wait_dma2 semaphore(%arg16 : memref<!tpu.dma_semaphore, #tpu.memory_space<semaphore_mem>>) src(%dma_wait3A_2194 : memref<50x32xf32, #tpu.memory_space<vmem>>) dst(%dma_wait3A_2191 : memref<50x32xf32, #tpu.memory_space<hbm>>)
        %mul3A_2195 = arith.constant 16 : i32
        %mul3A_2196 = arith.muli %sub3A_598, %mul3A_2195 : i32
        %add3A_2197 = arith.addi %mul3A_2, %mul3A_2196 : i32
        %add3A_2198 = arith.constant 15 : i32
        %add3A_2199 = arith.addi %add3A_2197, %add3A_2198 : i32
        %dma_wait3A_2200 = arith.constant 750 : i32
        %dma_wait3A_2201 = arith.constant 0 : i32
        %dma_wait3A_2202 = tpu.memref_slice %arg8[%dma_wait3A_2200, %dma_wait3A_2201] : memref<800x32xf32, #tpu.memory_space<vmem>> -> memref<50x32xf32, #tpu.memory_space<vmem>>
        %dma_wait3A_2203 = arith.constant 0 : i32
        %dma_wait3A_2204 = arith.constant 0 : i32
        %dma_wait3A_2205 = tpu.memref_slice %arg4[%add3A_2199, %dma_wait3A_2203, %dma_wait3A_2204] : memref<16384x50x32xf32, #tpu.memory_space<hbm>> -> memref<1x50x32xf32, #tpu.memory_space<hbm>>
        %dma_wait3A_2206 = tpu.memref_squeeze %dma_wait3A_2205 : memref<1x50x32xf32, #tpu.memory_space<hbm>> -> memref<50x32xf32, #tpu.memory_space<hbm>>
        %dma_wait3A_2207 = arith.constant 0 : i32
        %dma_wait3A_2208 = arith.constant 0 : i32
        %dma_wait3A_2209 = tpu.memref_slice %arg4[%add3A_2199, %dma_wait3A_2207, %dma_wait3A_2208] : memref<16384x50x32xf32, #tpu.memory_space<hbm>> -> memref<1x50x32xf32, #tpu.memory_space<hbm>>
        %dma_wait3A_2210 = tpu.memref_squeeze %dma_wait3A_2209 : memref<1x50x32xf32, #tpu.memory_space<hbm>> -> memref<50x32xf32, #tpu.memory_space<hbm>>
        %dma_wait3A_2211 = arith.constant 750 : i32
        %dma_wait3A_2212 = arith.constant 0 : i32
        %dma_wait3A_2213 = tpu.memref_slice %arg8[%dma_wait3A_2211, %dma_wait3A_2212] : memref<800x32xf32, #tpu.memory_space<vmem>> -> memref<50x32xf32, #tpu.memory_space<vmem>>
        tpu.wait_dma2 semaphore(%arg16 : memref<!tpu.dma_semaphore, #tpu.memory_space<semaphore_mem>>) src(%dma_wait3A_2213 : memref<50x32xf32, #tpu.memory_space<vmem>>) dst(%dma_wait3A_2210 : memref<50x32xf32, #tpu.memory_space<hbm>>)
      } else {
      }
      %lt3A_602 = arith.constant 32 : i32
      %lt3A_603 = arith.cmpi slt, %add3A_597, %lt3A_602 : i32
      %convert_element_type3A_604 = arith.extui %lt3A_603 : i1 to i32
      %cond3A_605 = arith.constant 0 : i32
      %cond3A_606 = arith.cmpi ne, %convert_element_type3A_604, %cond3A_605 : i32
      scf.if %cond3A_606 {
        %mul3A_1910 = arith.constant 800 : i32
        %mul3A_1911 = arith.muli %add3A_597, %mul3A_1910 : i32
        %dma_start3A_1912 = tpu.memref_slice %arg5[%mul3A_1911] : memref<25600xi32, #tpu.memory_space<vmem>> -> memref<800xi32, #tpu.memory_space<vmem>>
        %dma_start3A_1913 = arith.constant 0 : i32
        %dma_start3A_1914 = arith.constant 0 : i32
        %dma_start3A_1915 = tpu.memref_slice %arg2[%dma_start3A_1913, %dma_start3A_1914] : memref<1000000x32xf32, #tpu.memory_space<hbm>> -> memref<1000000x32xf32, #tpu.memory_space<hbm>>
        tpu.enqueue_indirect_dma source(%dma_start3A_1915 : memref<1000000x32xf32, #tpu.memory_space<hbm>>) target(%arg8 : memref<800x32xf32, #tpu.memory_space<vmem>>) offsets(%dma_start3A_1912 : memref<800xi32, #tpu.memory_space<vmem>>) semaphore(%arg12 : memref<!tpu.dma_semaphore, #tpu.memory_space<semaphore_mem>>)
      } else {
      }
      %mul3A_607 = arith.constant 800 : i32
      %mul3A_608 = arith.muli %add3A_595, %mul3A_607 : i32
      %dma_wait3A_609 = tpu.memref_slice %arg5[%mul3A_608] : memref<25600xi32, #tpu.memory_space<vmem>> -> memref<800xi32, #tpu.memory_space<vmem>>
      %dma_wait3A_610 = arith.constant 0 : i32
      %dma_wait3A_611 = arith.constant 0 : i32
      %dma_wait3A_612 = tpu.memref_slice %arg2[%dma_wait3A_610, %dma_wait3A_611] : memref<1000000x32xf32, #tpu.memory_space<hbm>> -> memref<1000000x32xf32, #tpu.memory_space<hbm>>
      tpu.wait_indirect_dma semaphore(%arg10 : memref<!tpu.dma_semaphore, #tpu.memory_space<semaphore_mem>>) src(%dma_wait3A_612 : memref<1000000x32xf32, #tpu.memory_space<hbm>>) dst(%arg6 : memref<800x32xf32, #tpu.memory_space<vmem>>)
      %mul3A_613 = arith.constant 16 : i32
      %mul3A_614 = arith.muli %add3A_595, %mul3A_613 : i32
      %add3A_615 = arith.addi %mul3A_2, %mul3A_614 : i32
      %add3A_616 = arith.constant 0 : i32
      %add3A_617 = arith.addi %add3A_615, %add3A_616 : i32
      %dma_start3A_618 = arith.constant 0 : i32
      %dma_start3A_619 = arith.constant 0 : i32
      %dma_start3A_620 = tpu.memref_slice %arg6[%dma_start3A_618, %dma_start3A_619] : memref<800x32xf32, #tpu.memory_space<vmem>> -> memref<50x32xf32, #tpu.memory_space<vmem>>
      %dma_start3A_621 = arith.constant 0 : i32
      %dma_start3A_622 = arith.constant 0 : i32
      %dma_start3A_623 = tpu.memref_slice %arg4[%add3A_617, %dma_start3A_621, %dma_start3A_622] : memref<16384x50x32xf32, #tpu.memory_space<hbm>> -> memref<1x50x32xf32, #tpu.memory_space<hbm>>
      %dma_start3A_624 = tpu.memref_squeeze %dma_start3A_623 : memref<1x50x32xf32, #tpu.memory_space<hbm>> -> memref<50x32xf32, #tpu.memory_space<hbm>>
      %dma_start3A_625 = arith.constant 0 : i32
      %dma_start3A_626 = arith.constant 0 : i32
      %dma_start3A_627 = tpu.memref_slice %arg4[%add3A_617, %dma_start3A_625, %dma_start3A_626] : memref<16384x50x32xf32, #tpu.memory_space<hbm>> -> memref<1x50x32xf32, #tpu.memory_space<hbm>>
      %dma_start3A_628 = tpu.memref_squeeze %dma_start3A_627 : memref<1x50x32xf32, #tpu.memory_space<hbm>> -> memref<50x32xf32, #tpu.memory_space<hbm>>
      %dma_start3A_629 = arith.constant 0 : i32
      %dma_start3A_630 = arith.constant 0 : i32
      %dma_start3A_631 = tpu.memref_slice %arg6[%dma_start3A_629, %dma_start3A_630] : memref<800x32xf32, #tpu.memory_space<vmem>> -> memref<50x32xf32, #tpu.memory_space<vmem>>
      tpu.enqueue_dma source(%dma_start3A_631 : memref<50x32xf32, #tpu.memory_space<vmem>>) target(%dma_start3A_628 : memref<50x32xf32, #tpu.memory_space<hbm>>) target_semaphore(%arg14 : memref<!tpu.dma_semaphore, #tpu.memory_space<semaphore_mem>>)
      %mul3A_632 = arith.constant 16 : i32
      %mul3A_633 = arith.muli %add3A_595, %mul3A_632 : i32
      %add3A_634 = arith.addi %mul3A_2, %mul3A_633 : i32
      %add3A_635 = arith.constant 1 : i32
      %add3A_636 = arith.addi %add3A_634, %add3A_635 : i32
      %dma_start3A_637 = arith.constant 50 : i32
      %dma_start3A_638 = arith.constant 0 : i32
      %dma_start3A_639 = tpu.memref_slice %arg6[%dma_start3A_637, %dma_start3A_638] : memref<800x32xf32, #tpu.memory_space<vmem>> -> memref<50x32xf32, #tpu.memory_space<vmem>>
      %dma_start3A_640 = arith.constant 0 : i32
      %dma_start3A_641 = arith.constant 0 : i32
      %dma_start3A_642 = tpu.memref_slice %arg4[%add3A_636, %dma_start3A_640, %dma_start3A_641] : memref<16384x50x32xf32, #tpu.memory_space<hbm>> -> memref<1x50x32xf32, #tpu.memory_space<hbm>>
      %dma_start3A_643 = tpu.memref_squeeze %dma_start3A_642 : memref<1x50x32xf32, #tpu.memory_space<hbm>> -> memref<50x32xf32, #tpu.memory_space<hbm>>
      %dma_start3A_644 = arith.constant 0 : i32
      %dma_start3A_645 = arith.constant 0 : i32
      %dma_start3A_646 = tpu.memref_slice %arg4[%add3A_636, %dma_start3A_644, %dma_start3A_645] : memref<16384x50x32xf32, #tpu.memory_space<hbm>> -> memref<1x50x32xf32, #tpu.memory_space<hbm>>
      %dma_start3A_647 = tpu.memref_squeeze %dma_start3A_646 : memref<1x50x32xf32, #tpu.memory_space<hbm>> -> memref<50x32xf32, #tpu.memory_space<hbm>>
      %dma_start3A_648 = arith.constant 50 : i32
      %dma_start3A_649 = arith.constant 0 : i32
      %dma_start3A_650 = tpu.memref_slice %arg6[%dma_start3A_648, %dma_start3A_649] : memref<800x32xf32, #tpu.memory_space<vmem>> -> memref<50x32xf32, #tpu.memory_space<vmem>>
      tpu.enqueue_dma source(%dma_start3A_650 : memref<50x32xf32, #tpu.memory_space<vmem>>) target(%dma_start3A_647 : memref<50x32xf32, #tpu.memory_space<hbm>>) target_semaphore(%arg14 : memref<!tpu.dma_semaphore, #tpu.memory_space<semaphore_mem>>)
      %mul3A_651 = arith.constant 16 : i32
      %mul3A_652 = arith.muli %add3A_595, %mul3A_651 : i32
      %add3A_653 = arith.addi %mul3A_2, %mul3A_652 : i32
      %add3A_654 = arith.constant 2 : i32
      %add3A_655 = arith.addi %add3A_653, %add3A_654 : i32
      %dma_start3A_656 = arith.constant 100 : i32
      %dma_start3A_657 = arith.constant 0 : i32
      %dma_start3A_658 = tpu.memref_slice %arg6[%dma_start3A_656, %dma_start3A_657] : memref<800x32xf32, #tpu.memory_space<vmem>> -> memref<50x32xf32, #tpu.memory_space<vmem>>
      %dma_start3A_659 = arith.constant 0 : i32
      %dma_start3A_660 = arith.constant 0 : i32
      %dma_start3A_661 = tpu.memref_slice %arg4[%add3A_655, %dma_start3A_659, %dma_start3A_660] : memref<16384x50x32xf32, #tpu.memory_space<hbm>> -> memref<1x50x32xf32, #tpu.memory_space<hbm>>
      %dma_start3A_662 = tpu.memref_squeeze %dma_start3A_661 : memref<1x50x32xf32, #tpu.memory_space<hbm>> -> memref<50x32xf32, #tpu.memory_space<hbm>>
      %dma_start3A_663 = arith.constant 0 : i32
      %dma_start3A_664 = arith.constant 0 : i32
      %dma_start3A_665 = tpu.memref_slice %arg4[%add3A_655, %dma_start3A_663, %dma_start3A_664] : memref<16384x50x32xf32, #tpu.memory_space<hbm>> -> memref<1x50x32xf32, #tpu.memory_space<hbm>>
      %dma_start3A_666 = tpu.memref_squeeze %dma_start3A_665 : memref<1x50x32xf32, #tpu.memory_space<hbm>> -> memref<50x32xf32, #tpu.memory_space<hbm>>
      %dma_start3A_667 = arith.constant 100 : i32
      %dma_start3A_668 = arith.constant 0 : i32
      %dma_start3A_669 = tpu.memref_slice %arg6[%dma_start3A_667, %dma_start3A_668] : memref<800x32xf32, #tpu.memory_space<vmem>> -> memref<50x32xf32, #tpu.memory_space<vmem>>
      tpu.enqueue_dma source(%dma_start3A_669 : memref<50x32xf32, #tpu.memory_space<vmem>>) target(%dma_start3A_666 : memref<50x32xf32, #tpu.memory_space<hbm>>) target_semaphore(%arg14 : memref<!tpu.dma_semaphore, #tpu.memory_space<semaphore_mem>>)
      %mul3A_670 = arith.constant 16 : i32
      %mul3A_671 = arith.muli %add3A_595, %mul3A_670 : i32
      %add3A_672 = arith.addi %mul3A_2, %mul3A_671 : i32
      %add3A_673 = arith.constant 3 : i32
      %add3A_674 = arith.addi %add3A_672, %add3A_673 : i32
      %dma_start3A_675 = arith.constant 150 : i32
      %dma_start3A_676 = arith.constant 0 : i32
      %dma_start3A_677 = tpu.memref_slice %arg6[%dma_start3A_675, %dma_start3A_676] : memref<800x32xf32, #tpu.memory_space<vmem>> -> memref<50x32xf32, #tpu.memory_space<vmem>>
      %dma_start3A_678 = arith.constant 0 : i32
      %dma_start3A_679 = arith.constant 0 : i32
      %dma_start3A_680 = tpu.memref_slice %arg4[%add3A_674, %dma_start3A_678, %dma_start3A_679] : memref<16384x50x32xf32, #tpu.memory_space<hbm>> -> memref<1x50x32xf32, #tpu.memory_space<hbm>>
      %dma_start3A_681 = tpu.memref_squeeze %dma_start3A_680 : memref<1x50x32xf32, #tpu.memory_space<hbm>> -> memref<50x32xf32, #tpu.memory_space<hbm>>
      %dma_start3A_682 = arith.constant 0 : i32
      %dma_start3A_683 = arith.constant 0 : i32
      %dma_start3A_684 = tpu.memref_slice %arg4[%add3A_674, %dma_start3A_682, %dma_start3A_683] : memref<16384x50x32xf32, #tpu.memory_space<hbm>> -> memref<1x50x32xf32, #tpu.memory_space<hbm>>
      %dma_start3A_685 = tpu.memref_squeeze %dma_start3A_684 : memref<1x50x32xf32, #tpu.memory_space<hbm>> -> memref<50x32xf32, #tpu.memory_space<hbm>>
      %dma_start3A_686 = arith.constant 150 : i32
      %dma_start3A_687 = arith.constant 0 : i32
      %dma_start3A_688 = tpu.memref_slice %arg6[%dma_start3A_686, %dma_start3A_687] : memref<800x32xf32, #tpu.memory_space<vmem>> -> memref<50x32xf32, #tpu.memory_space<vmem>>
      tpu.enqueue_dma source(%dma_start3A_688 : memref<50x32xf32, #tpu.memory_space<vmem>>) target(%dma_start3A_685 : memref<50x32xf32, #tpu.memory_space<hbm>>) target_semaphore(%arg14 : memref<!tpu.dma_semaphore, #tpu.memory_space<semaphore_mem>>)
      %mul3A_689 = arith.constant 16 : i32
      %mul3A_690 = arith.muli %add3A_595, %mul3A_689 : i32
      %add3A_691 = arith.addi %mul3A_2, %mul3A_690 : i32
      %add3A_692 = arith.constant 4 : i32
      %add3A_693 = arith.addi %add3A_691, %add3A_692 : i32
      %dma_start3A_694 = arith.constant 200 : i32
      %dma_start3A_695 = arith.constant 0 : i32
      %dma_start3A_696 = tpu.memref_slice %arg6[%dma_start3A_694, %dma_start3A_695] : memref<800x32xf32, #tpu.memory_space<vmem>> -> memref<50x32xf32, #tpu.memory_space<vmem>>
      %dma_start3A_697 = arith.constant 0 : i32
      %dma_start3A_698 = arith.constant 0 : i32
      %dma_start3A_699 = tpu.memref_slice %arg4[%add3A_693, %dma_start3A_697, %dma_start3A_698] : memref<16384x50x32xf32, #tpu.memory_space<hbm>> -> memref<1x50x32xf32, #tpu.memory_space<hbm>>
      %dma_start3A_700 = tpu.memref_squeeze %dma_start3A_699 : memref<1x50x32xf32, #tpu.memory_space<hbm>> -> memref<50x32xf32, #tpu.memory_space<hbm>>
      %dma_start3A_701 = arith.constant 0 : i32
      %dma_start3A_702 = arith.constant 0 : i32
      %dma_start3A_703 = tpu.memref_slice %arg4[%add3A_693, %dma_start3A_701, %dma_start3A_702] : memref<16384x50x32xf32, #tpu.memory_space<hbm>> -> memref<1x50x32xf32, #tpu.memory_space<hbm>>
      %dma_start3A_704 = tpu.memref_squeeze %dma_start3A_703 : memref<1x50x32xf32, #tpu.memory_space<hbm>> -> memref<50x32xf32, #tpu.memory_space<hbm>>
      %dma_start3A_705 = arith.constant 200 : i32
      %dma_start3A_706 = arith.constant 0 : i32
      %dma_start3A_707 = tpu.memref_slice %arg6[%dma_start3A_705, %dma_start3A_706] : memref<800x32xf32, #tpu.memory_space<vmem>> -> memref<50x32xf32, #tpu.memory_space<vmem>>
      tpu.enqueue_dma source(%dma_start3A_707 : memref<50x32xf32, #tpu.memory_space<vmem>>) target(%dma_start3A_704 : memref<50x32xf32, #tpu.memory_space<hbm>>) target_semaphore(%arg14 : memref<!tpu.dma_semaphore, #tpu.memory_space<semaphore_mem>>)
      %mul3A_708 = arith.constant 16 : i32
      %mul3A_709 = arith.muli %add3A_595, %mul3A_708 : i32
      %add3A_710 = arith.addi %mul3A_2, %mul3A_709 : i32
      %add3A_711 = arith.constant 5 : i32
      %add3A_712 = arith.addi %add3A_710, %add3A_711 : i32
      %dma_start3A_713 = arith.constant 250 : i32
      %dma_start3A_714 = arith.constant 0 : i32
      %dma_start3A_715 = tpu.memref_slice %arg6[%dma_start3A_713, %dma_start3A_714] : memref<800x32xf32, #tpu.memory_space<vmem>> -> memref<50x32xf32, #tpu.memory_space<vmem>>
      %dma_start3A_716 = arith.constant 0 : i32
      %dma_start3A_717 = arith.constant 0 : i32
      %dma_start3A_718 = tpu.memref_slice %arg4[%add3A_712, %dma_start3A_716, %dma_start3A_717] : memref<16384x50x32xf32, #tpu.memory_space<hbm>> -> memref<1x50x32xf32, #tpu.memory_space<hbm>>
      %dma_start3A_719 = tpu.memref_squeeze %dma_start3A_718 : memref<1x50x32xf32, #tpu.memory_space<hbm>> -> memref<50x32xf32, #tpu.memory_space<hbm>>
      %dma_start3A_720 = arith.constant 0 : i32
      %dma_start3A_721 = arith.constant 0 : i32
      %dma_start3A_722 = tpu.memref_slice %arg4[%add3A_712, %dma_start3A_720, %dma_start3A_721] : memref<16384x50x32xf32, #tpu.memory_space<hbm>> -> memref<1x50x32xf32, #tpu.memory_space<hbm>>
      %dma_start3A_723 = tpu.memref_squeeze %dma_start3A_722 : memref<1x50x32xf32, #tpu.memory_space<hbm>> -> memref<50x32xf32, #tpu.memory_space<hbm>>
      %dma_start3A_724 = arith.constant 250 : i32
      %dma_start3A_725 = arith.constant 0 : i32
      %dma_start3A_726 = tpu.memref_slice %arg6[%dma_start3A_724, %dma_start3A_725] : memref<800x32xf32, #tpu.memory_space<vmem>> -> memref<50x32xf32, #tpu.memory_space<vmem>>
      tpu.enqueue_dma source(%dma_start3A_726 : memref<50x32xf32, #tpu.memory_space<vmem>>) target(%dma_start3A_723 : memref<50x32xf32, #tpu.memory_space<hbm>>) target_semaphore(%arg14 : memref<!tpu.dma_semaphore, #tpu.memory_space<semaphore_mem>>)
      %mul3A_727 = arith.constant 16 : i32
      %mul3A_728 = arith.muli %add3A_595, %mul3A_727 : i32
      %add3A_729 = arith.addi %mul3A_2, %mul3A_728 : i32
      %add3A_730 = arith.constant 6 : i32
      %add3A_731 = arith.addi %add3A_729, %add3A_730 : i32
      %dma_start3A_732 = arith.constant 300 : i32
      %dma_start3A_733 = arith.constant 0 : i32
      %dma_start3A_734 = tpu.memref_slice %arg6[%dma_start3A_732, %dma_start3A_733] : memref<800x32xf32, #tpu.memory_space<vmem>> -> memref<50x32xf32, #tpu.memory_space<vmem>>
      %dma_start3A_735 = arith.constant 0 : i32
      %dma_start3A_736 = arith.constant 0 : i32
      %dma_start3A_737 = tpu.memref_slice %arg4[%add3A_731, %dma_start3A_735, %dma_start3A_736] : memref<16384x50x32xf32, #tpu.memory_space<hbm>> -> memref<1x50x32xf32, #tpu.memory_space<hbm>>
      %dma_start3A_738 = tpu.memref_squeeze %dma_start3A_737 : memref<1x50x32xf32, #tpu.memory_space<hbm>> -> memref<50x32xf32, #tpu.memory_space<hbm>>
      %dma_start3A_739 = arith.constant 0 : i32
      %dma_start3A_740 = arith.constant 0 : i32
      %dma_start3A_741 = tpu.memref_slice %arg4[%add3A_731, %dma_start3A_739, %dma_start3A_740] : memref<16384x50x32xf32, #tpu.memory_space<hbm>> -> memref<1x50x32xf32, #tpu.memory_space<hbm>>
      %dma_start3A_742 = tpu.memref_squeeze %dma_start3A_741 : memref<1x50x32xf32, #tpu.memory_space<hbm>> -> memref<50x32xf32, #tpu.memory_space<hbm>>
      %dma_start3A_743 = arith.constant 300 : i32
      %dma_start3A_744 = arith.constant 0 : i32
      %dma_start3A_745 = tpu.memref_slice %arg6[%dma_start3A_743, %dma_start3A_744] : memref<800x32xf32, #tpu.memory_space<vmem>> -> memref<50x32xf32, #tpu.memory_space<vmem>>
      tpu.enqueue_dma source(%dma_start3A_745 : memref<50x32xf32, #tpu.memory_space<vmem>>) target(%dma_start3A_742 : memref<50x32xf32, #tpu.memory_space<hbm>>) target_semaphore(%arg14 : memref<!tpu.dma_semaphore, #tpu.memory_space<semaphore_mem>>)
      %mul3A_746 = arith.constant 16 : i32
      %mul3A_747 = arith.muli %add3A_595, %mul3A_746 : i32
      %add3A_748 = arith.addi %mul3A_2, %mul3A_747 : i32
      %add3A_749 = arith.constant 7 : i32
      %add3A_750 = arith.addi %add3A_748, %add3A_749 : i32
      %dma_start3A_751 = arith.constant 350 : i32
      %dma_start3A_752 = arith.constant 0 : i32
      %dma_start3A_753 = tpu.memref_slice %arg6[%dma_start3A_751, %dma_start3A_752] : memref<800x32xf32, #tpu.memory_space<vmem>> -> memref<50x32xf32, #tpu.memory_space<vmem>>
      %dma_start3A_754 = arith.constant 0 : i32
      %dma_start3A_755 = arith.constant 0 : i32
      %dma_start3A_756 = tpu.memref_slice %arg4[%add3A_750, %dma_start3A_754, %dma_start3A_755] : memref<16384x50x32xf32, #tpu.memory_space<hbm>> -> memref<1x50x32xf32, #tpu.memory_space<hbm>>
      %dma_start3A_757 = tpu.memref_squeeze %dma_start3A_756 : memref<1x50x32xf32, #tpu.memory_space<hbm>> -> memref<50x32xf32, #tpu.memory_space<hbm>>
      %dma_start3A_758 = arith.constant 0 : i32
      %dma_start3A_759 = arith.constant 0 : i32
      %dma_start3A_760 = tpu.memref_slice %arg4[%add3A_750, %dma_start3A_758, %dma_start3A_759] : memref<16384x50x32xf32, #tpu.memory_space<hbm>> -> memref<1x50x32xf32, #tpu.memory_space<hbm>>
      %dma_start3A_761 = tpu.memref_squeeze %dma_start3A_760 : memref<1x50x32xf32, #tpu.memory_space<hbm>> -> memref<50x32xf32, #tpu.memory_space<hbm>>
      %dma_start3A_762 = arith.constant 350 : i32
      %dma_start3A_763 = arith.constant 0 : i32
      %dma_start3A_764 = tpu.memref_slice %arg6[%dma_start3A_762, %dma_start3A_763] : memref<800x32xf32, #tpu.memory_space<vmem>> -> memref<50x32xf32, #tpu.memory_space<vmem>>
      tpu.enqueue_dma source(%dma_start3A_764 : memref<50x32xf32, #tpu.memory_space<vmem>>) target(%dma_start3A_761 : memref<50x32xf32, #tpu.memory_space<hbm>>) target_semaphore(%arg14 : memref<!tpu.dma_semaphore, #tpu.memory_space<semaphore_mem>>)
      %mul3A_765 = arith.constant 16 : i32
      %mul3A_766 = arith.muli %add3A_595, %mul3A_765 : i32
      %add3A_767 = arith.addi %mul3A_2, %mul3A_766 : i32
      %add3A_768 = arith.constant 8 : i32
      %add3A_769 = arith.addi %add3A_767, %add3A_768 : i32
      %dma_start3A_770 = arith.constant 400 : i32
      %dma_start3A_771 = arith.constant 0 : i32
      %dma_start3A_772 = tpu.memref_slice %arg6[%dma_start3A_770, %dma_start3A_771] : memref<800x32xf32, #tpu.memory_space<vmem>> -> memref<50x32xf32, #tpu.memory_space<vmem>>
      %dma_start3A_773 = arith.constant 0 : i32
      %dma_start3A_774 = arith.constant 0 : i32
      %dma_start3A_775 = tpu.memref_slice %arg4[%add3A_769, %dma_start3A_773, %dma_start3A_774] : memref<16384x50x32xf32, #tpu.memory_space<hbm>> -> memref<1x50x32xf32, #tpu.memory_space<hbm>>
      %dma_start3A_776 = tpu.memref_squeeze %dma_start3A_775 : memref<1x50x32xf32, #tpu.memory_space<hbm>> -> memref<50x32xf32, #tpu.memory_space<hbm>>
      %dma_start3A_777 = arith.constant 0 : i32
      %dma_start3A_778 = arith.constant 0 : i32
      %dma_start3A_779 = tpu.memref_slice %arg4[%add3A_769, %dma_start3A_777, %dma_start3A_778] : memref<16384x50x32xf32, #tpu.memory_space<hbm>> -> memref<1x50x32xf32, #tpu.memory_space<hbm>>
      %dma_start3A_780 = tpu.memref_squeeze %dma_start3A_779 : memref<1x50x32xf32, #tpu.memory_space<hbm>> -> memref<50x32xf32, #tpu.memory_space<hbm>>
      %dma_start3A_781 = arith.constant 400 : i32
      %dma_start3A_782 = arith.constant 0 : i32
      %dma_start3A_783 = tpu.memref_slice %arg6[%dma_start3A_781, %dma_start3A_782] : memref<800x32xf32, #tpu.memory_space<vmem>> -> memref<50x32xf32, #tpu.memory_space<vmem>>
      tpu.enqueue_dma source(%dma_start3A_783 : memref<50x32xf32, #tpu.memory_space<vmem>>) target(%dma_start3A_780 : memref<50x32xf32, #tpu.memory_space<hbm>>) target_semaphore(%arg14 : memref<!tpu.dma_semaphore, #tpu.memory_space<semaphore_mem>>)
      %mul3A_784 = arith.constant 16 : i32
      %mul3A_785 = arith.muli %add3A_595, %mul3A_784 : i32
      %add3A_786 = arith.addi %mul3A_2, %mul3A_785 : i32
      %add3A_787 = arith.constant 9 : i32
      %add3A_788 = arith.addi %add3A_786, %add3A_787 : i32
      %dma_start3A_789 = arith.constant 450 : i32
      %dma_start3A_790 = arith.constant 0 : i32
      %dma_start3A_791 = tpu.memref_slice %arg6[%dma_start3A_789, %dma_start3A_790] : memref<800x32xf32, #tpu.memory_space<vmem>> -> memref<50x32xf32, #tpu.memory_space<vmem>>
      %dma_start3A_792 = arith.constant 0 : i32
      %dma_start3A_793 = arith.constant 0 : i32
      %dma_start3A_794 = tpu.memref_slice %arg4[%add3A_788, %dma_start3A_792, %dma_start3A_793] : memref<16384x50x32xf32, #tpu.memory_space<hbm>> -> memref<1x50x32xf32, #tpu.memory_space<hbm>>
      %dma_start3A_795 = tpu.memref_squeeze %dma_start3A_794 : memref<1x50x32xf32, #tpu.memory_space<hbm>> -> memref<50x32xf32, #tpu.memory_space<hbm>>
      %dma_start3A_796 = arith.constant 0 : i32
      %dma_start3A_797 = arith.constant 0 : i32
      %dma_start3A_798 = tpu.memref_slice %arg4[%add3A_788, %dma_start3A_796, %dma_start3A_797] : memref<16384x50x32xf32, #tpu.memory_space<hbm>> -> memref<1x50x32xf32, #tpu.memory_space<hbm>>
      %dma_start3A_799 = tpu.memref_squeeze %dma_start3A_798 : memref<1x50x32xf32, #tpu.memory_space<hbm>> -> memref<50x32xf32, #tpu.memory_space<hbm>>
      %dma_start3A_800 = arith.constant 450 : i32
      %dma_start3A_801 = arith.constant 0 : i32
      %dma_start3A_802 = tpu.memref_slice %arg6[%dma_start3A_800, %dma_start3A_801] : memref<800x32xf32, #tpu.memory_space<vmem>> -> memref<50x32xf32, #tpu.memory_space<vmem>>
      tpu.enqueue_dma source(%dma_start3A_802 : memref<50x32xf32, #tpu.memory_space<vmem>>) target(%dma_start3A_799 : memref<50x32xf32, #tpu.memory_space<hbm>>) target_semaphore(%arg14 : memref<!tpu.dma_semaphore, #tpu.memory_space<semaphore_mem>>)
      %mul3A_803 = arith.constant 16 : i32
      %mul3A_804 = arith.muli %add3A_595, %mul3A_803 : i32
      %add3A_805 = arith.addi %mul3A_2, %mul3A_804 : i32
      %add3A_806 = arith.constant 10 : i32
      %add3A_807 = arith.addi %add3A_805, %add3A_806 : i32
      %dma_start3A_808 = arith.constant 500 : i32
      %dma_start3A_809 = arith.constant 0 : i32
      %dma_start3A_810 = tpu.memref_slice %arg6[%dma_start3A_808, %dma_start3A_809] : memref<800x32xf32, #tpu.memory_space<vmem>> -> memref<50x32xf32, #tpu.memory_space<vmem>>
      %dma_start3A_811 = arith.constant 0 : i32
      %dma_start3A_812 = arith.constant 0 : i32
      %dma_start3A_813 = tpu.memref_slice %arg4[%add3A_807, %dma_start3A_811, %dma_start3A_812] : memref<16384x50x32xf32, #tpu.memory_space<hbm>> -> memref<1x50x32xf32, #tpu.memory_space<hbm>>
      %dma_start3A_814 = tpu.memref_squeeze %dma_start3A_813 : memref<1x50x32xf32, #tpu.memory_space<hbm>> -> memref<50x32xf32, #tpu.memory_space<hbm>>
      %dma_start3A_815 = arith.constant 0 : i32
      %dma_start3A_816 = arith.constant 0 : i32
      %dma_start3A_817 = tpu.memref_slice %arg4[%add3A_807, %dma_start3A_815, %dma_start3A_816] : memref<16384x50x32xf32, #tpu.memory_space<hbm>> -> memref<1x50x32xf32, #tpu.memory_space<hbm>>
      %dma_start3A_818 = tpu.memref_squeeze %dma_start3A_817 : memref<1x50x32xf32, #tpu.memory_space<hbm>> -> memref<50x32xf32, #tpu.memory_space<hbm>>
      %dma_start3A_819 = arith.constant 500 : i32
      %dma_start3A_820 = arith.constant 0 : i32
      %dma_start3A_821 = tpu.memref_slice %arg6[%dma_start3A_819, %dma_start3A_820] : memref<800x32xf32, #tpu.memory_space<vmem>> -> memref<50x32xf32, #tpu.memory_space<vmem>>
      tpu.enqueue_dma source(%dma_start3A_821 : memref<50x32xf32, #tpu.memory_space<vmem>>) target(%dma_start3A_818 : memref<50x32xf32, #tpu.memory_space<hbm>>) target_semaphore(%arg14 : memref<!tpu.dma_semaphore, #tpu.memory_space<semaphore_mem>>)
      %mul3A_822 = arith.constant 16 : i32
      %mul3A_823 = arith.muli %add3A_595, %mul3A_822 : i32
      %add3A_824 = arith.addi %mul3A_2, %mul3A_823 : i32
      %add3A_825 = arith.constant 11 : i32
      %add3A_826 = arith.addi %add3A_824, %add3A_825 : i32
      %dma_start3A_827 = arith.constant 550 : i32
      %dma_start3A_828 = arith.constant 0 : i32
      %dma_start3A_829 = tpu.memref_slice %arg6[%dma_start3A_827, %dma_start3A_828] : memref<800x32xf32, #tpu.memory_space<vmem>> -> memref<50x32xf32, #tpu.memory_space<vmem>>
      %dma_start3A_830 = arith.constant 0 : i32
      %dma_start3A_831 = arith.constant 0 : i32
      %dma_start3A_832 = tpu.memref_slice %arg4[%add3A_826, %dma_start3A_830, %dma_start3A_831] : memref<16384x50x32xf32, #tpu.memory_space<hbm>> -> memref<1x50x32xf32, #tpu.memory_space<hbm>>
      %dma_start3A_833 = tpu.memref_squeeze %dma_start3A_832 : memref<1x50x32xf32, #tpu.memory_space<hbm>> -> memref<50x32xf32, #tpu.memory_space<hbm>>
      %dma_start3A_834 = arith.constant 0 : i32
      %dma_start3A_835 = arith.constant 0 : i32
      %dma_start3A_836 = tpu.memref_slice %arg4[%add3A_826, %dma_start3A_834, %dma_start3A_835] : memref<16384x50x32xf32, #tpu.memory_space<hbm>> -> memref<1x50x32xf32, #tpu.memory_space<hbm>>
      %dma_start3A_837 = tpu.memref_squeeze %dma_start3A_836 : memref<1x50x32xf32, #tpu.memory_space<hbm>> -> memref<50x32xf32, #tpu.memory_space<hbm>>
      %dma_start3A_838 = arith.constant 550 : i32
      %dma_start3A_839 = arith.constant 0 : i32
      %dma_start3A_840 = tpu.memref_slice %arg6[%dma_start3A_838, %dma_start3A_839] : memref<800x32xf32, #tpu.memory_space<vmem>> -> memref<50x32xf32, #tpu.memory_space<vmem>>
      tpu.enqueue_dma source(%dma_start3A_840 : memref<50x32xf32, #tpu.memory_space<vmem>>) target(%dma_start3A_837 : memref<50x32xf32, #tpu.memory_space<hbm>>) target_semaphore(%arg14 : memref<!tpu.dma_semaphore, #tpu.memory_space<semaphore_mem>>)
      %mul3A_841 = arith.constant 16 : i32
      %mul3A_842 = arith.muli %add3A_595, %mul3A_841 : i32
      %add3A_843 = arith.addi %mul3A_2, %mul3A_842 : i32
      %add3A_844 = arith.constant 12 : i32
      %add3A_845 = arith.addi %add3A_843, %add3A_844 : i32
      %dma_start3A_846 = arith.constant 600 : i32
      %dma_start3A_847 = arith.constant 0 : i32
      %dma_start3A_848 = tpu.memref_slice %arg6[%dma_start3A_846, %dma_start3A_847] : memref<800x32xf32, #tpu.memory_space<vmem>> -> memref<50x32xf32, #tpu.memory_space<vmem>>
      %dma_start3A_849 = arith.constant 0 : i32
      %dma_start3A_850 = arith.constant 0 : i32
      %dma_start3A_851 = tpu.memref_slice %arg4[%add3A_845, %dma_start3A_849, %dma_start3A_850] : memref<16384x50x32xf32, #tpu.memory_space<hbm>> -> memref<1x50x32xf32, #tpu.memory_space<hbm>>
      %dma_start3A_852 = tpu.memref_squeeze %dma_start3A_851 : memref<1x50x32xf32, #tpu.memory_space<hbm>> -> memref<50x32xf32, #tpu.memory_space<hbm>>
      %dma_start3A_853 = arith.constant 0 : i32
      %dma_start3A_854 = arith.constant 0 : i32
      %dma_start3A_855 = tpu.memref_slice %arg4[%add3A_845, %dma_start3A_853, %dma_start3A_854] : memref<16384x50x32xf32, #tpu.memory_space<hbm>> -> memref<1x50x32xf32, #tpu.memory_space<hbm>>
      %dma_start3A_856 = tpu.memref_squeeze %dma_start3A_855 : memref<1x50x32xf32, #tpu.memory_space<hbm>> -> memref<50x32xf32, #tpu.memory_space<hbm>>
      %dma_start3A_857 = arith.constant 600 : i32
      %dma_start3A_858 = arith.constant 0 : i32
      %dma_start3A_859 = tpu.memref_slice %arg6[%dma_start3A_857, %dma_start3A_858] : memref<800x32xf32, #tpu.memory_space<vmem>> -> memref<50x32xf32, #tpu.memory_space<vmem>>
      tpu.enqueue_dma source(%dma_start3A_859 : memref<50x32xf32, #tpu.memory_space<vmem>>) target(%dma_start3A_856 : memref<50x32xf32, #tpu.memory_space<hbm>>) target_semaphore(%arg14 : memref<!tpu.dma_semaphore, #tpu.memory_space<semaphore_mem>>)
      %mul3A_860 = arith.constant 16 : i32
      %mul3A_861 = arith.muli %add3A_595, %mul3A_860 : i32
      %add3A_862 = arith.addi %mul3A_2, %mul3A_861 : i32
      %add3A_863 = arith.constant 13 : i32
      %add3A_864 = arith.addi %add3A_862, %add3A_863 : i32
      %dma_start3A_865 = arith.constant 650 : i32
      %dma_start3A_866 = arith.constant 0 : i32
      %dma_start3A_867 = tpu.memref_slice %arg6[%dma_start3A_865, %dma_start3A_866] : memref<800x32xf32, #tpu.memory_space<vmem>> -> memref<50x32xf32, #tpu.memory_space<vmem>>
      %dma_start3A_868 = arith.constant 0 : i32
      %dma_start3A_869 = arith.constant 0 : i32
      %dma_start3A_870 = tpu.memref_slice %arg4[%add3A_864, %dma_start3A_868, %dma_start3A_869] : memref<16384x50x32xf32, #tpu.memory_space<hbm>> -> memref<1x50x32xf32, #tpu.memory_space<hbm>>
      %dma_start3A_871 = tpu.memref_squeeze %dma_start3A_870 : memref<1x50x32xf32, #tpu.memory_space<hbm>> -> memref<50x32xf32, #tpu.memory_space<hbm>>
      %dma_start3A_872 = arith.constant 0 : i32
      %dma_start3A_873 = arith.constant 0 : i32
      %dma_start3A_874 = tpu.memref_slice %arg4[%add3A_864, %dma_start3A_872, %dma_start3A_873] : memref<16384x50x32xf32, #tpu.memory_space<hbm>> -> memref<1x50x32xf32, #tpu.memory_space<hbm>>
      %dma_start3A_875 = tpu.memref_squeeze %dma_start3A_874 : memref<1x50x32xf32, #tpu.memory_space<hbm>> -> memref<50x32xf32, #tpu.memory_space<hbm>>
      %dma_start3A_876 = arith.constant 650 : i32
      %dma_start3A_877 = arith.constant 0 : i32
      %dma_start3A_878 = tpu.memref_slice %arg6[%dma_start3A_876, %dma_start3A_877] : memref<800x32xf32, #tpu.memory_space<vmem>> -> memref<50x32xf32, #tpu.memory_space<vmem>>
      tpu.enqueue_dma source(%dma_start3A_878 : memref<50x32xf32, #tpu.memory_space<vmem>>) target(%dma_start3A_875 : memref<50x32xf32, #tpu.memory_space<hbm>>) target_semaphore(%arg14 : memref<!tpu.dma_semaphore, #tpu.memory_space<semaphore_mem>>)
      %mul3A_879 = arith.constant 16 : i32
      %mul3A_880 = arith.muli %add3A_595, %mul3A_879 : i32
      %add3A_881 = arith.addi %mul3A_2, %mul3A_880 : i32
      %add3A_882 = arith.constant 14 : i32
      %add3A_883 = arith.addi %add3A_881, %add3A_882 : i32
      %dma_start3A_884 = arith.constant 700 : i32
      %dma_start3A_885 = arith.constant 0 : i32
      %dma_start3A_886 = tpu.memref_slice %arg6[%dma_start3A_884, %dma_start3A_885] : memref<800x32xf32, #tpu.memory_space<vmem>> -> memref<50x32xf32, #tpu.memory_space<vmem>>
      %dma_start3A_887 = arith.constant 0 : i32
      %dma_start3A_888 = arith.constant 0 : i32
      %dma_start3A_889 = tpu.memref_slice %arg4[%add3A_883, %dma_start3A_887, %dma_start3A_888] : memref<16384x50x32xf32, #tpu.memory_space<hbm>> -> memref<1x50x32xf32, #tpu.memory_space<hbm>>
      %dma_start3A_890 = tpu.memref_squeeze %dma_start3A_889 : memref<1x50x32xf32, #tpu.memory_space<hbm>> -> memref<50x32xf32, #tpu.memory_space<hbm>>
      %dma_start3A_891 = arith.constant 0 : i32
      %dma_start3A_892 = arith.constant 0 : i32
      %dma_start3A_893 = tpu.memref_slice %arg4[%add3A_883, %dma_start3A_891, %dma_start3A_892] : memref<16384x50x32xf32, #tpu.memory_space<hbm>> -> memref<1x50x32xf32, #tpu.memory_space<hbm>>
      %dma_start3A_894 = tpu.memref_squeeze %dma_start3A_893 : memref<1x50x32xf32, #tpu.memory_space<hbm>> -> memref<50x32xf32, #tpu.memory_space<hbm>>
      %dma_start3A_895 = arith.constant 700 : i32
      %dma_start3A_896 = arith.constant 0 : i32
      %dma_start3A_897 = tpu.memref_slice %arg6[%dma_start3A_895, %dma_start3A_896] : memref<800x32xf32, #tpu.memory_space<vmem>> -> memref<50x32xf32, #tpu.memory_space<vmem>>
      tpu.enqueue_dma source(%dma_start3A_897 : memref<50x32xf32, #tpu.memory_space<vmem>>) target(%dma_start3A_894 : memref<50x32xf32, #tpu.memory_space<hbm>>) target_semaphore(%arg14 : memref<!tpu.dma_semaphore, #tpu.memory_space<semaphore_mem>>)
      %mul3A_898 = arith.constant 16 : i32
      %mul3A_899 = arith.muli %add3A_595, %mul3A_898 : i32
      %add3A_900 = arith.addi %mul3A_2, %mul3A_899 : i32
      %add3A_901 = arith.constant 15 : i32
      %add3A_902 = arith.addi %add3A_900, %add3A_901 : i32
      %dma_start3A_903 = arith.constant 750 : i32
      %dma_start3A_904 = arith.constant 0 : i32
      %dma_start3A_905 = tpu.memref_slice %arg6[%dma_start3A_903, %dma_start3A_904] : memref<800x32xf32, #tpu.memory_space<vmem>> -> memref<50x32xf32, #tpu.memory_space<vmem>>
      %dma_start3A_906 = arith.constant 0 : i32
      %dma_start3A_907 = arith.constant 0 : i32
      %dma_start3A_908 = tpu.memref_slice %arg4[%add3A_902, %dma_start3A_906, %dma_start3A_907] : memref<16384x50x32xf32, #tpu.memory_space<hbm>> -> memref<1x50x32xf32, #tpu.memory_space<hbm>>
      %dma_start3A_909 = tpu.memref_squeeze %dma_start3A_908 : memref<1x50x32xf32, #tpu.memory_space<hbm>> -> memref<50x32xf32, #tpu.memory_space<hbm>>
      %dma_start3A_910 = arith.constant 0 : i32
      %dma_start3A_911 = arith.constant 0 : i32
      %dma_start3A_912 = tpu.memref_slice %arg4[%add3A_902, %dma_start3A_910, %dma_start3A_911] : memref<16384x50x32xf32, #tpu.memory_space<hbm>> -> memref<1x50x32xf32, #tpu.memory_space<hbm>>
      %dma_start3A_913 = tpu.memref_squeeze %dma_start3A_912 : memref<1x50x32xf32, #tpu.memory_space<hbm>> -> memref<50x32xf32, #tpu.memory_space<hbm>>
      %dma_start3A_914 = arith.constant 750 : i32
      %dma_start3A_915 = arith.constant 0 : i32
      %dma_start3A_916 = tpu.memref_slice %arg6[%dma_start3A_914, %dma_start3A_915] : memref<800x32xf32, #tpu.memory_space<vmem>> -> memref<50x32xf32, #tpu.memory_space<vmem>>
      tpu.enqueue_dma source(%dma_start3A_916 : memref<50x32xf32, #tpu.memory_space<vmem>>) target(%dma_start3A_913 : memref<50x32xf32, #tpu.memory_space<hbm>>) target_semaphore(%arg14 : memref<!tpu.dma_semaphore, #tpu.memory_space<semaphore_mem>>)
      %mul3A_917 = arith.constant 4 : i32
      %mul3A_918 = arith.muli %scan3A_591, %mul3A_917 : i32
      %add3A_919 = arith.constant 1 : i32
      %add3A_920 = arith.addi %mul3A_918, %add3A_919 : i32
      %add3A_921 = arith.constant 2 : i32
      %add3A_922 = arith.addi %add3A_920, %add3A_921 : i32
      %sub3A_923 = arith.constant 4 : i32
      %sub3A_924 = arith.subi %add3A_922, %sub3A_923 : i32
      %lt3A_925 = arith.constant 32 : i32
      %lt3A_926 = arith.cmpi slt, %add3A_922, %lt3A_925 : i32
      %ge3A_927 = arith.constant 0 : i32
      %ge3A_928 = arith.cmpi sge, %sub3A_924, %ge3A_927 : i32
      %and3A_929 = arith.andi %lt3A_926, %ge3A_928 : i1
      %convert_element_type3A_930 = arith.extui %and3A_929 : i1 to i32
      %cond3A_931 = arith.constant 0 : i32
      %cond3A_932 = arith.cmpi ne, %convert_element_type3A_930, %cond3A_931 : i32
      scf.if %cond3A_932 {
        %mul3A_1910 = arith.constant 16 : i32
        %mul3A_1911 = arith.muli %sub3A_924, %mul3A_1910 : i32
        %add3A_1912 = arith.addi %mul3A_2, %mul3A_1911 : i32
        %add3A_1913 = arith.constant 0 : i32
        %add3A_1914 = arith.addi %add3A_1912, %add3A_1913 : i32
        %dma_wait3A_1915 = arith.constant 0 : i32
        %dma_wait3A_1916 = arith.constant 0 : i32
        %dma_wait3A_1917 = tpu.memref_slice %arg9[%dma_wait3A_1915, %dma_wait3A_1916] : memref<800x32xf32, #tpu.memory_space<vmem>> -> memref<50x32xf32, #tpu.memory_space<vmem>>
        %dma_wait3A_1918 = arith.constant 0 : i32
        %dma_wait3A_1919 = arith.constant 0 : i32
        %dma_wait3A_1920 = tpu.memref_slice %arg4[%add3A_1914, %dma_wait3A_1918, %dma_wait3A_1919] : memref<16384x50x32xf32, #tpu.memory_space<hbm>> -> memref<1x50x32xf32, #tpu.memory_space<hbm>>
        %dma_wait3A_1921 = tpu.memref_squeeze %dma_wait3A_1920 : memref<1x50x32xf32, #tpu.memory_space<hbm>> -> memref<50x32xf32, #tpu.memory_space<hbm>>
        %dma_wait3A_1922 = arith.constant 0 : i32
        %dma_wait3A_1923 = arith.constant 0 : i32
        %dma_wait3A_1924 = tpu.memref_slice %arg4[%add3A_1914, %dma_wait3A_1922, %dma_wait3A_1923] : memref<16384x50x32xf32, #tpu.memory_space<hbm>> -> memref<1x50x32xf32, #tpu.memory_space<hbm>>
        %dma_wait3A_1925 = tpu.memref_squeeze %dma_wait3A_1924 : memref<1x50x32xf32, #tpu.memory_space<hbm>> -> memref<50x32xf32, #tpu.memory_space<hbm>>
        %dma_wait3A_1926 = arith.constant 0 : i32
        %dma_wait3A_1927 = arith.constant 0 : i32
        %dma_wait3A_1928 = tpu.memref_slice %arg9[%dma_wait3A_1926, %dma_wait3A_1927] : memref<800x32xf32, #tpu.memory_space<vmem>> -> memref<50x32xf32, #tpu.memory_space<vmem>>
        tpu.wait_dma2 semaphore(%arg17 : memref<!tpu.dma_semaphore, #tpu.memory_space<semaphore_mem>>) src(%dma_wait3A_1928 : memref<50x32xf32, #tpu.memory_space<vmem>>) dst(%dma_wait3A_1925 : memref<50x32xf32, #tpu.memory_space<hbm>>)
        %mul3A_1929 = arith.constant 16 : i32
        %mul3A_1930 = arith.muli %sub3A_924, %mul3A_1929 : i32
        %add3A_1931 = arith.addi %mul3A_2, %mul3A_1930 : i32
        %add3A_1932 = arith.constant 1 : i32
        %add3A_1933 = arith.addi %add3A_1931, %add3A_1932 : i32
        %dma_wait3A_1934 = arith.constant 50 : i32
        %dma_wait3A_1935 = arith.constant 0 : i32
        %dma_wait3A_1936 = tpu.memref_slice %arg9[%dma_wait3A_1934, %dma_wait3A_1935] : memref<800x32xf32, #tpu.memory_space<vmem>> -> memref<50x32xf32, #tpu.memory_space<vmem>>
        %dma_wait3A_1937 = arith.constant 0 : i32
        %dma_wait3A_1938 = arith.constant 0 : i32
        %dma_wait3A_1939 = tpu.memref_slice %arg4[%add3A_1933, %dma_wait3A_1937, %dma_wait3A_1938] : memref<16384x50x32xf32, #tpu.memory_space<hbm>> -> memref<1x50x32xf32, #tpu.memory_space<hbm>>
        %dma_wait3A_1940 = tpu.memref_squeeze %dma_wait3A_1939 : memref<1x50x32xf32, #tpu.memory_space<hbm>> -> memref<50x32xf32, #tpu.memory_space<hbm>>
        %dma_wait3A_1941 = arith.constant 0 : i32
        %dma_wait3A_1942 = arith.constant 0 : i32
        %dma_wait3A_1943 = tpu.memref_slice %arg4[%add3A_1933, %dma_wait3A_1941, %dma_wait3A_1942] : memref<16384x50x32xf32, #tpu.memory_space<hbm>> -> memref<1x50x32xf32, #tpu.memory_space<hbm>>
        %dma_wait3A_1944 = tpu.memref_squeeze %dma_wait3A_1943 : memref<1x50x32xf32, #tpu.memory_space<hbm>> -> memref<50x32xf32, #tpu.memory_space<hbm>>
        %dma_wait3A_1945 = arith.constant 50 : i32
        %dma_wait3A_1946 = arith.constant 0 : i32
        %dma_wait3A_1947 = tpu.memref_slice %arg9[%dma_wait3A_1945, %dma_wait3A_1946] : memref<800x32xf32, #tpu.memory_space<vmem>> -> memref<50x32xf32, #tpu.memory_space<vmem>>
        tpu.wait_dma2 semaphore(%arg17 : memref<!tpu.dma_semaphore, #tpu.memory_space<semaphore_mem>>) src(%dma_wait3A_1947 : memref<50x32xf32, #tpu.memory_space<vmem>>) dst(%dma_wait3A_1944 : memref<50x32xf32, #tpu.memory_space<hbm>>)
        %mul3A_1948 = arith.constant 16 : i32
        %mul3A_1949 = arith.muli %sub3A_924, %mul3A_1948 : i32
        %add3A_1950 = arith.addi %mul3A_2, %mul3A_1949 : i32
        %add3A_1951 = arith.constant 2 : i32
        %add3A_1952 = arith.addi %add3A_1950, %add3A_1951 : i32
        %dma_wait3A_1953 = arith.constant 100 : i32
        %dma_wait3A_1954 = arith.constant 0 : i32
        %dma_wait3A_1955 = tpu.memref_slice %arg9[%dma_wait3A_1953, %dma_wait3A_1954] : memref<800x32xf32, #tpu.memory_space<vmem>> -> memref<50x32xf32, #tpu.memory_space<vmem>>
        %dma_wait3A_1956 = arith.constant 0 : i32
        %dma_wait3A_1957 = arith.constant 0 : i32
        %dma_wait3A_1958 = tpu.memref_slice %arg4[%add3A_1952, %dma_wait3A_1956, %dma_wait3A_1957] : memref<16384x50x32xf32, #tpu.memory_space<hbm>> -> memref<1x50x32xf32, #tpu.memory_space<hbm>>
        %dma_wait3A_1959 = tpu.memref_squeeze %dma_wait3A_1958 : memref<1x50x32xf32, #tpu.memory_space<hbm>> -> memref<50x32xf32, #tpu.memory_space<hbm>>
        %dma_wait3A_1960 = arith.constant 0 : i32
        %dma_wait3A_1961 = arith.constant 0 : i32
        %dma_wait3A_1962 = tpu.memref_slice %arg4[%add3A_1952, %dma_wait3A_1960, %dma_wait3A_1961] : memref<16384x50x32xf32, #tpu.memory_space<hbm>> -> memref<1x50x32xf32, #tpu.memory_space<hbm>>
        %dma_wait3A_1963 = tpu.memref_squeeze %dma_wait3A_1962 : memref<1x50x32xf32, #tpu.memory_space<hbm>> -> memref<50x32xf32, #tpu.memory_space<hbm>>
        %dma_wait3A_1964 = arith.constant 100 : i32
        %dma_wait3A_1965 = arith.constant 0 : i32
        %dma_wait3A_1966 = tpu.memref_slice %arg9[%dma_wait3A_1964, %dma_wait3A_1965] : memref<800x32xf32, #tpu.memory_space<vmem>> -> memref<50x32xf32, #tpu.memory_space<vmem>>
        tpu.wait_dma2 semaphore(%arg17 : memref<!tpu.dma_semaphore, #tpu.memory_space<semaphore_mem>>) src(%dma_wait3A_1966 : memref<50x32xf32, #tpu.memory_space<vmem>>) dst(%dma_wait3A_1963 : memref<50x32xf32, #tpu.memory_space<hbm>>)
        %mul3A_1967 = arith.constant 16 : i32
        %mul3A_1968 = arith.muli %sub3A_924, %mul3A_1967 : i32
        %add3A_1969 = arith.addi %mul3A_2, %mul3A_1968 : i32
        %add3A_1970 = arith.constant 3 : i32
        %add3A_1971 = arith.addi %add3A_1969, %add3A_1970 : i32
        %dma_wait3A_1972 = arith.constant 150 : i32
        %dma_wait3A_1973 = arith.constant 0 : i32
        %dma_wait3A_1974 = tpu.memref_slice %arg9[%dma_wait3A_1972, %dma_wait3A_1973] : memref<800x32xf32, #tpu.memory_space<vmem>> -> memref<50x32xf32, #tpu.memory_space<vmem>>
        %dma_wait3A_1975 = arith.constant 0 : i32
        %dma_wait3A_1976 = arith.constant 0 : i32
        %dma_wait3A_1977 = tpu.memref_slice %arg4[%add3A_1971, %dma_wait3A_1975, %dma_wait3A_1976] : memref<16384x50x32xf32, #tpu.memory_space<hbm>> -> memref<1x50x32xf32, #tpu.memory_space<hbm>>
        %dma_wait3A_1978 = tpu.memref_squeeze %dma_wait3A_1977 : memref<1x50x32xf32, #tpu.memory_space<hbm>> -> memref<50x32xf32, #tpu.memory_space<hbm>>
        %dma_wait3A_1979 = arith.constant 0 : i32
        %dma_wait3A_1980 = arith.constant 0 : i32
        %dma_wait3A_1981 = tpu.memref_slice %arg4[%add3A_1971, %dma_wait3A_1979, %dma_wait3A_1980] : memref<16384x50x32xf32, #tpu.memory_space<hbm>> -> memref<1x50x32xf32, #tpu.memory_space<hbm>>
        %dma_wait3A_1982 = tpu.memref_squeeze %dma_wait3A_1981 : memref<1x50x32xf32, #tpu.memory_space<hbm>> -> memref<50x32xf32, #tpu.memory_space<hbm>>
        %dma_wait3A_1983 = arith.constant 150 : i32
        %dma_wait3A_1984 = arith.constant 0 : i32
        %dma_wait3A_1985 = tpu.memref_slice %arg9[%dma_wait3A_1983, %dma_wait3A_1984] : memref<800x32xf32, #tpu.memory_space<vmem>> -> memref<50x32xf32, #tpu.memory_space<vmem>>
        tpu.wait_dma2 semaphore(%arg17 : memref<!tpu.dma_semaphore, #tpu.memory_space<semaphore_mem>>) src(%dma_wait3A_1985 : memref<50x32xf32, #tpu.memory_space<vmem>>) dst(%dma_wait3A_1982 : memref<50x32xf32, #tpu.memory_space<hbm>>)
        %mul3A_1986 = arith.constant 16 : i32
        %mul3A_1987 = arith.muli %sub3A_924, %mul3A_1986 : i32
        %add3A_1988 = arith.addi %mul3A_2, %mul3A_1987 : i32
        %add3A_1989 = arith.constant 4 : i32
        %add3A_1990 = arith.addi %add3A_1988, %add3A_1989 : i32
        %dma_wait3A_1991 = arith.constant 200 : i32
        %dma_wait3A_1992 = arith.constant 0 : i32
        %dma_wait3A_1993 = tpu.memref_slice %arg9[%dma_wait3A_1991, %dma_wait3A_1992] : memref<800x32xf32, #tpu.memory_space<vmem>> -> memref<50x32xf32, #tpu.memory_space<vmem>>
        %dma_wait3A_1994 = arith.constant 0 : i32
        %dma_wait3A_1995 = arith.constant 0 : i32
        %dma_wait3A_1996 = tpu.memref_slice %arg4[%add3A_1990, %dma_wait3A_1994, %dma_wait3A_1995] : memref<16384x50x32xf32, #tpu.memory_space<hbm>> -> memref<1x50x32xf32, #tpu.memory_space<hbm>>
        %dma_wait3A_1997 = tpu.memref_squeeze %dma_wait3A_1996 : memref<1x50x32xf32, #tpu.memory_space<hbm>> -> memref<50x32xf32, #tpu.memory_space<hbm>>
        %dma_wait3A_1998 = arith.constant 0 : i32
        %dma_wait3A_1999 = arith.constant 0 : i32
        %dma_wait3A_2000 = tpu.memref_slice %arg4[%add3A_1990, %dma_wait3A_1998, %dma_wait3A_1999] : memref<16384x50x32xf32, #tpu.memory_space<hbm>> -> memref<1x50x32xf32, #tpu.memory_space<hbm>>
        %dma_wait3A_2001 = tpu.memref_squeeze %dma_wait3A_2000 : memref<1x50x32xf32, #tpu.memory_space<hbm>> -> memref<50x32xf32, #tpu.memory_space<hbm>>
        %dma_wait3A_2002 = arith.constant 200 : i32
        %dma_wait3A_2003 = arith.constant 0 : i32
        %dma_wait3A_2004 = tpu.memref_slice %arg9[%dma_wait3A_2002, %dma_wait3A_2003] : memref<800x32xf32, #tpu.memory_space<vmem>> -> memref<50x32xf32, #tpu.memory_space<vmem>>
        tpu.wait_dma2 semaphore(%arg17 : memref<!tpu.dma_semaphore, #tpu.memory_space<semaphore_mem>>) src(%dma_wait3A_2004 : memref<50x32xf32, #tpu.memory_space<vmem>>) dst(%dma_wait3A_2001 : memref<50x32xf32, #tpu.memory_space<hbm>>)
        %mul3A_2005 = arith.constant 16 : i32
        %mul3A_2006 = arith.muli %sub3A_924, %mul3A_2005 : i32
        %add3A_2007 = arith.addi %mul3A_2, %mul3A_2006 : i32
        %add3A_2008 = arith.constant 5 : i32
        %add3A_2009 = arith.addi %add3A_2007, %add3A_2008 : i32
        %dma_wait3A_2010 = arith.constant 250 : i32
        %dma_wait3A_2011 = arith.constant 0 : i32
        %dma_wait3A_2012 = tpu.memref_slice %arg9[%dma_wait3A_2010, %dma_wait3A_2011] : memref<800x32xf32, #tpu.memory_space<vmem>> -> memref<50x32xf32, #tpu.memory_space<vmem>>
        %dma_wait3A_2013 = arith.constant 0 : i32
        %dma_wait3A_2014 = arith.constant 0 : i32
        %dma_wait3A_2015 = tpu.memref_slice %arg4[%add3A_2009, %dma_wait3A_2013, %dma_wait3A_2014] : memref<16384x50x32xf32, #tpu.memory_space<hbm>> -> memref<1x50x32xf32, #tpu.memory_space<hbm>>
        %dma_wait3A_2016 = tpu.memref_squeeze %dma_wait3A_2015 : memref<1x50x32xf32, #tpu.memory_space<hbm>> -> memref<50x32xf32, #tpu.memory_space<hbm>>
        %dma_wait3A_2017 = arith.constant 0 : i32
        %dma_wait3A_2018 = arith.constant 0 : i32
        %dma_wait3A_2019 = tpu.memref_slice %arg4[%add3A_2009, %dma_wait3A_2017, %dma_wait3A_2018] : memref<16384x50x32xf32, #tpu.memory_space<hbm>> -> memref<1x50x32xf32, #tpu.memory_space<hbm>>
        %dma_wait3A_2020 = tpu.memref_squeeze %dma_wait3A_2019 : memref<1x50x32xf32, #tpu.memory_space<hbm>> -> memref<50x32xf32, #tpu.memory_space<hbm>>
        %dma_wait3A_2021 = arith.constant 250 : i32
        %dma_wait3A_2022 = arith.constant 0 : i32
        %dma_wait3A_2023 = tpu.memref_slice %arg9[%dma_wait3A_2021, %dma_wait3A_2022] : memref<800x32xf32, #tpu.memory_space<vmem>> -> memref<50x32xf32, #tpu.memory_space<vmem>>
        tpu.wait_dma2 semaphore(%arg17 : memref<!tpu.dma_semaphore, #tpu.memory_space<semaphore_mem>>) src(%dma_wait3A_2023 : memref<50x32xf32, #tpu.memory_space<vmem>>) dst(%dma_wait3A_2020 : memref<50x32xf32, #tpu.memory_space<hbm>>)
        %mul3A_2024 = arith.constant 16 : i32
        %mul3A_2025 = arith.muli %sub3A_924, %mul3A_2024 : i32
        %add3A_2026 = arith.addi %mul3A_2, %mul3A_2025 : i32
        %add3A_2027 = arith.constant 6 : i32
        %add3A_2028 = arith.addi %add3A_2026, %add3A_2027 : i32
        %dma_wait3A_2029 = arith.constant 300 : i32
        %dma_wait3A_2030 = arith.constant 0 : i32
        %dma_wait3A_2031 = tpu.memref_slice %arg9[%dma_wait3A_2029, %dma_wait3A_2030] : memref<800x32xf32, #tpu.memory_space<vmem>> -> memref<50x32xf32, #tpu.memory_space<vmem>>
        %dma_wait3A_2032 = arith.constant 0 : i32
        %dma_wait3A_2033 = arith.constant 0 : i32
        %dma_wait3A_2034 = tpu.memref_slice %arg4[%add3A_2028, %dma_wait3A_2032, %dma_wait3A_2033] : memref<16384x50x32xf32, #tpu.memory_space<hbm>> -> memref<1x50x32xf32, #tpu.memory_space<hbm>>
        %dma_wait3A_2035 = tpu.memref_squeeze %dma_wait3A_2034 : memref<1x50x32xf32, #tpu.memory_space<hbm>> -> memref<50x32xf32, #tpu.memory_space<hbm>>
        %dma_wait3A_2036 = arith.constant 0 : i32
        %dma_wait3A_2037 = arith.constant 0 : i32
        %dma_wait3A_2038 = tpu.memref_slice %arg4[%add3A_2028, %dma_wait3A_2036, %dma_wait3A_2037] : memref<16384x50x32xf32, #tpu.memory_space<hbm>> -> memref<1x50x32xf32, #tpu.memory_space<hbm>>
        %dma_wait3A_2039 = tpu.memref_squeeze %dma_wait3A_2038 : memref<1x50x32xf32, #tpu.memory_space<hbm>> -> memref<50x32xf32, #tpu.memory_space<hbm>>
        %dma_wait3A_2040 = arith.constant 300 : i32
        %dma_wait3A_2041 = arith.constant 0 : i32
        %dma_wait3A_2042 = tpu.memref_slice %arg9[%dma_wait3A_2040, %dma_wait3A_2041] : memref<800x32xf32, #tpu.memory_space<vmem>> -> memref<50x32xf32, #tpu.memory_space<vmem>>
        tpu.wait_dma2 semaphore(%arg17 : memref<!tpu.dma_semaphore, #tpu.memory_space<semaphore_mem>>) src(%dma_wait3A_2042 : memref<50x32xf32, #tpu.memory_space<vmem>>) dst(%dma_wait3A_2039 : memref<50x32xf32, #tpu.memory_space<hbm>>)
        %mul3A_2043 = arith.constant 16 : i32
        %mul3A_2044 = arith.muli %sub3A_924, %mul3A_2043 : i32
        %add3A_2045 = arith.addi %mul3A_2, %mul3A_2044 : i32
        %add3A_2046 = arith.constant 7 : i32
        %add3A_2047 = arith.addi %add3A_2045, %add3A_2046 : i32
        %dma_wait3A_2048 = arith.constant 350 : i32
        %dma_wait3A_2049 = arith.constant 0 : i32
        %dma_wait3A_2050 = tpu.memref_slice %arg9[%dma_wait3A_2048, %dma_wait3A_2049] : memref<800x32xf32, #tpu.memory_space<vmem>> -> memref<50x32xf32, #tpu.memory_space<vmem>>
        %dma_wait3A_2051 = arith.constant 0 : i32
        %dma_wait3A_2052 = arith.constant 0 : i32
        %dma_wait3A_2053 = tpu.memref_slice %arg4[%add3A_2047, %dma_wait3A_2051, %dma_wait3A_2052] : memref<16384x50x32xf32, #tpu.memory_space<hbm>> -> memref<1x50x32xf32, #tpu.memory_space<hbm>>
        %dma_wait3A_2054 = tpu.memref_squeeze %dma_wait3A_2053 : memref<1x50x32xf32, #tpu.memory_space<hbm>> -> memref<50x32xf32, #tpu.memory_space<hbm>>
        %dma_wait3A_2055 = arith.constant 0 : i32
        %dma_wait3A_2056 = arith.constant 0 : i32
        %dma_wait3A_2057 = tpu.memref_slice %arg4[%add3A_2047, %dma_wait3A_2055, %dma_wait3A_2056] : memref<16384x50x32xf32, #tpu.memory_space<hbm>> -> memref<1x50x32xf32, #tpu.memory_space<hbm>>
        %dma_wait3A_2058 = tpu.memref_squeeze %dma_wait3A_2057 : memref<1x50x32xf32, #tpu.memory_space<hbm>> -> memref<50x32xf32, #tpu.memory_space<hbm>>
        %dma_wait3A_2059 = arith.constant 350 : i32
        %dma_wait3A_2060 = arith.constant 0 : i32
        %dma_wait3A_2061 = tpu.memref_slice %arg9[%dma_wait3A_2059, %dma_wait3A_2060] : memref<800x32xf32, #tpu.memory_space<vmem>> -> memref<50x32xf32, #tpu.memory_space<vmem>>
        tpu.wait_dma2 semaphore(%arg17 : memref<!tpu.dma_semaphore, #tpu.memory_space<semaphore_mem>>) src(%dma_wait3A_2061 : memref<50x32xf32, #tpu.memory_space<vmem>>) dst(%dma_wait3A_2058 : memref<50x32xf32, #tpu.memory_space<hbm>>)
        %mul3A_2062 = arith.constant 16 : i32
        %mul3A_2063 = arith.muli %sub3A_924, %mul3A_2062 : i32
        %add3A_2064 = arith.addi %mul3A_2, %mul3A_2063 : i32
        %add3A_2065 = arith.constant 8 : i32
        %add3A_2066 = arith.addi %add3A_2064, %add3A_2065 : i32
        %dma_wait3A_2067 = arith.constant 400 : i32
        %dma_wait3A_2068 = arith.constant 0 : i32
        %dma_wait3A_2069 = tpu.memref_slice %arg9[%dma_wait3A_2067, %dma_wait3A_2068] : memref<800x32xf32, #tpu.memory_space<vmem>> -> memref<50x32xf32, #tpu.memory_space<vmem>>
        %dma_wait3A_2070 = arith.constant 0 : i32
        %dma_wait3A_2071 = arith.constant 0 : i32
        %dma_wait3A_2072 = tpu.memref_slice %arg4[%add3A_2066, %dma_wait3A_2070, %dma_wait3A_2071] : memref<16384x50x32xf32, #tpu.memory_space<hbm>> -> memref<1x50x32xf32, #tpu.memory_space<hbm>>
        %dma_wait3A_2073 = tpu.memref_squeeze %dma_wait3A_2072 : memref<1x50x32xf32, #tpu.memory_space<hbm>> -> memref<50x32xf32, #tpu.memory_space<hbm>>
        %dma_wait3A_2074 = arith.constant 0 : i32
        %dma_wait3A_2075 = arith.constant 0 : i32
        %dma_wait3A_2076 = tpu.memref_slice %arg4[%add3A_2066, %dma_wait3A_2074, %dma_wait3A_2075] : memref<16384x50x32xf32, #tpu.memory_space<hbm>> -> memref<1x50x32xf32, #tpu.memory_space<hbm>>
        %dma_wait3A_2077 = tpu.memref_squeeze %dma_wait3A_2076 : memref<1x50x32xf32, #tpu.memory_space<hbm>> -> memref<50x32xf32, #tpu.memory_space<hbm>>
        %dma_wait3A_2078 = arith.constant 400 : i32
        %dma_wait3A_2079 = arith.constant 0 : i32
        %dma_wait3A_2080 = tpu.memref_slice %arg9[%dma_wait3A_2078, %dma_wait3A_2079] : memref<800x32xf32, #tpu.memory_space<vmem>> -> memref<50x32xf32, #tpu.memory_space<vmem>>
        tpu.wait_dma2 semaphore(%arg17 : memref<!tpu.dma_semaphore, #tpu.memory_space<semaphore_mem>>) src(%dma_wait3A_2080 : memref<50x32xf32, #tpu.memory_space<vmem>>) dst(%dma_wait3A_2077 : memref<50x32xf32, #tpu.memory_space<hbm>>)
        %mul3A_2081 = arith.constant 16 : i32
        %mul3A_2082 = arith.muli %sub3A_924, %mul3A_2081 : i32
        %add3A_2083 = arith.addi %mul3A_2, %mul3A_2082 : i32
        %add3A_2084 = arith.constant 9 : i32
        %add3A_2085 = arith.addi %add3A_2083, %add3A_2084 : i32
        %dma_wait3A_2086 = arith.constant 450 : i32
        %dma_wait3A_2087 = arith.constant 0 : i32
        %dma_wait3A_2088 = tpu.memref_slice %arg9[%dma_wait3A_2086, %dma_wait3A_2087] : memref<800x32xf32, #tpu.memory_space<vmem>> -> memref<50x32xf32, #tpu.memory_space<vmem>>
        %dma_wait3A_2089 = arith.constant 0 : i32
        %dma_wait3A_2090 = arith.constant 0 : i32
        %dma_wait3A_2091 = tpu.memref_slice %arg4[%add3A_2085, %dma_wait3A_2089, %dma_wait3A_2090] : memref<16384x50x32xf32, #tpu.memory_space<hbm>> -> memref<1x50x32xf32, #tpu.memory_space<hbm>>
        %dma_wait3A_2092 = tpu.memref_squeeze %dma_wait3A_2091 : memref<1x50x32xf32, #tpu.memory_space<hbm>> -> memref<50x32xf32, #tpu.memory_space<hbm>>
        %dma_wait3A_2093 = arith.constant 0 : i32
        %dma_wait3A_2094 = arith.constant 0 : i32
        %dma_wait3A_2095 = tpu.memref_slice %arg4[%add3A_2085, %dma_wait3A_2093, %dma_wait3A_2094] : memref<16384x50x32xf32, #tpu.memory_space<hbm>> -> memref<1x50x32xf32, #tpu.memory_space<hbm>>
        %dma_wait3A_2096 = tpu.memref_squeeze %dma_wait3A_2095 : memref<1x50x32xf32, #tpu.memory_space<hbm>> -> memref<50x32xf32, #tpu.memory_space<hbm>>
        %dma_wait3A_2097 = arith.constant 450 : i32
        %dma_wait3A_2098 = arith.constant 0 : i32
        %dma_wait3A_2099 = tpu.memref_slice %arg9[%dma_wait3A_2097, %dma_wait3A_2098] : memref<800x32xf32, #tpu.memory_space<vmem>> -> memref<50x32xf32, #tpu.memory_space<vmem>>
        tpu.wait_dma2 semaphore(%arg17 : memref<!tpu.dma_semaphore, #tpu.memory_space<semaphore_mem>>) src(%dma_wait3A_2099 : memref<50x32xf32, #tpu.memory_space<vmem>>) dst(%dma_wait3A_2096 : memref<50x32xf32, #tpu.memory_space<hbm>>)
        %mul3A_2100 = arith.constant 16 : i32
        %mul3A_2101 = arith.muli %sub3A_924, %mul3A_2100 : i32
        %add3A_2102 = arith.addi %mul3A_2, %mul3A_2101 : i32
        %add3A_2103 = arith.constant 10 : i32
        %add3A_2104 = arith.addi %add3A_2102, %add3A_2103 : i32
        %dma_wait3A_2105 = arith.constant 500 : i32
        %dma_wait3A_2106 = arith.constant 0 : i32
        %dma_wait3A_2107 = tpu.memref_slice %arg9[%dma_wait3A_2105, %dma_wait3A_2106] : memref<800x32xf32, #tpu.memory_space<vmem>> -> memref<50x32xf32, #tpu.memory_space<vmem>>
        %dma_wait3A_2108 = arith.constant 0 : i32
        %dma_wait3A_2109 = arith.constant 0 : i32
        %dma_wait3A_2110 = tpu.memref_slice %arg4[%add3A_2104, %dma_wait3A_2108, %dma_wait3A_2109] : memref<16384x50x32xf32, #tpu.memory_space<hbm>> -> memref<1x50x32xf32, #tpu.memory_space<hbm>>
        %dma_wait3A_2111 = tpu.memref_squeeze %dma_wait3A_2110 : memref<1x50x32xf32, #tpu.memory_space<hbm>> -> memref<50x32xf32, #tpu.memory_space<hbm>>
        %dma_wait3A_2112 = arith.constant 0 : i32
        %dma_wait3A_2113 = arith.constant 0 : i32
        %dma_wait3A_2114 = tpu.memref_slice %arg4[%add3A_2104, %dma_wait3A_2112, %dma_wait3A_2113] : memref<16384x50x32xf32, #tpu.memory_space<hbm>> -> memref<1x50x32xf32, #tpu.memory_space<hbm>>
        %dma_wait3A_2115 = tpu.memref_squeeze %dma_wait3A_2114 : memref<1x50x32xf32, #tpu.memory_space<hbm>> -> memref<50x32xf32, #tpu.memory_space<hbm>>
        %dma_wait3A_2116 = arith.constant 500 : i32
        %dma_wait3A_2117 = arith.constant 0 : i32
        %dma_wait3A_2118 = tpu.memref_slice %arg9[%dma_wait3A_2116, %dma_wait3A_2117] : memref<800x32xf32, #tpu.memory_space<vmem>> -> memref<50x32xf32, #tpu.memory_space<vmem>>
        tpu.wait_dma2 semaphore(%arg17 : memref<!tpu.dma_semaphore, #tpu.memory_space<semaphore_mem>>) src(%dma_wait3A_2118 : memref<50x32xf32, #tpu.memory_space<vmem>>) dst(%dma_wait3A_2115 : memref<50x32xf32, #tpu.memory_space<hbm>>)
        %mul3A_2119 = arith.constant 16 : i32
        %mul3A_2120 = arith.muli %sub3A_924, %mul3A_2119 : i32
        %add3A_2121 = arith.addi %mul3A_2, %mul3A_2120 : i32
        %add3A_2122 = arith.constant 11 : i32
        %add3A_2123 = arith.addi %add3A_2121, %add3A_2122 : i32
        %dma_wait3A_2124 = arith.constant 550 : i32
        %dma_wait3A_2125 = arith.constant 0 : i32
        %dma_wait3A_2126 = tpu.memref_slice %arg9[%dma_wait3A_2124, %dma_wait3A_2125] : memref<800x32xf32, #tpu.memory_space<vmem>> -> memref<50x32xf32, #tpu.memory_space<vmem>>
        %dma_wait3A_2127 = arith.constant 0 : i32
        %dma_wait3A_2128 = arith.constant 0 : i32
        %dma_wait3A_2129 = tpu.memref_slice %arg4[%add3A_2123, %dma_wait3A_2127, %dma_wait3A_2128] : memref<16384x50x32xf32, #tpu.memory_space<hbm>> -> memref<1x50x32xf32, #tpu.memory_space<hbm>>
        %dma_wait3A_2130 = tpu.memref_squeeze %dma_wait3A_2129 : memref<1x50x32xf32, #tpu.memory_space<hbm>> -> memref<50x32xf32, #tpu.memory_space<hbm>>
        %dma_wait3A_2131 = arith.constant 0 : i32
        %dma_wait3A_2132 = arith.constant 0 : i32
        %dma_wait3A_2133 = tpu.memref_slice %arg4[%add3A_2123, %dma_wait3A_2131, %dma_wait3A_2132] : memref<16384x50x32xf32, #tpu.memory_space<hbm>> -> memref<1x50x32xf32, #tpu.memory_space<hbm>>
        %dma_wait3A_2134 = tpu.memref_squeeze %dma_wait3A_2133 : memref<1x50x32xf32, #tpu.memory_space<hbm>> -> memref<50x32xf32, #tpu.memory_space<hbm>>
        %dma_wait3A_2135 = arith.constant 550 : i32
        %dma_wait3A_2136 = arith.constant 0 : i32
        %dma_wait3A_2137 = tpu.memref_slice %arg9[%dma_wait3A_2135, %dma_wait3A_2136] : memref<800x32xf32, #tpu.memory_space<vmem>> -> memref<50x32xf32, #tpu.memory_space<vmem>>
        tpu.wait_dma2 semaphore(%arg17 : memref<!tpu.dma_semaphore, #tpu.memory_space<semaphore_mem>>) src(%dma_wait3A_2137 : memref<50x32xf32, #tpu.memory_space<vmem>>) dst(%dma_wait3A_2134 : memref<50x32xf32, #tpu.memory_space<hbm>>)
        %mul3A_2138 = arith.constant 16 : i32
        %mul3A_2139 = arith.muli %sub3A_924, %mul3A_2138 : i32
        %add3A_2140 = arith.addi %mul3A_2, %mul3A_2139 : i32
        %add3A_2141 = arith.constant 12 : i32
        %add3A_2142 = arith.addi %add3A_2140, %add3A_2141 : i32
        %dma_wait3A_2143 = arith.constant 600 : i32
        %dma_wait3A_2144 = arith.constant 0 : i32
        %dma_wait3A_2145 = tpu.memref_slice %arg9[%dma_wait3A_2143, %dma_wait3A_2144] : memref<800x32xf32, #tpu.memory_space<vmem>> -> memref<50x32xf32, #tpu.memory_space<vmem>>
        %dma_wait3A_2146 = arith.constant 0 : i32
        %dma_wait3A_2147 = arith.constant 0 : i32
        %dma_wait3A_2148 = tpu.memref_slice %arg4[%add3A_2142, %dma_wait3A_2146, %dma_wait3A_2147] : memref<16384x50x32xf32, #tpu.memory_space<hbm>> -> memref<1x50x32xf32, #tpu.memory_space<hbm>>
        %dma_wait3A_2149 = tpu.memref_squeeze %dma_wait3A_2148 : memref<1x50x32xf32, #tpu.memory_space<hbm>> -> memref<50x32xf32, #tpu.memory_space<hbm>>
        %dma_wait3A_2150 = arith.constant 0 : i32
        %dma_wait3A_2151 = arith.constant 0 : i32
        %dma_wait3A_2152 = tpu.memref_slice %arg4[%add3A_2142, %dma_wait3A_2150, %dma_wait3A_2151] : memref<16384x50x32xf32, #tpu.memory_space<hbm>> -> memref<1x50x32xf32, #tpu.memory_space<hbm>>
        %dma_wait3A_2153 = tpu.memref_squeeze %dma_wait3A_2152 : memref<1x50x32xf32, #tpu.memory_space<hbm>> -> memref<50x32xf32, #tpu.memory_space<hbm>>
        %dma_wait3A_2154 = arith.constant 600 : i32
        %dma_wait3A_2155 = arith.constant 0 : i32
        %dma_wait3A_2156 = tpu.memref_slice %arg9[%dma_wait3A_2154, %dma_wait3A_2155] : memref<800x32xf32, #tpu.memory_space<vmem>> -> memref<50x32xf32, #tpu.memory_space<vmem>>
        tpu.wait_dma2 semaphore(%arg17 : memref<!tpu.dma_semaphore, #tpu.memory_space<semaphore_mem>>) src(%dma_wait3A_2156 : memref<50x32xf32, #tpu.memory_space<vmem>>) dst(%dma_wait3A_2153 : memref<50x32xf32, #tpu.memory_space<hbm>>)
        %mul3A_2157 = arith.constant 16 : i32
        %mul3A_2158 = arith.muli %sub3A_924, %mul3A_2157 : i32
        %add3A_2159 = arith.addi %mul3A_2, %mul3A_2158 : i32
        %add3A_2160 = arith.constant 13 : i32
        %add3A_2161 = arith.addi %add3A_2159, %add3A_2160 : i32
        %dma_wait3A_2162 = arith.constant 650 : i32
        %dma_wait3A_2163 = arith.constant 0 : i32
        %dma_wait3A_2164 = tpu.memref_slice %arg9[%dma_wait3A_2162, %dma_wait3A_2163] : memref<800x32xf32, #tpu.memory_space<vmem>> -> memref<50x32xf32, #tpu.memory_space<vmem>>
        %dma_wait3A_2165 = arith.constant 0 : i32
        %dma_wait3A_2166 = arith.constant 0 : i32
        %dma_wait3A_2167 = tpu.memref_slice %arg4[%add3A_2161, %dma_wait3A_2165, %dma_wait3A_2166] : memref<16384x50x32xf32, #tpu.memory_space<hbm>> -> memref<1x50x32xf32, #tpu.memory_space<hbm>>
        %dma_wait3A_2168 = tpu.memref_squeeze %dma_wait3A_2167 : memref<1x50x32xf32, #tpu.memory_space<hbm>> -> memref<50x32xf32, #tpu.memory_space<hbm>>
        %dma_wait3A_2169 = arith.constant 0 : i32
        %dma_wait3A_2170 = arith.constant 0 : i32
        %dma_wait3A_2171 = tpu.memref_slice %arg4[%add3A_2161, %dma_wait3A_2169, %dma_wait3A_2170] : memref<16384x50x32xf32, #tpu.memory_space<hbm>> -> memref<1x50x32xf32, #tpu.memory_space<hbm>>
        %dma_wait3A_2172 = tpu.memref_squeeze %dma_wait3A_2171 : memref<1x50x32xf32, #tpu.memory_space<hbm>> -> memref<50x32xf32, #tpu.memory_space<hbm>>
        %dma_wait3A_2173 = arith.constant 650 : i32
        %dma_wait3A_2174 = arith.constant 0 : i32
        %dma_wait3A_2175 = tpu.memref_slice %arg9[%dma_wait3A_2173, %dma_wait3A_2174] : memref<800x32xf32, #tpu.memory_space<vmem>> -> memref<50x32xf32, #tpu.memory_space<vmem>>
        tpu.wait_dma2 semaphore(%arg17 : memref<!tpu.dma_semaphore, #tpu.memory_space<semaphore_mem>>) src(%dma_wait3A_2175 : memref<50x32xf32, #tpu.memory_space<vmem>>) dst(%dma_wait3A_2172 : memref<50x32xf32, #tpu.memory_space<hbm>>)
        %mul3A_2176 = arith.constant 16 : i32
        %mul3A_2177 = arith.muli %sub3A_924, %mul3A_2176 : i32
        %add3A_2178 = arith.addi %mul3A_2, %mul3A_2177 : i32
        %add3A_2179 = arith.constant 14 : i32
        %add3A_2180 = arith.addi %add3A_2178, %add3A_2179 : i32
        %dma_wait3A_2181 = arith.constant 700 : i32
        %dma_wait3A_2182 = arith.constant 0 : i32
        %dma_wait3A_2183 = tpu.memref_slice %arg9[%dma_wait3A_2181, %dma_wait3A_2182] : memref<800x32xf32, #tpu.memory_space<vmem>> -> memref<50x32xf32, #tpu.memory_space<vmem>>
        %dma_wait3A_2184 = arith.constant 0 : i32
        %dma_wait3A_2185 = arith.constant 0 : i32
        %dma_wait3A_2186 = tpu.memref_slice %arg4[%add3A_2180, %dma_wait3A_2184, %dma_wait3A_2185] : memref<16384x50x32xf32, #tpu.memory_space<hbm>> -> memref<1x50x32xf32, #tpu.memory_space<hbm>>
        %dma_wait3A_2187 = tpu.memref_squeeze %dma_wait3A_2186 : memref<1x50x32xf32, #tpu.memory_space<hbm>> -> memref<50x32xf32, #tpu.memory_space<hbm>>
        %dma_wait3A_2188 = arith.constant 0 : i32
        %dma_wait3A_2189 = arith.constant 0 : i32
        %dma_wait3A_2190 = tpu.memref_slice %arg4[%add3A_2180, %dma_wait3A_2188, %dma_wait3A_2189] : memref<16384x50x32xf32, #tpu.memory_space<hbm>> -> memref<1x50x32xf32, #tpu.memory_space<hbm>>
        %dma_wait3A_2191 = tpu.memref_squeeze %dma_wait3A_2190 : memref<1x50x32xf32, #tpu.memory_space<hbm>> -> memref<50x32xf32, #tpu.memory_space<hbm>>
        %dma_wait3A_2192 = arith.constant 700 : i32
        %dma_wait3A_2193 = arith.constant 0 : i32
        %dma_wait3A_2194 = tpu.memref_slice %arg9[%dma_wait3A_2192, %dma_wait3A_2193] : memref<800x32xf32, #tpu.memory_space<vmem>> -> memref<50x32xf32, #tpu.memory_space<vmem>>
        tpu.wait_dma2 semaphore(%arg17 : memref<!tpu.dma_semaphore, #tpu.memory_space<semaphore_mem>>) src(%dma_wait3A_2194 : memref<50x32xf32, #tpu.memory_space<vmem>>) dst(%dma_wait3A_2191 : memref<50x32xf32, #tpu.memory_space<hbm>>)
        %mul3A_2195 = arith.constant 16 : i32
        %mul3A_2196 = arith.muli %sub3A_924, %mul3A_2195 : i32
        %add3A_2197 = arith.addi %mul3A_2, %mul3A_2196 : i32
        %add3A_2198 = arith.constant 15 : i32
        %add3A_2199 = arith.addi %add3A_2197, %add3A_2198 : i32
        %dma_wait3A_2200 = arith.constant 750 : i32
        %dma_wait3A_2201 = arith.constant 0 : i32
        %dma_wait3A_2202 = tpu.memref_slice %arg9[%dma_wait3A_2200, %dma_wait3A_2201] : memref<800x32xf32, #tpu.memory_space<vmem>> -> memref<50x32xf32, #tpu.memory_space<vmem>>
        %dma_wait3A_2203 = arith.constant 0 : i32
        %dma_wait3A_2204 = arith.constant 0 : i32
        %dma_wait3A_2205 = tpu.memref_slice %arg4[%add3A_2199, %dma_wait3A_2203, %dma_wait3A_2204] : memref<16384x50x32xf32, #tpu.memory_space<hbm>> -> memref<1x50x32xf32, #tpu.memory_space<hbm>>
        %dma_wait3A_2206 = tpu.memref_squeeze %dma_wait3A_2205 : memref<1x50x32xf32, #tpu.memory_space<hbm>> -> memref<50x32xf32, #tpu.memory_space<hbm>>
        %dma_wait3A_2207 = arith.constant 0 : i32
        %dma_wait3A_2208 = arith.constant 0 : i32
        %dma_wait3A_2209 = tpu.memref_slice %arg4[%add3A_2199, %dma_wait3A_2207, %dma_wait3A_2208] : memref<16384x50x32xf32, #tpu.memory_space<hbm>> -> memref<1x50x32xf32, #tpu.memory_space<hbm>>
        %dma_wait3A_2210 = tpu.memref_squeeze %dma_wait3A_2209 : memref<1x50x32xf32, #tpu.memory_space<hbm>> -> memref<50x32xf32, #tpu.memory_space<hbm>>
        %dma_wait3A_2211 = arith.constant 750 : i32
        %dma_wait3A_2212 = arith.constant 0 : i32
        %dma_wait3A_2213 = tpu.memref_slice %arg9[%dma_wait3A_2211, %dma_wait3A_2212] : memref<800x32xf32, #tpu.memory_space<vmem>> -> memref<50x32xf32, #tpu.memory_space<vmem>>
        tpu.wait_dma2 semaphore(%arg17 : memref<!tpu.dma_semaphore, #tpu.memory_space<semaphore_mem>>) src(%dma_wait3A_2213 : memref<50x32xf32, #tpu.memory_space<vmem>>) dst(%dma_wait3A_2210 : memref<50x32xf32, #tpu.memory_space<hbm>>)
      } else {
      }
      %lt3A_933 = arith.constant 32 : i32
      %lt3A_934 = arith.cmpi slt, %add3A_922, %lt3A_933 : i32
      %convert_element_type3A_935 = arith.extui %lt3A_934 : i1 to i32
      %cond3A_936 = arith.constant 0 : i32
      %cond3A_937 = arith.cmpi ne, %convert_element_type3A_935, %cond3A_936 : i32
      scf.if %cond3A_937 {
        %mul3A_1910 = arith.constant 800 : i32
        %mul3A_1911 = arith.muli %add3A_922, %mul3A_1910 : i32
        %dma_start3A_1912 = tpu.memref_slice %arg5[%mul3A_1911] : memref<25600xi32, #tpu.memory_space<vmem>> -> memref<800xi32, #tpu.memory_space<vmem>>
        %dma_start3A_1913 = arith.constant 0 : i32
        %dma_start3A_1914 = arith.constant 0 : i32
        %dma_start3A_1915 = tpu.memref_slice %arg2[%dma_start3A_1913, %dma_start3A_1914] : memref<1000000x32xf32, #tpu.memory_space<hbm>> -> memref<1000000x32xf32, #tpu.memory_space<hbm>>
        tpu.enqueue_indirect_dma source(%dma_start3A_1915 : memref<1000000x32xf32, #tpu.memory_space<hbm>>) target(%arg9 : memref<800x32xf32, #tpu.memory_space<vmem>>) offsets(%dma_start3A_1912 : memref<800xi32, #tpu.memory_space<vmem>>) semaphore(%arg13 : memref<!tpu.dma_semaphore, #tpu.memory_space<semaphore_mem>>)
      } else {
      }
      %mul3A_938 = arith.constant 800 : i32
      %mul3A_939 = arith.muli %add3A_920, %mul3A_938 : i32
      %dma_wait3A_940 = tpu.memref_slice %arg5[%mul3A_939] : memref<25600xi32, #tpu.memory_space<vmem>> -> memref<800xi32, #tpu.memory_space<vmem>>
      %dma_wait3A_941 = arith.constant 0 : i32
      %dma_wait3A_942 = arith.constant 0 : i32
      %dma_wait3A_943 = tpu.memref_slice %arg2[%dma_wait3A_941, %dma_wait3A_942] : memref<1000000x32xf32, #tpu.memory_space<hbm>> -> memref<1000000x32xf32, #tpu.memory_space<hbm>>
      tpu.wait_indirect_dma semaphore(%arg11 : memref<!tpu.dma_semaphore, #tpu.memory_space<semaphore_mem>>) src(%dma_wait3A_943 : memref<1000000x32xf32, #tpu.memory_space<hbm>>) dst(%arg7 : memref<800x32xf32, #tpu.memory_space<vmem>>)
      %mul3A_944 = arith.constant 16 : i32
      %mul3A_945 = arith.muli %add3A_920, %mul3A_944 : i32
      %add3A_946 = arith.addi %mul3A_2, %mul3A_945 : i32
      %add3A_947 = arith.constant 0 : i32
      %add3A_948 = arith.addi %add3A_946, %add3A_947 : i32
      %dma_start3A_949 = arith.constant 0 : i32
      %dma_start3A_950 = arith.constant 0 : i32
      %dma_start3A_951 = tpu.memref_slice %arg7[%dma_start3A_949, %dma_start3A_950] : memref<800x32xf32, #tpu.memory_space<vmem>> -> memref<50x32xf32, #tpu.memory_space<vmem>>
      %dma_start3A_952 = arith.constant 0 : i32
      %dma_start3A_953 = arith.constant 0 : i32
      %dma_start3A_954 = tpu.memref_slice %arg4[%add3A_948, %dma_start3A_952, %dma_start3A_953] : memref<16384x50x32xf32, #tpu.memory_space<hbm>> -> memref<1x50x32xf32, #tpu.memory_space<hbm>>
      %dma_start3A_955 = tpu.memref_squeeze %dma_start3A_954 : memref<1x50x32xf32, #tpu.memory_space<hbm>> -> memref<50x32xf32, #tpu.memory_space<hbm>>
      %dma_start3A_956 = arith.constant 0 : i32
      %dma_start3A_957 = arith.constant 0 : i32
      %dma_start3A_958 = tpu.memref_slice %arg4[%add3A_948, %dma_start3A_956, %dma_start3A_957] : memref<16384x50x32xf32, #tpu.memory_space<hbm>> -> memref<1x50x32xf32, #tpu.memory_space<hbm>>
      %dma_start3A_959 = tpu.memref_squeeze %dma_start3A_958 : memref<1x50x32xf32, #tpu.memory_space<hbm>> -> memref<50x32xf32, #tpu.memory_space<hbm>>
      %dma_start3A_960 = arith.constant 0 : i32
      %dma_start3A_961 = arith.constant 0 : i32
      %dma_start3A_962 = tpu.memref_slice %arg7[%dma_start3A_960, %dma_start3A_961] : memref<800x32xf32, #tpu.memory_space<vmem>> -> memref<50x32xf32, #tpu.memory_space<vmem>>
      tpu.enqueue_dma source(%dma_start3A_962 : memref<50x32xf32, #tpu.memory_space<vmem>>) target(%dma_start3A_959 : memref<50x32xf32, #tpu.memory_space<hbm>>) target_semaphore(%arg15 : memref<!tpu.dma_semaphore, #tpu.memory_space<semaphore_mem>>)
      %mul3A_963 = arith.constant 16 : i32
      %mul3A_964 = arith.muli %add3A_920, %mul3A_963 : i32
      %add3A_965 = arith.addi %mul3A_2, %mul3A_964 : i32
      %add3A_966 = arith.constant 1 : i32
      %add3A_967 = arith.addi %add3A_965, %add3A_966 : i32
      %dma_start3A_968 = arith.constant 50 : i32
      %dma_start3A_969 = arith.constant 0 : i32
      %dma_start3A_970 = tpu.memref_slice %arg7[%dma_start3A_968, %dma_start3A_969] : memref<800x32xf32, #tpu.memory_space<vmem>> -> memref<50x32xf32, #tpu.memory_space<vmem>>
      %dma_start3A_971 = arith.constant 0 : i32
      %dma_start3A_972 = arith.constant 0 : i32
      %dma_start3A_973 = tpu.memref_slice %arg4[%add3A_967, %dma_start3A_971, %dma_start3A_972] : memref<16384x50x32xf32, #tpu.memory_space<hbm>> -> memref<1x50x32xf32, #tpu.memory_space<hbm>>
      %dma_start3A_974 = tpu.memref_squeeze %dma_start3A_973 : memref<1x50x32xf32, #tpu.memory_space<hbm>> -> memref<50x32xf32, #tpu.memory_space<hbm>>
      %dma_start3A_975 = arith.constant 0 : i32
      %dma_start3A_976 = arith.constant 0 : i32
      %dma_start3A_977 = tpu.memref_slice %arg4[%add3A_967, %dma_start3A_975, %dma_start3A_976] : memref<16384x50x32xf32, #tpu.memory_space<hbm>> -> memref<1x50x32xf32, #tpu.memory_space<hbm>>
      %dma_start3A_978 = tpu.memref_squeeze %dma_start3A_977 : memref<1x50x32xf32, #tpu.memory_space<hbm>> -> memref<50x32xf32, #tpu.memory_space<hbm>>
      %dma_start3A_979 = arith.constant 50 : i32
      %dma_start3A_980 = arith.constant 0 : i32
      %dma_start3A_981 = tpu.memref_slice %arg7[%dma_start3A_979, %dma_start3A_980] : memref<800x32xf32, #tpu.memory_space<vmem>> -> memref<50x32xf32, #tpu.memory_space<vmem>>
      tpu.enqueue_dma source(%dma_start3A_981 : memref<50x32xf32, #tpu.memory_space<vmem>>) target(%dma_start3A_978 : memref<50x32xf32, #tpu.memory_space<hbm>>) target_semaphore(%arg15 : memref<!tpu.dma_semaphore, #tpu.memory_space<semaphore_mem>>)
      %mul3A_982 = arith.constant 16 : i32
      %mul3A_983 = arith.muli %add3A_920, %mul3A_982 : i32
      %add3A_984 = arith.addi %mul3A_2, %mul3A_983 : i32
      %add3A_985 = arith.constant 2 : i32
      %add3A_986 = arith.addi %add3A_984, %add3A_985 : i32
      %dma_start3A_987 = arith.constant 100 : i32
      %dma_start3A_988 = arith.constant 0 : i32
      %dma_start3A_989 = tpu.memref_slice %arg7[%dma_start3A_987, %dma_start3A_988] : memref<800x32xf32, #tpu.memory_space<vmem>> -> memref<50x32xf32, #tpu.memory_space<vmem>>
      %dma_start3A_990 = arith.constant 0 : i32
      %dma_start3A_991 = arith.constant 0 : i32
      %dma_start3A_992 = tpu.memref_slice %arg4[%add3A_986, %dma_start3A_990, %dma_start3A_991] : memref<16384x50x32xf32, #tpu.memory_space<hbm>> -> memref<1x50x32xf32, #tpu.memory_space<hbm>>
      %dma_start3A_993 = tpu.memref_squeeze %dma_start3A_992 : memref<1x50x32xf32, #tpu.memory_space<hbm>> -> memref<50x32xf32, #tpu.memory_space<hbm>>
      %dma_start3A_994 = arith.constant 0 : i32
      %dma_start3A_995 = arith.constant 0 : i32
      %dma_start3A_996 = tpu.memref_slice %arg4[%add3A_986, %dma_start3A_994, %dma_start3A_995] : memref<16384x50x32xf32, #tpu.memory_space<hbm>> -> memref<1x50x32xf32, #tpu.memory_space<hbm>>
      %dma_start3A_997 = tpu.memref_squeeze %dma_start3A_996 : memref<1x50x32xf32, #tpu.memory_space<hbm>> -> memref<50x32xf32, #tpu.memory_space<hbm>>
      %dma_start3A_998 = arith.constant 100 : i32
      %dma_start3A_999 = arith.constant 0 : i32
      %dma_start3A_1000 = tpu.memref_slice %arg7[%dma_start3A_998, %dma_start3A_999] : memref<800x32xf32, #tpu.memory_space<vmem>> -> memref<50x32xf32, #tpu.memory_space<vmem>>
      tpu.enqueue_dma source(%dma_start3A_1000 : memref<50x32xf32, #tpu.memory_space<vmem>>) target(%dma_start3A_997 : memref<50x32xf32, #tpu.memory_space<hbm>>) target_semaphore(%arg15 : memref<!tpu.dma_semaphore, #tpu.memory_space<semaphore_mem>>)
      %mul3A_1001 = arith.constant 16 : i32
      %mul3A_1002 = arith.muli %add3A_920, %mul3A_1001 : i32
      %add3A_1003 = arith.addi %mul3A_2, %mul3A_1002 : i32
      %add3A_1004 = arith.constant 3 : i32
      %add3A_1005 = arith.addi %add3A_1003, %add3A_1004 : i32
      %dma_start3A_1006 = arith.constant 150 : i32
      %dma_start3A_1007 = arith.constant 0 : i32
      %dma_start3A_1008 = tpu.memref_slice %arg7[%dma_start3A_1006, %dma_start3A_1007] : memref<800x32xf32, #tpu.memory_space<vmem>> -> memref<50x32xf32, #tpu.memory_space<vmem>>
      %dma_start3A_1009 = arith.constant 0 : i32
      %dma_start3A_1010 = arith.constant 0 : i32
      %dma_start3A_1011 = tpu.memref_slice %arg4[%add3A_1005, %dma_start3A_1009, %dma_start3A_1010] : memref<16384x50x32xf32, #tpu.memory_space<hbm>> -> memref<1x50x32xf32, #tpu.memory_space<hbm>>
      %dma_start3A_1012 = tpu.memref_squeeze %dma_start3A_1011 : memref<1x50x32xf32, #tpu.memory_space<hbm>> -> memref<50x32xf32, #tpu.memory_space<hbm>>
      %dma_start3A_1013 = arith.constant 0 : i32
      %dma_start3A_1014 = arith.constant 0 : i32
      %dma_start3A_1015 = tpu.memref_slice %arg4[%add3A_1005, %dma_start3A_1013, %dma_start3A_1014] : memref<16384x50x32xf32, #tpu.memory_space<hbm>> -> memref<1x50x32xf32, #tpu.memory_space<hbm>>
      %dma_start3A_1016 = tpu.memref_squeeze %dma_start3A_1015 : memref<1x50x32xf32, #tpu.memory_space<hbm>> -> memref<50x32xf32, #tpu.memory_space<hbm>>
      %dma_start3A_1017 = arith.constant 150 : i32
      %dma_start3A_1018 = arith.constant 0 : i32
      %dma_start3A_1019 = tpu.memref_slice %arg7[%dma_start3A_1017, %dma_start3A_1018] : memref<800x32xf32, #tpu.memory_space<vmem>> -> memref<50x32xf32, #tpu.memory_space<vmem>>
      tpu.enqueue_dma source(%dma_start3A_1019 : memref<50x32xf32, #tpu.memory_space<vmem>>) target(%dma_start3A_1016 : memref<50x32xf32, #tpu.memory_space<hbm>>) target_semaphore(%arg15 : memref<!tpu.dma_semaphore, #tpu.memory_space<semaphore_mem>>)
      %mul3A_1020 = arith.constant 16 : i32
      %mul3A_1021 = arith.muli %add3A_920, %mul3A_1020 : i32
      %add3A_1022 = arith.addi %mul3A_2, %mul3A_1021 : i32
      %add3A_1023 = arith.constant 4 : i32
      %add3A_1024 = arith.addi %add3A_1022, %add3A_1023 : i32
      %dma_start3A_1025 = arith.constant 200 : i32
      %dma_start3A_1026 = arith.constant 0 : i32
      %dma_start3A_1027 = tpu.memref_slice %arg7[%dma_start3A_1025, %dma_start3A_1026] : memref<800x32xf32, #tpu.memory_space<vmem>> -> memref<50x32xf32, #tpu.memory_space<vmem>>
      %dma_start3A_1028 = arith.constant 0 : i32
      %dma_start3A_1029 = arith.constant 0 : i32
      %dma_start3A_1030 = tpu.memref_slice %arg4[%add3A_1024, %dma_start3A_1028, %dma_start3A_1029] : memref<16384x50x32xf32, #tpu.memory_space<hbm>> -> memref<1x50x32xf32, #tpu.memory_space<hbm>>
      %dma_start3A_1031 = tpu.memref_squeeze %dma_start3A_1030 : memref<1x50x32xf32, #tpu.memory_space<hbm>> -> memref<50x32xf32, #tpu.memory_space<hbm>>
      %dma_start3A_1032 = arith.constant 0 : i32
      %dma_start3A_1033 = arith.constant 0 : i32
      %dma_start3A_1034 = tpu.memref_slice %arg4[%add3A_1024, %dma_start3A_1032, %dma_start3A_1033] : memref<16384x50x32xf32, #tpu.memory_space<hbm>> -> memref<1x50x32xf32, #tpu.memory_space<hbm>>
      %dma_start3A_1035 = tpu.memref_squeeze %dma_start3A_1034 : memref<1x50x32xf32, #tpu.memory_space<hbm>> -> memref<50x32xf32, #tpu.memory_space<hbm>>
      %dma_start3A_1036 = arith.constant 200 : i32
      %dma_start3A_1037 = arith.constant 0 : i32
      %dma_start3A_1038 = tpu.memref_slice %arg7[%dma_start3A_1036, %dma_start3A_1037] : memref<800x32xf32, #tpu.memory_space<vmem>> -> memref<50x32xf32, #tpu.memory_space<vmem>>
      tpu.enqueue_dma source(%dma_start3A_1038 : memref<50x32xf32, #tpu.memory_space<vmem>>) target(%dma_start3A_1035 : memref<50x32xf32, #tpu.memory_space<hbm>>) target_semaphore(%arg15 : memref<!tpu.dma_semaphore, #tpu.memory_space<semaphore_mem>>)
      %mul3A_1039 = arith.constant 16 : i32
      %mul3A_1040 = arith.muli %add3A_920, %mul3A_1039 : i32
      %add3A_1041 = arith.addi %mul3A_2, %mul3A_1040 : i32
      %add3A_1042 = arith.constant 5 : i32
      %add3A_1043 = arith.addi %add3A_1041, %add3A_1042 : i32
      %dma_start3A_1044 = arith.constant 250 : i32
      %dma_start3A_1045 = arith.constant 0 : i32
      %dma_start3A_1046 = tpu.memref_slice %arg7[%dma_start3A_1044, %dma_start3A_1045] : memref<800x32xf32, #tpu.memory_space<vmem>> -> memref<50x32xf32, #tpu.memory_space<vmem>>
      %dma_start3A_1047 = arith.constant 0 : i32
      %dma_start3A_1048 = arith.constant 0 : i32
      %dma_start3A_1049 = tpu.memref_slice %arg4[%add3A_1043, %dma_start3A_1047, %dma_start3A_1048] : memref<16384x50x32xf32, #tpu.memory_space<hbm>> -> memref<1x50x32xf32, #tpu.memory_space<hbm>>
      %dma_start3A_1050 = tpu.memref_squeeze %dma_start3A_1049 : memref<1x50x32xf32, #tpu.memory_space<hbm>> -> memref<50x32xf32, #tpu.memory_space<hbm>>
      %dma_start3A_1051 = arith.constant 0 : i32
      %dma_start3A_1052 = arith.constant 0 : i32
      %dma_start3A_1053 = tpu.memref_slice %arg4[%add3A_1043, %dma_start3A_1051, %dma_start3A_1052] : memref<16384x50x32xf32, #tpu.memory_space<hbm>> -> memref<1x50x32xf32, #tpu.memory_space<hbm>>
      %dma_start3A_1054 = tpu.memref_squeeze %dma_start3A_1053 : memref<1x50x32xf32, #tpu.memory_space<hbm>> -> memref<50x32xf32, #tpu.memory_space<hbm>>
      %dma_start3A_1055 = arith.constant 250 : i32
      %dma_start3A_1056 = arith.constant 0 : i32
      %dma_start3A_1057 = tpu.memref_slice %arg7[%dma_start3A_1055, %dma_start3A_1056] : memref<800x32xf32, #tpu.memory_space<vmem>> -> memref<50x32xf32, #tpu.memory_space<vmem>>
      tpu.enqueue_dma source(%dma_start3A_1057 : memref<50x32xf32, #tpu.memory_space<vmem>>) target(%dma_start3A_1054 : memref<50x32xf32, #tpu.memory_space<hbm>>) target_semaphore(%arg15 : memref<!tpu.dma_semaphore, #tpu.memory_space<semaphore_mem>>)
      %mul3A_1058 = arith.constant 16 : i32
      %mul3A_1059 = arith.muli %add3A_920, %mul3A_1058 : i32
      %add3A_1060 = arith.addi %mul3A_2, %mul3A_1059 : i32
      %add3A_1061 = arith.constant 6 : i32
      %add3A_1062 = arith.addi %add3A_1060, %add3A_1061 : i32
      %dma_start3A_1063 = arith.constant 300 : i32
      %dma_start3A_1064 = arith.constant 0 : i32
      %dma_start3A_1065 = tpu.memref_slice %arg7[%dma_start3A_1063, %dma_start3A_1064] : memref<800x32xf32, #tpu.memory_space<vmem>> -> memref<50x32xf32, #tpu.memory_space<vmem>>
      %dma_start3A_1066 = arith.constant 0 : i32
      %dma_start3A_1067 = arith.constant 0 : i32
      %dma_start3A_1068 = tpu.memref_slice %arg4[%add3A_1062, %dma_start3A_1066, %dma_start3A_1067] : memref<16384x50x32xf32, #tpu.memory_space<hbm>> -> memref<1x50x32xf32, #tpu.memory_space<hbm>>
      %dma_start3A_1069 = tpu.memref_squeeze %dma_start3A_1068 : memref<1x50x32xf32, #tpu.memory_space<hbm>> -> memref<50x32xf32, #tpu.memory_space<hbm>>
      %dma_start3A_1070 = arith.constant 0 : i32
      %dma_start3A_1071 = arith.constant 0 : i32
      %dma_start3A_1072 = tpu.memref_slice %arg4[%add3A_1062, %dma_start3A_1070, %dma_start3A_1071] : memref<16384x50x32xf32, #tpu.memory_space<hbm>> -> memref<1x50x32xf32, #tpu.memory_space<hbm>>
      %dma_start3A_1073 = tpu.memref_squeeze %dma_start3A_1072 : memref<1x50x32xf32, #tpu.memory_space<hbm>> -> memref<50x32xf32, #tpu.memory_space<hbm>>
      %dma_start3A_1074 = arith.constant 300 : i32
      %dma_start3A_1075 = arith.constant 0 : i32
      %dma_start3A_1076 = tpu.memref_slice %arg7[%dma_start3A_1074, %dma_start3A_1075] : memref<800x32xf32, #tpu.memory_space<vmem>> -> memref<50x32xf32, #tpu.memory_space<vmem>>
      tpu.enqueue_dma source(%dma_start3A_1076 : memref<50x32xf32, #tpu.memory_space<vmem>>) target(%dma_start3A_1073 : memref<50x32xf32, #tpu.memory_space<hbm>>) target_semaphore(%arg15 : memref<!tpu.dma_semaphore, #tpu.memory_space<semaphore_mem>>)
      %mul3A_1077 = arith.constant 16 : i32
      %mul3A_1078 = arith.muli %add3A_920, %mul3A_1077 : i32
      %add3A_1079 = arith.addi %mul3A_2, %mul3A_1078 : i32
      %add3A_1080 = arith.constant 7 : i32
      %add3A_1081 = arith.addi %add3A_1079, %add3A_1080 : i32
      %dma_start3A_1082 = arith.constant 350 : i32
      %dma_start3A_1083 = arith.constant 0 : i32
      %dma_start3A_1084 = tpu.memref_slice %arg7[%dma_start3A_1082, %dma_start3A_1083] : memref<800x32xf32, #tpu.memory_space<vmem>> -> memref<50x32xf32, #tpu.memory_space<vmem>>
      %dma_start3A_1085 = arith.constant 0 : i32
      %dma_start3A_1086 = arith.constant 0 : i32
      %dma_start3A_1087 = tpu.memref_slice %arg4[%add3A_1081, %dma_start3A_1085, %dma_start3A_1086] : memref<16384x50x32xf32, #tpu.memory_space<hbm>> -> memref<1x50x32xf32, #tpu.memory_space<hbm>>
      %dma_start3A_1088 = tpu.memref_squeeze %dma_start3A_1087 : memref<1x50x32xf32, #tpu.memory_space<hbm>> -> memref<50x32xf32, #tpu.memory_space<hbm>>
      %dma_start3A_1089 = arith.constant 0 : i32
      %dma_start3A_1090 = arith.constant 0 : i32
      %dma_start3A_1091 = tpu.memref_slice %arg4[%add3A_1081, %dma_start3A_1089, %dma_start3A_1090] : memref<16384x50x32xf32, #tpu.memory_space<hbm>> -> memref<1x50x32xf32, #tpu.memory_space<hbm>>
      %dma_start3A_1092 = tpu.memref_squeeze %dma_start3A_1091 : memref<1x50x32xf32, #tpu.memory_space<hbm>> -> memref<50x32xf32, #tpu.memory_space<hbm>>
      %dma_start3A_1093 = arith.constant 350 : i32
      %dma_start3A_1094 = arith.constant 0 : i32
      %dma_start3A_1095 = tpu.memref_slice %arg7[%dma_start3A_1093, %dma_start3A_1094] : memref<800x32xf32, #tpu.memory_space<vmem>> -> memref<50x32xf32, #tpu.memory_space<vmem>>
      tpu.enqueue_dma source(%dma_start3A_1095 : memref<50x32xf32, #tpu.memory_space<vmem>>) target(%dma_start3A_1092 : memref<50x32xf32, #tpu.memory_space<hbm>>) target_semaphore(%arg15 : memref<!tpu.dma_semaphore, #tpu.memory_space<semaphore_mem>>)
      %mul3A_1096 = arith.constant 16 : i32
      %mul3A_1097 = arith.muli %add3A_920, %mul3A_1096 : i32
      %add3A_1098 = arith.addi %mul3A_2, %mul3A_1097 : i32
      %add3A_1099 = arith.constant 8 : i32
      %add3A_1100 = arith.addi %add3A_1098, %add3A_1099 : i32
      %dma_start3A_1101 = arith.constant 400 : i32
      %dma_start3A_1102 = arith.constant 0 : i32
      %dma_start3A_1103 = tpu.memref_slice %arg7[%dma_start3A_1101, %dma_start3A_1102] : memref<800x32xf32, #tpu.memory_space<vmem>> -> memref<50x32xf32, #tpu.memory_space<vmem>>
      %dma_start3A_1104 = arith.constant 0 : i32
      %dma_start3A_1105 = arith.constant 0 : i32
      %dma_start3A_1106 = tpu.memref_slice %arg4[%add3A_1100, %dma_start3A_1104, %dma_start3A_1105] : memref<16384x50x32xf32, #tpu.memory_space<hbm>> -> memref<1x50x32xf32, #tpu.memory_space<hbm>>
      %dma_start3A_1107 = tpu.memref_squeeze %dma_start3A_1106 : memref<1x50x32xf32, #tpu.memory_space<hbm>> -> memref<50x32xf32, #tpu.memory_space<hbm>>
      %dma_start3A_1108 = arith.constant 0 : i32
      %dma_start3A_1109 = arith.constant 0 : i32
      %dma_start3A_1110 = tpu.memref_slice %arg4[%add3A_1100, %dma_start3A_1108, %dma_start3A_1109] : memref<16384x50x32xf32, #tpu.memory_space<hbm>> -> memref<1x50x32xf32, #tpu.memory_space<hbm>>
      %dma_start3A_1111 = tpu.memref_squeeze %dma_start3A_1110 : memref<1x50x32xf32, #tpu.memory_space<hbm>> -> memref<50x32xf32, #tpu.memory_space<hbm>>
      %dma_start3A_1112 = arith.constant 400 : i32
      %dma_start3A_1113 = arith.constant 0 : i32
      %dma_start3A_1114 = tpu.memref_slice %arg7[%dma_start3A_1112, %dma_start3A_1113] : memref<800x32xf32, #tpu.memory_space<vmem>> -> memref<50x32xf32, #tpu.memory_space<vmem>>
      tpu.enqueue_dma source(%dma_start3A_1114 : memref<50x32xf32, #tpu.memory_space<vmem>>) target(%dma_start3A_1111 : memref<50x32xf32, #tpu.memory_space<hbm>>) target_semaphore(%arg15 : memref<!tpu.dma_semaphore, #tpu.memory_space<semaphore_mem>>)
      %mul3A_1115 = arith.constant 16 : i32
      %mul3A_1116 = arith.muli %add3A_920, %mul3A_1115 : i32
      %add3A_1117 = arith.addi %mul3A_2, %mul3A_1116 : i32
      %add3A_1118 = arith.constant 9 : i32
      %add3A_1119 = arith.addi %add3A_1117, %add3A_1118 : i32
      %dma_start3A_1120 = arith.constant 450 : i32
      %dma_start3A_1121 = arith.constant 0 : i32
      %dma_start3A_1122 = tpu.memref_slice %arg7[%dma_start3A_1120, %dma_start3A_1121] : memref<800x32xf32, #tpu.memory_space<vmem>> -> memref<50x32xf32, #tpu.memory_space<vmem>>
      %dma_start3A_1123 = arith.constant 0 : i32
      %dma_start3A_1124 = arith.constant 0 : i32
      %dma_start3A_1125 = tpu.memref_slice %arg4[%add3A_1119, %dma_start3A_1123, %dma_start3A_1124] : memref<16384x50x32xf32, #tpu.memory_space<hbm>> -> memref<1x50x32xf32, #tpu.memory_space<hbm>>
      %dma_start3A_1126 = tpu.memref_squeeze %dma_start3A_1125 : memref<1x50x32xf32, #tpu.memory_space<hbm>> -> memref<50x32xf32, #tpu.memory_space<hbm>>
      %dma_start3A_1127 = arith.constant 0 : i32
      %dma_start3A_1128 = arith.constant 0 : i32
      %dma_start3A_1129 = tpu.memref_slice %arg4[%add3A_1119, %dma_start3A_1127, %dma_start3A_1128] : memref<16384x50x32xf32, #tpu.memory_space<hbm>> -> memref<1x50x32xf32, #tpu.memory_space<hbm>>
      %dma_start3A_1130 = tpu.memref_squeeze %dma_start3A_1129 : memref<1x50x32xf32, #tpu.memory_space<hbm>> -> memref<50x32xf32, #tpu.memory_space<hbm>>
      %dma_start3A_1131 = arith.constant 450 : i32
      %dma_start3A_1132 = arith.constant 0 : i32
      %dma_start3A_1133 = tpu.memref_slice %arg7[%dma_start3A_1131, %dma_start3A_1132] : memref<800x32xf32, #tpu.memory_space<vmem>> -> memref<50x32xf32, #tpu.memory_space<vmem>>
      tpu.enqueue_dma source(%dma_start3A_1133 : memref<50x32xf32, #tpu.memory_space<vmem>>) target(%dma_start3A_1130 : memref<50x32xf32, #tpu.memory_space<hbm>>) target_semaphore(%arg15 : memref<!tpu.dma_semaphore, #tpu.memory_space<semaphore_mem>>)
      %mul3A_1134 = arith.constant 16 : i32
      %mul3A_1135 = arith.muli %add3A_920, %mul3A_1134 : i32
      %add3A_1136 = arith.addi %mul3A_2, %mul3A_1135 : i32
      %add3A_1137 = arith.constant 10 : i32
      %add3A_1138 = arith.addi %add3A_1136, %add3A_1137 : i32
      %dma_start3A_1139 = arith.constant 500 : i32
      %dma_start3A_1140 = arith.constant 0 : i32
      %dma_start3A_1141 = tpu.memref_slice %arg7[%dma_start3A_1139, %dma_start3A_1140] : memref<800x32xf32, #tpu.memory_space<vmem>> -> memref<50x32xf32, #tpu.memory_space<vmem>>
      %dma_start3A_1142 = arith.constant 0 : i32
      %dma_start3A_1143 = arith.constant 0 : i32
      %dma_start3A_1144 = tpu.memref_slice %arg4[%add3A_1138, %dma_start3A_1142, %dma_start3A_1143] : memref<16384x50x32xf32, #tpu.memory_space<hbm>> -> memref<1x50x32xf32, #tpu.memory_space<hbm>>
      %dma_start3A_1145 = tpu.memref_squeeze %dma_start3A_1144 : memref<1x50x32xf32, #tpu.memory_space<hbm>> -> memref<50x32xf32, #tpu.memory_space<hbm>>
      %dma_start3A_1146 = arith.constant 0 : i32
      %dma_start3A_1147 = arith.constant 0 : i32
      %dma_start3A_1148 = tpu.memref_slice %arg4[%add3A_1138, %dma_start3A_1146, %dma_start3A_1147] : memref<16384x50x32xf32, #tpu.memory_space<hbm>> -> memref<1x50x32xf32, #tpu.memory_space<hbm>>
      %dma_start3A_1149 = tpu.memref_squeeze %dma_start3A_1148 : memref<1x50x32xf32, #tpu.memory_space<hbm>> -> memref<50x32xf32, #tpu.memory_space<hbm>>
      %dma_start3A_1150 = arith.constant 500 : i32
      %dma_start3A_1151 = arith.constant 0 : i32
      %dma_start3A_1152 = tpu.memref_slice %arg7[%dma_start3A_1150, %dma_start3A_1151] : memref<800x32xf32, #tpu.memory_space<vmem>> -> memref<50x32xf32, #tpu.memory_space<vmem>>
      tpu.enqueue_dma source(%dma_start3A_1152 : memref<50x32xf32, #tpu.memory_space<vmem>>) target(%dma_start3A_1149 : memref<50x32xf32, #tpu.memory_space<hbm>>) target_semaphore(%arg15 : memref<!tpu.dma_semaphore, #tpu.memory_space<semaphore_mem>>)
      %mul3A_1153 = arith.constant 16 : i32
      %mul3A_1154 = arith.muli %add3A_920, %mul3A_1153 : i32
      %add3A_1155 = arith.addi %mul3A_2, %mul3A_1154 : i32
      %add3A_1156 = arith.constant 11 : i32
      %add3A_1157 = arith.addi %add3A_1155, %add3A_1156 : i32
      %dma_start3A_1158 = arith.constant 550 : i32
      %dma_start3A_1159 = arith.constant 0 : i32
      %dma_start3A_1160 = tpu.memref_slice %arg7[%dma_start3A_1158, %dma_start3A_1159] : memref<800x32xf32, #tpu.memory_space<vmem>> -> memref<50x32xf32, #tpu.memory_space<vmem>>
      %dma_start3A_1161 = arith.constant 0 : i32
      %dma_start3A_1162 = arith.constant 0 : i32
      %dma_start3A_1163 = tpu.memref_slice %arg4[%add3A_1157, %dma_start3A_1161, %dma_start3A_1162] : memref<16384x50x32xf32, #tpu.memory_space<hbm>> -> memref<1x50x32xf32, #tpu.memory_space<hbm>>
      %dma_start3A_1164 = tpu.memref_squeeze %dma_start3A_1163 : memref<1x50x32xf32, #tpu.memory_space<hbm>> -> memref<50x32xf32, #tpu.memory_space<hbm>>
      %dma_start3A_1165 = arith.constant 0 : i32
      %dma_start3A_1166 = arith.constant 0 : i32
      %dma_start3A_1167 = tpu.memref_slice %arg4[%add3A_1157, %dma_start3A_1165, %dma_start3A_1166] : memref<16384x50x32xf32, #tpu.memory_space<hbm>> -> memref<1x50x32xf32, #tpu.memory_space<hbm>>
      %dma_start3A_1168 = tpu.memref_squeeze %dma_start3A_1167 : memref<1x50x32xf32, #tpu.memory_space<hbm>> -> memref<50x32xf32, #tpu.memory_space<hbm>>
      %dma_start3A_1169 = arith.constant 550 : i32
      %dma_start3A_1170 = arith.constant 0 : i32
      %dma_start3A_1171 = tpu.memref_slice %arg7[%dma_start3A_1169, %dma_start3A_1170] : memref<800x32xf32, #tpu.memory_space<vmem>> -> memref<50x32xf32, #tpu.memory_space<vmem>>
      tpu.enqueue_dma source(%dma_start3A_1171 : memref<50x32xf32, #tpu.memory_space<vmem>>) target(%dma_start3A_1168 : memref<50x32xf32, #tpu.memory_space<hbm>>) target_semaphore(%arg15 : memref<!tpu.dma_semaphore, #tpu.memory_space<semaphore_mem>>)
      %mul3A_1172 = arith.constant 16 : i32
      %mul3A_1173 = arith.muli %add3A_920, %mul3A_1172 : i32
      %add3A_1174 = arith.addi %mul3A_2, %mul3A_1173 : i32
      %add3A_1175 = arith.constant 12 : i32
      %add3A_1176 = arith.addi %add3A_1174, %add3A_1175 : i32
      %dma_start3A_1177 = arith.constant 600 : i32
      %dma_start3A_1178 = arith.constant 0 : i32
      %dma_start3A_1179 = tpu.memref_slice %arg7[%dma_start3A_1177, %dma_start3A_1178] : memref<800x32xf32, #tpu.memory_space<vmem>> -> memref<50x32xf32, #tpu.memory_space<vmem>>
      %dma_start3A_1180 = arith.constant 0 : i32
      %dma_start3A_1181 = arith.constant 0 : i32
      %dma_start3A_1182 = tpu.memref_slice %arg4[%add3A_1176, %dma_start3A_1180, %dma_start3A_1181] : memref<16384x50x32xf32, #tpu.memory_space<hbm>> -> memref<1x50x32xf32, #tpu.memory_space<hbm>>
      %dma_start3A_1183 = tpu.memref_squeeze %dma_start3A_1182 : memref<1x50x32xf32, #tpu.memory_space<hbm>> -> memref<50x32xf32, #tpu.memory_space<hbm>>
      %dma_start3A_1184 = arith.constant 0 : i32
      %dma_start3A_1185 = arith.constant 0 : i32
      %dma_start3A_1186 = tpu.memref_slice %arg4[%add3A_1176, %dma_start3A_1184, %dma_start3A_1185] : memref<16384x50x32xf32, #tpu.memory_space<hbm>> -> memref<1x50x32xf32, #tpu.memory_space<hbm>>
      %dma_start3A_1187 = tpu.memref_squeeze %dma_start3A_1186 : memref<1x50x32xf32, #tpu.memory_space<hbm>> -> memref<50x32xf32, #tpu.memory_space<hbm>>
      %dma_start3A_1188 = arith.constant 600 : i32
      %dma_start3A_1189 = arith.constant 0 : i32
      %dma_start3A_1190 = tpu.memref_slice %arg7[%dma_start3A_1188, %dma_start3A_1189] : memref<800x32xf32, #tpu.memory_space<vmem>> -> memref<50x32xf32, #tpu.memory_space<vmem>>
      tpu.enqueue_dma source(%dma_start3A_1190 : memref<50x32xf32, #tpu.memory_space<vmem>>) target(%dma_start3A_1187 : memref<50x32xf32, #tpu.memory_space<hbm>>) target_semaphore(%arg15 : memref<!tpu.dma_semaphore, #tpu.memory_space<semaphore_mem>>)
      %mul3A_1191 = arith.constant 16 : i32
      %mul3A_1192 = arith.muli %add3A_920, %mul3A_1191 : i32
      %add3A_1193 = arith.addi %mul3A_2, %mul3A_1192 : i32
      %add3A_1194 = arith.constant 13 : i32
      %add3A_1195 = arith.addi %add3A_1193, %add3A_1194 : i32
      %dma_start3A_1196 = arith.constant 650 : i32
      %dma_start3A_1197 = arith.constant 0 : i32
      %dma_start3A_1198 = tpu.memref_slice %arg7[%dma_start3A_1196, %dma_start3A_1197] : memref<800x32xf32, #tpu.memory_space<vmem>> -> memref<50x32xf32, #tpu.memory_space<vmem>>
      %dma_start3A_1199 = arith.constant 0 : i32
      %dma_start3A_1200 = arith.constant 0 : i32
      %dma_start3A_1201 = tpu.memref_slice %arg4[%add3A_1195, %dma_start3A_1199, %dma_start3A_1200] : memref<16384x50x32xf32, #tpu.memory_space<hbm>> -> memref<1x50x32xf32, #tpu.memory_space<hbm>>
      %dma_start3A_1202 = tpu.memref_squeeze %dma_start3A_1201 : memref<1x50x32xf32, #tpu.memory_space<hbm>> -> memref<50x32xf32, #tpu.memory_space<hbm>>
      %dma_start3A_1203 = arith.constant 0 : i32
      %dma_start3A_1204 = arith.constant 0 : i32
      %dma_start3A_1205 = tpu.memref_slice %arg4[%add3A_1195, %dma_start3A_1203, %dma_start3A_1204] : memref<16384x50x32xf32, #tpu.memory_space<hbm>> -> memref<1x50x32xf32, #tpu.memory_space<hbm>>
      %dma_start3A_1206 = tpu.memref_squeeze %dma_start3A_1205 : memref<1x50x32xf32, #tpu.memory_space<hbm>> -> memref<50x32xf32, #tpu.memory_space<hbm>>
      %dma_start3A_1207 = arith.constant 650 : i32
      %dma_start3A_1208 = arith.constant 0 : i32
      %dma_start3A_1209 = tpu.memref_slice %arg7[%dma_start3A_1207, %dma_start3A_1208] : memref<800x32xf32, #tpu.memory_space<vmem>> -> memref<50x32xf32, #tpu.memory_space<vmem>>
      tpu.enqueue_dma source(%dma_start3A_1209 : memref<50x32xf32, #tpu.memory_space<vmem>>) target(%dma_start3A_1206 : memref<50x32xf32, #tpu.memory_space<hbm>>) target_semaphore(%arg15 : memref<!tpu.dma_semaphore, #tpu.memory_space<semaphore_mem>>)
      %mul3A_1210 = arith.constant 16 : i32
      %mul3A_1211 = arith.muli %add3A_920, %mul3A_1210 : i32
      %add3A_1212 = arith.addi %mul3A_2, %mul3A_1211 : i32
      %add3A_1213 = arith.constant 14 : i32
      %add3A_1214 = arith.addi %add3A_1212, %add3A_1213 : i32
      %dma_start3A_1215 = arith.constant 700 : i32
      %dma_start3A_1216 = arith.constant 0 : i32
      %dma_start3A_1217 = tpu.memref_slice %arg7[%dma_start3A_1215, %dma_start3A_1216] : memref<800x32xf32, #tpu.memory_space<vmem>> -> memref<50x32xf32, #tpu.memory_space<vmem>>
      %dma_start3A_1218 = arith.constant 0 : i32
      %dma_start3A_1219 = arith.constant 0 : i32
      %dma_start3A_1220 = tpu.memref_slice %arg4[%add3A_1214, %dma_start3A_1218, %dma_start3A_1219] : memref<16384x50x32xf32, #tpu.memory_space<hbm>> -> memref<1x50x32xf32, #tpu.memory_space<hbm>>
      %dma_start3A_1221 = tpu.memref_squeeze %dma_start3A_1220 : memref<1x50x32xf32, #tpu.memory_space<hbm>> -> memref<50x32xf32, #tpu.memory_space<hbm>>
      %dma_start3A_1222 = arith.constant 0 : i32
      %dma_start3A_1223 = arith.constant 0 : i32
      %dma_start3A_1224 = tpu.memref_slice %arg4[%add3A_1214, %dma_start3A_1222, %dma_start3A_1223] : memref<16384x50x32xf32, #tpu.memory_space<hbm>> -> memref<1x50x32xf32, #tpu.memory_space<hbm>>
      %dma_start3A_1225 = tpu.memref_squeeze %dma_start3A_1224 : memref<1x50x32xf32, #tpu.memory_space<hbm>> -> memref<50x32xf32, #tpu.memory_space<hbm>>
      %dma_start3A_1226 = arith.constant 700 : i32
      %dma_start3A_1227 = arith.constant 0 : i32
      %dma_start3A_1228 = tpu.memref_slice %arg7[%dma_start3A_1226, %dma_start3A_1227] : memref<800x32xf32, #tpu.memory_space<vmem>> -> memref<50x32xf32, #tpu.memory_space<vmem>>
      tpu.enqueue_dma source(%dma_start3A_1228 : memref<50x32xf32, #tpu.memory_space<vmem>>) target(%dma_start3A_1225 : memref<50x32xf32, #tpu.memory_space<hbm>>) target_semaphore(%arg15 : memref<!tpu.dma_semaphore, #tpu.memory_space<semaphore_mem>>)
      %mul3A_1229 = arith.constant 16 : i32
      %mul3A_1230 = arith.muli %add3A_920, %mul3A_1229 : i32
      %add3A_1231 = arith.addi %mul3A_2, %mul3A_1230 : i32
      %add3A_1232 = arith.constant 15 : i32
      %add3A_1233 = arith.addi %add3A_1231, %add3A_1232 : i32
      %dma_start3A_1234 = arith.constant 750 : i32
      %dma_start3A_1235 = arith.constant 0 : i32
      %dma_start3A_1236 = tpu.memref_slice %arg7[%dma_start3A_1234, %dma_start3A_1235] : memref<800x32xf32, #tpu.memory_space<vmem>> -> memref<50x32xf32, #tpu.memory_space<vmem>>
      %dma_start3A_1237 = arith.constant 0 : i32
      %dma_start3A_1238 = arith.constant 0 : i32
      %dma_start3A_1239 = tpu.memref_slice %arg4[%add3A_1233, %dma_start3A_1237, %dma_start3A_1238] : memref<16384x50x32xf32, #tpu.memory_space<hbm>> -> memref<1x50x32xf32, #tpu.memory_space<hbm>>
      %dma_start3A_1240 = tpu.memref_squeeze %dma_start3A_1239 : memref<1x50x32xf32, #tpu.memory_space<hbm>> -> memref<50x32xf32, #tpu.memory_space<hbm>>
      %dma_start3A_1241 = arith.constant 0 : i32
      %dma_start3A_1242 = arith.constant 0 : i32
      %dma_start3A_1243 = tpu.memref_slice %arg4[%add3A_1233, %dma_start3A_1241, %dma_start3A_1242] : memref<16384x50x32xf32, #tpu.memory_space<hbm>> -> memref<1x50x32xf32, #tpu.memory_space<hbm>>
      %dma_start3A_1244 = tpu.memref_squeeze %dma_start3A_1243 : memref<1x50x32xf32, #tpu.memory_space<hbm>> -> memref<50x32xf32, #tpu.memory_space<hbm>>
      %dma_start3A_1245 = arith.constant 750 : i32
      %dma_start3A_1246 = arith.constant 0 : i32
      %dma_start3A_1247 = tpu.memref_slice %arg7[%dma_start3A_1245, %dma_start3A_1246] : memref<800x32xf32, #tpu.memory_space<vmem>> -> memref<50x32xf32, #tpu.memory_space<vmem>>
      tpu.enqueue_dma source(%dma_start3A_1247 : memref<50x32xf32, #tpu.memory_space<vmem>>) target(%dma_start3A_1244 : memref<50x32xf32, #tpu.memory_space<hbm>>) target_semaphore(%arg15 : memref<!tpu.dma_semaphore, #tpu.memory_space<semaphore_mem>>)
      %mul3A_1248 = arith.constant 4 : i32
      %mul3A_1249 = arith.muli %scan3A_591, %mul3A_1248 : i32
      %add3A_1250 = arith.constant 2 : i32
      %add3A_1251 = arith.addi %mul3A_1249, %add3A_1250 : i32
      %add3A_1252 = arith.constant 2 : i32
      %add3A_1253 = arith.addi %add3A_1251, %add3A_1252 : i32
      %sub3A_1254 = arith.constant 4 : i32
      %sub3A_1255 = arith.subi %add3A_1253, %sub3A_1254 : i32
      %lt3A_1256 = arith.constant 32 : i32
      %lt3A_1257 = arith.cmpi slt, %add3A_1253, %lt3A_1256 : i32
      %ge3A_1258 = arith.constant 0 : i32
      %ge3A_1259 = arith.cmpi sge, %sub3A_1255, %ge3A_1258 : i32
      %and3A_1260 = arith.andi %lt3A_1257, %ge3A_1259 : i1
      %convert_element_type3A_1261 = arith.extui %and3A_1260 : i1 to i32
      %cond3A_1262 = arith.constant 0 : i32
      %cond3A_1263 = arith.cmpi ne, %convert_element_type3A_1261, %cond3A_1262 : i32
      scf.if %cond3A_1263 {
        %mul3A_1910 = arith.constant 16 : i32
        %mul3A_1911 = arith.muli %sub3A_1255, %mul3A_1910 : i32
        %add3A_1912 = arith.addi %mul3A_2, %mul3A_1911 : i32
        %add3A_1913 = arith.constant 0 : i32
        %add3A_1914 = arith.addi %add3A_1912, %add3A_1913 : i32
        %dma_wait3A_1915 = arith.constant 0 : i32
        %dma_wait3A_1916 = arith.constant 0 : i32
        %dma_wait3A_1917 = tpu.memref_slice %arg6[%dma_wait3A_1915, %dma_wait3A_1916] : memref<800x32xf32, #tpu.memory_space<vmem>> -> memref<50x32xf32, #tpu.memory_space<vmem>>
        %dma_wait3A_1918 = arith.constant 0 : i32
        %dma_wait3A_1919 = arith.constant 0 : i32
        %dma_wait3A_1920 = tpu.memref_slice %arg4[%add3A_1914, %dma_wait3A_1918, %dma_wait3A_1919] : memref<16384x50x32xf32, #tpu.memory_space<hbm>> -> memref<1x50x32xf32, #tpu.memory_space<hbm>>
        %dma_wait3A_1921 = tpu.memref_squeeze %dma_wait3A_1920 : memref<1x50x32xf32, #tpu.memory_space<hbm>> -> memref<50x32xf32, #tpu.memory_space<hbm>>
        %dma_wait3A_1922 = arith.constant 0 : i32
        %dma_wait3A_1923 = arith.constant 0 : i32
        %dma_wait3A_1924 = tpu.memref_slice %arg4[%add3A_1914, %dma_wait3A_1922, %dma_wait3A_1923] : memref<16384x50x32xf32, #tpu.memory_space<hbm>> -> memref<1x50x32xf32, #tpu.memory_space<hbm>>
        %dma_wait3A_1925 = tpu.memref_squeeze %dma_wait3A_1924 : memref<1x50x32xf32, #tpu.memory_space<hbm>> -> memref<50x32xf32, #tpu.memory_space<hbm>>
        %dma_wait3A_1926 = arith.constant 0 : i32
        %dma_wait3A_1927 = arith.constant 0 : i32
        %dma_wait3A_1928 = tpu.memref_slice %arg6[%dma_wait3A_1926, %dma_wait3A_1927] : memref<800x32xf32, #tpu.memory_space<vmem>> -> memref<50x32xf32, #tpu.memory_space<vmem>>
        tpu.wait_dma2 semaphore(%arg14 : memref<!tpu.dma_semaphore, #tpu.memory_space<semaphore_mem>>) src(%dma_wait3A_1928 : memref<50x32xf32, #tpu.memory_space<vmem>>) dst(%dma_wait3A_1925 : memref<50x32xf32, #tpu.memory_space<hbm>>)
        %mul3A_1929 = arith.constant 16 : i32
        %mul3A_1930 = arith.muli %sub3A_1255, %mul3A_1929 : i32
        %add3A_1931 = arith.addi %mul3A_2, %mul3A_1930 : i32
        %add3A_1932 = arith.constant 1 : i32
        %add3A_1933 = arith.addi %add3A_1931, %add3A_1932 : i32
        %dma_wait3A_1934 = arith.constant 50 : i32
        %dma_wait3A_1935 = arith.constant 0 : i32
        %dma_wait3A_1936 = tpu.memref_slice %arg6[%dma_wait3A_1934, %dma_wait3A_1935] : memref<800x32xf32, #tpu.memory_space<vmem>> -> memref<50x32xf32, #tpu.memory_space<vmem>>
        %dma_wait3A_1937 = arith.constant 0 : i32
        %dma_wait3A_1938 = arith.constant 0 : i32
        %dma_wait3A_1939 = tpu.memref_slice %arg4[%add3A_1933, %dma_wait3A_1937, %dma_wait3A_1938] : memref<16384x50x32xf32, #tpu.memory_space<hbm>> -> memref<1x50x32xf32, #tpu.memory_space<hbm>>
        %dma_wait3A_1940 = tpu.memref_squeeze %dma_wait3A_1939 : memref<1x50x32xf32, #tpu.memory_space<hbm>> -> memref<50x32xf32, #tpu.memory_space<hbm>>
        %dma_wait3A_1941 = arith.constant 0 : i32
        %dma_wait3A_1942 = arith.constant 0 : i32
        %dma_wait3A_1943 = tpu.memref_slice %arg4[%add3A_1933, %dma_wait3A_1941, %dma_wait3A_1942] : memref<16384x50x32xf32, #tpu.memory_space<hbm>> -> memref<1x50x32xf32, #tpu.memory_space<hbm>>
        %dma_wait3A_1944 = tpu.memref_squeeze %dma_wait3A_1943 : memref<1x50x32xf32, #tpu.memory_space<hbm>> -> memref<50x32xf32, #tpu.memory_space<hbm>>
        %dma_wait3A_1945 = arith.constant 50 : i32
        %dma_wait3A_1946 = arith.constant 0 : i32
        %dma_wait3A_1947 = tpu.memref_slice %arg6[%dma_wait3A_1945, %dma_wait3A_1946] : memref<800x32xf32, #tpu.memory_space<vmem>> -> memref<50x32xf32, #tpu.memory_space<vmem>>
        tpu.wait_dma2 semaphore(%arg14 : memref<!tpu.dma_semaphore, #tpu.memory_space<semaphore_mem>>) src(%dma_wait3A_1947 : memref<50x32xf32, #tpu.memory_space<vmem>>) dst(%dma_wait3A_1944 : memref<50x32xf32, #tpu.memory_space<hbm>>)
        %mul3A_1948 = arith.constant 16 : i32
        %mul3A_1949 = arith.muli %sub3A_1255, %mul3A_1948 : i32
        %add3A_1950 = arith.addi %mul3A_2, %mul3A_1949 : i32
        %add3A_1951 = arith.constant 2 : i32
        %add3A_1952 = arith.addi %add3A_1950, %add3A_1951 : i32
        %dma_wait3A_1953 = arith.constant 100 : i32
        %dma_wait3A_1954 = arith.constant 0 : i32
        %dma_wait3A_1955 = tpu.memref_slice %arg6[%dma_wait3A_1953, %dma_wait3A_1954] : memref<800x32xf32, #tpu.memory_space<vmem>> -> memref<50x32xf32, #tpu.memory_space<vmem>>
        %dma_wait3A_1956 = arith.constant 0 : i32
        %dma_wait3A_1957 = arith.constant 0 : i32
        %dma_wait3A_1958 = tpu.memref_slice %arg4[%add3A_1952, %dma_wait3A_1956, %dma_wait3A_1957] : memref<16384x50x32xf32, #tpu.memory_space<hbm>> -> memref<1x50x32xf32, #tpu.memory_space<hbm>>
        %dma_wait3A_1959 = tpu.memref_squeeze %dma_wait3A_1958 : memref<1x50x32xf32, #tpu.memory_space<hbm>> -> memref<50x32xf32, #tpu.memory_space<hbm>>
        %dma_wait3A_1960 = arith.constant 0 : i32
        %dma_wait3A_1961 = arith.constant 0 : i32
        %dma_wait3A_1962 = tpu.memref_slice %arg4[%add3A_1952, %dma_wait3A_1960, %dma_wait3A_1961] : memref<16384x50x32xf32, #tpu.memory_space<hbm>> -> memref<1x50x32xf32, #tpu.memory_space<hbm>>
        %dma_wait3A_1963 = tpu.memref_squeeze %dma_wait3A_1962 : memref<1x50x32xf32, #tpu.memory_space<hbm>> -> memref<50x32xf32, #tpu.memory_space<hbm>>
        %dma_wait3A_1964 = arith.constant 100 : i32
        %dma_wait3A_1965 = arith.constant 0 : i32
        %dma_wait3A_1966 = tpu.memref_slice %arg6[%dma_wait3A_1964, %dma_wait3A_1965] : memref<800x32xf32, #tpu.memory_space<vmem>> -> memref<50x32xf32, #tpu.memory_space<vmem>>
        tpu.wait_dma2 semaphore(%arg14 : memref<!tpu.dma_semaphore, #tpu.memory_space<semaphore_mem>>) src(%dma_wait3A_1966 : memref<50x32xf32, #tpu.memory_space<vmem>>) dst(%dma_wait3A_1963 : memref<50x32xf32, #tpu.memory_space<hbm>>)
        %mul3A_1967 = arith.constant 16 : i32
        %mul3A_1968 = arith.muli %sub3A_1255, %mul3A_1967 : i32
        %add3A_1969 = arith.addi %mul3A_2, %mul3A_1968 : i32
        %add3A_1970 = arith.constant 3 : i32
        %add3A_1971 = arith.addi %add3A_1969, %add3A_1970 : i32
        %dma_wait3A_1972 = arith.constant 150 : i32
        %dma_wait3A_1973 = arith.constant 0 : i32
        %dma_wait3A_1974 = tpu.memref_slice %arg6[%dma_wait3A_1972, %dma_wait3A_1973] : memref<800x32xf32, #tpu.memory_space<vmem>> -> memref<50x32xf32, #tpu.memory_space<vmem>>
        %dma_wait3A_1975 = arith.constant 0 : i32
        %dma_wait3A_1976 = arith.constant 0 : i32
        %dma_wait3A_1977 = tpu.memref_slice %arg4[%add3A_1971, %dma_wait3A_1975, %dma_wait3A_1976] : memref<16384x50x32xf32, #tpu.memory_space<hbm>> -> memref<1x50x32xf32, #tpu.memory_space<hbm>>
        %dma_wait3A_1978 = tpu.memref_squeeze %dma_wait3A_1977 : memref<1x50x32xf32, #tpu.memory_space<hbm>> -> memref<50x32xf32, #tpu.memory_space<hbm>>
        %dma_wait3A_1979 = arith.constant 0 : i32
        %dma_wait3A_1980 = arith.constant 0 : i32
        %dma_wait3A_1981 = tpu.memref_slice %arg4[%add3A_1971, %dma_wait3A_1979, %dma_wait3A_1980] : memref<16384x50x32xf32, #tpu.memory_space<hbm>> -> memref<1x50x32xf32, #tpu.memory_space<hbm>>
        %dma_wait3A_1982 = tpu.memref_squeeze %dma_wait3A_1981 : memref<1x50x32xf32, #tpu.memory_space<hbm>> -> memref<50x32xf32, #tpu.memory_space<hbm>>
        %dma_wait3A_1983 = arith.constant 150 : i32
        %dma_wait3A_1984 = arith.constant 0 : i32
        %dma_wait3A_1985 = tpu.memref_slice %arg6[%dma_wait3A_1983, %dma_wait3A_1984] : memref<800x32xf32, #tpu.memory_space<vmem>> -> memref<50x32xf32, #tpu.memory_space<vmem>>
        tpu.wait_dma2 semaphore(%arg14 : memref<!tpu.dma_semaphore, #tpu.memory_space<semaphore_mem>>) src(%dma_wait3A_1985 : memref<50x32xf32, #tpu.memory_space<vmem>>) dst(%dma_wait3A_1982 : memref<50x32xf32, #tpu.memory_space<hbm>>)
        %mul3A_1986 = arith.constant 16 : i32
        %mul3A_1987 = arith.muli %sub3A_1255, %mul3A_1986 : i32
        %add3A_1988 = arith.addi %mul3A_2, %mul3A_1987 : i32
        %add3A_1989 = arith.constant 4 : i32
        %add3A_1990 = arith.addi %add3A_1988, %add3A_1989 : i32
        %dma_wait3A_1991 = arith.constant 200 : i32
        %dma_wait3A_1992 = arith.constant 0 : i32
        %dma_wait3A_1993 = tpu.memref_slice %arg6[%dma_wait3A_1991, %dma_wait3A_1992] : memref<800x32xf32, #tpu.memory_space<vmem>> -> memref<50x32xf32, #tpu.memory_space<vmem>>
        %dma_wait3A_1994 = arith.constant 0 : i32
        %dma_wait3A_1995 = arith.constant 0 : i32
        %dma_wait3A_1996 = tpu.memref_slice %arg4[%add3A_1990, %dma_wait3A_1994, %dma_wait3A_1995] : memref<16384x50x32xf32, #tpu.memory_space<hbm>> -> memref<1x50x32xf32, #tpu.memory_space<hbm>>
        %dma_wait3A_1997 = tpu.memref_squeeze %dma_wait3A_1996 : memref<1x50x32xf32, #tpu.memory_space<hbm>> -> memref<50x32xf32, #tpu.memory_space<hbm>>
        %dma_wait3A_1998 = arith.constant 0 : i32
        %dma_wait3A_1999 = arith.constant 0 : i32
        %dma_wait3A_2000 = tpu.memref_slice %arg4[%add3A_1990, %dma_wait3A_1998, %dma_wait3A_1999] : memref<16384x50x32xf32, #tpu.memory_space<hbm>> -> memref<1x50x32xf32, #tpu.memory_space<hbm>>
        %dma_wait3A_2001 = tpu.memref_squeeze %dma_wait3A_2000 : memref<1x50x32xf32, #tpu.memory_space<hbm>> -> memref<50x32xf32, #tpu.memory_space<hbm>>
        %dma_wait3A_2002 = arith.constant 200 : i32
        %dma_wait3A_2003 = arith.constant 0 : i32
        %dma_wait3A_2004 = tpu.memref_slice %arg6[%dma_wait3A_2002, %dma_wait3A_2003] : memref<800x32xf32, #tpu.memory_space<vmem>> -> memref<50x32xf32, #tpu.memory_space<vmem>>
        tpu.wait_dma2 semaphore(%arg14 : memref<!tpu.dma_semaphore, #tpu.memory_space<semaphore_mem>>) src(%dma_wait3A_2004 : memref<50x32xf32, #tpu.memory_space<vmem>>) dst(%dma_wait3A_2001 : memref<50x32xf32, #tpu.memory_space<hbm>>)
        %mul3A_2005 = arith.constant 16 : i32
        %mul3A_2006 = arith.muli %sub3A_1255, %mul3A_2005 : i32
        %add3A_2007 = arith.addi %mul3A_2, %mul3A_2006 : i32
        %add3A_2008 = arith.constant 5 : i32
        %add3A_2009 = arith.addi %add3A_2007, %add3A_2008 : i32
        %dma_wait3A_2010 = arith.constant 250 : i32
        %dma_wait3A_2011 = arith.constant 0 : i32
        %dma_wait3A_2012 = tpu.memref_slice %arg6[%dma_wait3A_2010, %dma_wait3A_2011] : memref<800x32xf32, #tpu.memory_space<vmem>> -> memref<50x32xf32, #tpu.memory_space<vmem>>
        %dma_wait3A_2013 = arith.constant 0 : i32
        %dma_wait3A_2014 = arith.constant 0 : i32
        %dma_wait3A_2015 = tpu.memref_slice %arg4[%add3A_2009, %dma_wait3A_2013, %dma_wait3A_2014] : memref<16384x50x32xf32, #tpu.memory_space<hbm>> -> memref<1x50x32xf32, #tpu.memory_space<hbm>>
        %dma_wait3A_2016 = tpu.memref_squeeze %dma_wait3A_2015 : memref<1x50x32xf32, #tpu.memory_space<hbm>> -> memref<50x32xf32, #tpu.memory_space<hbm>>
        %dma_wait3A_2017 = arith.constant 0 : i32
        %dma_wait3A_2018 = arith.constant 0 : i32
        %dma_wait3A_2019 = tpu.memref_slice %arg4[%add3A_2009, %dma_wait3A_2017, %dma_wait3A_2018] : memref<16384x50x32xf32, #tpu.memory_space<hbm>> -> memref<1x50x32xf32, #tpu.memory_space<hbm>>
        %dma_wait3A_2020 = tpu.memref_squeeze %dma_wait3A_2019 : memref<1x50x32xf32, #tpu.memory_space<hbm>> -> memref<50x32xf32, #tpu.memory_space<hbm>>
        %dma_wait3A_2021 = arith.constant 250 : i32
        %dma_wait3A_2022 = arith.constant 0 : i32
        %dma_wait3A_2023 = tpu.memref_slice %arg6[%dma_wait3A_2021, %dma_wait3A_2022] : memref<800x32xf32, #tpu.memory_space<vmem>> -> memref<50x32xf32, #tpu.memory_space<vmem>>
        tpu.wait_dma2 semaphore(%arg14 : memref<!tpu.dma_semaphore, #tpu.memory_space<semaphore_mem>>) src(%dma_wait3A_2023 : memref<50x32xf32, #tpu.memory_space<vmem>>) dst(%dma_wait3A_2020 : memref<50x32xf32, #tpu.memory_space<hbm>>)
        %mul3A_2024 = arith.constant 16 : i32
        %mul3A_2025 = arith.muli %sub3A_1255, %mul3A_2024 : i32
        %add3A_2026 = arith.addi %mul3A_2, %mul3A_2025 : i32
        %add3A_2027 = arith.constant 6 : i32
        %add3A_2028 = arith.addi %add3A_2026, %add3A_2027 : i32
        %dma_wait3A_2029 = arith.constant 300 : i32
        %dma_wait3A_2030 = arith.constant 0 : i32
        %dma_wait3A_2031 = tpu.memref_slice %arg6[%dma_wait3A_2029, %dma_wait3A_2030] : memref<800x32xf32, #tpu.memory_space<vmem>> -> memref<50x32xf32, #tpu.memory_space<vmem>>
        %dma_wait3A_2032 = arith.constant 0 : i32
        %dma_wait3A_2033 = arith.constant 0 : i32
        %dma_wait3A_2034 = tpu.memref_slice %arg4[%add3A_2028, %dma_wait3A_2032, %dma_wait3A_2033] : memref<16384x50x32xf32, #tpu.memory_space<hbm>> -> memref<1x50x32xf32, #tpu.memory_space<hbm>>
        %dma_wait3A_2035 = tpu.memref_squeeze %dma_wait3A_2034 : memref<1x50x32xf32, #tpu.memory_space<hbm>> -> memref<50x32xf32, #tpu.memory_space<hbm>>
        %dma_wait3A_2036 = arith.constant 0 : i32
        %dma_wait3A_2037 = arith.constant 0 : i32
        %dma_wait3A_2038 = tpu.memref_slice %arg4[%add3A_2028, %dma_wait3A_2036, %dma_wait3A_2037] : memref<16384x50x32xf32, #tpu.memory_space<hbm>> -> memref<1x50x32xf32, #tpu.memory_space<hbm>>
        %dma_wait3A_2039 = tpu.memref_squeeze %dma_wait3A_2038 : memref<1x50x32xf32, #tpu.memory_space<hbm>> -> memref<50x32xf32, #tpu.memory_space<hbm>>
        %dma_wait3A_2040 = arith.constant 300 : i32
        %dma_wait3A_2041 = arith.constant 0 : i32
        %dma_wait3A_2042 = tpu.memref_slice %arg6[%dma_wait3A_2040, %dma_wait3A_2041] : memref<800x32xf32, #tpu.memory_space<vmem>> -> memref<50x32xf32, #tpu.memory_space<vmem>>
        tpu.wait_dma2 semaphore(%arg14 : memref<!tpu.dma_semaphore, #tpu.memory_space<semaphore_mem>>) src(%dma_wait3A_2042 : memref<50x32xf32, #tpu.memory_space<vmem>>) dst(%dma_wait3A_2039 : memref<50x32xf32, #tpu.memory_space<hbm>>)
        %mul3A_2043 = arith.constant 16 : i32
        %mul3A_2044 = arith.muli %sub3A_1255, %mul3A_2043 : i32
        %add3A_2045 = arith.addi %mul3A_2, %mul3A_2044 : i32
        %add3A_2046 = arith.constant 7 : i32
        %add3A_2047 = arith.addi %add3A_2045, %add3A_2046 : i32
        %dma_wait3A_2048 = arith.constant 350 : i32
        %dma_wait3A_2049 = arith.constant 0 : i32
        %dma_wait3A_2050 = tpu.memref_slice %arg6[%dma_wait3A_2048, %dma_wait3A_2049] : memref<800x32xf32, #tpu.memory_space<vmem>> -> memref<50x32xf32, #tpu.memory_space<vmem>>
        %dma_wait3A_2051 = arith.constant 0 : i32
        %dma_wait3A_2052 = arith.constant 0 : i32
        %dma_wait3A_2053 = tpu.memref_slice %arg4[%add3A_2047, %dma_wait3A_2051, %dma_wait3A_2052] : memref<16384x50x32xf32, #tpu.memory_space<hbm>> -> memref<1x50x32xf32, #tpu.memory_space<hbm>>
        %dma_wait3A_2054 = tpu.memref_squeeze %dma_wait3A_2053 : memref<1x50x32xf32, #tpu.memory_space<hbm>> -> memref<50x32xf32, #tpu.memory_space<hbm>>
        %dma_wait3A_2055 = arith.constant 0 : i32
        %dma_wait3A_2056 = arith.constant 0 : i32
        %dma_wait3A_2057 = tpu.memref_slice %arg4[%add3A_2047, %dma_wait3A_2055, %dma_wait3A_2056] : memref<16384x50x32xf32, #tpu.memory_space<hbm>> -> memref<1x50x32xf32, #tpu.memory_space<hbm>>
        %dma_wait3A_2058 = tpu.memref_squeeze %dma_wait3A_2057 : memref<1x50x32xf32, #tpu.memory_space<hbm>> -> memref<50x32xf32, #tpu.memory_space<hbm>>
        %dma_wait3A_2059 = arith.constant 350 : i32
        %dma_wait3A_2060 = arith.constant 0 : i32
        %dma_wait3A_2061 = tpu.memref_slice %arg6[%dma_wait3A_2059, %dma_wait3A_2060] : memref<800x32xf32, #tpu.memory_space<vmem>> -> memref<50x32xf32, #tpu.memory_space<vmem>>
        tpu.wait_dma2 semaphore(%arg14 : memref<!tpu.dma_semaphore, #tpu.memory_space<semaphore_mem>>) src(%dma_wait3A_2061 : memref<50x32xf32, #tpu.memory_space<vmem>>) dst(%dma_wait3A_2058 : memref<50x32xf32, #tpu.memory_space<hbm>>)
        %mul3A_2062 = arith.constant 16 : i32
        %mul3A_2063 = arith.muli %sub3A_1255, %mul3A_2062 : i32
        %add3A_2064 = arith.addi %mul3A_2, %mul3A_2063 : i32
        %add3A_2065 = arith.constant 8 : i32
        %add3A_2066 = arith.addi %add3A_2064, %add3A_2065 : i32
        %dma_wait3A_2067 = arith.constant 400 : i32
        %dma_wait3A_2068 = arith.constant 0 : i32
        %dma_wait3A_2069 = tpu.memref_slice %arg6[%dma_wait3A_2067, %dma_wait3A_2068] : memref<800x32xf32, #tpu.memory_space<vmem>> -> memref<50x32xf32, #tpu.memory_space<vmem>>
        %dma_wait3A_2070 = arith.constant 0 : i32
        %dma_wait3A_2071 = arith.constant 0 : i32
        %dma_wait3A_2072 = tpu.memref_slice %arg4[%add3A_2066, %dma_wait3A_2070, %dma_wait3A_2071] : memref<16384x50x32xf32, #tpu.memory_space<hbm>> -> memref<1x50x32xf32, #tpu.memory_space<hbm>>
        %dma_wait3A_2073 = tpu.memref_squeeze %dma_wait3A_2072 : memref<1x50x32xf32, #tpu.memory_space<hbm>> -> memref<50x32xf32, #tpu.memory_space<hbm>>
        %dma_wait3A_2074 = arith.constant 0 : i32
        %dma_wait3A_2075 = arith.constant 0 : i32
        %dma_wait3A_2076 = tpu.memref_slice %arg4[%add3A_2066, %dma_wait3A_2074, %dma_wait3A_2075] : memref<16384x50x32xf32, #tpu.memory_space<hbm>> -> memref<1x50x32xf32, #tpu.memory_space<hbm>>
        %dma_wait3A_2077 = tpu.memref_squeeze %dma_wait3A_2076 : memref<1x50x32xf32, #tpu.memory_space<hbm>> -> memref<50x32xf32, #tpu.memory_space<hbm>>
        %dma_wait3A_2078 = arith.constant 400 : i32
        %dma_wait3A_2079 = arith.constant 0 : i32
        %dma_wait3A_2080 = tpu.memref_slice %arg6[%dma_wait3A_2078, %dma_wait3A_2079] : memref<800x32xf32, #tpu.memory_space<vmem>> -> memref<50x32xf32, #tpu.memory_space<vmem>>
        tpu.wait_dma2 semaphore(%arg14 : memref<!tpu.dma_semaphore, #tpu.memory_space<semaphore_mem>>) src(%dma_wait3A_2080 : memref<50x32xf32, #tpu.memory_space<vmem>>) dst(%dma_wait3A_2077 : memref<50x32xf32, #tpu.memory_space<hbm>>)
        %mul3A_2081 = arith.constant 16 : i32
        %mul3A_2082 = arith.muli %sub3A_1255, %mul3A_2081 : i32
        %add3A_2083 = arith.addi %mul3A_2, %mul3A_2082 : i32
        %add3A_2084 = arith.constant 9 : i32
        %add3A_2085 = arith.addi %add3A_2083, %add3A_2084 : i32
        %dma_wait3A_2086 = arith.constant 450 : i32
        %dma_wait3A_2087 = arith.constant 0 : i32
        %dma_wait3A_2088 = tpu.memref_slice %arg6[%dma_wait3A_2086, %dma_wait3A_2087] : memref<800x32xf32, #tpu.memory_space<vmem>> -> memref<50x32xf32, #tpu.memory_space<vmem>>
        %dma_wait3A_2089 = arith.constant 0 : i32
        %dma_wait3A_2090 = arith.constant 0 : i32
        %dma_wait3A_2091 = tpu.memref_slice %arg4[%add3A_2085, %dma_wait3A_2089, %dma_wait3A_2090] : memref<16384x50x32xf32, #tpu.memory_space<hbm>> -> memref<1x50x32xf32, #tpu.memory_space<hbm>>
        %dma_wait3A_2092 = tpu.memref_squeeze %dma_wait3A_2091 : memref<1x50x32xf32, #tpu.memory_space<hbm>> -> memref<50x32xf32, #tpu.memory_space<hbm>>
        %dma_wait3A_2093 = arith.constant 0 : i32
        %dma_wait3A_2094 = arith.constant 0 : i32
        %dma_wait3A_2095 = tpu.memref_slice %arg4[%add3A_2085, %dma_wait3A_2093, %dma_wait3A_2094] : memref<16384x50x32xf32, #tpu.memory_space<hbm>> -> memref<1x50x32xf32, #tpu.memory_space<hbm>>
        %dma_wait3A_2096 = tpu.memref_squeeze %dma_wait3A_2095 : memref<1x50x32xf32, #tpu.memory_space<hbm>> -> memref<50x32xf32, #tpu.memory_space<hbm>>
        %dma_wait3A_2097 = arith.constant 450 : i32
        %dma_wait3A_2098 = arith.constant 0 : i32
        %dma_wait3A_2099 = tpu.memref_slice %arg6[%dma_wait3A_2097, %dma_wait3A_2098] : memref<800x32xf32, #tpu.memory_space<vmem>> -> memref<50x32xf32, #tpu.memory_space<vmem>>
        tpu.wait_dma2 semaphore(%arg14 : memref<!tpu.dma_semaphore, #tpu.memory_space<semaphore_mem>>) src(%dma_wait3A_2099 : memref<50x32xf32, #tpu.memory_space<vmem>>) dst(%dma_wait3A_2096 : memref<50x32xf32, #tpu.memory_space<hbm>>)
        %mul3A_2100 = arith.constant 16 : i32
        %mul3A_2101 = arith.muli %sub3A_1255, %mul3A_2100 : i32
        %add3A_2102 = arith.addi %mul3A_2, %mul3A_2101 : i32
        %add3A_2103 = arith.constant 10 : i32
        %add3A_2104 = arith.addi %add3A_2102, %add3A_2103 : i32
        %dma_wait3A_2105 = arith.constant 500 : i32
        %dma_wait3A_2106 = arith.constant 0 : i32
        %dma_wait3A_2107 = tpu.memref_slice %arg6[%dma_wait3A_2105, %dma_wait3A_2106] : memref<800x32xf32, #tpu.memory_space<vmem>> -> memref<50x32xf32, #tpu.memory_space<vmem>>
        %dma_wait3A_2108 = arith.constant 0 : i32
        %dma_wait3A_2109 = arith.constant 0 : i32
        %dma_wait3A_2110 = tpu.memref_slice %arg4[%add3A_2104, %dma_wait3A_2108, %dma_wait3A_2109] : memref<16384x50x32xf32, #tpu.memory_space<hbm>> -> memref<1x50x32xf32, #tpu.memory_space<hbm>>
        %dma_wait3A_2111 = tpu.memref_squeeze %dma_wait3A_2110 : memref<1x50x32xf32, #tpu.memory_space<hbm>> -> memref<50x32xf32, #tpu.memory_space<hbm>>
        %dma_wait3A_2112 = arith.constant 0 : i32
        %dma_wait3A_2113 = arith.constant 0 : i32
        %dma_wait3A_2114 = tpu.memref_slice %arg4[%add3A_2104, %dma_wait3A_2112, %dma_wait3A_2113] : memref<16384x50x32xf32, #tpu.memory_space<hbm>> -> memref<1x50x32xf32, #tpu.memory_space<hbm>>
        %dma_wait3A_2115 = tpu.memref_squeeze %dma_wait3A_2114 : memref<1x50x32xf32, #tpu.memory_space<hbm>> -> memref<50x32xf32, #tpu.memory_space<hbm>>
        %dma_wait3A_2116 = arith.constant 500 : i32
        %dma_wait3A_2117 = arith.constant 0 : i32
        %dma_wait3A_2118 = tpu.memref_slice %arg6[%dma_wait3A_2116, %dma_wait3A_2117] : memref<800x32xf32, #tpu.memory_space<vmem>> -> memref<50x32xf32, #tpu.memory_space<vmem>>
        tpu.wait_dma2 semaphore(%arg14 : memref<!tpu.dma_semaphore, #tpu.memory_space<semaphore_mem>>) src(%dma_wait3A_2118 : memref<50x32xf32, #tpu.memory_space<vmem>>) dst(%dma_wait3A_2115 : memref<50x32xf32, #tpu.memory_space<hbm>>)
        %mul3A_2119 = arith.constant 16 : i32
        %mul3A_2120 = arith.muli %sub3A_1255, %mul3A_2119 : i32
        %add3A_2121 = arith.addi %mul3A_2, %mul3A_2120 : i32
        %add3A_2122 = arith.constant 11 : i32
        %add3A_2123 = arith.addi %add3A_2121, %add3A_2122 : i32
        %dma_wait3A_2124 = arith.constant 550 : i32
        %dma_wait3A_2125 = arith.constant 0 : i32
        %dma_wait3A_2126 = tpu.memref_slice %arg6[%dma_wait3A_2124, %dma_wait3A_2125] : memref<800x32xf32, #tpu.memory_space<vmem>> -> memref<50x32xf32, #tpu.memory_space<vmem>>
        %dma_wait3A_2127 = arith.constant 0 : i32
        %dma_wait3A_2128 = arith.constant 0 : i32
        %dma_wait3A_2129 = tpu.memref_slice %arg4[%add3A_2123, %dma_wait3A_2127, %dma_wait3A_2128] : memref<16384x50x32xf32, #tpu.memory_space<hbm>> -> memref<1x50x32xf32, #tpu.memory_space<hbm>>
        %dma_wait3A_2130 = tpu.memref_squeeze %dma_wait3A_2129 : memref<1x50x32xf32, #tpu.memory_space<hbm>> -> memref<50x32xf32, #tpu.memory_space<hbm>>
        %dma_wait3A_2131 = arith.constant 0 : i32
        %dma_wait3A_2132 = arith.constant 0 : i32
        %dma_wait3A_2133 = tpu.memref_slice %arg4[%add3A_2123, %dma_wait3A_2131, %dma_wait3A_2132] : memref<16384x50x32xf32, #tpu.memory_space<hbm>> -> memref<1x50x32xf32, #tpu.memory_space<hbm>>
        %dma_wait3A_2134 = tpu.memref_squeeze %dma_wait3A_2133 : memref<1x50x32xf32, #tpu.memory_space<hbm>> -> memref<50x32xf32, #tpu.memory_space<hbm>>
        %dma_wait3A_2135 = arith.constant 550 : i32
        %dma_wait3A_2136 = arith.constant 0 : i32
        %dma_wait3A_2137 = tpu.memref_slice %arg6[%dma_wait3A_2135, %dma_wait3A_2136] : memref<800x32xf32, #tpu.memory_space<vmem>> -> memref<50x32xf32, #tpu.memory_space<vmem>>
        tpu.wait_dma2 semaphore(%arg14 : memref<!tpu.dma_semaphore, #tpu.memory_space<semaphore_mem>>) src(%dma_wait3A_2137 : memref<50x32xf32, #tpu.memory_space<vmem>>) dst(%dma_wait3A_2134 : memref<50x32xf32, #tpu.memory_space<hbm>>)
        %mul3A_2138 = arith.constant 16 : i32
        %mul3A_2139 = arith.muli %sub3A_1255, %mul3A_2138 : i32
        %add3A_2140 = arith.addi %mul3A_2, %mul3A_2139 : i32
        %add3A_2141 = arith.constant 12 : i32
        %add3A_2142 = arith.addi %add3A_2140, %add3A_2141 : i32
        %dma_wait3A_2143 = arith.constant 600 : i32
        %dma_wait3A_2144 = arith.constant 0 : i32
        %dma_wait3A_2145 = tpu.memref_slice %arg6[%dma_wait3A_2143, %dma_wait3A_2144] : memref<800x32xf32, #tpu.memory_space<vmem>> -> memref<50x32xf32, #tpu.memory_space<vmem>>
        %dma_wait3A_2146 = arith.constant 0 : i32
        %dma_wait3A_2147 = arith.constant 0 : i32
        %dma_wait3A_2148 = tpu.memref_slice %arg4[%add3A_2142, %dma_wait3A_2146, %dma_wait3A_2147] : memref<16384x50x32xf32, #tpu.memory_space<hbm>> -> memref<1x50x32xf32, #tpu.memory_space<hbm>>
        %dma_wait3A_2149 = tpu.memref_squeeze %dma_wait3A_2148 : memref<1x50x32xf32, #tpu.memory_space<hbm>> -> memref<50x32xf32, #tpu.memory_space<hbm>>
        %dma_wait3A_2150 = arith.constant 0 : i32
        %dma_wait3A_2151 = arith.constant 0 : i32
        %dma_wait3A_2152 = tpu.memref_slice %arg4[%add3A_2142, %dma_wait3A_2150, %dma_wait3A_2151] : memref<16384x50x32xf32, #tpu.memory_space<hbm>> -> memref<1x50x32xf32, #tpu.memory_space<hbm>>
        %dma_wait3A_2153 = tpu.memref_squeeze %dma_wait3A_2152 : memref<1x50x32xf32, #tpu.memory_space<hbm>> -> memref<50x32xf32, #tpu.memory_space<hbm>>
        %dma_wait3A_2154 = arith.constant 600 : i32
        %dma_wait3A_2155 = arith.constant 0 : i32
        %dma_wait3A_2156 = tpu.memref_slice %arg6[%dma_wait3A_2154, %dma_wait3A_2155] : memref<800x32xf32, #tpu.memory_space<vmem>> -> memref<50x32xf32, #tpu.memory_space<vmem>>
        tpu.wait_dma2 semaphore(%arg14 : memref<!tpu.dma_semaphore, #tpu.memory_space<semaphore_mem>>) src(%dma_wait3A_2156 : memref<50x32xf32, #tpu.memory_space<vmem>>) dst(%dma_wait3A_2153 : memref<50x32xf32, #tpu.memory_space<hbm>>)
        %mul3A_2157 = arith.constant 16 : i32
        %mul3A_2158 = arith.muli %sub3A_1255, %mul3A_2157 : i32
        %add3A_2159 = arith.addi %mul3A_2, %mul3A_2158 : i32
        %add3A_2160 = arith.constant 13 : i32
        %add3A_2161 = arith.addi %add3A_2159, %add3A_2160 : i32
        %dma_wait3A_2162 = arith.constant 650 : i32
        %dma_wait3A_2163 = arith.constant 0 : i32
        %dma_wait3A_2164 = tpu.memref_slice %arg6[%dma_wait3A_2162, %dma_wait3A_2163] : memref<800x32xf32, #tpu.memory_space<vmem>> -> memref<50x32xf32, #tpu.memory_space<vmem>>
        %dma_wait3A_2165 = arith.constant 0 : i32
        %dma_wait3A_2166 = arith.constant 0 : i32
        %dma_wait3A_2167 = tpu.memref_slice %arg4[%add3A_2161, %dma_wait3A_2165, %dma_wait3A_2166] : memref<16384x50x32xf32, #tpu.memory_space<hbm>> -> memref<1x50x32xf32, #tpu.memory_space<hbm>>
        %dma_wait3A_2168 = tpu.memref_squeeze %dma_wait3A_2167 : memref<1x50x32xf32, #tpu.memory_space<hbm>> -> memref<50x32xf32, #tpu.memory_space<hbm>>
        %dma_wait3A_2169 = arith.constant 0 : i32
        %dma_wait3A_2170 = arith.constant 0 : i32
        %dma_wait3A_2171 = tpu.memref_slice %arg4[%add3A_2161, %dma_wait3A_2169, %dma_wait3A_2170] : memref<16384x50x32xf32, #tpu.memory_space<hbm>> -> memref<1x50x32xf32, #tpu.memory_space<hbm>>
        %dma_wait3A_2172 = tpu.memref_squeeze %dma_wait3A_2171 : memref<1x50x32xf32, #tpu.memory_space<hbm>> -> memref<50x32xf32, #tpu.memory_space<hbm>>
        %dma_wait3A_2173 = arith.constant 650 : i32
        %dma_wait3A_2174 = arith.constant 0 : i32
        %dma_wait3A_2175 = tpu.memref_slice %arg6[%dma_wait3A_2173, %dma_wait3A_2174] : memref<800x32xf32, #tpu.memory_space<vmem>> -> memref<50x32xf32, #tpu.memory_space<vmem>>
        tpu.wait_dma2 semaphore(%arg14 : memref<!tpu.dma_semaphore, #tpu.memory_space<semaphore_mem>>) src(%dma_wait3A_2175 : memref<50x32xf32, #tpu.memory_space<vmem>>) dst(%dma_wait3A_2172 : memref<50x32xf32, #tpu.memory_space<hbm>>)
        %mul3A_2176 = arith.constant 16 : i32
        %mul3A_2177 = arith.muli %sub3A_1255, %mul3A_2176 : i32
        %add3A_2178 = arith.addi %mul3A_2, %mul3A_2177 : i32
        %add3A_2179 = arith.constant 14 : i32
        %add3A_2180 = arith.addi %add3A_2178, %add3A_2179 : i32
        %dma_wait3A_2181 = arith.constant 700 : i32
        %dma_wait3A_2182 = arith.constant 0 : i32
        %dma_wait3A_2183 = tpu.memref_slice %arg6[%dma_wait3A_2181, %dma_wait3A_2182] : memref<800x32xf32, #tpu.memory_space<vmem>> -> memref<50x32xf32, #tpu.memory_space<vmem>>
        %dma_wait3A_2184 = arith.constant 0 : i32
        %dma_wait3A_2185 = arith.constant 0 : i32
        %dma_wait3A_2186 = tpu.memref_slice %arg4[%add3A_2180, %dma_wait3A_2184, %dma_wait3A_2185] : memref<16384x50x32xf32, #tpu.memory_space<hbm>> -> memref<1x50x32xf32, #tpu.memory_space<hbm>>
        %dma_wait3A_2187 = tpu.memref_squeeze %dma_wait3A_2186 : memref<1x50x32xf32, #tpu.memory_space<hbm>> -> memref<50x32xf32, #tpu.memory_space<hbm>>
        %dma_wait3A_2188 = arith.constant 0 : i32
        %dma_wait3A_2189 = arith.constant 0 : i32
        %dma_wait3A_2190 = tpu.memref_slice %arg4[%add3A_2180, %dma_wait3A_2188, %dma_wait3A_2189] : memref<16384x50x32xf32, #tpu.memory_space<hbm>> -> memref<1x50x32xf32, #tpu.memory_space<hbm>>
        %dma_wait3A_2191 = tpu.memref_squeeze %dma_wait3A_2190 : memref<1x50x32xf32, #tpu.memory_space<hbm>> -> memref<50x32xf32, #tpu.memory_space<hbm>>
        %dma_wait3A_2192 = arith.constant 700 : i32
        %dma_wait3A_2193 = arith.constant 0 : i32
        %dma_wait3A_2194 = tpu.memref_slice %arg6[%dma_wait3A_2192, %dma_wait3A_2193] : memref<800x32xf32, #tpu.memory_space<vmem>> -> memref<50x32xf32, #tpu.memory_space<vmem>>
        tpu.wait_dma2 semaphore(%arg14 : memref<!tpu.dma_semaphore, #tpu.memory_space<semaphore_mem>>) src(%dma_wait3A_2194 : memref<50x32xf32, #tpu.memory_space<vmem>>) dst(%dma_wait3A_2191 : memref<50x32xf32, #tpu.memory_space<hbm>>)
        %mul3A_2195 = arith.constant 16 : i32
        %mul3A_2196 = arith.muli %sub3A_1255, %mul3A_2195 : i32
        %add3A_2197 = arith.addi %mul3A_2, %mul3A_2196 : i32
        %add3A_2198 = arith.constant 15 : i32
        %add3A_2199 = arith.addi %add3A_2197, %add3A_2198 : i32
        %dma_wait3A_2200 = arith.constant 750 : i32
        %dma_wait3A_2201 = arith.constant 0 : i32
        %dma_wait3A_2202 = tpu.memref_slice %arg6[%dma_wait3A_2200, %dma_wait3A_2201] : memref<800x32xf32, #tpu.memory_space<vmem>> -> memref<50x32xf32, #tpu.memory_space<vmem>>
        %dma_wait3A_2203 = arith.constant 0 : i32
        %dma_wait3A_2204 = arith.constant 0 : i32
        %dma_wait3A_2205 = tpu.memref_slice %arg4[%add3A_2199, %dma_wait3A_2203, %dma_wait3A_2204] : memref<16384x50x32xf32, #tpu.memory_space<hbm>> -> memref<1x50x32xf32, #tpu.memory_space<hbm>>
        %dma_wait3A_2206 = tpu.memref_squeeze %dma_wait3A_2205 : memref<1x50x32xf32, #tpu.memory_space<hbm>> -> memref<50x32xf32, #tpu.memory_space<hbm>>
        %dma_wait3A_2207 = arith.constant 0 : i32
        %dma_wait3A_2208 = arith.constant 0 : i32
        %dma_wait3A_2209 = tpu.memref_slice %arg4[%add3A_2199, %dma_wait3A_2207, %dma_wait3A_2208] : memref<16384x50x32xf32, #tpu.memory_space<hbm>> -> memref<1x50x32xf32, #tpu.memory_space<hbm>>
        %dma_wait3A_2210 = tpu.memref_squeeze %dma_wait3A_2209 : memref<1x50x32xf32, #tpu.memory_space<hbm>> -> memref<50x32xf32, #tpu.memory_space<hbm>>
        %dma_wait3A_2211 = arith.constant 750 : i32
        %dma_wait3A_2212 = arith.constant 0 : i32
        %dma_wait3A_2213 = tpu.memref_slice %arg6[%dma_wait3A_2211, %dma_wait3A_2212] : memref<800x32xf32, #tpu.memory_space<vmem>> -> memref<50x32xf32, #tpu.memory_space<vmem>>
        tpu.wait_dma2 semaphore(%arg14 : memref<!tpu.dma_semaphore, #tpu.memory_space<semaphore_mem>>) src(%dma_wait3A_2213 : memref<50x32xf32, #tpu.memory_space<vmem>>) dst(%dma_wait3A_2210 : memref<50x32xf32, #tpu.memory_space<hbm>>)
      } else {
      }
      %lt3A_1264 = arith.constant 32 : i32
      %lt3A_1265 = arith.cmpi slt, %add3A_1253, %lt3A_1264 : i32
      %convert_element_type3A_1266 = arith.extui %lt3A_1265 : i1 to i32
      %cond3A_1267 = arith.constant 0 : i32
      %cond3A_1268 = arith.cmpi ne, %convert_element_type3A_1266, %cond3A_1267 : i32
      scf.if %cond3A_1268 {
        %mul3A_1910 = arith.constant 800 : i32
        %mul3A_1911 = arith.muli %add3A_1253, %mul3A_1910 : i32
        %dma_start3A_1912 = tpu.memref_slice %arg5[%mul3A_1911] : memref<25600xi32, #tpu.memory_space<vmem>> -> memref<800xi32, #tpu.memory_space<vmem>>
        %dma_start3A_1913 = arith.constant 0 : i32
        %dma_start3A_1914 = arith.constant 0 : i32
        %dma_start3A_1915 = tpu.memref_slice %arg2[%dma_start3A_1913, %dma_start3A_1914] : memref<1000000x32xf32, #tpu.memory_space<hbm>> -> memref<1000000x32xf32, #tpu.memory_space<hbm>>
        tpu.enqueue_indirect_dma source(%dma_start3A_1915 : memref<1000000x32xf32, #tpu.memory_space<hbm>>) target(%arg6 : memref<800x32xf32, #tpu.memory_space<vmem>>) offsets(%dma_start3A_1912 : memref<800xi32, #tpu.memory_space<vmem>>) semaphore(%arg10 : memref<!tpu.dma_semaphore, #tpu.memory_space<semaphore_mem>>)
      } else {
      }
      %mul3A_1269 = arith.constant 800 : i32
      %mul3A_1270 = arith.muli %add3A_1251, %mul3A_1269 : i32
      %dma_wait3A_1271 = tpu.memref_slice %arg5[%mul3A_1270] : memref<25600xi32, #tpu.memory_space<vmem>> -> memref<800xi32, #tpu.memory_space<vmem>>
      %dma_wait3A_1272 = arith.constant 0 : i32
      %dma_wait3A_1273 = arith.constant 0 : i32
      %dma_wait3A_1274 = tpu.memref_slice %arg2[%dma_wait3A_1272, %dma_wait3A_1273] : memref<1000000x32xf32, #tpu.memory_space<hbm>> -> memref<1000000x32xf32, #tpu.memory_space<hbm>>
      tpu.wait_indirect_dma semaphore(%arg12 : memref<!tpu.dma_semaphore, #tpu.memory_space<semaphore_mem>>) src(%dma_wait3A_1274 : memref<1000000x32xf32, #tpu.memory_space<hbm>>) dst(%arg8 : memref<800x32xf32, #tpu.memory_space<vmem>>)
      %mul3A_1275 = arith.constant 16 : i32
      %mul3A_1276 = arith.muli %add3A_1251, %mul3A_1275 : i32
      %add3A_1277 = arith.addi %mul3A_2, %mul3A_1276 : i32
      %add3A_1278 = arith.constant 0 : i32
      %add3A_1279 = arith.addi %add3A_1277, %add3A_1278 : i32
      %dma_start3A_1280 = arith.constant 0 : i32
      %dma_start3A_1281 = arith.constant 0 : i32
      %dma_start3A_1282 = tpu.memref_slice %arg8[%dma_start3A_1280, %dma_start3A_1281] : memref<800x32xf32, #tpu.memory_space<vmem>> -> memref<50x32xf32, #tpu.memory_space<vmem>>
      %dma_start3A_1283 = arith.constant 0 : i32
      %dma_start3A_1284 = arith.constant 0 : i32
      %dma_start3A_1285 = tpu.memref_slice %arg4[%add3A_1279, %dma_start3A_1283, %dma_start3A_1284] : memref<16384x50x32xf32, #tpu.memory_space<hbm>> -> memref<1x50x32xf32, #tpu.memory_space<hbm>>
      %dma_start3A_1286 = tpu.memref_squeeze %dma_start3A_1285 : memref<1x50x32xf32, #tpu.memory_space<hbm>> -> memref<50x32xf32, #tpu.memory_space<hbm>>
      %dma_start3A_1287 = arith.constant 0 : i32
      %dma_start3A_1288 = arith.constant 0 : i32
      %dma_start3A_1289 = tpu.memref_slice %arg4[%add3A_1279, %dma_start3A_1287, %dma_start3A_1288] : memref<16384x50x32xf32, #tpu.memory_space<hbm>> -> memref<1x50x32xf32, #tpu.memory_space<hbm>>
      %dma_start3A_1290 = tpu.memref_squeeze %dma_start3A_1289 : memref<1x50x32xf32, #tpu.memory_space<hbm>> -> memref<50x32xf32, #tpu.memory_space<hbm>>
      %dma_start3A_1291 = arith.constant 0 : i32
      %dma_start3A_1292 = arith.constant 0 : i32
      %dma_start3A_1293 = tpu.memref_slice %arg8[%dma_start3A_1291, %dma_start3A_1292] : memref<800x32xf32, #tpu.memory_space<vmem>> -> memref<50x32xf32, #tpu.memory_space<vmem>>
      tpu.enqueue_dma source(%dma_start3A_1293 : memref<50x32xf32, #tpu.memory_space<vmem>>) target(%dma_start3A_1290 : memref<50x32xf32, #tpu.memory_space<hbm>>) target_semaphore(%arg16 : memref<!tpu.dma_semaphore, #tpu.memory_space<semaphore_mem>>)
      %mul3A_1294 = arith.constant 16 : i32
      %mul3A_1295 = arith.muli %add3A_1251, %mul3A_1294 : i32
      %add3A_1296 = arith.addi %mul3A_2, %mul3A_1295 : i32
      %add3A_1297 = arith.constant 1 : i32
      %add3A_1298 = arith.addi %add3A_1296, %add3A_1297 : i32
      %dma_start3A_1299 = arith.constant 50 : i32
      %dma_start3A_1300 = arith.constant 0 : i32
      %dma_start3A_1301 = tpu.memref_slice %arg8[%dma_start3A_1299, %dma_start3A_1300] : memref<800x32xf32, #tpu.memory_space<vmem>> -> memref<50x32xf32, #tpu.memory_space<vmem>>
      %dma_start3A_1302 = arith.constant 0 : i32
      %dma_start3A_1303 = arith.constant 0 : i32
      %dma_start3A_1304 = tpu.memref_slice %arg4[%add3A_1298, %dma_start3A_1302, %dma_start3A_1303] : memref<16384x50x32xf32, #tpu.memory_space<hbm>> -> memref<1x50x32xf32, #tpu.memory_space<hbm>>
      %dma_start3A_1305 = tpu.memref_squeeze %dma_start3A_1304 : memref<1x50x32xf32, #tpu.memory_space<hbm>> -> memref<50x32xf32, #tpu.memory_space<hbm>>
      %dma_start3A_1306 = arith.constant 0 : i32
      %dma_start3A_1307 = arith.constant 0 : i32
      %dma_start3A_1308 = tpu.memref_slice %arg4[%add3A_1298, %dma_start3A_1306, %dma_start3A_1307] : memref<16384x50x32xf32, #tpu.memory_space<hbm>> -> memref<1x50x32xf32, #tpu.memory_space<hbm>>
      %dma_start3A_1309 = tpu.memref_squeeze %dma_start3A_1308 : memref<1x50x32xf32, #tpu.memory_space<hbm>> -> memref<50x32xf32, #tpu.memory_space<hbm>>
      %dma_start3A_1310 = arith.constant 50 : i32
      %dma_start3A_1311 = arith.constant 0 : i32
      %dma_start3A_1312 = tpu.memref_slice %arg8[%dma_start3A_1310, %dma_start3A_1311] : memref<800x32xf32, #tpu.memory_space<vmem>> -> memref<50x32xf32, #tpu.memory_space<vmem>>
      tpu.enqueue_dma source(%dma_start3A_1312 : memref<50x32xf32, #tpu.memory_space<vmem>>) target(%dma_start3A_1309 : memref<50x32xf32, #tpu.memory_space<hbm>>) target_semaphore(%arg16 : memref<!tpu.dma_semaphore, #tpu.memory_space<semaphore_mem>>)
      %mul3A_1313 = arith.constant 16 : i32
      %mul3A_1314 = arith.muli %add3A_1251, %mul3A_1313 : i32
      %add3A_1315 = arith.addi %mul3A_2, %mul3A_1314 : i32
      %add3A_1316 = arith.constant 2 : i32
      %add3A_1317 = arith.addi %add3A_1315, %add3A_1316 : i32
      %dma_start3A_1318 = arith.constant 100 : i32
      %dma_start3A_1319 = arith.constant 0 : i32
      %dma_start3A_1320 = tpu.memref_slice %arg8[%dma_start3A_1318, %dma_start3A_1319] : memref<800x32xf32, #tpu.memory_space<vmem>> -> memref<50x32xf32, #tpu.memory_space<vmem>>
      %dma_start3A_1321 = arith.constant 0 : i32
      %dma_start3A_1322 = arith.constant 0 : i32
      %dma_start3A_1323 = tpu.memref_slice %arg4[%add3A_1317, %dma_start3A_1321, %dma_start3A_1322] : memref<16384x50x32xf32, #tpu.memory_space<hbm>> -> memref<1x50x32xf32, #tpu.memory_space<hbm>>
      %dma_start3A_1324 = tpu.memref_squeeze %dma_start3A_1323 : memref<1x50x32xf32, #tpu.memory_space<hbm>> -> memref<50x32xf32, #tpu.memory_space<hbm>>
      %dma_start3A_1325 = arith.constant 0 : i32
      %dma_start3A_1326 = arith.constant 0 : i32
      %dma_start3A_1327 = tpu.memref_slice %arg4[%add3A_1317, %dma_start3A_1325, %dma_start3A_1326] : memref<16384x50x32xf32, #tpu.memory_space<hbm>> -> memref<1x50x32xf32, #tpu.memory_space<hbm>>
      %dma_start3A_1328 = tpu.memref_squeeze %dma_start3A_1327 : memref<1x50x32xf32, #tpu.memory_space<hbm>> -> memref<50x32xf32, #tpu.memory_space<hbm>>
      %dma_start3A_1329 = arith.constant 100 : i32
      %dma_start3A_1330 = arith.constant 0 : i32
      %dma_start3A_1331 = tpu.memref_slice %arg8[%dma_start3A_1329, %dma_start3A_1330] : memref<800x32xf32, #tpu.memory_space<vmem>> -> memref<50x32xf32, #tpu.memory_space<vmem>>
      tpu.enqueue_dma source(%dma_start3A_1331 : memref<50x32xf32, #tpu.memory_space<vmem>>) target(%dma_start3A_1328 : memref<50x32xf32, #tpu.memory_space<hbm>>) target_semaphore(%arg16 : memref<!tpu.dma_semaphore, #tpu.memory_space<semaphore_mem>>)
      %mul3A_1332 = arith.constant 16 : i32
      %mul3A_1333 = arith.muli %add3A_1251, %mul3A_1332 : i32
      %add3A_1334 = arith.addi %mul3A_2, %mul3A_1333 : i32
      %add3A_1335 = arith.constant 3 : i32
      %add3A_1336 = arith.addi %add3A_1334, %add3A_1335 : i32
      %dma_start3A_1337 = arith.constant 150 : i32
      %dma_start3A_1338 = arith.constant 0 : i32
      %dma_start3A_1339 = tpu.memref_slice %arg8[%dma_start3A_1337, %dma_start3A_1338] : memref<800x32xf32, #tpu.memory_space<vmem>> -> memref<50x32xf32, #tpu.memory_space<vmem>>
      %dma_start3A_1340 = arith.constant 0 : i32
      %dma_start3A_1341 = arith.constant 0 : i32
      %dma_start3A_1342 = tpu.memref_slice %arg4[%add3A_1336, %dma_start3A_1340, %dma_start3A_1341] : memref<16384x50x32xf32, #tpu.memory_space<hbm>> -> memref<1x50x32xf32, #tpu.memory_space<hbm>>
      %dma_start3A_1343 = tpu.memref_squeeze %dma_start3A_1342 : memref<1x50x32xf32, #tpu.memory_space<hbm>> -> memref<50x32xf32, #tpu.memory_space<hbm>>
      %dma_start3A_1344 = arith.constant 0 : i32
      %dma_start3A_1345 = arith.constant 0 : i32
      %dma_start3A_1346 = tpu.memref_slice %arg4[%add3A_1336, %dma_start3A_1344, %dma_start3A_1345] : memref<16384x50x32xf32, #tpu.memory_space<hbm>> -> memref<1x50x32xf32, #tpu.memory_space<hbm>>
      %dma_start3A_1347 = tpu.memref_squeeze %dma_start3A_1346 : memref<1x50x32xf32, #tpu.memory_space<hbm>> -> memref<50x32xf32, #tpu.memory_space<hbm>>
      %dma_start3A_1348 = arith.constant 150 : i32
      %dma_start3A_1349 = arith.constant 0 : i32
      %dma_start3A_1350 = tpu.memref_slice %arg8[%dma_start3A_1348, %dma_start3A_1349] : memref<800x32xf32, #tpu.memory_space<vmem>> -> memref<50x32xf32, #tpu.memory_space<vmem>>
      tpu.enqueue_dma source(%dma_start3A_1350 : memref<50x32xf32, #tpu.memory_space<vmem>>) target(%dma_start3A_1347 : memref<50x32xf32, #tpu.memory_space<hbm>>) target_semaphore(%arg16 : memref<!tpu.dma_semaphore, #tpu.memory_space<semaphore_mem>>)
      %mul3A_1351 = arith.constant 16 : i32
      %mul3A_1352 = arith.muli %add3A_1251, %mul3A_1351 : i32
      %add3A_1353 = arith.addi %mul3A_2, %mul3A_1352 : i32
      %add3A_1354 = arith.constant 4 : i32
      %add3A_1355 = arith.addi %add3A_1353, %add3A_1354 : i32
      %dma_start3A_1356 = arith.constant 200 : i32
      %dma_start3A_1357 = arith.constant 0 : i32
      %dma_start3A_1358 = tpu.memref_slice %arg8[%dma_start3A_1356, %dma_start3A_1357] : memref<800x32xf32, #tpu.memory_space<vmem>> -> memref<50x32xf32, #tpu.memory_space<vmem>>
      %dma_start3A_1359 = arith.constant 0 : i32
      %dma_start3A_1360 = arith.constant 0 : i32
      %dma_start3A_1361 = tpu.memref_slice %arg4[%add3A_1355, %dma_start3A_1359, %dma_start3A_1360] : memref<16384x50x32xf32, #tpu.memory_space<hbm>> -> memref<1x50x32xf32, #tpu.memory_space<hbm>>
      %dma_start3A_1362 = tpu.memref_squeeze %dma_start3A_1361 : memref<1x50x32xf32, #tpu.memory_space<hbm>> -> memref<50x32xf32, #tpu.memory_space<hbm>>
      %dma_start3A_1363 = arith.constant 0 : i32
      %dma_start3A_1364 = arith.constant 0 : i32
      %dma_start3A_1365 = tpu.memref_slice %arg4[%add3A_1355, %dma_start3A_1363, %dma_start3A_1364] : memref<16384x50x32xf32, #tpu.memory_space<hbm>> -> memref<1x50x32xf32, #tpu.memory_space<hbm>>
      %dma_start3A_1366 = tpu.memref_squeeze %dma_start3A_1365 : memref<1x50x32xf32, #tpu.memory_space<hbm>> -> memref<50x32xf32, #tpu.memory_space<hbm>>
      %dma_start3A_1367 = arith.constant 200 : i32
      %dma_start3A_1368 = arith.constant 0 : i32
      %dma_start3A_1369 = tpu.memref_slice %arg8[%dma_start3A_1367, %dma_start3A_1368] : memref<800x32xf32, #tpu.memory_space<vmem>> -> memref<50x32xf32, #tpu.memory_space<vmem>>
      tpu.enqueue_dma source(%dma_start3A_1369 : memref<50x32xf32, #tpu.memory_space<vmem>>) target(%dma_start3A_1366 : memref<50x32xf32, #tpu.memory_space<hbm>>) target_semaphore(%arg16 : memref<!tpu.dma_semaphore, #tpu.memory_space<semaphore_mem>>)
      %mul3A_1370 = arith.constant 16 : i32
      %mul3A_1371 = arith.muli %add3A_1251, %mul3A_1370 : i32
      %add3A_1372 = arith.addi %mul3A_2, %mul3A_1371 : i32
      %add3A_1373 = arith.constant 5 : i32
      %add3A_1374 = arith.addi %add3A_1372, %add3A_1373 : i32
      %dma_start3A_1375 = arith.constant 250 : i32
      %dma_start3A_1376 = arith.constant 0 : i32
      %dma_start3A_1377 = tpu.memref_slice %arg8[%dma_start3A_1375, %dma_start3A_1376] : memref<800x32xf32, #tpu.memory_space<vmem>> -> memref<50x32xf32, #tpu.memory_space<vmem>>
      %dma_start3A_1378 = arith.constant 0 : i32
      %dma_start3A_1379 = arith.constant 0 : i32
      %dma_start3A_1380 = tpu.memref_slice %arg4[%add3A_1374, %dma_start3A_1378, %dma_start3A_1379] : memref<16384x50x32xf32, #tpu.memory_space<hbm>> -> memref<1x50x32xf32, #tpu.memory_space<hbm>>
      %dma_start3A_1381 = tpu.memref_squeeze %dma_start3A_1380 : memref<1x50x32xf32, #tpu.memory_space<hbm>> -> memref<50x32xf32, #tpu.memory_space<hbm>>
      %dma_start3A_1382 = arith.constant 0 : i32
      %dma_start3A_1383 = arith.constant 0 : i32
      %dma_start3A_1384 = tpu.memref_slice %arg4[%add3A_1374, %dma_start3A_1382, %dma_start3A_1383] : memref<16384x50x32xf32, #tpu.memory_space<hbm>> -> memref<1x50x32xf32, #tpu.memory_space<hbm>>
      %dma_start3A_1385 = tpu.memref_squeeze %dma_start3A_1384 : memref<1x50x32xf32, #tpu.memory_space<hbm>> -> memref<50x32xf32, #tpu.memory_space<hbm>>
      %dma_start3A_1386 = arith.constant 250 : i32
      %dma_start3A_1387 = arith.constant 0 : i32
      %dma_start3A_1388 = tpu.memref_slice %arg8[%dma_start3A_1386, %dma_start3A_1387] : memref<800x32xf32, #tpu.memory_space<vmem>> -> memref<50x32xf32, #tpu.memory_space<vmem>>
      tpu.enqueue_dma source(%dma_start3A_1388 : memref<50x32xf32, #tpu.memory_space<vmem>>) target(%dma_start3A_1385 : memref<50x32xf32, #tpu.memory_space<hbm>>) target_semaphore(%arg16 : memref<!tpu.dma_semaphore, #tpu.memory_space<semaphore_mem>>)
      %mul3A_1389 = arith.constant 16 : i32
      %mul3A_1390 = arith.muli %add3A_1251, %mul3A_1389 : i32
      %add3A_1391 = arith.addi %mul3A_2, %mul3A_1390 : i32
      %add3A_1392 = arith.constant 6 : i32
      %add3A_1393 = arith.addi %add3A_1391, %add3A_1392 : i32
      %dma_start3A_1394 = arith.constant 300 : i32
      %dma_start3A_1395 = arith.constant 0 : i32
      %dma_start3A_1396 = tpu.memref_slice %arg8[%dma_start3A_1394, %dma_start3A_1395] : memref<800x32xf32, #tpu.memory_space<vmem>> -> memref<50x32xf32, #tpu.memory_space<vmem>>
      %dma_start3A_1397 = arith.constant 0 : i32
      %dma_start3A_1398 = arith.constant 0 : i32
      %dma_start3A_1399 = tpu.memref_slice %arg4[%add3A_1393, %dma_start3A_1397, %dma_start3A_1398] : memref<16384x50x32xf32, #tpu.memory_space<hbm>> -> memref<1x50x32xf32, #tpu.memory_space<hbm>>
      %dma_start3A_1400 = tpu.memref_squeeze %dma_start3A_1399 : memref<1x50x32xf32, #tpu.memory_space<hbm>> -> memref<50x32xf32, #tpu.memory_space<hbm>>
      %dma_start3A_1401 = arith.constant 0 : i32
      %dma_start3A_1402 = arith.constant 0 : i32
      %dma_start3A_1403 = tpu.memref_slice %arg4[%add3A_1393, %dma_start3A_1401, %dma_start3A_1402] : memref<16384x50x32xf32, #tpu.memory_space<hbm>> -> memref<1x50x32xf32, #tpu.memory_space<hbm>>
      %dma_start3A_1404 = tpu.memref_squeeze %dma_start3A_1403 : memref<1x50x32xf32, #tpu.memory_space<hbm>> -> memref<50x32xf32, #tpu.memory_space<hbm>>
      %dma_start3A_1405 = arith.constant 300 : i32
      %dma_start3A_1406 = arith.constant 0 : i32
      %dma_start3A_1407 = tpu.memref_slice %arg8[%dma_start3A_1405, %dma_start3A_1406] : memref<800x32xf32, #tpu.memory_space<vmem>> -> memref<50x32xf32, #tpu.memory_space<vmem>>
      tpu.enqueue_dma source(%dma_start3A_1407 : memref<50x32xf32, #tpu.memory_space<vmem>>) target(%dma_start3A_1404 : memref<50x32xf32, #tpu.memory_space<hbm>>) target_semaphore(%arg16 : memref<!tpu.dma_semaphore, #tpu.memory_space<semaphore_mem>>)
      %mul3A_1408 = arith.constant 16 : i32
      %mul3A_1409 = arith.muli %add3A_1251, %mul3A_1408 : i32
      %add3A_1410 = arith.addi %mul3A_2, %mul3A_1409 : i32
      %add3A_1411 = arith.constant 7 : i32
      %add3A_1412 = arith.addi %add3A_1410, %add3A_1411 : i32
      %dma_start3A_1413 = arith.constant 350 : i32
      %dma_start3A_1414 = arith.constant 0 : i32
      %dma_start3A_1415 = tpu.memref_slice %arg8[%dma_start3A_1413, %dma_start3A_1414] : memref<800x32xf32, #tpu.memory_space<vmem>> -> memref<50x32xf32, #tpu.memory_space<vmem>>
      %dma_start3A_1416 = arith.constant 0 : i32
      %dma_start3A_1417 = arith.constant 0 : i32
      %dma_start3A_1418 = tpu.memref_slice %arg4[%add3A_1412, %dma_start3A_1416, %dma_start3A_1417] : memref<16384x50x32xf32, #tpu.memory_space<hbm>> -> memref<1x50x32xf32, #tpu.memory_space<hbm>>
      %dma_start3A_1419 = tpu.memref_squeeze %dma_start3A_1418 : memref<1x50x32xf32, #tpu.memory_space<hbm>> -> memref<50x32xf32, #tpu.memory_space<hbm>>
      %dma_start3A_1420 = arith.constant 0 : i32
      %dma_start3A_1421 = arith.constant 0 : i32
      %dma_start3A_1422 = tpu.memref_slice %arg4[%add3A_1412, %dma_start3A_1420, %dma_start3A_1421] : memref<16384x50x32xf32, #tpu.memory_space<hbm>> -> memref<1x50x32xf32, #tpu.memory_space<hbm>>
      %dma_start3A_1423 = tpu.memref_squeeze %dma_start3A_1422 : memref<1x50x32xf32, #tpu.memory_space<hbm>> -> memref<50x32xf32, #tpu.memory_space<hbm>>
      %dma_start3A_1424 = arith.constant 350 : i32
      %dma_start3A_1425 = arith.constant 0 : i32
      %dma_start3A_1426 = tpu.memref_slice %arg8[%dma_start3A_1424, %dma_start3A_1425] : memref<800x32xf32, #tpu.memory_space<vmem>> -> memref<50x32xf32, #tpu.memory_space<vmem>>
      tpu.enqueue_dma source(%dma_start3A_1426 : memref<50x32xf32, #tpu.memory_space<vmem>>) target(%dma_start3A_1423 : memref<50x32xf32, #tpu.memory_space<hbm>>) target_semaphore(%arg16 : memref<!tpu.dma_semaphore, #tpu.memory_space<semaphore_mem>>)
      %mul3A_1427 = arith.constant 16 : i32
      %mul3A_1428 = arith.muli %add3A_1251, %mul3A_1427 : i32
      %add3A_1429 = arith.addi %mul3A_2, %mul3A_1428 : i32
      %add3A_1430 = arith.constant 8 : i32
      %add3A_1431 = arith.addi %add3A_1429, %add3A_1430 : i32
      %dma_start3A_1432 = arith.constant 400 : i32
      %dma_start3A_1433 = arith.constant 0 : i32
      %dma_start3A_1434 = tpu.memref_slice %arg8[%dma_start3A_1432, %dma_start3A_1433] : memref<800x32xf32, #tpu.memory_space<vmem>> -> memref<50x32xf32, #tpu.memory_space<vmem>>
      %dma_start3A_1435 = arith.constant 0 : i32
      %dma_start3A_1436 = arith.constant 0 : i32
      %dma_start3A_1437 = tpu.memref_slice %arg4[%add3A_1431, %dma_start3A_1435, %dma_start3A_1436] : memref<16384x50x32xf32, #tpu.memory_space<hbm>> -> memref<1x50x32xf32, #tpu.memory_space<hbm>>
      %dma_start3A_1438 = tpu.memref_squeeze %dma_start3A_1437 : memref<1x50x32xf32, #tpu.memory_space<hbm>> -> memref<50x32xf32, #tpu.memory_space<hbm>>
      %dma_start3A_1439 = arith.constant 0 : i32
      %dma_start3A_1440 = arith.constant 0 : i32
      %dma_start3A_1441 = tpu.memref_slice %arg4[%add3A_1431, %dma_start3A_1439, %dma_start3A_1440] : memref<16384x50x32xf32, #tpu.memory_space<hbm>> -> memref<1x50x32xf32, #tpu.memory_space<hbm>>
      %dma_start3A_1442 = tpu.memref_squeeze %dma_start3A_1441 : memref<1x50x32xf32, #tpu.memory_space<hbm>> -> memref<50x32xf32, #tpu.memory_space<hbm>>
      %dma_start3A_1443 = arith.constant 400 : i32
      %dma_start3A_1444 = arith.constant 0 : i32
      %dma_start3A_1445 = tpu.memref_slice %arg8[%dma_start3A_1443, %dma_start3A_1444] : memref<800x32xf32, #tpu.memory_space<vmem>> -> memref<50x32xf32, #tpu.memory_space<vmem>>
      tpu.enqueue_dma source(%dma_start3A_1445 : memref<50x32xf32, #tpu.memory_space<vmem>>) target(%dma_start3A_1442 : memref<50x32xf32, #tpu.memory_space<hbm>>) target_semaphore(%arg16 : memref<!tpu.dma_semaphore, #tpu.memory_space<semaphore_mem>>)
      %mul3A_1446 = arith.constant 16 : i32
      %mul3A_1447 = arith.muli %add3A_1251, %mul3A_1446 : i32
      %add3A_1448 = arith.addi %mul3A_2, %mul3A_1447 : i32
      %add3A_1449 = arith.constant 9 : i32
      %add3A_1450 = arith.addi %add3A_1448, %add3A_1449 : i32
      %dma_start3A_1451 = arith.constant 450 : i32
      %dma_start3A_1452 = arith.constant 0 : i32
      %dma_start3A_1453 = tpu.memref_slice %arg8[%dma_start3A_1451, %dma_start3A_1452] : memref<800x32xf32, #tpu.memory_space<vmem>> -> memref<50x32xf32, #tpu.memory_space<vmem>>
      %dma_start3A_1454 = arith.constant 0 : i32
      %dma_start3A_1455 = arith.constant 0 : i32
      %dma_start3A_1456 = tpu.memref_slice %arg4[%add3A_1450, %dma_start3A_1454, %dma_start3A_1455] : memref<16384x50x32xf32, #tpu.memory_space<hbm>> -> memref<1x50x32xf32, #tpu.memory_space<hbm>>
      %dma_start3A_1457 = tpu.memref_squeeze %dma_start3A_1456 : memref<1x50x32xf32, #tpu.memory_space<hbm>> -> memref<50x32xf32, #tpu.memory_space<hbm>>
      %dma_start3A_1458 = arith.constant 0 : i32
      %dma_start3A_1459 = arith.constant 0 : i32
      %dma_start3A_1460 = tpu.memref_slice %arg4[%add3A_1450, %dma_start3A_1458, %dma_start3A_1459] : memref<16384x50x32xf32, #tpu.memory_space<hbm>> -> memref<1x50x32xf32, #tpu.memory_space<hbm>>
      %dma_start3A_1461 = tpu.memref_squeeze %dma_start3A_1460 : memref<1x50x32xf32, #tpu.memory_space<hbm>> -> memref<50x32xf32, #tpu.memory_space<hbm>>
      %dma_start3A_1462 = arith.constant 450 : i32
      %dma_start3A_1463 = arith.constant 0 : i32
      %dma_start3A_1464 = tpu.memref_slice %arg8[%dma_start3A_1462, %dma_start3A_1463] : memref<800x32xf32, #tpu.memory_space<vmem>> -> memref<50x32xf32, #tpu.memory_space<vmem>>
      tpu.enqueue_dma source(%dma_start3A_1464 : memref<50x32xf32, #tpu.memory_space<vmem>>) target(%dma_start3A_1461 : memref<50x32xf32, #tpu.memory_space<hbm>>) target_semaphore(%arg16 : memref<!tpu.dma_semaphore, #tpu.memory_space<semaphore_mem>>)
      %mul3A_1465 = arith.constant 16 : i32
      %mul3A_1466 = arith.muli %add3A_1251, %mul3A_1465 : i32
      %add3A_1467 = arith.addi %mul3A_2, %mul3A_1466 : i32
      %add3A_1468 = arith.constant 10 : i32
      %add3A_1469 = arith.addi %add3A_1467, %add3A_1468 : i32
      %dma_start3A_1470 = arith.constant 500 : i32
      %dma_start3A_1471 = arith.constant 0 : i32
      %dma_start3A_1472 = tpu.memref_slice %arg8[%dma_start3A_1470, %dma_start3A_1471] : memref<800x32xf32, #tpu.memory_space<vmem>> -> memref<50x32xf32, #tpu.memory_space<vmem>>
      %dma_start3A_1473 = arith.constant 0 : i32
      %dma_start3A_1474 = arith.constant 0 : i32
      %dma_start3A_1475 = tpu.memref_slice %arg4[%add3A_1469, %dma_start3A_1473, %dma_start3A_1474] : memref<16384x50x32xf32, #tpu.memory_space<hbm>> -> memref<1x50x32xf32, #tpu.memory_space<hbm>>
      %dma_start3A_1476 = tpu.memref_squeeze %dma_start3A_1475 : memref<1x50x32xf32, #tpu.memory_space<hbm>> -> memref<50x32xf32, #tpu.memory_space<hbm>>
      %dma_start3A_1477 = arith.constant 0 : i32
      %dma_start3A_1478 = arith.constant 0 : i32
      %dma_start3A_1479 = tpu.memref_slice %arg4[%add3A_1469, %dma_start3A_1477, %dma_start3A_1478] : memref<16384x50x32xf32, #tpu.memory_space<hbm>> -> memref<1x50x32xf32, #tpu.memory_space<hbm>>
      %dma_start3A_1480 = tpu.memref_squeeze %dma_start3A_1479 : memref<1x50x32xf32, #tpu.memory_space<hbm>> -> memref<50x32xf32, #tpu.memory_space<hbm>>
      %dma_start3A_1481 = arith.constant 500 : i32
      %dma_start3A_1482 = arith.constant 0 : i32
      %dma_start3A_1483 = tpu.memref_slice %arg8[%dma_start3A_1481, %dma_start3A_1482] : memref<800x32xf32, #tpu.memory_space<vmem>> -> memref<50x32xf32, #tpu.memory_space<vmem>>
      tpu.enqueue_dma source(%dma_start3A_1483 : memref<50x32xf32, #tpu.memory_space<vmem>>) target(%dma_start3A_1480 : memref<50x32xf32, #tpu.memory_space<hbm>>) target_semaphore(%arg16 : memref<!tpu.dma_semaphore, #tpu.memory_space<semaphore_mem>>)
      %mul3A_1484 = arith.constant 16 : i32
      %mul3A_1485 = arith.muli %add3A_1251, %mul3A_1484 : i32
      %add3A_1486 = arith.addi %mul3A_2, %mul3A_1485 : i32
      %add3A_1487 = arith.constant 11 : i32
      %add3A_1488 = arith.addi %add3A_1486, %add3A_1487 : i32
      %dma_start3A_1489 = arith.constant 550 : i32
      %dma_start3A_1490 = arith.constant 0 : i32
      %dma_start3A_1491 = tpu.memref_slice %arg8[%dma_start3A_1489, %dma_start3A_1490] : memref<800x32xf32, #tpu.memory_space<vmem>> -> memref<50x32xf32, #tpu.memory_space<vmem>>
      %dma_start3A_1492 = arith.constant 0 : i32
      %dma_start3A_1493 = arith.constant 0 : i32
      %dma_start3A_1494 = tpu.memref_slice %arg4[%add3A_1488, %dma_start3A_1492, %dma_start3A_1493] : memref<16384x50x32xf32, #tpu.memory_space<hbm>> -> memref<1x50x32xf32, #tpu.memory_space<hbm>>
      %dma_start3A_1495 = tpu.memref_squeeze %dma_start3A_1494 : memref<1x50x32xf32, #tpu.memory_space<hbm>> -> memref<50x32xf32, #tpu.memory_space<hbm>>
      %dma_start3A_1496 = arith.constant 0 : i32
      %dma_start3A_1497 = arith.constant 0 : i32
      %dma_start3A_1498 = tpu.memref_slice %arg4[%add3A_1488, %dma_start3A_1496, %dma_start3A_1497] : memref<16384x50x32xf32, #tpu.memory_space<hbm>> -> memref<1x50x32xf32, #tpu.memory_space<hbm>>
      %dma_start3A_1499 = tpu.memref_squeeze %dma_start3A_1498 : memref<1x50x32xf32, #tpu.memory_space<hbm>> -> memref<50x32xf32, #tpu.memory_space<hbm>>
      %dma_start3A_1500 = arith.constant 550 : i32
      %dma_start3A_1501 = arith.constant 0 : i32
      %dma_start3A_1502 = tpu.memref_slice %arg8[%dma_start3A_1500, %dma_start3A_1501] : memref<800x32xf32, #tpu.memory_space<vmem>> -> memref<50x32xf32, #tpu.memory_space<vmem>>
      tpu.enqueue_dma source(%dma_start3A_1502 : memref<50x32xf32, #tpu.memory_space<vmem>>) target(%dma_start3A_1499 : memref<50x32xf32, #tpu.memory_space<hbm>>) target_semaphore(%arg16 : memref<!tpu.dma_semaphore, #tpu.memory_space<semaphore_mem>>)
      %mul3A_1503 = arith.constant 16 : i32
      %mul3A_1504 = arith.muli %add3A_1251, %mul3A_1503 : i32
      %add3A_1505 = arith.addi %mul3A_2, %mul3A_1504 : i32
      %add3A_1506 = arith.constant 12 : i32
      %add3A_1507 = arith.addi %add3A_1505, %add3A_1506 : i32
      %dma_start3A_1508 = arith.constant 600 : i32
      %dma_start3A_1509 = arith.constant 0 : i32
      %dma_start3A_1510 = tpu.memref_slice %arg8[%dma_start3A_1508, %dma_start3A_1509] : memref<800x32xf32, #tpu.memory_space<vmem>> -> memref<50x32xf32, #tpu.memory_space<vmem>>
      %dma_start3A_1511 = arith.constant 0 : i32
      %dma_start3A_1512 = arith.constant 0 : i32
      %dma_start3A_1513 = tpu.memref_slice %arg4[%add3A_1507, %dma_start3A_1511, %dma_start3A_1512] : memref<16384x50x32xf32, #tpu.memory_space<hbm>> -> memref<1x50x32xf32, #tpu.memory_space<hbm>>
      %dma_start3A_1514 = tpu.memref_squeeze %dma_start3A_1513 : memref<1x50x32xf32, #tpu.memory_space<hbm>> -> memref<50x32xf32, #tpu.memory_space<hbm>>
      %dma_start3A_1515 = arith.constant 0 : i32
      %dma_start3A_1516 = arith.constant 0 : i32
      %dma_start3A_1517 = tpu.memref_slice %arg4[%add3A_1507, %dma_start3A_1515, %dma_start3A_1516] : memref<16384x50x32xf32, #tpu.memory_space<hbm>> -> memref<1x50x32xf32, #tpu.memory_space<hbm>>
      %dma_start3A_1518 = tpu.memref_squeeze %dma_start3A_1517 : memref<1x50x32xf32, #tpu.memory_space<hbm>> -> memref<50x32xf32, #tpu.memory_space<hbm>>
      %dma_start3A_1519 = arith.constant 600 : i32
      %dma_start3A_1520 = arith.constant 0 : i32
      %dma_start3A_1521 = tpu.memref_slice %arg8[%dma_start3A_1519, %dma_start3A_1520] : memref<800x32xf32, #tpu.memory_space<vmem>> -> memref<50x32xf32, #tpu.memory_space<vmem>>
      tpu.enqueue_dma source(%dma_start3A_1521 : memref<50x32xf32, #tpu.memory_space<vmem>>) target(%dma_start3A_1518 : memref<50x32xf32, #tpu.memory_space<hbm>>) target_semaphore(%arg16 : memref<!tpu.dma_semaphore, #tpu.memory_space<semaphore_mem>>)
      %mul3A_1522 = arith.constant 16 : i32
      %mul3A_1523 = arith.muli %add3A_1251, %mul3A_1522 : i32
      %add3A_1524 = arith.addi %mul3A_2, %mul3A_1523 : i32
      %add3A_1525 = arith.constant 13 : i32
      %add3A_1526 = arith.addi %add3A_1524, %add3A_1525 : i32
      %dma_start3A_1527 = arith.constant 650 : i32
      %dma_start3A_1528 = arith.constant 0 : i32
      %dma_start3A_1529 = tpu.memref_slice %arg8[%dma_start3A_1527, %dma_start3A_1528] : memref<800x32xf32, #tpu.memory_space<vmem>> -> memref<50x32xf32, #tpu.memory_space<vmem>>
      %dma_start3A_1530 = arith.constant 0 : i32
      %dma_start3A_1531 = arith.constant 0 : i32
      %dma_start3A_1532 = tpu.memref_slice %arg4[%add3A_1526, %dma_start3A_1530, %dma_start3A_1531] : memref<16384x50x32xf32, #tpu.memory_space<hbm>> -> memref<1x50x32xf32, #tpu.memory_space<hbm>>
      %dma_start3A_1533 = tpu.memref_squeeze %dma_start3A_1532 : memref<1x50x32xf32, #tpu.memory_space<hbm>> -> memref<50x32xf32, #tpu.memory_space<hbm>>
      %dma_start3A_1534 = arith.constant 0 : i32
      %dma_start3A_1535 = arith.constant 0 : i32
      %dma_start3A_1536 = tpu.memref_slice %arg4[%add3A_1526, %dma_start3A_1534, %dma_start3A_1535] : memref<16384x50x32xf32, #tpu.memory_space<hbm>> -> memref<1x50x32xf32, #tpu.memory_space<hbm>>
      %dma_start3A_1537 = tpu.memref_squeeze %dma_start3A_1536 : memref<1x50x32xf32, #tpu.memory_space<hbm>> -> memref<50x32xf32, #tpu.memory_space<hbm>>
      %dma_start3A_1538 = arith.constant 650 : i32
      %dma_start3A_1539 = arith.constant 0 : i32
      %dma_start3A_1540 = tpu.memref_slice %arg8[%dma_start3A_1538, %dma_start3A_1539] : memref<800x32xf32, #tpu.memory_space<vmem>> -> memref<50x32xf32, #tpu.memory_space<vmem>>
      tpu.enqueue_dma source(%dma_start3A_1540 : memref<50x32xf32, #tpu.memory_space<vmem>>) target(%dma_start3A_1537 : memref<50x32xf32, #tpu.memory_space<hbm>>) target_semaphore(%arg16 : memref<!tpu.dma_semaphore, #tpu.memory_space<semaphore_mem>>)
      %mul3A_1541 = arith.constant 16 : i32
      %mul3A_1542 = arith.muli %add3A_1251, %mul3A_1541 : i32
      %add3A_1543 = arith.addi %mul3A_2, %mul3A_1542 : i32
      %add3A_1544 = arith.constant 14 : i32
      %add3A_1545 = arith.addi %add3A_1543, %add3A_1544 : i32
      %dma_start3A_1546 = arith.constant 700 : i32
      %dma_start3A_1547 = arith.constant 0 : i32
      %dma_start3A_1548 = tpu.memref_slice %arg8[%dma_start3A_1546, %dma_start3A_1547] : memref<800x32xf32, #tpu.memory_space<vmem>> -> memref<50x32xf32, #tpu.memory_space<vmem>>
      %dma_start3A_1549 = arith.constant 0 : i32
      %dma_start3A_1550 = arith.constant 0 : i32
      %dma_start3A_1551 = tpu.memref_slice %arg4[%add3A_1545, %dma_start3A_1549, %dma_start3A_1550] : memref<16384x50x32xf32, #tpu.memory_space<hbm>> -> memref<1x50x32xf32, #tpu.memory_space<hbm>>
      %dma_start3A_1552 = tpu.memref_squeeze %dma_start3A_1551 : memref<1x50x32xf32, #tpu.memory_space<hbm>> -> memref<50x32xf32, #tpu.memory_space<hbm>>
      %dma_start3A_1553 = arith.constant 0 : i32
      %dma_start3A_1554 = arith.constant 0 : i32
      %dma_start3A_1555 = tpu.memref_slice %arg4[%add3A_1545, %dma_start3A_1553, %dma_start3A_1554] : memref<16384x50x32xf32, #tpu.memory_space<hbm>> -> memref<1x50x32xf32, #tpu.memory_space<hbm>>
      %dma_start3A_1556 = tpu.memref_squeeze %dma_start3A_1555 : memref<1x50x32xf32, #tpu.memory_space<hbm>> -> memref<50x32xf32, #tpu.memory_space<hbm>>
      %dma_start3A_1557 = arith.constant 700 : i32
      %dma_start3A_1558 = arith.constant 0 : i32
      %dma_start3A_1559 = tpu.memref_slice %arg8[%dma_start3A_1557, %dma_start3A_1558] : memref<800x32xf32, #tpu.memory_space<vmem>> -> memref<50x32xf32, #tpu.memory_space<vmem>>
      tpu.enqueue_dma source(%dma_start3A_1559 : memref<50x32xf32, #tpu.memory_space<vmem>>) target(%dma_start3A_1556 : memref<50x32xf32, #tpu.memory_space<hbm>>) target_semaphore(%arg16 : memref<!tpu.dma_semaphore, #tpu.memory_space<semaphore_mem>>)
      %mul3A_1560 = arith.constant 16 : i32
      %mul3A_1561 = arith.muli %add3A_1251, %mul3A_1560 : i32
      %add3A_1562 = arith.addi %mul3A_2, %mul3A_1561 : i32
      %add3A_1563 = arith.constant 15 : i32
      %add3A_1564 = arith.addi %add3A_1562, %add3A_1563 : i32
      %dma_start3A_1565 = arith.constant 750 : i32
      %dma_start3A_1566 = arith.constant 0 : i32
      %dma_start3A_1567 = tpu.memref_slice %arg8[%dma_start3A_1565, %dma_start3A_1566] : memref<800x32xf32, #tpu.memory_space<vmem>> -> memref<50x32xf32, #tpu.memory_space<vmem>>
      %dma_start3A_1568 = arith.constant 0 : i32
      %dma_start3A_1569 = arith.constant 0 : i32
      %dma_start3A_1570 = tpu.memref_slice %arg4[%add3A_1564, %dma_start3A_1568, %dma_start3A_1569] : memref<16384x50x32xf32, #tpu.memory_space<hbm>> -> memref<1x50x32xf32, #tpu.memory_space<hbm>>
      %dma_start3A_1571 = tpu.memref_squeeze %dma_start3A_1570 : memref<1x50x32xf32, #tpu.memory_space<hbm>> -> memref<50x32xf32, #tpu.memory_space<hbm>>
      %dma_start3A_1572 = arith.constant 0 : i32
      %dma_start3A_1573 = arith.constant 0 : i32
      %dma_start3A_1574 = tpu.memref_slice %arg4[%add3A_1564, %dma_start3A_1572, %dma_start3A_1573] : memref<16384x50x32xf32, #tpu.memory_space<hbm>> -> memref<1x50x32xf32, #tpu.memory_space<hbm>>
      %dma_start3A_1575 = tpu.memref_squeeze %dma_start3A_1574 : memref<1x50x32xf32, #tpu.memory_space<hbm>> -> memref<50x32xf32, #tpu.memory_space<hbm>>
      %dma_start3A_1576 = arith.constant 750 : i32
      %dma_start3A_1577 = arith.constant 0 : i32
      %dma_start3A_1578 = tpu.memref_slice %arg8[%dma_start3A_1576, %dma_start3A_1577] : memref<800x32xf32, #tpu.memory_space<vmem>> -> memref<50x32xf32, #tpu.memory_space<vmem>>
      tpu.enqueue_dma source(%dma_start3A_1578 : memref<50x32xf32, #tpu.memory_space<vmem>>) target(%dma_start3A_1575 : memref<50x32xf32, #tpu.memory_space<hbm>>) target_semaphore(%arg16 : memref<!tpu.dma_semaphore, #tpu.memory_space<semaphore_mem>>)
      %mul3A_1579 = arith.constant 4 : i32
      %mul3A_1580 = arith.muli %scan3A_591, %mul3A_1579 : i32
      %add3A_1581 = arith.constant 3 : i32
      %add3A_1582 = arith.addi %mul3A_1580, %add3A_1581 : i32
      %add3A_1583 = arith.constant 2 : i32
      %add3A_1584 = arith.addi %add3A_1582, %add3A_1583 : i32
      %sub3A_1585 = arith.constant 4 : i32
      %sub3A_1586 = arith.subi %add3A_1584, %sub3A_1585 : i32
      %lt3A_1587 = arith.constant 32 : i32
      %lt3A_1588 = arith.cmpi slt, %add3A_1584, %lt3A_1587 : i32
      %ge3A_1589 = arith.constant 0 : i32
      %ge3A_1590 = arith.cmpi sge, %sub3A_1586, %ge3A_1589 : i32
      %and3A_1591 = arith.andi %lt3A_1588, %ge3A_1590 : i1
      %convert_element_type3A_1592 = arith.extui %and3A_1591 : i1 to i32
      %cond3A_1593 = arith.constant 0 : i32
      %cond3A_1594 = arith.cmpi ne, %convert_element_type3A_1592, %cond3A_1593 : i32
      scf.if %cond3A_1594 {
        %mul3A_1910 = arith.constant 16 : i32
        %mul3A_1911 = arith.muli %sub3A_1586, %mul3A_1910 : i32
        %add3A_1912 = arith.addi %mul3A_2, %mul3A_1911 : i32
        %add3A_1913 = arith.constant 0 : i32
        %add3A_1914 = arith.addi %add3A_1912, %add3A_1913 : i32
        %dma_wait3A_1915 = arith.constant 0 : i32
        %dma_wait3A_1916 = arith.constant 0 : i32
        %dma_wait3A_1917 = tpu.memref_slice %arg7[%dma_wait3A_1915, %dma_wait3A_1916] : memref<800x32xf32, #tpu.memory_space<vmem>> -> memref<50x32xf32, #tpu.memory_space<vmem>>
        %dma_wait3A_1918 = arith.constant 0 : i32
        %dma_wait3A_1919 = arith.constant 0 : i32
        %dma_wait3A_1920 = tpu.memref_slice %arg4[%add3A_1914, %dma_wait3A_1918, %dma_wait3A_1919] : memref<16384x50x32xf32, #tpu.memory_space<hbm>> -> memref<1x50x32xf32, #tpu.memory_space<hbm>>
        %dma_wait3A_1921 = tpu.memref_squeeze %dma_wait3A_1920 : memref<1x50x32xf32, #tpu.memory_space<hbm>> -> memref<50x32xf32, #tpu.memory_space<hbm>>
        %dma_wait3A_1922 = arith.constant 0 : i32
        %dma_wait3A_1923 = arith.constant 0 : i32
        %dma_wait3A_1924 = tpu.memref_slice %arg4[%add3A_1914, %dma_wait3A_1922, %dma_wait3A_1923] : memref<16384x50x32xf32, #tpu.memory_space<hbm>> -> memref<1x50x32xf32, #tpu.memory_space<hbm>>
        %dma_wait3A_1925 = tpu.memref_squeeze %dma_wait3A_1924 : memref<1x50x32xf32, #tpu.memory_space<hbm>> -> memref<50x32xf32, #tpu.memory_space<hbm>>
        %dma_wait3A_1926 = arith.constant 0 : i32
        %dma_wait3A_1927 = arith.constant 0 : i32
        %dma_wait3A_1928 = tpu.memref_slice %arg7[%dma_wait3A_1926, %dma_wait3A_1927] : memref<800x32xf32, #tpu.memory_space<vmem>> -> memref<50x32xf32, #tpu.memory_space<vmem>>
        tpu.wait_dma2 semaphore(%arg15 : memref<!tpu.dma_semaphore, #tpu.memory_space<semaphore_mem>>) src(%dma_wait3A_1928 : memref<50x32xf32, #tpu.memory_space<vmem>>) dst(%dma_wait3A_1925 : memref<50x32xf32, #tpu.memory_space<hbm>>)
        %mul3A_1929 = arith.constant 16 : i32
        %mul3A_1930 = arith.muli %sub3A_1586, %mul3A_1929 : i32
        %add3A_1931 = arith.addi %mul3A_2, %mul3A_1930 : i32
        %add3A_1932 = arith.constant 1 : i32
        %add3A_1933 = arith.addi %add3A_1931, %add3A_1932 : i32
        %dma_wait3A_1934 = arith.constant 50 : i32
        %dma_wait3A_1935 = arith.constant 0 : i32
        %dma_wait3A_1936 = tpu.memref_slice %arg7[%dma_wait3A_1934, %dma_wait3A_1935] : memref<800x32xf32, #tpu.memory_space<vmem>> -> memref<50x32xf32, #tpu.memory_space<vmem>>
        %dma_wait3A_1937 = arith.constant 0 : i32
        %dma_wait3A_1938 = arith.constant 0 : i32
        %dma_wait3A_1939 = tpu.memref_slice %arg4[%add3A_1933, %dma_wait3A_1937, %dma_wait3A_1938] : memref<16384x50x32xf32, #tpu.memory_space<hbm>> -> memref<1x50x32xf32, #tpu.memory_space<hbm>>
        %dma_wait3A_1940 = tpu.memref_squeeze %dma_wait3A_1939 : memref<1x50x32xf32, #tpu.memory_space<hbm>> -> memref<50x32xf32, #tpu.memory_space<hbm>>
        %dma_wait3A_1941 = arith.constant 0 : i32
        %dma_wait3A_1942 = arith.constant 0 : i32
        %dma_wait3A_1943 = tpu.memref_slice %arg4[%add3A_1933, %dma_wait3A_1941, %dma_wait3A_1942] : memref<16384x50x32xf32, #tpu.memory_space<hbm>> -> memref<1x50x32xf32, #tpu.memory_space<hbm>>
        %dma_wait3A_1944 = tpu.memref_squeeze %dma_wait3A_1943 : memref<1x50x32xf32, #tpu.memory_space<hbm>> -> memref<50x32xf32, #tpu.memory_space<hbm>>
        %dma_wait3A_1945 = arith.constant 50 : i32
        %dma_wait3A_1946 = arith.constant 0 : i32
        %dma_wait3A_1947 = tpu.memref_slice %arg7[%dma_wait3A_1945, %dma_wait3A_1946] : memref<800x32xf32, #tpu.memory_space<vmem>> -> memref<50x32xf32, #tpu.memory_space<vmem>>
        tpu.wait_dma2 semaphore(%arg15 : memref<!tpu.dma_semaphore, #tpu.memory_space<semaphore_mem>>) src(%dma_wait3A_1947 : memref<50x32xf32, #tpu.memory_space<vmem>>) dst(%dma_wait3A_1944 : memref<50x32xf32, #tpu.memory_space<hbm>>)
        %mul3A_1948 = arith.constant 16 : i32
        %mul3A_1949 = arith.muli %sub3A_1586, %mul3A_1948 : i32
        %add3A_1950 = arith.addi %mul3A_2, %mul3A_1949 : i32
        %add3A_1951 = arith.constant 2 : i32
        %add3A_1952 = arith.addi %add3A_1950, %add3A_1951 : i32
        %dma_wait3A_1953 = arith.constant 100 : i32
        %dma_wait3A_1954 = arith.constant 0 : i32
        %dma_wait3A_1955 = tpu.memref_slice %arg7[%dma_wait3A_1953, %dma_wait3A_1954] : memref<800x32xf32, #tpu.memory_space<vmem>> -> memref<50x32xf32, #tpu.memory_space<vmem>>
        %dma_wait3A_1956 = arith.constant 0 : i32
        %dma_wait3A_1957 = arith.constant 0 : i32
        %dma_wait3A_1958 = tpu.memref_slice %arg4[%add3A_1952, %dma_wait3A_1956, %dma_wait3A_1957] : memref<16384x50x32xf32, #tpu.memory_space<hbm>> -> memref<1x50x32xf32, #tpu.memory_space<hbm>>
        %dma_wait3A_1959 = tpu.memref_squeeze %dma_wait3A_1958 : memref<1x50x32xf32, #tpu.memory_space<hbm>> -> memref<50x32xf32, #tpu.memory_space<hbm>>
        %dma_wait3A_1960 = arith.constant 0 : i32
        %dma_wait3A_1961 = arith.constant 0 : i32
        %dma_wait3A_1962 = tpu.memref_slice %arg4[%add3A_1952, %dma_wait3A_1960, %dma_wait3A_1961] : memref<16384x50x32xf32, #tpu.memory_space<hbm>> -> memref<1x50x32xf32, #tpu.memory_space<hbm>>
        %dma_wait3A_1963 = tpu.memref_squeeze %dma_wait3A_1962 : memref<1x50x32xf32, #tpu.memory_space<hbm>> -> memref<50x32xf32, #tpu.memory_space<hbm>>
        %dma_wait3A_1964 = arith.constant 100 : i32
        %dma_wait3A_1965 = arith.constant 0 : i32
        %dma_wait3A_1966 = tpu.memref_slice %arg7[%dma_wait3A_1964, %dma_wait3A_1965] : memref<800x32xf32, #tpu.memory_space<vmem>> -> memref<50x32xf32, #tpu.memory_space<vmem>>
        tpu.wait_dma2 semaphore(%arg15 : memref<!tpu.dma_semaphore, #tpu.memory_space<semaphore_mem>>) src(%dma_wait3A_1966 : memref<50x32xf32, #tpu.memory_space<vmem>>) dst(%dma_wait3A_1963 : memref<50x32xf32, #tpu.memory_space<hbm>>)
        %mul3A_1967 = arith.constant 16 : i32
        %mul3A_1968 = arith.muli %sub3A_1586, %mul3A_1967 : i32
        %add3A_1969 = arith.addi %mul3A_2, %mul3A_1968 : i32
        %add3A_1970 = arith.constant 3 : i32
        %add3A_1971 = arith.addi %add3A_1969, %add3A_1970 : i32
        %dma_wait3A_1972 = arith.constant 150 : i32
        %dma_wait3A_1973 = arith.constant 0 : i32
        %dma_wait3A_1974 = tpu.memref_slice %arg7[%dma_wait3A_1972, %dma_wait3A_1973] : memref<800x32xf32, #tpu.memory_space<vmem>> -> memref<50x32xf32, #tpu.memory_space<vmem>>
        %dma_wait3A_1975 = arith.constant 0 : i32
        %dma_wait3A_1976 = arith.constant 0 : i32
        %dma_wait3A_1977 = tpu.memref_slice %arg4[%add3A_1971, %dma_wait3A_1975, %dma_wait3A_1976] : memref<16384x50x32xf32, #tpu.memory_space<hbm>> -> memref<1x50x32xf32, #tpu.memory_space<hbm>>
        %dma_wait3A_1978 = tpu.memref_squeeze %dma_wait3A_1977 : memref<1x50x32xf32, #tpu.memory_space<hbm>> -> memref<50x32xf32, #tpu.memory_space<hbm>>
        %dma_wait3A_1979 = arith.constant 0 : i32
        %dma_wait3A_1980 = arith.constant 0 : i32
        %dma_wait3A_1981 = tpu.memref_slice %arg4[%add3A_1971, %dma_wait3A_1979, %dma_wait3A_1980] : memref<16384x50x32xf32, #tpu.memory_space<hbm>> -> memref<1x50x32xf32, #tpu.memory_space<hbm>>
        %dma_wait3A_1982 = tpu.memref_squeeze %dma_wait3A_1981 : memref<1x50x32xf32, #tpu.memory_space<hbm>> -> memref<50x32xf32, #tpu.memory_space<hbm>>
        %dma_wait3A_1983 = arith.constant 150 : i32
        %dma_wait3A_1984 = arith.constant 0 : i32
        %dma_wait3A_1985 = tpu.memref_slice %arg7[%dma_wait3A_1983, %dma_wait3A_1984] : memref<800x32xf32, #tpu.memory_space<vmem>> -> memref<50x32xf32, #tpu.memory_space<vmem>>
        tpu.wait_dma2 semaphore(%arg15 : memref<!tpu.dma_semaphore, #tpu.memory_space<semaphore_mem>>) src(%dma_wait3A_1985 : memref<50x32xf32, #tpu.memory_space<vmem>>) dst(%dma_wait3A_1982 : memref<50x32xf32, #tpu.memory_space<hbm>>)
        %mul3A_1986 = arith.constant 16 : i32
        %mul3A_1987 = arith.muli %sub3A_1586, %mul3A_1986 : i32
        %add3A_1988 = arith.addi %mul3A_2, %mul3A_1987 : i32
        %add3A_1989 = arith.constant 4 : i32
        %add3A_1990 = arith.addi %add3A_1988, %add3A_1989 : i32
        %dma_wait3A_1991 = arith.constant 200 : i32
        %dma_wait3A_1992 = arith.constant 0 : i32
        %dma_wait3A_1993 = tpu.memref_slice %arg7[%dma_wait3A_1991, %dma_wait3A_1992] : memref<800x32xf32, #tpu.memory_space<vmem>> -> memref<50x32xf32, #tpu.memory_space<vmem>>
        %dma_wait3A_1994 = arith.constant 0 : i32
        %dma_wait3A_1995 = arith.constant 0 : i32
        %dma_wait3A_1996 = tpu.memref_slice %arg4[%add3A_1990, %dma_wait3A_1994, %dma_wait3A_1995] : memref<16384x50x32xf32, #tpu.memory_space<hbm>> -> memref<1x50x32xf32, #tpu.memory_space<hbm>>
        %dma_wait3A_1997 = tpu.memref_squeeze %dma_wait3A_1996 : memref<1x50x32xf32, #tpu.memory_space<hbm>> -> memref<50x32xf32, #tpu.memory_space<hbm>>
        %dma_wait3A_1998 = arith.constant 0 : i32
        %dma_wait3A_1999 = arith.constant 0 : i32
        %dma_wait3A_2000 = tpu.memref_slice %arg4[%add3A_1990, %dma_wait3A_1998, %dma_wait3A_1999] : memref<16384x50x32xf32, #tpu.memory_space<hbm>> -> memref<1x50x32xf32, #tpu.memory_space<hbm>>
        %dma_wait3A_2001 = tpu.memref_squeeze %dma_wait3A_2000 : memref<1x50x32xf32, #tpu.memory_space<hbm>> -> memref<50x32xf32, #tpu.memory_space<hbm>>
        %dma_wait3A_2002 = arith.constant 200 : i32
        %dma_wait3A_2003 = arith.constant 0 : i32
        %dma_wait3A_2004 = tpu.memref_slice %arg7[%dma_wait3A_2002, %dma_wait3A_2003] : memref<800x32xf32, #tpu.memory_space<vmem>> -> memref<50x32xf32, #tpu.memory_space<vmem>>
        tpu.wait_dma2 semaphore(%arg15 : memref<!tpu.dma_semaphore, #tpu.memory_space<semaphore_mem>>) src(%dma_wait3A_2004 : memref<50x32xf32, #tpu.memory_space<vmem>>) dst(%dma_wait3A_2001 : memref<50x32xf32, #tpu.memory_space<hbm>>)
        %mul3A_2005 = arith.constant 16 : i32
        %mul3A_2006 = arith.muli %sub3A_1586, %mul3A_2005 : i32
        %add3A_2007 = arith.addi %mul3A_2, %mul3A_2006 : i32
        %add3A_2008 = arith.constant 5 : i32
        %add3A_2009 = arith.addi %add3A_2007, %add3A_2008 : i32
        %dma_wait3A_2010 = arith.constant 250 : i32
        %dma_wait3A_2011 = arith.constant 0 : i32
        %dma_wait3A_2012 = tpu.memref_slice %arg7[%dma_wait3A_2010, %dma_wait3A_2011] : memref<800x32xf32, #tpu.memory_space<vmem>> -> memref<50x32xf32, #tpu.memory_space<vmem>>
        %dma_wait3A_2013 = arith.constant 0 : i32
        %dma_wait3A_2014 = arith.constant 0 : i32
        %dma_wait3A_2015 = tpu.memref_slice %arg4[%add3A_2009, %dma_wait3A_2013, %dma_wait3A_2014] : memref<16384x50x32xf32, #tpu.memory_space<hbm>> -> memref<1x50x32xf32, #tpu.memory_space<hbm>>
        %dma_wait3A_2016 = tpu.memref_squeeze %dma_wait3A_2015 : memref<1x50x32xf32, #tpu.memory_space<hbm>> -> memref<50x32xf32, #tpu.memory_space<hbm>>
        %dma_wait3A_2017 = arith.constant 0 : i32
        %dma_wait3A_2018 = arith.constant 0 : i32
        %dma_wait3A_2019 = tpu.memref_slice %arg4[%add3A_2009, %dma_wait3A_2017, %dma_wait3A_2018] : memref<16384x50x32xf32, #tpu.memory_space<hbm>> -> memref<1x50x32xf32, #tpu.memory_space<hbm>>
        %dma_wait3A_2020 = tpu.memref_squeeze %dma_wait3A_2019 : memref<1x50x32xf32, #tpu.memory_space<hbm>> -> memref<50x32xf32, #tpu.memory_space<hbm>>
        %dma_wait3A_2021 = arith.constant 250 : i32
        %dma_wait3A_2022 = arith.constant 0 : i32
        %dma_wait3A_2023 = tpu.memref_slice %arg7[%dma_wait3A_2021, %dma_wait3A_2022] : memref<800x32xf32, #tpu.memory_space<vmem>> -> memref<50x32xf32, #tpu.memory_space<vmem>>
        tpu.wait_dma2 semaphore(%arg15 : memref<!tpu.dma_semaphore, #tpu.memory_space<semaphore_mem>>) src(%dma_wait3A_2023 : memref<50x32xf32, #tpu.memory_space<vmem>>) dst(%dma_wait3A_2020 : memref<50x32xf32, #tpu.memory_space<hbm>>)
        %mul3A_2024 = arith.constant 16 : i32
        %mul3A_2025 = arith.muli %sub3A_1586, %mul3A_2024 : i32
        %add3A_2026 = arith.addi %mul3A_2, %mul3A_2025 : i32
        %add3A_2027 = arith.constant 6 : i32
        %add3A_2028 = arith.addi %add3A_2026, %add3A_2027 : i32
        %dma_wait3A_2029 = arith.constant 300 : i32
        %dma_wait3A_2030 = arith.constant 0 : i32
        %dma_wait3A_2031 = tpu.memref_slice %arg7[%dma_wait3A_2029, %dma_wait3A_2030] : memref<800x32xf32, #tpu.memory_space<vmem>> -> memref<50x32xf32, #tpu.memory_space<vmem>>
        %dma_wait3A_2032 = arith.constant 0 : i32
        %dma_wait3A_2033 = arith.constant 0 : i32
        %dma_wait3A_2034 = tpu.memref_slice %arg4[%add3A_2028, %dma_wait3A_2032, %dma_wait3A_2033] : memref<16384x50x32xf32, #tpu.memory_space<hbm>> -> memref<1x50x32xf32, #tpu.memory_space<hbm>>
        %dma_wait3A_2035 = tpu.memref_squeeze %dma_wait3A_2034 : memref<1x50x32xf32, #tpu.memory_space<hbm>> -> memref<50x32xf32, #tpu.memory_space<hbm>>
        %dma_wait3A_2036 = arith.constant 0 : i32
        %dma_wait3A_2037 = arith.constant 0 : i32
        %dma_wait3A_2038 = tpu.memref_slice %arg4[%add3A_2028, %dma_wait3A_2036, %dma_wait3A_2037] : memref<16384x50x32xf32, #tpu.memory_space<hbm>> -> memref<1x50x32xf32, #tpu.memory_space<hbm>>
        %dma_wait3A_2039 = tpu.memref_squeeze %dma_wait3A_2038 : memref<1x50x32xf32, #tpu.memory_space<hbm>> -> memref<50x32xf32, #tpu.memory_space<hbm>>
        %dma_wait3A_2040 = arith.constant 300 : i32
        %dma_wait3A_2041 = arith.constant 0 : i32
        %dma_wait3A_2042 = tpu.memref_slice %arg7[%dma_wait3A_2040, %dma_wait3A_2041] : memref<800x32xf32, #tpu.memory_space<vmem>> -> memref<50x32xf32, #tpu.memory_space<vmem>>
        tpu.wait_dma2 semaphore(%arg15 : memref<!tpu.dma_semaphore, #tpu.memory_space<semaphore_mem>>) src(%dma_wait3A_2042 : memref<50x32xf32, #tpu.memory_space<vmem>>) dst(%dma_wait3A_2039 : memref<50x32xf32, #tpu.memory_space<hbm>>)
        %mul3A_2043 = arith.constant 16 : i32
        %mul3A_2044 = arith.muli %sub3A_1586, %mul3A_2043 : i32
        %add3A_2045 = arith.addi %mul3A_2, %mul3A_2044 : i32
        %add3A_2046 = arith.constant 7 : i32
        %add3A_2047 = arith.addi %add3A_2045, %add3A_2046 : i32
        %dma_wait3A_2048 = arith.constant 350 : i32
        %dma_wait3A_2049 = arith.constant 0 : i32
        %dma_wait3A_2050 = tpu.memref_slice %arg7[%dma_wait3A_2048, %dma_wait3A_2049] : memref<800x32xf32, #tpu.memory_space<vmem>> -> memref<50x32xf32, #tpu.memory_space<vmem>>
        %dma_wait3A_2051 = arith.constant 0 : i32
        %dma_wait3A_2052 = arith.constant 0 : i32
        %dma_wait3A_2053 = tpu.memref_slice %arg4[%add3A_2047, %dma_wait3A_2051, %dma_wait3A_2052] : memref<16384x50x32xf32, #tpu.memory_space<hbm>> -> memref<1x50x32xf32, #tpu.memory_space<hbm>>
        %dma_wait3A_2054 = tpu.memref_squeeze %dma_wait3A_2053 : memref<1x50x32xf32, #tpu.memory_space<hbm>> -> memref<50x32xf32, #tpu.memory_space<hbm>>
        %dma_wait3A_2055 = arith.constant 0 : i32
        %dma_wait3A_2056 = arith.constant 0 : i32
        %dma_wait3A_2057 = tpu.memref_slice %arg4[%add3A_2047, %dma_wait3A_2055, %dma_wait3A_2056] : memref<16384x50x32xf32, #tpu.memory_space<hbm>> -> memref<1x50x32xf32, #tpu.memory_space<hbm>>
        %dma_wait3A_2058 = tpu.memref_squeeze %dma_wait3A_2057 : memref<1x50x32xf32, #tpu.memory_space<hbm>> -> memref<50x32xf32, #tpu.memory_space<hbm>>
        %dma_wait3A_2059 = arith.constant 350 : i32
        %dma_wait3A_2060 = arith.constant 0 : i32
        %dma_wait3A_2061 = tpu.memref_slice %arg7[%dma_wait3A_2059, %dma_wait3A_2060] : memref<800x32xf32, #tpu.memory_space<vmem>> -> memref<50x32xf32, #tpu.memory_space<vmem>>
        tpu.wait_dma2 semaphore(%arg15 : memref<!tpu.dma_semaphore, #tpu.memory_space<semaphore_mem>>) src(%dma_wait3A_2061 : memref<50x32xf32, #tpu.memory_space<vmem>>) dst(%dma_wait3A_2058 : memref<50x32xf32, #tpu.memory_space<hbm>>)
        %mul3A_2062 = arith.constant 16 : i32
        %mul3A_2063 = arith.muli %sub3A_1586, %mul3A_2062 : i32
        %add3A_2064 = arith.addi %mul3A_2, %mul3A_2063 : i32
        %add3A_2065 = arith.constant 8 : i32
        %add3A_2066 = arith.addi %add3A_2064, %add3A_2065 : i32
        %dma_wait3A_2067 = arith.constant 400 : i32
        %dma_wait3A_2068 = arith.constant 0 : i32
        %dma_wait3A_2069 = tpu.memref_slice %arg7[%dma_wait3A_2067, %dma_wait3A_2068] : memref<800x32xf32, #tpu.memory_space<vmem>> -> memref<50x32xf32, #tpu.memory_space<vmem>>
        %dma_wait3A_2070 = arith.constant 0 : i32
        %dma_wait3A_2071 = arith.constant 0 : i32
        %dma_wait3A_2072 = tpu.memref_slice %arg4[%add3A_2066, %dma_wait3A_2070, %dma_wait3A_2071] : memref<16384x50x32xf32, #tpu.memory_space<hbm>> -> memref<1x50x32xf32, #tpu.memory_space<hbm>>
        %dma_wait3A_2073 = tpu.memref_squeeze %dma_wait3A_2072 : memref<1x50x32xf32, #tpu.memory_space<hbm>> -> memref<50x32xf32, #tpu.memory_space<hbm>>
        %dma_wait3A_2074 = arith.constant 0 : i32
        %dma_wait3A_2075 = arith.constant 0 : i32
        %dma_wait3A_2076 = tpu.memref_slice %arg4[%add3A_2066, %dma_wait3A_2074, %dma_wait3A_2075] : memref<16384x50x32xf32, #tpu.memory_space<hbm>> -> memref<1x50x32xf32, #tpu.memory_space<hbm>>
        %dma_wait3A_2077 = tpu.memref_squeeze %dma_wait3A_2076 : memref<1x50x32xf32, #tpu.memory_space<hbm>> -> memref<50x32xf32, #tpu.memory_space<hbm>>
        %dma_wait3A_2078 = arith.constant 400 : i32
        %dma_wait3A_2079 = arith.constant 0 : i32
        %dma_wait3A_2080 = tpu.memref_slice %arg7[%dma_wait3A_2078, %dma_wait3A_2079] : memref<800x32xf32, #tpu.memory_space<vmem>> -> memref<50x32xf32, #tpu.memory_space<vmem>>
        tpu.wait_dma2 semaphore(%arg15 : memref<!tpu.dma_semaphore, #tpu.memory_space<semaphore_mem>>) src(%dma_wait3A_2080 : memref<50x32xf32, #tpu.memory_space<vmem>>) dst(%dma_wait3A_2077 : memref<50x32xf32, #tpu.memory_space<hbm>>)
        %mul3A_2081 = arith.constant 16 : i32
        %mul3A_2082 = arith.muli %sub3A_1586, %mul3A_2081 : i32
        %add3A_2083 = arith.addi %mul3A_2, %mul3A_2082 : i32
        %add3A_2084 = arith.constant 9 : i32
        %add3A_2085 = arith.addi %add3A_2083, %add3A_2084 : i32
        %dma_wait3A_2086 = arith.constant 450 : i32
        %dma_wait3A_2087 = arith.constant 0 : i32
        %dma_wait3A_2088 = tpu.memref_slice %arg7[%dma_wait3A_2086, %dma_wait3A_2087] : memref<800x32xf32, #tpu.memory_space<vmem>> -> memref<50x32xf32, #tpu.memory_space<vmem>>
        %dma_wait3A_2089 = arith.constant 0 : i32
        %dma_wait3A_2090 = arith.constant 0 : i32
        %dma_wait3A_2091 = tpu.memref_slice %arg4[%add3A_2085, %dma_wait3A_2089, %dma_wait3A_2090] : memref<16384x50x32xf32, #tpu.memory_space<hbm>> -> memref<1x50x32xf32, #tpu.memory_space<hbm>>
        %dma_wait3A_2092 = tpu.memref_squeeze %dma_wait3A_2091 : memref<1x50x32xf32, #tpu.memory_space<hbm>> -> memref<50x32xf32, #tpu.memory_space<hbm>>
        %dma_wait3A_2093 = arith.constant 0 : i32
        %dma_wait3A_2094 = arith.constant 0 : i32
        %dma_wait3A_2095 = tpu.memref_slice %arg4[%add3A_2085, %dma_wait3A_2093, %dma_wait3A_2094] : memref<16384x50x32xf32, #tpu.memory_space<hbm>> -> memref<1x50x32xf32, #tpu.memory_space<hbm>>
        %dma_wait3A_2096 = tpu.memref_squeeze %dma_wait3A_2095 : memref<1x50x32xf32, #tpu.memory_space<hbm>> -> memref<50x32xf32, #tpu.memory_space<hbm>>
        %dma_wait3A_2097 = arith.constant 450 : i32
        %dma_wait3A_2098 = arith.constant 0 : i32
        %dma_wait3A_2099 = tpu.memref_slice %arg7[%dma_wait3A_2097, %dma_wait3A_2098] : memref<800x32xf32, #tpu.memory_space<vmem>> -> memref<50x32xf32, #tpu.memory_space<vmem>>
        tpu.wait_dma2 semaphore(%arg15 : memref<!tpu.dma_semaphore, #tpu.memory_space<semaphore_mem>>) src(%dma_wait3A_2099 : memref<50x32xf32, #tpu.memory_space<vmem>>) dst(%dma_wait3A_2096 : memref<50x32xf32, #tpu.memory_space<hbm>>)
        %mul3A_2100 = arith.constant 16 : i32
        %mul3A_2101 = arith.muli %sub3A_1586, %mul3A_2100 : i32
        %add3A_2102 = arith.addi %mul3A_2, %mul3A_2101 : i32
        %add3A_2103 = arith.constant 10 : i32
        %add3A_2104 = arith.addi %add3A_2102, %add3A_2103 : i32
        %dma_wait3A_2105 = arith.constant 500 : i32
        %dma_wait3A_2106 = arith.constant 0 : i32
        %dma_wait3A_2107 = tpu.memref_slice %arg7[%dma_wait3A_2105, %dma_wait3A_2106] : memref<800x32xf32, #tpu.memory_space<vmem>> -> memref<50x32xf32, #tpu.memory_space<vmem>>
        %dma_wait3A_2108 = arith.constant 0 : i32
        %dma_wait3A_2109 = arith.constant 0 : i32
        %dma_wait3A_2110 = tpu.memref_slice %arg4[%add3A_2104, %dma_wait3A_2108, %dma_wait3A_2109] : memref<16384x50x32xf32, #tpu.memory_space<hbm>> -> memref<1x50x32xf32, #tpu.memory_space<hbm>>
        %dma_wait3A_2111 = tpu.memref_squeeze %dma_wait3A_2110 : memref<1x50x32xf32, #tpu.memory_space<hbm>> -> memref<50x32xf32, #tpu.memory_space<hbm>>
        %dma_wait3A_2112 = arith.constant 0 : i32
        %dma_wait3A_2113 = arith.constant 0 : i32
        %dma_wait3A_2114 = tpu.memref_slice %arg4[%add3A_2104, %dma_wait3A_2112, %dma_wait3A_2113] : memref<16384x50x32xf32, #tpu.memory_space<hbm>> -> memref<1x50x32xf32, #tpu.memory_space<hbm>>
        %dma_wait3A_2115 = tpu.memref_squeeze %dma_wait3A_2114 : memref<1x50x32xf32, #tpu.memory_space<hbm>> -> memref<50x32xf32, #tpu.memory_space<hbm>>
        %dma_wait3A_2116 = arith.constant 500 : i32
        %dma_wait3A_2117 = arith.constant 0 : i32
        %dma_wait3A_2118 = tpu.memref_slice %arg7[%dma_wait3A_2116, %dma_wait3A_2117] : memref<800x32xf32, #tpu.memory_space<vmem>> -> memref<50x32xf32, #tpu.memory_space<vmem>>
        tpu.wait_dma2 semaphore(%arg15 : memref<!tpu.dma_semaphore, #tpu.memory_space<semaphore_mem>>) src(%dma_wait3A_2118 : memref<50x32xf32, #tpu.memory_space<vmem>>) dst(%dma_wait3A_2115 : memref<50x32xf32, #tpu.memory_space<hbm>>)
        %mul3A_2119 = arith.constant 16 : i32
        %mul3A_2120 = arith.muli %sub3A_1586, %mul3A_2119 : i32
        %add3A_2121 = arith.addi %mul3A_2, %mul3A_2120 : i32
        %add3A_2122 = arith.constant 11 : i32
        %add3A_2123 = arith.addi %add3A_2121, %add3A_2122 : i32
        %dma_wait3A_2124 = arith.constant 550 : i32
        %dma_wait3A_2125 = arith.constant 0 : i32
        %dma_wait3A_2126 = tpu.memref_slice %arg7[%dma_wait3A_2124, %dma_wait3A_2125] : memref<800x32xf32, #tpu.memory_space<vmem>> -> memref<50x32xf32, #tpu.memory_space<vmem>>
        %dma_wait3A_2127 = arith.constant 0 : i32
        %dma_wait3A_2128 = arith.constant 0 : i32
        %dma_wait3A_2129 = tpu.memref_slice %arg4[%add3A_2123, %dma_wait3A_2127, %dma_wait3A_2128] : memref<16384x50x32xf32, #tpu.memory_space<hbm>> -> memref<1x50x32xf32, #tpu.memory_space<hbm>>
        %dma_wait3A_2130 = tpu.memref_squeeze %dma_wait3A_2129 : memref<1x50x32xf32, #tpu.memory_space<hbm>> -> memref<50x32xf32, #tpu.memory_space<hbm>>
        %dma_wait3A_2131 = arith.constant 0 : i32
        %dma_wait3A_2132 = arith.constant 0 : i32
        %dma_wait3A_2133 = tpu.memref_slice %arg4[%add3A_2123, %dma_wait3A_2131, %dma_wait3A_2132] : memref<16384x50x32xf32, #tpu.memory_space<hbm>> -> memref<1x50x32xf32, #tpu.memory_space<hbm>>
        %dma_wait3A_2134 = tpu.memref_squeeze %dma_wait3A_2133 : memref<1x50x32xf32, #tpu.memory_space<hbm>> -> memref<50x32xf32, #tpu.memory_space<hbm>>
        %dma_wait3A_2135 = arith.constant 550 : i32
        %dma_wait3A_2136 = arith.constant 0 : i32
        %dma_wait3A_2137 = tpu.memref_slice %arg7[%dma_wait3A_2135, %dma_wait3A_2136] : memref<800x32xf32, #tpu.memory_space<vmem>> -> memref<50x32xf32, #tpu.memory_space<vmem>>
        tpu.wait_dma2 semaphore(%arg15 : memref<!tpu.dma_semaphore, #tpu.memory_space<semaphore_mem>>) src(%dma_wait3A_2137 : memref<50x32xf32, #tpu.memory_space<vmem>>) dst(%dma_wait3A_2134 : memref<50x32xf32, #tpu.memory_space<hbm>>)
        %mul3A_2138 = arith.constant 16 : i32
        %mul3A_2139 = arith.muli %sub3A_1586, %mul3A_2138 : i32
        %add3A_2140 = arith.addi %mul3A_2, %mul3A_2139 : i32
        %add3A_2141 = arith.constant 12 : i32
        %add3A_2142 = arith.addi %add3A_2140, %add3A_2141 : i32
        %dma_wait3A_2143 = arith.constant 600 : i32
        %dma_wait3A_2144 = arith.constant 0 : i32
        %dma_wait3A_2145 = tpu.memref_slice %arg7[%dma_wait3A_2143, %dma_wait3A_2144] : memref<800x32xf32, #tpu.memory_space<vmem>> -> memref<50x32xf32, #tpu.memory_space<vmem>>
        %dma_wait3A_2146 = arith.constant 0 : i32
        %dma_wait3A_2147 = arith.constant 0 : i32
        %dma_wait3A_2148 = tpu.memref_slice %arg4[%add3A_2142, %dma_wait3A_2146, %dma_wait3A_2147] : memref<16384x50x32xf32, #tpu.memory_space<hbm>> -> memref<1x50x32xf32, #tpu.memory_space<hbm>>
        %dma_wait3A_2149 = tpu.memref_squeeze %dma_wait3A_2148 : memref<1x50x32xf32, #tpu.memory_space<hbm>> -> memref<50x32xf32, #tpu.memory_space<hbm>>
        %dma_wait3A_2150 = arith.constant 0 : i32
        %dma_wait3A_2151 = arith.constant 0 : i32
        %dma_wait3A_2152 = tpu.memref_slice %arg4[%add3A_2142, %dma_wait3A_2150, %dma_wait3A_2151] : memref<16384x50x32xf32, #tpu.memory_space<hbm>> -> memref<1x50x32xf32, #tpu.memory_space<hbm>>
        %dma_wait3A_2153 = tpu.memref_squeeze %dma_wait3A_2152 : memref<1x50x32xf32, #tpu.memory_space<hbm>> -> memref<50x32xf32, #tpu.memory_space<hbm>>
        %dma_wait3A_2154 = arith.constant 600 : i32
        %dma_wait3A_2155 = arith.constant 0 : i32
        %dma_wait3A_2156 = tpu.memref_slice %arg7[%dma_wait3A_2154, %dma_wait3A_2155] : memref<800x32xf32, #tpu.memory_space<vmem>> -> memref<50x32xf32, #tpu.memory_space<vmem>>
        tpu.wait_dma2 semaphore(%arg15 : memref<!tpu.dma_semaphore, #tpu.memory_space<semaphore_mem>>) src(%dma_wait3A_2156 : memref<50x32xf32, #tpu.memory_space<vmem>>) dst(%dma_wait3A_2153 : memref<50x32xf32, #tpu.memory_space<hbm>>)
        %mul3A_2157 = arith.constant 16 : i32
        %mul3A_2158 = arith.muli %sub3A_1586, %mul3A_2157 : i32
        %add3A_2159 = arith.addi %mul3A_2, %mul3A_2158 : i32
        %add3A_2160 = arith.constant 13 : i32
        %add3A_2161 = arith.addi %add3A_2159, %add3A_2160 : i32
        %dma_wait3A_2162 = arith.constant 650 : i32
        %dma_wait3A_2163 = arith.constant 0 : i32
        %dma_wait3A_2164 = tpu.memref_slice %arg7[%dma_wait3A_2162, %dma_wait3A_2163] : memref<800x32xf32, #tpu.memory_space<vmem>> -> memref<50x32xf32, #tpu.memory_space<vmem>>
        %dma_wait3A_2165 = arith.constant 0 : i32
        %dma_wait3A_2166 = arith.constant 0 : i32
        %dma_wait3A_2167 = tpu.memref_slice %arg4[%add3A_2161, %dma_wait3A_2165, %dma_wait3A_2166] : memref<16384x50x32xf32, #tpu.memory_space<hbm>> -> memref<1x50x32xf32, #tpu.memory_space<hbm>>
        %dma_wait3A_2168 = tpu.memref_squeeze %dma_wait3A_2167 : memref<1x50x32xf32, #tpu.memory_space<hbm>> -> memref<50x32xf32, #tpu.memory_space<hbm>>
        %dma_wait3A_2169 = arith.constant 0 : i32
        %dma_wait3A_2170 = arith.constant 0 : i32
        %dma_wait3A_2171 = tpu.memref_slice %arg4[%add3A_2161, %dma_wait3A_2169, %dma_wait3A_2170] : memref<16384x50x32xf32, #tpu.memory_space<hbm>> -> memref<1x50x32xf32, #tpu.memory_space<hbm>>
        %dma_wait3A_2172 = tpu.memref_squeeze %dma_wait3A_2171 : memref<1x50x32xf32, #tpu.memory_space<hbm>> -> memref<50x32xf32, #tpu.memory_space<hbm>>
        %dma_wait3A_2173 = arith.constant 650 : i32
        %dma_wait3A_2174 = arith.constant 0 : i32
        %dma_wait3A_2175 = tpu.memref_slice %arg7[%dma_wait3A_2173, %dma_wait3A_2174] : memref<800x32xf32, #tpu.memory_space<vmem>> -> memref<50x32xf32, #tpu.memory_space<vmem>>
        tpu.wait_dma2 semaphore(%arg15 : memref<!tpu.dma_semaphore, #tpu.memory_space<semaphore_mem>>) src(%dma_wait3A_2175 : memref<50x32xf32, #tpu.memory_space<vmem>>) dst(%dma_wait3A_2172 : memref<50x32xf32, #tpu.memory_space<hbm>>)
        %mul3A_2176 = arith.constant 16 : i32
        %mul3A_2177 = arith.muli %sub3A_1586, %mul3A_2176 : i32
        %add3A_2178 = arith.addi %mul3A_2, %mul3A_2177 : i32
        %add3A_2179 = arith.constant 14 : i32
        %add3A_2180 = arith.addi %add3A_2178, %add3A_2179 : i32
        %dma_wait3A_2181 = arith.constant 700 : i32
        %dma_wait3A_2182 = arith.constant 0 : i32
        %dma_wait3A_2183 = tpu.memref_slice %arg7[%dma_wait3A_2181, %dma_wait3A_2182] : memref<800x32xf32, #tpu.memory_space<vmem>> -> memref<50x32xf32, #tpu.memory_space<vmem>>
        %dma_wait3A_2184 = arith.constant 0 : i32
        %dma_wait3A_2185 = arith.constant 0 : i32
        %dma_wait3A_2186 = tpu.memref_slice %arg4[%add3A_2180, %dma_wait3A_2184, %dma_wait3A_2185] : memref<16384x50x32xf32, #tpu.memory_space<hbm>> -> memref<1x50x32xf32, #tpu.memory_space<hbm>>
        %dma_wait3A_2187 = tpu.memref_squeeze %dma_wait3A_2186 : memref<1x50x32xf32, #tpu.memory_space<hbm>> -> memref<50x32xf32, #tpu.memory_space<hbm>>
        %dma_wait3A_2188 = arith.constant 0 : i32
        %dma_wait3A_2189 = arith.constant 0 : i32
        %dma_wait3A_2190 = tpu.memref_slice %arg4[%add3A_2180, %dma_wait3A_2188, %dma_wait3A_2189] : memref<16384x50x32xf32, #tpu.memory_space<hbm>> -> memref<1x50x32xf32, #tpu.memory_space<hbm>>
        %dma_wait3A_2191 = tpu.memref_squeeze %dma_wait3A_2190 : memref<1x50x32xf32, #tpu.memory_space<hbm>> -> memref<50x32xf32, #tpu.memory_space<hbm>>
        %dma_wait3A_2192 = arith.constant 700 : i32
        %dma_wait3A_2193 = arith.constant 0 : i32
        %dma_wait3A_2194 = tpu.memref_slice %arg7[%dma_wait3A_2192, %dma_wait3A_2193] : memref<800x32xf32, #tpu.memory_space<vmem>> -> memref<50x32xf32, #tpu.memory_space<vmem>>
        tpu.wait_dma2 semaphore(%arg15 : memref<!tpu.dma_semaphore, #tpu.memory_space<semaphore_mem>>) src(%dma_wait3A_2194 : memref<50x32xf32, #tpu.memory_space<vmem>>) dst(%dma_wait3A_2191 : memref<50x32xf32, #tpu.memory_space<hbm>>)
        %mul3A_2195 = arith.constant 16 : i32
        %mul3A_2196 = arith.muli %sub3A_1586, %mul3A_2195 : i32
        %add3A_2197 = arith.addi %mul3A_2, %mul3A_2196 : i32
        %add3A_2198 = arith.constant 15 : i32
        %add3A_2199 = arith.addi %add3A_2197, %add3A_2198 : i32
        %dma_wait3A_2200 = arith.constant 750 : i32
        %dma_wait3A_2201 = arith.constant 0 : i32
        %dma_wait3A_2202 = tpu.memref_slice %arg7[%dma_wait3A_2200, %dma_wait3A_2201] : memref<800x32xf32, #tpu.memory_space<vmem>> -> memref<50x32xf32, #tpu.memory_space<vmem>>
        %dma_wait3A_2203 = arith.constant 0 : i32
        %dma_wait3A_2204 = arith.constant 0 : i32
        %dma_wait3A_2205 = tpu.memref_slice %arg4[%add3A_2199, %dma_wait3A_2203, %dma_wait3A_2204] : memref<16384x50x32xf32, #tpu.memory_space<hbm>> -> memref<1x50x32xf32, #tpu.memory_space<hbm>>
        %dma_wait3A_2206 = tpu.memref_squeeze %dma_wait3A_2205 : memref<1x50x32xf32, #tpu.memory_space<hbm>> -> memref<50x32xf32, #tpu.memory_space<hbm>>
        %dma_wait3A_2207 = arith.constant 0 : i32
        %dma_wait3A_2208 = arith.constant 0 : i32
        %dma_wait3A_2209 = tpu.memref_slice %arg4[%add3A_2199, %dma_wait3A_2207, %dma_wait3A_2208] : memref<16384x50x32xf32, #tpu.memory_space<hbm>> -> memref<1x50x32xf32, #tpu.memory_space<hbm>>
        %dma_wait3A_2210 = tpu.memref_squeeze %dma_wait3A_2209 : memref<1x50x32xf32, #tpu.memory_space<hbm>> -> memref<50x32xf32, #tpu.memory_space<hbm>>
        %dma_wait3A_2211 = arith.constant 750 : i32
        %dma_wait3A_2212 = arith.constant 0 : i32
        %dma_wait3A_2213 = tpu.memref_slice %arg7[%dma_wait3A_2211, %dma_wait3A_2212] : memref<800x32xf32, #tpu.memory_space<vmem>> -> memref<50x32xf32, #tpu.memory_space<vmem>>
        tpu.wait_dma2 semaphore(%arg15 : memref<!tpu.dma_semaphore, #tpu.memory_space<semaphore_mem>>) src(%dma_wait3A_2213 : memref<50x32xf32, #tpu.memory_space<vmem>>) dst(%dma_wait3A_2210 : memref<50x32xf32, #tpu.memory_space<hbm>>)
      } else {
      }
      %lt3A_1595 = arith.constant 32 : i32
      %lt3A_1596 = arith.cmpi slt, %add3A_1584, %lt3A_1595 : i32
      %convert_element_type3A_1597 = arith.extui %lt3A_1596 : i1 to i32
      %cond3A_1598 = arith.constant 0 : i32
      %cond3A_1599 = arith.cmpi ne, %convert_element_type3A_1597, %cond3A_1598 : i32
      scf.if %cond3A_1599 {
        %mul3A_1910 = arith.constant 800 : i32
        %mul3A_1911 = arith.muli %add3A_1584, %mul3A_1910 : i32
        %dma_start3A_1912 = tpu.memref_slice %arg5[%mul3A_1911] : memref<25600xi32, #tpu.memory_space<vmem>> -> memref<800xi32, #tpu.memory_space<vmem>>
        %dma_start3A_1913 = arith.constant 0 : i32
        %dma_start3A_1914 = arith.constant 0 : i32
        %dma_start3A_1915 = tpu.memref_slice %arg2[%dma_start3A_1913, %dma_start3A_1914] : memref<1000000x32xf32, #tpu.memory_space<hbm>> -> memref<1000000x32xf32, #tpu.memory_space<hbm>>
        tpu.enqueue_indirect_dma source(%dma_start3A_1915 : memref<1000000x32xf32, #tpu.memory_space<hbm>>) target(%arg7 : memref<800x32xf32, #tpu.memory_space<vmem>>) offsets(%dma_start3A_1912 : memref<800xi32, #tpu.memory_space<vmem>>) semaphore(%arg11 : memref<!tpu.dma_semaphore, #tpu.memory_space<semaphore_mem>>)
      } else {
      }
      %mul3A_1600 = arith.constant 800 : i32
      %mul3A_1601 = arith.muli %add3A_1582, %mul3A_1600 : i32
      %dma_wait3A_1602 = tpu.memref_slice %arg5[%mul3A_1601] : memref<25600xi32, #tpu.memory_space<vmem>> -> memref<800xi32, #tpu.memory_space<vmem>>
      %dma_wait3A_1603 = arith.constant 0 : i32
      %dma_wait3A_1604 = arith.constant 0 : i32
      %dma_wait3A_1605 = tpu.memref_slice %arg2[%dma_wait3A_1603, %dma_wait3A_1604] : memref<1000000x32xf32, #tpu.memory_space<hbm>> -> memref<1000000x32xf32, #tpu.memory_space<hbm>>
      tpu.wait_indirect_dma semaphore(%arg13 : memref<!tpu.dma_semaphore, #tpu.memory_space<semaphore_mem>>) src(%dma_wait3A_1605 : memref<1000000x32xf32, #tpu.memory_space<hbm>>) dst(%arg9 : memref<800x32xf32, #tpu.memory_space<vmem>>)
      %mul3A_1606 = arith.constant 16 : i32
      %mul3A_1607 = arith.muli %add3A_1582, %mul3A_1606 : i32
      %add3A_1608 = arith.addi %mul3A_2, %mul3A_1607 : i32
      %add3A_1609 = arith.constant 0 : i32
      %add3A_1610 = arith.addi %add3A_1608, %add3A_1609 : i32
      %dma_start3A_1611 = arith.constant 0 : i32
      %dma_start3A_1612 = arith.constant 0 : i32
      %dma_start3A_1613 = tpu.memref_slice %arg9[%dma_start3A_1611, %dma_start3A_1612] : memref<800x32xf32, #tpu.memory_space<vmem>> -> memref<50x32xf32, #tpu.memory_space<vmem>>
      %dma_start3A_1614 = arith.constant 0 : i32
      %dma_start3A_1615 = arith.constant 0 : i32
      %dma_start3A_1616 = tpu.memref_slice %arg4[%add3A_1610, %dma_start3A_1614, %dma_start3A_1615] : memref<16384x50x32xf32, #tpu.memory_space<hbm>> -> memref<1x50x32xf32, #tpu.memory_space<hbm>>
      %dma_start3A_1617 = tpu.memref_squeeze %dma_start3A_1616 : memref<1x50x32xf32, #tpu.memory_space<hbm>> -> memref<50x32xf32, #tpu.memory_space<hbm>>
      %dma_start3A_1618 = arith.constant 0 : i32
      %dma_start3A_1619 = arith.constant 0 : i32
      %dma_start3A_1620 = tpu.memref_slice %arg4[%add3A_1610, %dma_start3A_1618, %dma_start3A_1619] : memref<16384x50x32xf32, #tpu.memory_space<hbm>> -> memref<1x50x32xf32, #tpu.memory_space<hbm>>
      %dma_start3A_1621 = tpu.memref_squeeze %dma_start3A_1620 : memref<1x50x32xf32, #tpu.memory_space<hbm>> -> memref<50x32xf32, #tpu.memory_space<hbm>>
      %dma_start3A_1622 = arith.constant 0 : i32
      %dma_start3A_1623 = arith.constant 0 : i32
      %dma_start3A_1624 = tpu.memref_slice %arg9[%dma_start3A_1622, %dma_start3A_1623] : memref<800x32xf32, #tpu.memory_space<vmem>> -> memref<50x32xf32, #tpu.memory_space<vmem>>
      tpu.enqueue_dma source(%dma_start3A_1624 : memref<50x32xf32, #tpu.memory_space<vmem>>) target(%dma_start3A_1621 : memref<50x32xf32, #tpu.memory_space<hbm>>) target_semaphore(%arg17 : memref<!tpu.dma_semaphore, #tpu.memory_space<semaphore_mem>>)
      %mul3A_1625 = arith.constant 16 : i32
      %mul3A_1626 = arith.muli %add3A_1582, %mul3A_1625 : i32
      %add3A_1627 = arith.addi %mul3A_2, %mul3A_1626 : i32
      %add3A_1628 = arith.constant 1 : i32
      %add3A_1629 = arith.addi %add3A_1627, %add3A_1628 : i32
      %dma_start3A_1630 = arith.constant 50 : i32
      %dma_start3A_1631 = arith.constant 0 : i32
      %dma_start3A_1632 = tpu.memref_slice %arg9[%dma_start3A_1630, %dma_start3A_1631] : memref<800x32xf32, #tpu.memory_space<vmem>> -> memref<50x32xf32, #tpu.memory_space<vmem>>
      %dma_start3A_1633 = arith.constant 0 : i32
      %dma_start3A_1634 = arith.constant 0 : i32
      %dma_start3A_1635 = tpu.memref_slice %arg4[%add3A_1629, %dma_start3A_1633, %dma_start3A_1634] : memref<16384x50x32xf32, #tpu.memory_space<hbm>> -> memref<1x50x32xf32, #tpu.memory_space<hbm>>
      %dma_start3A_1636 = tpu.memref_squeeze %dma_start3A_1635 : memref<1x50x32xf32, #tpu.memory_space<hbm>> -> memref<50x32xf32, #tpu.memory_space<hbm>>
      %dma_start3A_1637 = arith.constant 0 : i32
      %dma_start3A_1638 = arith.constant 0 : i32
      %dma_start3A_1639 = tpu.memref_slice %arg4[%add3A_1629, %dma_start3A_1637, %dma_start3A_1638] : memref<16384x50x32xf32, #tpu.memory_space<hbm>> -> memref<1x50x32xf32, #tpu.memory_space<hbm>>
      %dma_start3A_1640 = tpu.memref_squeeze %dma_start3A_1639 : memref<1x50x32xf32, #tpu.memory_space<hbm>> -> memref<50x32xf32, #tpu.memory_space<hbm>>
      %dma_start3A_1641 = arith.constant 50 : i32
      %dma_start3A_1642 = arith.constant 0 : i32
      %dma_start3A_1643 = tpu.memref_slice %arg9[%dma_start3A_1641, %dma_start3A_1642] : memref<800x32xf32, #tpu.memory_space<vmem>> -> memref<50x32xf32, #tpu.memory_space<vmem>>
      tpu.enqueue_dma source(%dma_start3A_1643 : memref<50x32xf32, #tpu.memory_space<vmem>>) target(%dma_start3A_1640 : memref<50x32xf32, #tpu.memory_space<hbm>>) target_semaphore(%arg17 : memref<!tpu.dma_semaphore, #tpu.memory_space<semaphore_mem>>)
      %mul3A_1644 = arith.constant 16 : i32
      %mul3A_1645 = arith.muli %add3A_1582, %mul3A_1644 : i32
      %add3A_1646 = arith.addi %mul3A_2, %mul3A_1645 : i32
      %add3A_1647 = arith.constant 2 : i32
      %add3A_1648 = arith.addi %add3A_1646, %add3A_1647 : i32
      %dma_start3A_1649 = arith.constant 100 : i32
      %dma_start3A_1650 = arith.constant 0 : i32
      %dma_start3A_1651 = tpu.memref_slice %arg9[%dma_start3A_1649, %dma_start3A_1650] : memref<800x32xf32, #tpu.memory_space<vmem>> -> memref<50x32xf32, #tpu.memory_space<vmem>>
      %dma_start3A_1652 = arith.constant 0 : i32
      %dma_start3A_1653 = arith.constant 0 : i32
      %dma_start3A_1654 = tpu.memref_slice %arg4[%add3A_1648, %dma_start3A_1652, %dma_start3A_1653] : memref<16384x50x32xf32, #tpu.memory_space<hbm>> -> memref<1x50x32xf32, #tpu.memory_space<hbm>>
      %dma_start3A_1655 = tpu.memref_squeeze %dma_start3A_1654 : memref<1x50x32xf32, #tpu.memory_space<hbm>> -> memref<50x32xf32, #tpu.memory_space<hbm>>
      %dma_start3A_1656 = arith.constant 0 : i32
      %dma_start3A_1657 = arith.constant 0 : i32
      %dma_start3A_1658 = tpu.memref_slice %arg4[%add3A_1648, %dma_start3A_1656, %dma_start3A_1657] : memref<16384x50x32xf32, #tpu.memory_space<hbm>> -> memref<1x50x32xf32, #tpu.memory_space<hbm>>
      %dma_start3A_1659 = tpu.memref_squeeze %dma_start3A_1658 : memref<1x50x32xf32, #tpu.memory_space<hbm>> -> memref<50x32xf32, #tpu.memory_space<hbm>>
      %dma_start3A_1660 = arith.constant 100 : i32
      %dma_start3A_1661 = arith.constant 0 : i32
      %dma_start3A_1662 = tpu.memref_slice %arg9[%dma_start3A_1660, %dma_start3A_1661] : memref<800x32xf32, #tpu.memory_space<vmem>> -> memref<50x32xf32, #tpu.memory_space<vmem>>
      tpu.enqueue_dma source(%dma_start3A_1662 : memref<50x32xf32, #tpu.memory_space<vmem>>) target(%dma_start3A_1659 : memref<50x32xf32, #tpu.memory_space<hbm>>) target_semaphore(%arg17 : memref<!tpu.dma_semaphore, #tpu.memory_space<semaphore_mem>>)
      %mul3A_1663 = arith.constant 16 : i32
      %mul3A_1664 = arith.muli %add3A_1582, %mul3A_1663 : i32
      %add3A_1665 = arith.addi %mul3A_2, %mul3A_1664 : i32
      %add3A_1666 = arith.constant 3 : i32
      %add3A_1667 = arith.addi %add3A_1665, %add3A_1666 : i32
      %dma_start3A_1668 = arith.constant 150 : i32
      %dma_start3A_1669 = arith.constant 0 : i32
      %dma_start3A_1670 = tpu.memref_slice %arg9[%dma_start3A_1668, %dma_start3A_1669] : memref<800x32xf32, #tpu.memory_space<vmem>> -> memref<50x32xf32, #tpu.memory_space<vmem>>
      %dma_start3A_1671 = arith.constant 0 : i32
      %dma_start3A_1672 = arith.constant 0 : i32
      %dma_start3A_1673 = tpu.memref_slice %arg4[%add3A_1667, %dma_start3A_1671, %dma_start3A_1672] : memref<16384x50x32xf32, #tpu.memory_space<hbm>> -> memref<1x50x32xf32, #tpu.memory_space<hbm>>
      %dma_start3A_1674 = tpu.memref_squeeze %dma_start3A_1673 : memref<1x50x32xf32, #tpu.memory_space<hbm>> -> memref<50x32xf32, #tpu.memory_space<hbm>>
      %dma_start3A_1675 = arith.constant 0 : i32
      %dma_start3A_1676 = arith.constant 0 : i32
      %dma_start3A_1677 = tpu.memref_slice %arg4[%add3A_1667, %dma_start3A_1675, %dma_start3A_1676] : memref<16384x50x32xf32, #tpu.memory_space<hbm>> -> memref<1x50x32xf32, #tpu.memory_space<hbm>>
      %dma_start3A_1678 = tpu.memref_squeeze %dma_start3A_1677 : memref<1x50x32xf32, #tpu.memory_space<hbm>> -> memref<50x32xf32, #tpu.memory_space<hbm>>
      %dma_start3A_1679 = arith.constant 150 : i32
      %dma_start3A_1680 = arith.constant 0 : i32
      %dma_start3A_1681 = tpu.memref_slice %arg9[%dma_start3A_1679, %dma_start3A_1680] : memref<800x32xf32, #tpu.memory_space<vmem>> -> memref<50x32xf32, #tpu.memory_space<vmem>>
      tpu.enqueue_dma source(%dma_start3A_1681 : memref<50x32xf32, #tpu.memory_space<vmem>>) target(%dma_start3A_1678 : memref<50x32xf32, #tpu.memory_space<hbm>>) target_semaphore(%arg17 : memref<!tpu.dma_semaphore, #tpu.memory_space<semaphore_mem>>)
      %mul3A_1682 = arith.constant 16 : i32
      %mul3A_1683 = arith.muli %add3A_1582, %mul3A_1682 : i32
      %add3A_1684 = arith.addi %mul3A_2, %mul3A_1683 : i32
      %add3A_1685 = arith.constant 4 : i32
      %add3A_1686 = arith.addi %add3A_1684, %add3A_1685 : i32
      %dma_start3A_1687 = arith.constant 200 : i32
      %dma_start3A_1688 = arith.constant 0 : i32
      %dma_start3A_1689 = tpu.memref_slice %arg9[%dma_start3A_1687, %dma_start3A_1688] : memref<800x32xf32, #tpu.memory_space<vmem>> -> memref<50x32xf32, #tpu.memory_space<vmem>>
      %dma_start3A_1690 = arith.constant 0 : i32
      %dma_start3A_1691 = arith.constant 0 : i32
      %dma_start3A_1692 = tpu.memref_slice %arg4[%add3A_1686, %dma_start3A_1690, %dma_start3A_1691] : memref<16384x50x32xf32, #tpu.memory_space<hbm>> -> memref<1x50x32xf32, #tpu.memory_space<hbm>>
      %dma_start3A_1693 = tpu.memref_squeeze %dma_start3A_1692 : memref<1x50x32xf32, #tpu.memory_space<hbm>> -> memref<50x32xf32, #tpu.memory_space<hbm>>
      %dma_start3A_1694 = arith.constant 0 : i32
      %dma_start3A_1695 = arith.constant 0 : i32
      %dma_start3A_1696 = tpu.memref_slice %arg4[%add3A_1686, %dma_start3A_1694, %dma_start3A_1695] : memref<16384x50x32xf32, #tpu.memory_space<hbm>> -> memref<1x50x32xf32, #tpu.memory_space<hbm>>
      %dma_start3A_1697 = tpu.memref_squeeze %dma_start3A_1696 : memref<1x50x32xf32, #tpu.memory_space<hbm>> -> memref<50x32xf32, #tpu.memory_space<hbm>>
      %dma_start3A_1698 = arith.constant 200 : i32
      %dma_start3A_1699 = arith.constant 0 : i32
      %dma_start3A_1700 = tpu.memref_slice %arg9[%dma_start3A_1698, %dma_start3A_1699] : memref<800x32xf32, #tpu.memory_space<vmem>> -> memref<50x32xf32, #tpu.memory_space<vmem>>
      tpu.enqueue_dma source(%dma_start3A_1700 : memref<50x32xf32, #tpu.memory_space<vmem>>) target(%dma_start3A_1697 : memref<50x32xf32, #tpu.memory_space<hbm>>) target_semaphore(%arg17 : memref<!tpu.dma_semaphore, #tpu.memory_space<semaphore_mem>>)
      %mul3A_1701 = arith.constant 16 : i32
      %mul3A_1702 = arith.muli %add3A_1582, %mul3A_1701 : i32
      %add3A_1703 = arith.addi %mul3A_2, %mul3A_1702 : i32
      %add3A_1704 = arith.constant 5 : i32
      %add3A_1705 = arith.addi %add3A_1703, %add3A_1704 : i32
      %dma_start3A_1706 = arith.constant 250 : i32
      %dma_start3A_1707 = arith.constant 0 : i32
      %dma_start3A_1708 = tpu.memref_slice %arg9[%dma_start3A_1706, %dma_start3A_1707] : memref<800x32xf32, #tpu.memory_space<vmem>> -> memref<50x32xf32, #tpu.memory_space<vmem>>
      %dma_start3A_1709 = arith.constant 0 : i32
      %dma_start3A_1710 = arith.constant 0 : i32
      %dma_start3A_1711 = tpu.memref_slice %arg4[%add3A_1705, %dma_start3A_1709, %dma_start3A_1710] : memref<16384x50x32xf32, #tpu.memory_space<hbm>> -> memref<1x50x32xf32, #tpu.memory_space<hbm>>
      %dma_start3A_1712 = tpu.memref_squeeze %dma_start3A_1711 : memref<1x50x32xf32, #tpu.memory_space<hbm>> -> memref<50x32xf32, #tpu.memory_space<hbm>>
      %dma_start3A_1713 = arith.constant 0 : i32
      %dma_start3A_1714 = arith.constant 0 : i32
      %dma_start3A_1715 = tpu.memref_slice %arg4[%add3A_1705, %dma_start3A_1713, %dma_start3A_1714] : memref<16384x50x32xf32, #tpu.memory_space<hbm>> -> memref<1x50x32xf32, #tpu.memory_space<hbm>>
      %dma_start3A_1716 = tpu.memref_squeeze %dma_start3A_1715 : memref<1x50x32xf32, #tpu.memory_space<hbm>> -> memref<50x32xf32, #tpu.memory_space<hbm>>
      %dma_start3A_1717 = arith.constant 250 : i32
      %dma_start3A_1718 = arith.constant 0 : i32
      %dma_start3A_1719 = tpu.memref_slice %arg9[%dma_start3A_1717, %dma_start3A_1718] : memref<800x32xf32, #tpu.memory_space<vmem>> -> memref<50x32xf32, #tpu.memory_space<vmem>>
      tpu.enqueue_dma source(%dma_start3A_1719 : memref<50x32xf32, #tpu.memory_space<vmem>>) target(%dma_start3A_1716 : memref<50x32xf32, #tpu.memory_space<hbm>>) target_semaphore(%arg17 : memref<!tpu.dma_semaphore, #tpu.memory_space<semaphore_mem>>)
      %mul3A_1720 = arith.constant 16 : i32
      %mul3A_1721 = arith.muli %add3A_1582, %mul3A_1720 : i32
      %add3A_1722 = arith.addi %mul3A_2, %mul3A_1721 : i32
      %add3A_1723 = arith.constant 6 : i32
      %add3A_1724 = arith.addi %add3A_1722, %add3A_1723 : i32
      %dma_start3A_1725 = arith.constant 300 : i32
      %dma_start3A_1726 = arith.constant 0 : i32
      %dma_start3A_1727 = tpu.memref_slice %arg9[%dma_start3A_1725, %dma_start3A_1726] : memref<800x32xf32, #tpu.memory_space<vmem>> -> memref<50x32xf32, #tpu.memory_space<vmem>>
      %dma_start3A_1728 = arith.constant 0 : i32
      %dma_start3A_1729 = arith.constant 0 : i32
      %dma_start3A_1730 = tpu.memref_slice %arg4[%add3A_1724, %dma_start3A_1728, %dma_start3A_1729] : memref<16384x50x32xf32, #tpu.memory_space<hbm>> -> memref<1x50x32xf32, #tpu.memory_space<hbm>>
      %dma_start3A_1731 = tpu.memref_squeeze %dma_start3A_1730 : memref<1x50x32xf32, #tpu.memory_space<hbm>> -> memref<50x32xf32, #tpu.memory_space<hbm>>
      %dma_start3A_1732 = arith.constant 0 : i32
      %dma_start3A_1733 = arith.constant 0 : i32
      %dma_start3A_1734 = tpu.memref_slice %arg4[%add3A_1724, %dma_start3A_1732, %dma_start3A_1733] : memref<16384x50x32xf32, #tpu.memory_space<hbm>> -> memref<1x50x32xf32, #tpu.memory_space<hbm>>
      %dma_start3A_1735 = tpu.memref_squeeze %dma_start3A_1734 : memref<1x50x32xf32, #tpu.memory_space<hbm>> -> memref<50x32xf32, #tpu.memory_space<hbm>>
      %dma_start3A_1736 = arith.constant 300 : i32
      %dma_start3A_1737 = arith.constant 0 : i32
      %dma_start3A_1738 = tpu.memref_slice %arg9[%dma_start3A_1736, %dma_start3A_1737] : memref<800x32xf32, #tpu.memory_space<vmem>> -> memref<50x32xf32, #tpu.memory_space<vmem>>
      tpu.enqueue_dma source(%dma_start3A_1738 : memref<50x32xf32, #tpu.memory_space<vmem>>) target(%dma_start3A_1735 : memref<50x32xf32, #tpu.memory_space<hbm>>) target_semaphore(%arg17 : memref<!tpu.dma_semaphore, #tpu.memory_space<semaphore_mem>>)
      %mul3A_1739 = arith.constant 16 : i32
      %mul3A_1740 = arith.muli %add3A_1582, %mul3A_1739 : i32
      %add3A_1741 = arith.addi %mul3A_2, %mul3A_1740 : i32
      %add3A_1742 = arith.constant 7 : i32
      %add3A_1743 = arith.addi %add3A_1741, %add3A_1742 : i32
      %dma_start3A_1744 = arith.constant 350 : i32
      %dma_start3A_1745 = arith.constant 0 : i32
      %dma_start3A_1746 = tpu.memref_slice %arg9[%dma_start3A_1744, %dma_start3A_1745] : memref<800x32xf32, #tpu.memory_space<vmem>> -> memref<50x32xf32, #tpu.memory_space<vmem>>
      %dma_start3A_1747 = arith.constant 0 : i32
      %dma_start3A_1748 = arith.constant 0 : i32
      %dma_start3A_1749 = tpu.memref_slice %arg4[%add3A_1743, %dma_start3A_1747, %dma_start3A_1748] : memref<16384x50x32xf32, #tpu.memory_space<hbm>> -> memref<1x50x32xf32, #tpu.memory_space<hbm>>
      %dma_start3A_1750 = tpu.memref_squeeze %dma_start3A_1749 : memref<1x50x32xf32, #tpu.memory_space<hbm>> -> memref<50x32xf32, #tpu.memory_space<hbm>>
      %dma_start3A_1751 = arith.constant 0 : i32
      %dma_start3A_1752 = arith.constant 0 : i32
      %dma_start3A_1753 = tpu.memref_slice %arg4[%add3A_1743, %dma_start3A_1751, %dma_start3A_1752] : memref<16384x50x32xf32, #tpu.memory_space<hbm>> -> memref<1x50x32xf32, #tpu.memory_space<hbm>>
      %dma_start3A_1754 = tpu.memref_squeeze %dma_start3A_1753 : memref<1x50x32xf32, #tpu.memory_space<hbm>> -> memref<50x32xf32, #tpu.memory_space<hbm>>
      %dma_start3A_1755 = arith.constant 350 : i32
      %dma_start3A_1756 = arith.constant 0 : i32
      %dma_start3A_1757 = tpu.memref_slice %arg9[%dma_start3A_1755, %dma_start3A_1756] : memref<800x32xf32, #tpu.memory_space<vmem>> -> memref<50x32xf32, #tpu.memory_space<vmem>>
      tpu.enqueue_dma source(%dma_start3A_1757 : memref<50x32xf32, #tpu.memory_space<vmem>>) target(%dma_start3A_1754 : memref<50x32xf32, #tpu.memory_space<hbm>>) target_semaphore(%arg17 : memref<!tpu.dma_semaphore, #tpu.memory_space<semaphore_mem>>)
      %mul3A_1758 = arith.constant 16 : i32
      %mul3A_1759 = arith.muli %add3A_1582, %mul3A_1758 : i32
      %add3A_1760 = arith.addi %mul3A_2, %mul3A_1759 : i32
      %add3A_1761 = arith.constant 8 : i32
      %add3A_1762 = arith.addi %add3A_1760, %add3A_1761 : i32
      %dma_start3A_1763 = arith.constant 400 : i32
      %dma_start3A_1764 = arith.constant 0 : i32
      %dma_start3A_1765 = tpu.memref_slice %arg9[%dma_start3A_1763, %dma_start3A_1764] : memref<800x32xf32, #tpu.memory_space<vmem>> -> memref<50x32xf32, #tpu.memory_space<vmem>>
      %dma_start3A_1766 = arith.constant 0 : i32
      %dma_start3A_1767 = arith.constant 0 : i32
      %dma_start3A_1768 = tpu.memref_slice %arg4[%add3A_1762, %dma_start3A_1766, %dma_start3A_1767] : memref<16384x50x32xf32, #tpu.memory_space<hbm>> -> memref<1x50x32xf32, #tpu.memory_space<hbm>>
      %dma_start3A_1769 = tpu.memref_squeeze %dma_start3A_1768 : memref<1x50x32xf32, #tpu.memory_space<hbm>> -> memref<50x32xf32, #tpu.memory_space<hbm>>
      %dma_start3A_1770 = arith.constant 0 : i32
      %dma_start3A_1771 = arith.constant 0 : i32
      %dma_start3A_1772 = tpu.memref_slice %arg4[%add3A_1762, %dma_start3A_1770, %dma_start3A_1771] : memref<16384x50x32xf32, #tpu.memory_space<hbm>> -> memref<1x50x32xf32, #tpu.memory_space<hbm>>
      %dma_start3A_1773 = tpu.memref_squeeze %dma_start3A_1772 : memref<1x50x32xf32, #tpu.memory_space<hbm>> -> memref<50x32xf32, #tpu.memory_space<hbm>>
      %dma_start3A_1774 = arith.constant 400 : i32
      %dma_start3A_1775 = arith.constant 0 : i32
      %dma_start3A_1776 = tpu.memref_slice %arg9[%dma_start3A_1774, %dma_start3A_1775] : memref<800x32xf32, #tpu.memory_space<vmem>> -> memref<50x32xf32, #tpu.memory_space<vmem>>
      tpu.enqueue_dma source(%dma_start3A_1776 : memref<50x32xf32, #tpu.memory_space<vmem>>) target(%dma_start3A_1773 : memref<50x32xf32, #tpu.memory_space<hbm>>) target_semaphore(%arg17 : memref<!tpu.dma_semaphore, #tpu.memory_space<semaphore_mem>>)
      %mul3A_1777 = arith.constant 16 : i32
      %mul3A_1778 = arith.muli %add3A_1582, %mul3A_1777 : i32
      %add3A_1779 = arith.addi %mul3A_2, %mul3A_1778 : i32
      %add3A_1780 = arith.constant 9 : i32
      %add3A_1781 = arith.addi %add3A_1779, %add3A_1780 : i32
      %dma_start3A_1782 = arith.constant 450 : i32
      %dma_start3A_1783 = arith.constant 0 : i32
      %dma_start3A_1784 = tpu.memref_slice %arg9[%dma_start3A_1782, %dma_start3A_1783] : memref<800x32xf32, #tpu.memory_space<vmem>> -> memref<50x32xf32, #tpu.memory_space<vmem>>
      %dma_start3A_1785 = arith.constant 0 : i32
      %dma_start3A_1786 = arith.constant 0 : i32
      %dma_start3A_1787 = tpu.memref_slice %arg4[%add3A_1781, %dma_start3A_1785, %dma_start3A_1786] : memref<16384x50x32xf32, #tpu.memory_space<hbm>> -> memref<1x50x32xf32, #tpu.memory_space<hbm>>
      %dma_start3A_1788 = tpu.memref_squeeze %dma_start3A_1787 : memref<1x50x32xf32, #tpu.memory_space<hbm>> -> memref<50x32xf32, #tpu.memory_space<hbm>>
      %dma_start3A_1789 = arith.constant 0 : i32
      %dma_start3A_1790 = arith.constant 0 : i32
      %dma_start3A_1791 = tpu.memref_slice %arg4[%add3A_1781, %dma_start3A_1789, %dma_start3A_1790] : memref<16384x50x32xf32, #tpu.memory_space<hbm>> -> memref<1x50x32xf32, #tpu.memory_space<hbm>>
      %dma_start3A_1792 = tpu.memref_squeeze %dma_start3A_1791 : memref<1x50x32xf32, #tpu.memory_space<hbm>> -> memref<50x32xf32, #tpu.memory_space<hbm>>
      %dma_start3A_1793 = arith.constant 450 : i32
      %dma_start3A_1794 = arith.constant 0 : i32
      %dma_start3A_1795 = tpu.memref_slice %arg9[%dma_start3A_1793, %dma_start3A_1794] : memref<800x32xf32, #tpu.memory_space<vmem>> -> memref<50x32xf32, #tpu.memory_space<vmem>>
      tpu.enqueue_dma source(%dma_start3A_1795 : memref<50x32xf32, #tpu.memory_space<vmem>>) target(%dma_start3A_1792 : memref<50x32xf32, #tpu.memory_space<hbm>>) target_semaphore(%arg17 : memref<!tpu.dma_semaphore, #tpu.memory_space<semaphore_mem>>)
      %mul3A_1796 = arith.constant 16 : i32
      %mul3A_1797 = arith.muli %add3A_1582, %mul3A_1796 : i32
      %add3A_1798 = arith.addi %mul3A_2, %mul3A_1797 : i32
      %add3A_1799 = arith.constant 10 : i32
      %add3A_1800 = arith.addi %add3A_1798, %add3A_1799 : i32
      %dma_start3A_1801 = arith.constant 500 : i32
      %dma_start3A_1802 = arith.constant 0 : i32
      %dma_start3A_1803 = tpu.memref_slice %arg9[%dma_start3A_1801, %dma_start3A_1802] : memref<800x32xf32, #tpu.memory_space<vmem>> -> memref<50x32xf32, #tpu.memory_space<vmem>>
      %dma_start3A_1804 = arith.constant 0 : i32
      %dma_start3A_1805 = arith.constant 0 : i32
      %dma_start3A_1806 = tpu.memref_slice %arg4[%add3A_1800, %dma_start3A_1804, %dma_start3A_1805] : memref<16384x50x32xf32, #tpu.memory_space<hbm>> -> memref<1x50x32xf32, #tpu.memory_space<hbm>>
      %dma_start3A_1807 = tpu.memref_squeeze %dma_start3A_1806 : memref<1x50x32xf32, #tpu.memory_space<hbm>> -> memref<50x32xf32, #tpu.memory_space<hbm>>
      %dma_start3A_1808 = arith.constant 0 : i32
      %dma_start3A_1809 = arith.constant 0 : i32
      %dma_start3A_1810 = tpu.memref_slice %arg4[%add3A_1800, %dma_start3A_1808, %dma_start3A_1809] : memref<16384x50x32xf32, #tpu.memory_space<hbm>> -> memref<1x50x32xf32, #tpu.memory_space<hbm>>
      %dma_start3A_1811 = tpu.memref_squeeze %dma_start3A_1810 : memref<1x50x32xf32, #tpu.memory_space<hbm>> -> memref<50x32xf32, #tpu.memory_space<hbm>>
      %dma_start3A_1812 = arith.constant 500 : i32
      %dma_start3A_1813 = arith.constant 0 : i32
      %dma_start3A_1814 = tpu.memref_slice %arg9[%dma_start3A_1812, %dma_start3A_1813] : memref<800x32xf32, #tpu.memory_space<vmem>> -> memref<50x32xf32, #tpu.memory_space<vmem>>
      tpu.enqueue_dma source(%dma_start3A_1814 : memref<50x32xf32, #tpu.memory_space<vmem>>) target(%dma_start3A_1811 : memref<50x32xf32, #tpu.memory_space<hbm>>) target_semaphore(%arg17 : memref<!tpu.dma_semaphore, #tpu.memory_space<semaphore_mem>>)
      %mul3A_1815 = arith.constant 16 : i32
      %mul3A_1816 = arith.muli %add3A_1582, %mul3A_1815 : i32
      %add3A_1817 = arith.addi %mul3A_2, %mul3A_1816 : i32
      %add3A_1818 = arith.constant 11 : i32
      %add3A_1819 = arith.addi %add3A_1817, %add3A_1818 : i32
      %dma_start3A_1820 = arith.constant 550 : i32
      %dma_start3A_1821 = arith.constant 0 : i32
      %dma_start3A_1822 = tpu.memref_slice %arg9[%dma_start3A_1820, %dma_start3A_1821] : memref<800x32xf32, #tpu.memory_space<vmem>> -> memref<50x32xf32, #tpu.memory_space<vmem>>
      %dma_start3A_1823 = arith.constant 0 : i32
      %dma_start3A_1824 = arith.constant 0 : i32
      %dma_start3A_1825 = tpu.memref_slice %arg4[%add3A_1819, %dma_start3A_1823, %dma_start3A_1824] : memref<16384x50x32xf32, #tpu.memory_space<hbm>> -> memref<1x50x32xf32, #tpu.memory_space<hbm>>
      %dma_start3A_1826 = tpu.memref_squeeze %dma_start3A_1825 : memref<1x50x32xf32, #tpu.memory_space<hbm>> -> memref<50x32xf32, #tpu.memory_space<hbm>>
      %dma_start3A_1827 = arith.constant 0 : i32
      %dma_start3A_1828 = arith.constant 0 : i32
      %dma_start3A_1829 = tpu.memref_slice %arg4[%add3A_1819, %dma_start3A_1827, %dma_start3A_1828] : memref<16384x50x32xf32, #tpu.memory_space<hbm>> -> memref<1x50x32xf32, #tpu.memory_space<hbm>>
      %dma_start3A_1830 = tpu.memref_squeeze %dma_start3A_1829 : memref<1x50x32xf32, #tpu.memory_space<hbm>> -> memref<50x32xf32, #tpu.memory_space<hbm>>
      %dma_start3A_1831 = arith.constant 550 : i32
      %dma_start3A_1832 = arith.constant 0 : i32
      %dma_start3A_1833 = tpu.memref_slice %arg9[%dma_start3A_1831, %dma_start3A_1832] : memref<800x32xf32, #tpu.memory_space<vmem>> -> memref<50x32xf32, #tpu.memory_space<vmem>>
      tpu.enqueue_dma source(%dma_start3A_1833 : memref<50x32xf32, #tpu.memory_space<vmem>>) target(%dma_start3A_1830 : memref<50x32xf32, #tpu.memory_space<hbm>>) target_semaphore(%arg17 : memref<!tpu.dma_semaphore, #tpu.memory_space<semaphore_mem>>)
      %mul3A_1834 = arith.constant 16 : i32
      %mul3A_1835 = arith.muli %add3A_1582, %mul3A_1834 : i32
      %add3A_1836 = arith.addi %mul3A_2, %mul3A_1835 : i32
      %add3A_1837 = arith.constant 12 : i32
      %add3A_1838 = arith.addi %add3A_1836, %add3A_1837 : i32
      %dma_start3A_1839 = arith.constant 600 : i32
      %dma_start3A_1840 = arith.constant 0 : i32
      %dma_start3A_1841 = tpu.memref_slice %arg9[%dma_start3A_1839, %dma_start3A_1840] : memref<800x32xf32, #tpu.memory_space<vmem>> -> memref<50x32xf32, #tpu.memory_space<vmem>>
      %dma_start3A_1842 = arith.constant 0 : i32
      %dma_start3A_1843 = arith.constant 0 : i32
      %dma_start3A_1844 = tpu.memref_slice %arg4[%add3A_1838, %dma_start3A_1842, %dma_start3A_1843] : memref<16384x50x32xf32, #tpu.memory_space<hbm>> -> memref<1x50x32xf32, #tpu.memory_space<hbm>>
      %dma_start3A_1845 = tpu.memref_squeeze %dma_start3A_1844 : memref<1x50x32xf32, #tpu.memory_space<hbm>> -> memref<50x32xf32, #tpu.memory_space<hbm>>
      %dma_start3A_1846 = arith.constant 0 : i32
      %dma_start3A_1847 = arith.constant 0 : i32
      %dma_start3A_1848 = tpu.memref_slice %arg4[%add3A_1838, %dma_start3A_1846, %dma_start3A_1847] : memref<16384x50x32xf32, #tpu.memory_space<hbm>> -> memref<1x50x32xf32, #tpu.memory_space<hbm>>
      %dma_start3A_1849 = tpu.memref_squeeze %dma_start3A_1848 : memref<1x50x32xf32, #tpu.memory_space<hbm>> -> memref<50x32xf32, #tpu.memory_space<hbm>>
      %dma_start3A_1850 = arith.constant 600 : i32
      %dma_start3A_1851 = arith.constant 0 : i32
      %dma_start3A_1852 = tpu.memref_slice %arg9[%dma_start3A_1850, %dma_start3A_1851] : memref<800x32xf32, #tpu.memory_space<vmem>> -> memref<50x32xf32, #tpu.memory_space<vmem>>
      tpu.enqueue_dma source(%dma_start3A_1852 : memref<50x32xf32, #tpu.memory_space<vmem>>) target(%dma_start3A_1849 : memref<50x32xf32, #tpu.memory_space<hbm>>) target_semaphore(%arg17 : memref<!tpu.dma_semaphore, #tpu.memory_space<semaphore_mem>>)
      %mul3A_1853 = arith.constant 16 : i32
      %mul3A_1854 = arith.muli %add3A_1582, %mul3A_1853 : i32
      %add3A_1855 = arith.addi %mul3A_2, %mul3A_1854 : i32
      %add3A_1856 = arith.constant 13 : i32
      %add3A_1857 = arith.addi %add3A_1855, %add3A_1856 : i32
      %dma_start3A_1858 = arith.constant 650 : i32
      %dma_start3A_1859 = arith.constant 0 : i32
      %dma_start3A_1860 = tpu.memref_slice %arg9[%dma_start3A_1858, %dma_start3A_1859] : memref<800x32xf32, #tpu.memory_space<vmem>> -> memref<50x32xf32, #tpu.memory_space<vmem>>
      %dma_start3A_1861 = arith.constant 0 : i32
      %dma_start3A_1862 = arith.constant 0 : i32
      %dma_start3A_1863 = tpu.memref_slice %arg4[%add3A_1857, %dma_start3A_1861, %dma_start3A_1862] : memref<16384x50x32xf32, #tpu.memory_space<hbm>> -> memref<1x50x32xf32, #tpu.memory_space<hbm>>
      %dma_start3A_1864 = tpu.memref_squeeze %dma_start3A_1863 : memref<1x50x32xf32, #tpu.memory_space<hbm>> -> memref<50x32xf32, #tpu.memory_space<hbm>>
      %dma_start3A_1865 = arith.constant 0 : i32
      %dma_start3A_1866 = arith.constant 0 : i32
      %dma_start3A_1867 = tpu.memref_slice %arg4[%add3A_1857, %dma_start3A_1865, %dma_start3A_1866] : memref<16384x50x32xf32, #tpu.memory_space<hbm>> -> memref<1x50x32xf32, #tpu.memory_space<hbm>>
      %dma_start3A_1868 = tpu.memref_squeeze %dma_start3A_1867 : memref<1x50x32xf32, #tpu.memory_space<hbm>> -> memref<50x32xf32, #tpu.memory_space<hbm>>
      %dma_start3A_1869 = arith.constant 650 : i32
      %dma_start3A_1870 = arith.constant 0 : i32
      %dma_start3A_1871 = tpu.memref_slice %arg9[%dma_start3A_1869, %dma_start3A_1870] : memref<800x32xf32, #tpu.memory_space<vmem>> -> memref<50x32xf32, #tpu.memory_space<vmem>>
      tpu.enqueue_dma source(%dma_start3A_1871 : memref<50x32xf32, #tpu.memory_space<vmem>>) target(%dma_start3A_1868 : memref<50x32xf32, #tpu.memory_space<hbm>>) target_semaphore(%arg17 : memref<!tpu.dma_semaphore, #tpu.memory_space<semaphore_mem>>)
      %mul3A_1872 = arith.constant 16 : i32
      %mul3A_1873 = arith.muli %add3A_1582, %mul3A_1872 : i32
      %add3A_1874 = arith.addi %mul3A_2, %mul3A_1873 : i32
      %add3A_1875 = arith.constant 14 : i32
      %add3A_1876 = arith.addi %add3A_1874, %add3A_1875 : i32
      %dma_start3A_1877 = arith.constant 700 : i32
      %dma_start3A_1878 = arith.constant 0 : i32
      %dma_start3A_1879 = tpu.memref_slice %arg9[%dma_start3A_1877, %dma_start3A_1878] : memref<800x32xf32, #tpu.memory_space<vmem>> -> memref<50x32xf32, #tpu.memory_space<vmem>>
      %dma_start3A_1880 = arith.constant 0 : i32
      %dma_start3A_1881 = arith.constant 0 : i32
      %dma_start3A_1882 = tpu.memref_slice %arg4[%add3A_1876, %dma_start3A_1880, %dma_start3A_1881] : memref<16384x50x32xf32, #tpu.memory_space<hbm>> -> memref<1x50x32xf32, #tpu.memory_space<hbm>>
      %dma_start3A_1883 = tpu.memref_squeeze %dma_start3A_1882 : memref<1x50x32xf32, #tpu.memory_space<hbm>> -> memref<50x32xf32, #tpu.memory_space<hbm>>
      %dma_start3A_1884 = arith.constant 0 : i32
      %dma_start3A_1885 = arith.constant 0 : i32
      %dma_start3A_1886 = tpu.memref_slice %arg4[%add3A_1876, %dma_start3A_1884, %dma_start3A_1885] : memref<16384x50x32xf32, #tpu.memory_space<hbm>> -> memref<1x50x32xf32, #tpu.memory_space<hbm>>
      %dma_start3A_1887 = tpu.memref_squeeze %dma_start3A_1886 : memref<1x50x32xf32, #tpu.memory_space<hbm>> -> memref<50x32xf32, #tpu.memory_space<hbm>>
      %dma_start3A_1888 = arith.constant 700 : i32
      %dma_start3A_1889 = arith.constant 0 : i32
      %dma_start3A_1890 = tpu.memref_slice %arg9[%dma_start3A_1888, %dma_start3A_1889] : memref<800x32xf32, #tpu.memory_space<vmem>> -> memref<50x32xf32, #tpu.memory_space<vmem>>
      tpu.enqueue_dma source(%dma_start3A_1890 : memref<50x32xf32, #tpu.memory_space<vmem>>) target(%dma_start3A_1887 : memref<50x32xf32, #tpu.memory_space<hbm>>) target_semaphore(%arg17 : memref<!tpu.dma_semaphore, #tpu.memory_space<semaphore_mem>>)
      %mul3A_1891 = arith.constant 16 : i32
      %mul3A_1892 = arith.muli %add3A_1582, %mul3A_1891 : i32
      %add3A_1893 = arith.addi %mul3A_2, %mul3A_1892 : i32
      %add3A_1894 = arith.constant 15 : i32
      %add3A_1895 = arith.addi %add3A_1893, %add3A_1894 : i32
      %dma_start3A_1896 = arith.constant 750 : i32
      %dma_start3A_1897 = arith.constant 0 : i32
      %dma_start3A_1898 = tpu.memref_slice %arg9[%dma_start3A_1896, %dma_start3A_1897] : memref<800x32xf32, #tpu.memory_space<vmem>> -> memref<50x32xf32, #tpu.memory_space<vmem>>
      %dma_start3A_1899 = arith.constant 0 : i32
      %dma_start3A_1900 = arith.constant 0 : i32
      %dma_start3A_1901 = tpu.memref_slice %arg4[%add3A_1895, %dma_start3A_1899, %dma_start3A_1900] : memref<16384x50x32xf32, #tpu.memory_space<hbm>> -> memref<1x50x32xf32, #tpu.memory_space<hbm>>
      %dma_start3A_1902 = tpu.memref_squeeze %dma_start3A_1901 : memref<1x50x32xf32, #tpu.memory_space<hbm>> -> memref<50x32xf32, #tpu.memory_space<hbm>>
      %dma_start3A_1903 = arith.constant 0 : i32
      %dma_start3A_1904 = arith.constant 0 : i32
      %dma_start3A_1905 = tpu.memref_slice %arg4[%add3A_1895, %dma_start3A_1903, %dma_start3A_1904] : memref<16384x50x32xf32, #tpu.memory_space<hbm>> -> memref<1x50x32xf32, #tpu.memory_space<hbm>>
      %dma_start3A_1906 = tpu.memref_squeeze %dma_start3A_1905 : memref<1x50x32xf32, #tpu.memory_space<hbm>> -> memref<50x32xf32, #tpu.memory_space<hbm>>
      %dma_start3A_1907 = arith.constant 750 : i32
      %dma_start3A_1908 = arith.constant 0 : i32
      %dma_start3A_1909 = tpu.memref_slice %arg9[%dma_start3A_1907, %dma_start3A_1908] : memref<800x32xf32, #tpu.memory_space<vmem>> -> memref<50x32xf32, #tpu.memory_space<vmem>>
      tpu.enqueue_dma source(%dma_start3A_1909 : memref<50x32xf32, #tpu.memory_space<vmem>>) target(%dma_start3A_1906 : memref<50x32xf32, #tpu.memory_space<hbm>>) target_semaphore(%arg17 : memref<!tpu.dma_semaphore, #tpu.memory_space<semaphore_mem>>)
    }
    %scan3A_15 = arith.constant 8 : i32
    %add3A_16 = arith.constant 480 : i32
    %add3A_17 = arith.addi %mul3A_2, %add3A_16 : i32
    %add3A_18 = arith.constant 0 : i32
    %add3A_19 = arith.addi %add3A_17, %add3A_18 : i32
    %dma_wait3A = arith.constant 0 : i32
    %dma_wait3A_20 = arith.constant 0 : i32
    %dma_wait3A_21 = tpu.memref_slice %arg8[%dma_wait3A, %dma_wait3A_20] : memref<800x32xf32, #tpu.memory_space<vmem>> -> memref<50x32xf32, #tpu.memory_space<vmem>>
    %dma_wait3A_22 = arith.constant 0 : i32
    %dma_wait3A_23 = arith.constant 0 : i32
    %dma_wait3A_24 = tpu.memref_slice %arg4[%add3A_19, %dma_wait3A_22, %dma_wait3A_23] : memref<16384x50x32xf32, #tpu.memory_space<hbm>> -> memref<1x50x32xf32, #tpu.memory_space<hbm>>
    %dma_wait3A_25 = tpu.memref_squeeze %dma_wait3A_24 : memref<1x50x32xf32, #tpu.memory_space<hbm>> -> memref<50x32xf32, #tpu.memory_space<hbm>>
    %dma_wait3A_26 = arith.constant 0 : i32
    %dma_wait3A_27 = arith.constant 0 : i32
    %dma_wait3A_28 = tpu.memref_slice %arg4[%add3A_19, %dma_wait3A_26, %dma_wait3A_27] : memref<16384x50x32xf32, #tpu.memory_space<hbm>> -> memref<1x50x32xf32, #tpu.memory_space<hbm>>
    %dma_wait3A_29 = tpu.memref_squeeze %dma_wait3A_28 : memref<1x50x32xf32, #tpu.memory_space<hbm>> -> memref<50x32xf32, #tpu.memory_space<hbm>>
    %dma_wait3A_30 = arith.constant 0 : i32
    %dma_wait3A_31 = arith.constant 0 : i32
    %dma_wait3A_32 = tpu.memref_slice %arg8[%dma_wait3A_30, %dma_wait3A_31] : memref<800x32xf32, #tpu.memory_space<vmem>> -> memref<50x32xf32, #tpu.memory_space<vmem>>
    tpu.wait_dma2 semaphore(%arg16 : memref<!tpu.dma_semaphore, #tpu.memory_space<semaphore_mem>>) src(%dma_wait3A_32 : memref<50x32xf32, #tpu.memory_space<vmem>>) dst(%dma_wait3A_29 : memref<50x32xf32, #tpu.memory_space<hbm>>)
    %add3A_33 = arith.constant 480 : i32
    %add3A_34 = arith.addi %mul3A_2, %add3A_33 : i32
    %add3A_35 = arith.constant 1 : i32
    %add3A_36 = arith.addi %add3A_34, %add3A_35 : i32
    %dma_wait3A_37 = arith.constant 50 : i32
    %dma_wait3A_38 = arith.constant 0 : i32
    %dma_wait3A_39 = tpu.memref_slice %arg8[%dma_wait3A_37, %dma_wait3A_38] : memref<800x32xf32, #tpu.memory_space<vmem>> -> memref<50x32xf32, #tpu.memory_space<vmem>>
    %dma_wait3A_40 = arith.constant 0 : i32
    %dma_wait3A_41 = arith.constant 0 : i32
    %dma_wait3A_42 = tpu.memref_slice %arg4[%add3A_36, %dma_wait3A_40, %dma_wait3A_41] : memref<16384x50x32xf32, #tpu.memory_space<hbm>> -> memref<1x50x32xf32, #tpu.memory_space<hbm>>
    %dma_wait3A_43 = tpu.memref_squeeze %dma_wait3A_42 : memref<1x50x32xf32, #tpu.memory_space<hbm>> -> memref<50x32xf32, #tpu.memory_space<hbm>>
    %dma_wait3A_44 = arith.constant 0 : i32
    %dma_wait3A_45 = arith.constant 0 : i32
    %dma_wait3A_46 = tpu.memref_slice %arg4[%add3A_36, %dma_wait3A_44, %dma_wait3A_45] : memref<16384x50x32xf32, #tpu.memory_space<hbm>> -> memref<1x50x32xf32, #tpu.memory_space<hbm>>
    %dma_wait3A_47 = tpu.memref_squeeze %dma_wait3A_46 : memref<1x50x32xf32, #tpu.memory_space<hbm>> -> memref<50x32xf32, #tpu.memory_space<hbm>>
    %dma_wait3A_48 = arith.constant 50 : i32
    %dma_wait3A_49 = arith.constant 0 : i32
    %dma_wait3A_50 = tpu.memref_slice %arg8[%dma_wait3A_48, %dma_wait3A_49] : memref<800x32xf32, #tpu.memory_space<vmem>> -> memref<50x32xf32, #tpu.memory_space<vmem>>
    tpu.wait_dma2 semaphore(%arg16 : memref<!tpu.dma_semaphore, #tpu.memory_space<semaphore_mem>>) src(%dma_wait3A_50 : memref<50x32xf32, #tpu.memory_space<vmem>>) dst(%dma_wait3A_47 : memref<50x32xf32, #tpu.memory_space<hbm>>)
    %add3A_51 = arith.constant 480 : i32
    %add3A_52 = arith.addi %mul3A_2, %add3A_51 : i32
    %add3A_53 = arith.constant 2 : i32
    %add3A_54 = arith.addi %add3A_52, %add3A_53 : i32
    %dma_wait3A_55 = arith.constant 100 : i32
    %dma_wait3A_56 = arith.constant 0 : i32
    %dma_wait3A_57 = tpu.memref_slice %arg8[%dma_wait3A_55, %dma_wait3A_56] : memref<800x32xf32, #tpu.memory_space<vmem>> -> memref<50x32xf32, #tpu.memory_space<vmem>>
    %dma_wait3A_58 = arith.constant 0 : i32
    %dma_wait3A_59 = arith.constant 0 : i32
    %dma_wait3A_60 = tpu.memref_slice %arg4[%add3A_54, %dma_wait3A_58, %dma_wait3A_59] : memref<16384x50x32xf32, #tpu.memory_space<hbm>> -> memref<1x50x32xf32, #tpu.memory_space<hbm>>
    %dma_wait3A_61 = tpu.memref_squeeze %dma_wait3A_60 : memref<1x50x32xf32, #tpu.memory_space<hbm>> -> memref<50x32xf32, #tpu.memory_space<hbm>>
    %dma_wait3A_62 = arith.constant 0 : i32
    %dma_wait3A_63 = arith.constant 0 : i32
    %dma_wait3A_64 = tpu.memref_slice %arg4[%add3A_54, %dma_wait3A_62, %dma_wait3A_63] : memref<16384x50x32xf32, #tpu.memory_space<hbm>> -> memref<1x50x32xf32, #tpu.memory_space<hbm>>
    %dma_wait3A_65 = tpu.memref_squeeze %dma_wait3A_64 : memref<1x50x32xf32, #tpu.memory_space<hbm>> -> memref<50x32xf32, #tpu.memory_space<hbm>>
    %dma_wait3A_66 = arith.constant 100 : i32
    %dma_wait3A_67 = arith.constant 0 : i32
    %dma_wait3A_68 = tpu.memref_slice %arg8[%dma_wait3A_66, %dma_wait3A_67] : memref<800x32xf32, #tpu.memory_space<vmem>> -> memref<50x32xf32, #tpu.memory_space<vmem>>
    tpu.wait_dma2 semaphore(%arg16 : memref<!tpu.dma_semaphore, #tpu.memory_space<semaphore_mem>>) src(%dma_wait3A_68 : memref<50x32xf32, #tpu.memory_space<vmem>>) dst(%dma_wait3A_65 : memref<50x32xf32, #tpu.memory_space<hbm>>)
    %add3A_69 = arith.constant 480 : i32
    %add3A_70 = arith.addi %mul3A_2, %add3A_69 : i32
    %add3A_71 = arith.constant 3 : i32
    %add3A_72 = arith.addi %add3A_70, %add3A_71 : i32
    %dma_wait3A_73 = arith.constant 150 : i32
    %dma_wait3A_74 = arith.constant 0 : i32
    %dma_wait3A_75 = tpu.memref_slice %arg8[%dma_wait3A_73, %dma_wait3A_74] : memref<800x32xf32, #tpu.memory_space<vmem>> -> memref<50x32xf32, #tpu.memory_space<vmem>>
    %dma_wait3A_76 = arith.constant 0 : i32
    %dma_wait3A_77 = arith.constant 0 : i32
    %dma_wait3A_78 = tpu.memref_slice %arg4[%add3A_72, %dma_wait3A_76, %dma_wait3A_77] : memref<16384x50x32xf32, #tpu.memory_space<hbm>> -> memref<1x50x32xf32, #tpu.memory_space<hbm>>
    %dma_wait3A_79 = tpu.memref_squeeze %dma_wait3A_78 : memref<1x50x32xf32, #tpu.memory_space<hbm>> -> memref<50x32xf32, #tpu.memory_space<hbm>>
    %dma_wait3A_80 = arith.constant 0 : i32
    %dma_wait3A_81 = arith.constant 0 : i32
    %dma_wait3A_82 = tpu.memref_slice %arg4[%add3A_72, %dma_wait3A_80, %dma_wait3A_81] : memref<16384x50x32xf32, #tpu.memory_space<hbm>> -> memref<1x50x32xf32, #tpu.memory_space<hbm>>
    %dma_wait3A_83 = tpu.memref_squeeze %dma_wait3A_82 : memref<1x50x32xf32, #tpu.memory_space<hbm>> -> memref<50x32xf32, #tpu.memory_space<hbm>>
    %dma_wait3A_84 = arith.constant 150 : i32
    %dma_wait3A_85 = arith.constant 0 : i32
    %dma_wait3A_86 = tpu.memref_slice %arg8[%dma_wait3A_84, %dma_wait3A_85] : memref<800x32xf32, #tpu.memory_space<vmem>> -> memref<50x32xf32, #tpu.memory_space<vmem>>
    tpu.wait_dma2 semaphore(%arg16 : memref<!tpu.dma_semaphore, #tpu.memory_space<semaphore_mem>>) src(%dma_wait3A_86 : memref<50x32xf32, #tpu.memory_space<vmem>>) dst(%dma_wait3A_83 : memref<50x32xf32, #tpu.memory_space<hbm>>)
    %add3A_87 = arith.constant 480 : i32
    %add3A_88 = arith.addi %mul3A_2, %add3A_87 : i32
    %add3A_89 = arith.constant 4 : i32
    %add3A_90 = arith.addi %add3A_88, %add3A_89 : i32
    %dma_wait3A_91 = arith.constant 200 : i32
    %dma_wait3A_92 = arith.constant 0 : i32
    %dma_wait3A_93 = tpu.memref_slice %arg8[%dma_wait3A_91, %dma_wait3A_92] : memref<800x32xf32, #tpu.memory_space<vmem>> -> memref<50x32xf32, #tpu.memory_space<vmem>>
    %dma_wait3A_94 = arith.constant 0 : i32
    %dma_wait3A_95 = arith.constant 0 : i32
    %dma_wait3A_96 = tpu.memref_slice %arg4[%add3A_90, %dma_wait3A_94, %dma_wait3A_95] : memref<16384x50x32xf32, #tpu.memory_space<hbm>> -> memref<1x50x32xf32, #tpu.memory_space<hbm>>
    %dma_wait3A_97 = tpu.memref_squeeze %dma_wait3A_96 : memref<1x50x32xf32, #tpu.memory_space<hbm>> -> memref<50x32xf32, #tpu.memory_space<hbm>>
    %dma_wait3A_98 = arith.constant 0 : i32
    %dma_wait3A_99 = arith.constant 0 : i32
    %dma_wait3A_100 = tpu.memref_slice %arg4[%add3A_90, %dma_wait3A_98, %dma_wait3A_99] : memref<16384x50x32xf32, #tpu.memory_space<hbm>> -> memref<1x50x32xf32, #tpu.memory_space<hbm>>
    %dma_wait3A_101 = tpu.memref_squeeze %dma_wait3A_100 : memref<1x50x32xf32, #tpu.memory_space<hbm>> -> memref<50x32xf32, #tpu.memory_space<hbm>>
    %dma_wait3A_102 = arith.constant 200 : i32
    %dma_wait3A_103 = arith.constant 0 : i32
    %dma_wait3A_104 = tpu.memref_slice %arg8[%dma_wait3A_102, %dma_wait3A_103] : memref<800x32xf32, #tpu.memory_space<vmem>> -> memref<50x32xf32, #tpu.memory_space<vmem>>
    tpu.wait_dma2 semaphore(%arg16 : memref<!tpu.dma_semaphore, #tpu.memory_space<semaphore_mem>>) src(%dma_wait3A_104 : memref<50x32xf32, #tpu.memory_space<vmem>>) dst(%dma_wait3A_101 : memref<50x32xf32, #tpu.memory_space<hbm>>)
    %add3A_105 = arith.constant 480 : i32
    %add3A_106 = arith.addi %mul3A_2, %add3A_105 : i32
    %add3A_107 = arith.constant 5 : i32
    %add3A_108 = arith.addi %add3A_106, %add3A_107 : i32
    %dma_wait3A_109 = arith.constant 250 : i32
    %dma_wait3A_110 = arith.constant 0 : i32
    %dma_wait3A_111 = tpu.memref_slice %arg8[%dma_wait3A_109, %dma_wait3A_110] : memref<800x32xf32, #tpu.memory_space<vmem>> -> memref<50x32xf32, #tpu.memory_space<vmem>>
    %dma_wait3A_112 = arith.constant 0 : i32
    %dma_wait3A_113 = arith.constant 0 : i32
    %dma_wait3A_114 = tpu.memref_slice %arg4[%add3A_108, %dma_wait3A_112, %dma_wait3A_113] : memref<16384x50x32xf32, #tpu.memory_space<hbm>> -> memref<1x50x32xf32, #tpu.memory_space<hbm>>
    %dma_wait3A_115 = tpu.memref_squeeze %dma_wait3A_114 : memref<1x50x32xf32, #tpu.memory_space<hbm>> -> memref<50x32xf32, #tpu.memory_space<hbm>>
    %dma_wait3A_116 = arith.constant 0 : i32
    %dma_wait3A_117 = arith.constant 0 : i32
    %dma_wait3A_118 = tpu.memref_slice %arg4[%add3A_108, %dma_wait3A_116, %dma_wait3A_117] : memref<16384x50x32xf32, #tpu.memory_space<hbm>> -> memref<1x50x32xf32, #tpu.memory_space<hbm>>
    %dma_wait3A_119 = tpu.memref_squeeze %dma_wait3A_118 : memref<1x50x32xf32, #tpu.memory_space<hbm>> -> memref<50x32xf32, #tpu.memory_space<hbm>>
    %dma_wait3A_120 = arith.constant 250 : i32
    %dma_wait3A_121 = arith.constant 0 : i32
    %dma_wait3A_122 = tpu.memref_slice %arg8[%dma_wait3A_120, %dma_wait3A_121] : memref<800x32xf32, #tpu.memory_space<vmem>> -> memref<50x32xf32, #tpu.memory_space<vmem>>
    tpu.wait_dma2 semaphore(%arg16 : memref<!tpu.dma_semaphore, #tpu.memory_space<semaphore_mem>>) src(%dma_wait3A_122 : memref<50x32xf32, #tpu.memory_space<vmem>>) dst(%dma_wait3A_119 : memref<50x32xf32, #tpu.memory_space<hbm>>)
    %add3A_123 = arith.constant 480 : i32
    %add3A_124 = arith.addi %mul3A_2, %add3A_123 : i32
    %add3A_125 = arith.constant 6 : i32
    %add3A_126 = arith.addi %add3A_124, %add3A_125 : i32
    %dma_wait3A_127 = arith.constant 300 : i32
    %dma_wait3A_128 = arith.constant 0 : i32
    %dma_wait3A_129 = tpu.memref_slice %arg8[%dma_wait3A_127, %dma_wait3A_128] : memref<800x32xf32, #tpu.memory_space<vmem>> -> memref<50x32xf32, #tpu.memory_space<vmem>>
    %dma_wait3A_130 = arith.constant 0 : i32
    %dma_wait3A_131 = arith.constant 0 : i32
    %dma_wait3A_132 = tpu.memref_slice %arg4[%add3A_126, %dma_wait3A_130, %dma_wait3A_131] : memref<16384x50x32xf32, #tpu.memory_space<hbm>> -> memref<1x50x32xf32, #tpu.memory_space<hbm>>
    %dma_wait3A_133 = tpu.memref_squeeze %dma_wait3A_132 : memref<1x50x32xf32, #tpu.memory_space<hbm>> -> memref<50x32xf32, #tpu.memory_space<hbm>>
    %dma_wait3A_134 = arith.constant 0 : i32
    %dma_wait3A_135 = arith.constant 0 : i32
    %dma_wait3A_136 = tpu.memref_slice %arg4[%add3A_126, %dma_wait3A_134, %dma_wait3A_135] : memref<16384x50x32xf32, #tpu.memory_space<hbm>> -> memref<1x50x32xf32, #tpu.memory_space<hbm>>
    %dma_wait3A_137 = tpu.memref_squeeze %dma_wait3A_136 : memref<1x50x32xf32, #tpu.memory_space<hbm>> -> memref<50x32xf32, #tpu.memory_space<hbm>>
    %dma_wait3A_138 = arith.constant 300 : i32
    %dma_wait3A_139 = arith.constant 0 : i32
    %dma_wait3A_140 = tpu.memref_slice %arg8[%dma_wait3A_138, %dma_wait3A_139] : memref<800x32xf32, #tpu.memory_space<vmem>> -> memref<50x32xf32, #tpu.memory_space<vmem>>
    tpu.wait_dma2 semaphore(%arg16 : memref<!tpu.dma_semaphore, #tpu.memory_space<semaphore_mem>>) src(%dma_wait3A_140 : memref<50x32xf32, #tpu.memory_space<vmem>>) dst(%dma_wait3A_137 : memref<50x32xf32, #tpu.memory_space<hbm>>)
    %add3A_141 = arith.constant 480 : i32
    %add3A_142 = arith.addi %mul3A_2, %add3A_141 : i32
    %add3A_143 = arith.constant 7 : i32
    %add3A_144 = arith.addi %add3A_142, %add3A_143 : i32
    %dma_wait3A_145 = arith.constant 350 : i32
    %dma_wait3A_146 = arith.constant 0 : i32
    %dma_wait3A_147 = tpu.memref_slice %arg8[%dma_wait3A_145, %dma_wait3A_146] : memref<800x32xf32, #tpu.memory_space<vmem>> -> memref<50x32xf32, #tpu.memory_space<vmem>>
    %dma_wait3A_148 = arith.constant 0 : i32
    %dma_wait3A_149 = arith.constant 0 : i32
    %dma_wait3A_150 = tpu.memref_slice %arg4[%add3A_144, %dma_wait3A_148, %dma_wait3A_149] : memref<16384x50x32xf32, #tpu.memory_space<hbm>> -> memref<1x50x32xf32, #tpu.memory_space<hbm>>
    %dma_wait3A_151 = tpu.memref_squeeze %dma_wait3A_150 : memref<1x50x32xf32, #tpu.memory_space<hbm>> -> memref<50x32xf32, #tpu.memory_space<hbm>>
    %dma_wait3A_152 = arith.constant 0 : i32
    %dma_wait3A_153 = arith.constant 0 : i32
    %dma_wait3A_154 = tpu.memref_slice %arg4[%add3A_144, %dma_wait3A_152, %dma_wait3A_153] : memref<16384x50x32xf32, #tpu.memory_space<hbm>> -> memref<1x50x32xf32, #tpu.memory_space<hbm>>
    %dma_wait3A_155 = tpu.memref_squeeze %dma_wait3A_154 : memref<1x50x32xf32, #tpu.memory_space<hbm>> -> memref<50x32xf32, #tpu.memory_space<hbm>>
    %dma_wait3A_156 = arith.constant 350 : i32
    %dma_wait3A_157 = arith.constant 0 : i32
    %dma_wait3A_158 = tpu.memref_slice %arg8[%dma_wait3A_156, %dma_wait3A_157] : memref<800x32xf32, #tpu.memory_space<vmem>> -> memref<50x32xf32, #tpu.memory_space<vmem>>
    tpu.wait_dma2 semaphore(%arg16 : memref<!tpu.dma_semaphore, #tpu.memory_space<semaphore_mem>>) src(%dma_wait3A_158 : memref<50x32xf32, #tpu.memory_space<vmem>>) dst(%dma_wait3A_155 : memref<50x32xf32, #tpu.memory_space<hbm>>)
    %add3A_159 = arith.constant 480 : i32
    %add3A_160 = arith.addi %mul3A_2, %add3A_159 : i32
    %add3A_161 = arith.constant 8 : i32
    %add3A_162 = arith.addi %add3A_160, %add3A_161 : i32
    %dma_wait3A_163 = arith.constant 400 : i32
    %dma_wait3A_164 = arith.constant 0 : i32
    %dma_wait3A_165 = tpu.memref_slice %arg8[%dma_wait3A_163, %dma_wait3A_164] : memref<800x32xf32, #tpu.memory_space<vmem>> -> memref<50x32xf32, #tpu.memory_space<vmem>>
    %dma_wait3A_166 = arith.constant 0 : i32
    %dma_wait3A_167 = arith.constant 0 : i32
    %dma_wait3A_168 = tpu.memref_slice %arg4[%add3A_162, %dma_wait3A_166, %dma_wait3A_167] : memref<16384x50x32xf32, #tpu.memory_space<hbm>> -> memref<1x50x32xf32, #tpu.memory_space<hbm>>
    %dma_wait3A_169 = tpu.memref_squeeze %dma_wait3A_168 : memref<1x50x32xf32, #tpu.memory_space<hbm>> -> memref<50x32xf32, #tpu.memory_space<hbm>>
    %dma_wait3A_170 = arith.constant 0 : i32
    %dma_wait3A_171 = arith.constant 0 : i32
    %dma_wait3A_172 = tpu.memref_slice %arg4[%add3A_162, %dma_wait3A_170, %dma_wait3A_171] : memref<16384x50x32xf32, #tpu.memory_space<hbm>> -> memref<1x50x32xf32, #tpu.memory_space<hbm>>
    %dma_wait3A_173 = tpu.memref_squeeze %dma_wait3A_172 : memref<1x50x32xf32, #tpu.memory_space<hbm>> -> memref<50x32xf32, #tpu.memory_space<hbm>>
    %dma_wait3A_174 = arith.constant 400 : i32
    %dma_wait3A_175 = arith.constant 0 : i32
    %dma_wait3A_176 = tpu.memref_slice %arg8[%dma_wait3A_174, %dma_wait3A_175] : memref<800x32xf32, #tpu.memory_space<vmem>> -> memref<50x32xf32, #tpu.memory_space<vmem>>
    tpu.wait_dma2 semaphore(%arg16 : memref<!tpu.dma_semaphore, #tpu.memory_space<semaphore_mem>>) src(%dma_wait3A_176 : memref<50x32xf32, #tpu.memory_space<vmem>>) dst(%dma_wait3A_173 : memref<50x32xf32, #tpu.memory_space<hbm>>)
    %add3A_177 = arith.constant 480 : i32
    %add3A_178 = arith.addi %mul3A_2, %add3A_177 : i32
    %add3A_179 = arith.constant 9 : i32
    %add3A_180 = arith.addi %add3A_178, %add3A_179 : i32
    %dma_wait3A_181 = arith.constant 450 : i32
    %dma_wait3A_182 = arith.constant 0 : i32
    %dma_wait3A_183 = tpu.memref_slice %arg8[%dma_wait3A_181, %dma_wait3A_182] : memref<800x32xf32, #tpu.memory_space<vmem>> -> memref<50x32xf32, #tpu.memory_space<vmem>>
    %dma_wait3A_184 = arith.constant 0 : i32
    %dma_wait3A_185 = arith.constant 0 : i32
    %dma_wait3A_186 = tpu.memref_slice %arg4[%add3A_180, %dma_wait3A_184, %dma_wait3A_185] : memref<16384x50x32xf32, #tpu.memory_space<hbm>> -> memref<1x50x32xf32, #tpu.memory_space<hbm>>
    %dma_wait3A_187 = tpu.memref_squeeze %dma_wait3A_186 : memref<1x50x32xf32, #tpu.memory_space<hbm>> -> memref<50x32xf32, #tpu.memory_space<hbm>>
    %dma_wait3A_188 = arith.constant 0 : i32
    %dma_wait3A_189 = arith.constant 0 : i32
    %dma_wait3A_190 = tpu.memref_slice %arg4[%add3A_180, %dma_wait3A_188, %dma_wait3A_189] : memref<16384x50x32xf32, #tpu.memory_space<hbm>> -> memref<1x50x32xf32, #tpu.memory_space<hbm>>
    %dma_wait3A_191 = tpu.memref_squeeze %dma_wait3A_190 : memref<1x50x32xf32, #tpu.memory_space<hbm>> -> memref<50x32xf32, #tpu.memory_space<hbm>>
    %dma_wait3A_192 = arith.constant 450 : i32
    %dma_wait3A_193 = arith.constant 0 : i32
    %dma_wait3A_194 = tpu.memref_slice %arg8[%dma_wait3A_192, %dma_wait3A_193] : memref<800x32xf32, #tpu.memory_space<vmem>> -> memref<50x32xf32, #tpu.memory_space<vmem>>
    tpu.wait_dma2 semaphore(%arg16 : memref<!tpu.dma_semaphore, #tpu.memory_space<semaphore_mem>>) src(%dma_wait3A_194 : memref<50x32xf32, #tpu.memory_space<vmem>>) dst(%dma_wait3A_191 : memref<50x32xf32, #tpu.memory_space<hbm>>)
    %add3A_195 = arith.constant 480 : i32
    %add3A_196 = arith.addi %mul3A_2, %add3A_195 : i32
    %add3A_197 = arith.constant 10 : i32
    %add3A_198 = arith.addi %add3A_196, %add3A_197 : i32
    %dma_wait3A_199 = arith.constant 500 : i32
    %dma_wait3A_200 = arith.constant 0 : i32
    %dma_wait3A_201 = tpu.memref_slice %arg8[%dma_wait3A_199, %dma_wait3A_200] : memref<800x32xf32, #tpu.memory_space<vmem>> -> memref<50x32xf32, #tpu.memory_space<vmem>>
    %dma_wait3A_202 = arith.constant 0 : i32
    %dma_wait3A_203 = arith.constant 0 : i32
    %dma_wait3A_204 = tpu.memref_slice %arg4[%add3A_198, %dma_wait3A_202, %dma_wait3A_203] : memref<16384x50x32xf32, #tpu.memory_space<hbm>> -> memref<1x50x32xf32, #tpu.memory_space<hbm>>
    %dma_wait3A_205 = tpu.memref_squeeze %dma_wait3A_204 : memref<1x50x32xf32, #tpu.memory_space<hbm>> -> memref<50x32xf32, #tpu.memory_space<hbm>>
    %dma_wait3A_206 = arith.constant 0 : i32
    %dma_wait3A_207 = arith.constant 0 : i32
    %dma_wait3A_208 = tpu.memref_slice %arg4[%add3A_198, %dma_wait3A_206, %dma_wait3A_207] : memref<16384x50x32xf32, #tpu.memory_space<hbm>> -> memref<1x50x32xf32, #tpu.memory_space<hbm>>
    %dma_wait3A_209 = tpu.memref_squeeze %dma_wait3A_208 : memref<1x50x32xf32, #tpu.memory_space<hbm>> -> memref<50x32xf32, #tpu.memory_space<hbm>>
    %dma_wait3A_210 = arith.constant 500 : i32
    %dma_wait3A_211 = arith.constant 0 : i32
    %dma_wait3A_212 = tpu.memref_slice %arg8[%dma_wait3A_210, %dma_wait3A_211] : memref<800x32xf32, #tpu.memory_space<vmem>> -> memref<50x32xf32, #tpu.memory_space<vmem>>
    tpu.wait_dma2 semaphore(%arg16 : memref<!tpu.dma_semaphore, #tpu.memory_space<semaphore_mem>>) src(%dma_wait3A_212 : memref<50x32xf32, #tpu.memory_space<vmem>>) dst(%dma_wait3A_209 : memref<50x32xf32, #tpu.memory_space<hbm>>)
    %add3A_213 = arith.constant 480 : i32
    %add3A_214 = arith.addi %mul3A_2, %add3A_213 : i32
    %add3A_215 = arith.constant 11 : i32
    %add3A_216 = arith.addi %add3A_214, %add3A_215 : i32
    %dma_wait3A_217 = arith.constant 550 : i32
    %dma_wait3A_218 = arith.constant 0 : i32
    %dma_wait3A_219 = tpu.memref_slice %arg8[%dma_wait3A_217, %dma_wait3A_218] : memref<800x32xf32, #tpu.memory_space<vmem>> -> memref<50x32xf32, #tpu.memory_space<vmem>>
    %dma_wait3A_220 = arith.constant 0 : i32
    %dma_wait3A_221 = arith.constant 0 : i32
    %dma_wait3A_222 = tpu.memref_slice %arg4[%add3A_216, %dma_wait3A_220, %dma_wait3A_221] : memref<16384x50x32xf32, #tpu.memory_space<hbm>> -> memref<1x50x32xf32, #tpu.memory_space<hbm>>
    %dma_wait3A_223 = tpu.memref_squeeze %dma_wait3A_222 : memref<1x50x32xf32, #tpu.memory_space<hbm>> -> memref<50x32xf32, #tpu.memory_space<hbm>>
    %dma_wait3A_224 = arith.constant 0 : i32
    %dma_wait3A_225 = arith.constant 0 : i32
    %dma_wait3A_226 = tpu.memref_slice %arg4[%add3A_216, %dma_wait3A_224, %dma_wait3A_225] : memref<16384x50x32xf32, #tpu.memory_space<hbm>> -> memref<1x50x32xf32, #tpu.memory_space<hbm>>
    %dma_wait3A_227 = tpu.memref_squeeze %dma_wait3A_226 : memref<1x50x32xf32, #tpu.memory_space<hbm>> -> memref<50x32xf32, #tpu.memory_space<hbm>>
    %dma_wait3A_228 = arith.constant 550 : i32
    %dma_wait3A_229 = arith.constant 0 : i32
    %dma_wait3A_230 = tpu.memref_slice %arg8[%dma_wait3A_228, %dma_wait3A_229] : memref<800x32xf32, #tpu.memory_space<vmem>> -> memref<50x32xf32, #tpu.memory_space<vmem>>
    tpu.wait_dma2 semaphore(%arg16 : memref<!tpu.dma_semaphore, #tpu.memory_space<semaphore_mem>>) src(%dma_wait3A_230 : memref<50x32xf32, #tpu.memory_space<vmem>>) dst(%dma_wait3A_227 : memref<50x32xf32, #tpu.memory_space<hbm>>)
    %add3A_231 = arith.constant 480 : i32
    %add3A_232 = arith.addi %mul3A_2, %add3A_231 : i32
    %add3A_233 = arith.constant 12 : i32
    %add3A_234 = arith.addi %add3A_232, %add3A_233 : i32
    %dma_wait3A_235 = arith.constant 600 : i32
    %dma_wait3A_236 = arith.constant 0 : i32
    %dma_wait3A_237 = tpu.memref_slice %arg8[%dma_wait3A_235, %dma_wait3A_236] : memref<800x32xf32, #tpu.memory_space<vmem>> -> memref<50x32xf32, #tpu.memory_space<vmem>>
    %dma_wait3A_238 = arith.constant 0 : i32
    %dma_wait3A_239 = arith.constant 0 : i32
    %dma_wait3A_240 = tpu.memref_slice %arg4[%add3A_234, %dma_wait3A_238, %dma_wait3A_239] : memref<16384x50x32xf32, #tpu.memory_space<hbm>> -> memref<1x50x32xf32, #tpu.memory_space<hbm>>
    %dma_wait3A_241 = tpu.memref_squeeze %dma_wait3A_240 : memref<1x50x32xf32, #tpu.memory_space<hbm>> -> memref<50x32xf32, #tpu.memory_space<hbm>>
    %dma_wait3A_242 = arith.constant 0 : i32
    %dma_wait3A_243 = arith.constant 0 : i32
    %dma_wait3A_244 = tpu.memref_slice %arg4[%add3A_234, %dma_wait3A_242, %dma_wait3A_243] : memref<16384x50x32xf32, #tpu.memory_space<hbm>> -> memref<1x50x32xf32, #tpu.memory_space<hbm>>
    %dma_wait3A_245 = tpu.memref_squeeze %dma_wait3A_244 : memref<1x50x32xf32, #tpu.memory_space<hbm>> -> memref<50x32xf32, #tpu.memory_space<hbm>>
    %dma_wait3A_246 = arith.constant 600 : i32
    %dma_wait3A_247 = arith.constant 0 : i32
    %dma_wait3A_248 = tpu.memref_slice %arg8[%dma_wait3A_246, %dma_wait3A_247] : memref<800x32xf32, #tpu.memory_space<vmem>> -> memref<50x32xf32, #tpu.memory_space<vmem>>
    tpu.wait_dma2 semaphore(%arg16 : memref<!tpu.dma_semaphore, #tpu.memory_space<semaphore_mem>>) src(%dma_wait3A_248 : memref<50x32xf32, #tpu.memory_space<vmem>>) dst(%dma_wait3A_245 : memref<50x32xf32, #tpu.memory_space<hbm>>)
    %add3A_249 = arith.constant 480 : i32
    %add3A_250 = arith.addi %mul3A_2, %add3A_249 : i32
    %add3A_251 = arith.constant 13 : i32
    %add3A_252 = arith.addi %add3A_250, %add3A_251 : i32
    %dma_wait3A_253 = arith.constant 650 : i32
    %dma_wait3A_254 = arith.constant 0 : i32
    %dma_wait3A_255 = tpu.memref_slice %arg8[%dma_wait3A_253, %dma_wait3A_254] : memref<800x32xf32, #tpu.memory_space<vmem>> -> memref<50x32xf32, #tpu.memory_space<vmem>>
    %dma_wait3A_256 = arith.constant 0 : i32
    %dma_wait3A_257 = arith.constant 0 : i32
    %dma_wait3A_258 = tpu.memref_slice %arg4[%add3A_252, %dma_wait3A_256, %dma_wait3A_257] : memref<16384x50x32xf32, #tpu.memory_space<hbm>> -> memref<1x50x32xf32, #tpu.memory_space<hbm>>
    %dma_wait3A_259 = tpu.memref_squeeze %dma_wait3A_258 : memref<1x50x32xf32, #tpu.memory_space<hbm>> -> memref<50x32xf32, #tpu.memory_space<hbm>>
    %dma_wait3A_260 = arith.constant 0 : i32
    %dma_wait3A_261 = arith.constant 0 : i32
    %dma_wait3A_262 = tpu.memref_slice %arg4[%add3A_252, %dma_wait3A_260, %dma_wait3A_261] : memref<16384x50x32xf32, #tpu.memory_space<hbm>> -> memref<1x50x32xf32, #tpu.memory_space<hbm>>
    %dma_wait3A_263 = tpu.memref_squeeze %dma_wait3A_262 : memref<1x50x32xf32, #tpu.memory_space<hbm>> -> memref<50x32xf32, #tpu.memory_space<hbm>>
    %dma_wait3A_264 = arith.constant 650 : i32
    %dma_wait3A_265 = arith.constant 0 : i32
    %dma_wait3A_266 = tpu.memref_slice %arg8[%dma_wait3A_264, %dma_wait3A_265] : memref<800x32xf32, #tpu.memory_space<vmem>> -> memref<50x32xf32, #tpu.memory_space<vmem>>
    tpu.wait_dma2 semaphore(%arg16 : memref<!tpu.dma_semaphore, #tpu.memory_space<semaphore_mem>>) src(%dma_wait3A_266 : memref<50x32xf32, #tpu.memory_space<vmem>>) dst(%dma_wait3A_263 : memref<50x32xf32, #tpu.memory_space<hbm>>)
    %add3A_267 = arith.constant 480 : i32
    %add3A_268 = arith.addi %mul3A_2, %add3A_267 : i32
    %add3A_269 = arith.constant 14 : i32
    %add3A_270 = arith.addi %add3A_268, %add3A_269 : i32
    %dma_wait3A_271 = arith.constant 700 : i32
    %dma_wait3A_272 = arith.constant 0 : i32
    %dma_wait3A_273 = tpu.memref_slice %arg8[%dma_wait3A_271, %dma_wait3A_272] : memref<800x32xf32, #tpu.memory_space<vmem>> -> memref<50x32xf32, #tpu.memory_space<vmem>>
    %dma_wait3A_274 = arith.constant 0 : i32
    %dma_wait3A_275 = arith.constant 0 : i32
    %dma_wait3A_276 = tpu.memref_slice %arg4[%add3A_270, %dma_wait3A_274, %dma_wait3A_275] : memref<16384x50x32xf32, #tpu.memory_space<hbm>> -> memref<1x50x32xf32, #tpu.memory_space<hbm>>
    %dma_wait3A_277 = tpu.memref_squeeze %dma_wait3A_276 : memref<1x50x32xf32, #tpu.memory_space<hbm>> -> memref<50x32xf32, #tpu.memory_space<hbm>>
    %dma_wait3A_278 = arith.constant 0 : i32
    %dma_wait3A_279 = arith.constant 0 : i32
    %dma_wait3A_280 = tpu.memref_slice %arg4[%add3A_270, %dma_wait3A_278, %dma_wait3A_279] : memref<16384x50x32xf32, #tpu.memory_space<hbm>> -> memref<1x50x32xf32, #tpu.memory_space<hbm>>
    %dma_wait3A_281 = tpu.memref_squeeze %dma_wait3A_280 : memref<1x50x32xf32, #tpu.memory_space<hbm>> -> memref<50x32xf32, #tpu.memory_space<hbm>>
    %dma_wait3A_282 = arith.constant 700 : i32
    %dma_wait3A_283 = arith.constant 0 : i32
    %dma_wait3A_284 = tpu.memref_slice %arg8[%dma_wait3A_282, %dma_wait3A_283] : memref<800x32xf32, #tpu.memory_space<vmem>> -> memref<50x32xf32, #tpu.memory_space<vmem>>
    tpu.wait_dma2 semaphore(%arg16 : memref<!tpu.dma_semaphore, #tpu.memory_space<semaphore_mem>>) src(%dma_wait3A_284 : memref<50x32xf32, #tpu.memory_space<vmem>>) dst(%dma_wait3A_281 : memref<50x32xf32, #tpu.memory_space<hbm>>)
    %add3A_285 = arith.constant 480 : i32
    %add3A_286 = arith.addi %mul3A_2, %add3A_285 : i32
    %add3A_287 = arith.constant 15 : i32
    %add3A_288 = arith.addi %add3A_286, %add3A_287 : i32
    %dma_wait3A_289 = arith.constant 750 : i32
    %dma_wait3A_290 = arith.constant 0 : i32
    %dma_wait3A_291 = tpu.memref_slice %arg8[%dma_wait3A_289, %dma_wait3A_290] : memref<800x32xf32, #tpu.memory_space<vmem>> -> memref<50x32xf32, #tpu.memory_space<vmem>>
    %dma_wait3A_292 = arith.constant 0 : i32
    %dma_wait3A_293 = arith.constant 0 : i32
    %dma_wait3A_294 = tpu.memref_slice %arg4[%add3A_288, %dma_wait3A_292, %dma_wait3A_293] : memref<16384x50x32xf32, #tpu.memory_space<hbm>> -> memref<1x50x32xf32, #tpu.memory_space<hbm>>
    %dma_wait3A_295 = tpu.memref_squeeze %dma_wait3A_294 : memref<1x50x32xf32, #tpu.memory_space<hbm>> -> memref<50x32xf32, #tpu.memory_space<hbm>>
    %dma_wait3A_296 = arith.constant 0 : i32
    %dma_wait3A_297 = arith.constant 0 : i32
    %dma_wait3A_298 = tpu.memref_slice %arg4[%add3A_288, %dma_wait3A_296, %dma_wait3A_297] : memref<16384x50x32xf32, #tpu.memory_space<hbm>> -> memref<1x50x32xf32, #tpu.memory_space<hbm>>
    %dma_wait3A_299 = tpu.memref_squeeze %dma_wait3A_298 : memref<1x50x32xf32, #tpu.memory_space<hbm>> -> memref<50x32xf32, #tpu.memory_space<hbm>>
    %dma_wait3A_300 = arith.constant 750 : i32
    %dma_wait3A_301 = arith.constant 0 : i32
    %dma_wait3A_302 = tpu.memref_slice %arg8[%dma_wait3A_300, %dma_wait3A_301] : memref<800x32xf32, #tpu.memory_space<vmem>> -> memref<50x32xf32, #tpu.memory_space<vmem>>
    tpu.wait_dma2 semaphore(%arg16 : memref<!tpu.dma_semaphore, #tpu.memory_space<semaphore_mem>>) src(%dma_wait3A_302 : memref<50x32xf32, #tpu.memory_space<vmem>>) dst(%dma_wait3A_299 : memref<50x32xf32, #tpu.memory_space<hbm>>)
    %add3A_303 = arith.constant 496 : i32
    %add3A_304 = arith.addi %mul3A_2, %add3A_303 : i32
    %add3A_305 = arith.constant 0 : i32
    %add3A_306 = arith.addi %add3A_304, %add3A_305 : i32
    %dma_wait3A_307 = arith.constant 0 : i32
    %dma_wait3A_308 = arith.constant 0 : i32
    %dma_wait3A_309 = tpu.memref_slice %arg9[%dma_wait3A_307, %dma_wait3A_308] : memref<800x32xf32, #tpu.memory_space<vmem>> -> memref<50x32xf32, #tpu.memory_space<vmem>>
    %dma_wait3A_310 = arith.constant 0 : i32
    %dma_wait3A_311 = arith.constant 0 : i32
    %dma_wait3A_312 = tpu.memref_slice %arg4[%add3A_306, %dma_wait3A_310, %dma_wait3A_311] : memref<16384x50x32xf32, #tpu.memory_space<hbm>> -> memref<1x50x32xf32, #tpu.memory_space<hbm>>
    %dma_wait3A_313 = tpu.memref_squeeze %dma_wait3A_312 : memref<1x50x32xf32, #tpu.memory_space<hbm>> -> memref<50x32xf32, #tpu.memory_space<hbm>>
    %dma_wait3A_314 = arith.constant 0 : i32
    %dma_wait3A_315 = arith.constant 0 : i32
    %dma_wait3A_316 = tpu.memref_slice %arg4[%add3A_306, %dma_wait3A_314, %dma_wait3A_315] : memref<16384x50x32xf32, #tpu.memory_space<hbm>> -> memref<1x50x32xf32, #tpu.memory_space<hbm>>
    %dma_wait3A_317 = tpu.memref_squeeze %dma_wait3A_316 : memref<1x50x32xf32, #tpu.memory_space<hbm>> -> memref<50x32xf32, #tpu.memory_space<hbm>>
    %dma_wait3A_318 = arith.constant 0 : i32
    %dma_wait3A_319 = arith.constant 0 : i32
    %dma_wait3A_320 = tpu.memref_slice %arg9[%dma_wait3A_318, %dma_wait3A_319] : memref<800x32xf32, #tpu.memory_space<vmem>> -> memref<50x32xf32, #tpu.memory_space<vmem>>
    tpu.wait_dma2 semaphore(%arg17 : memref<!tpu.dma_semaphore, #tpu.memory_space<semaphore_mem>>) src(%dma_wait3A_320 : memref<50x32xf32, #tpu.memory_space<vmem>>) dst(%dma_wait3A_317 : memref<50x32xf32, #tpu.memory_space<hbm>>)
    %add3A_321 = arith.constant 496 : i32
    %add3A_322 = arith.addi %mul3A_2, %add3A_321 : i32
    %add3A_323 = arith.constant 1 : i32
    %add3A_324 = arith.addi %add3A_322, %add3A_323 : i32
    %dma_wait3A_325 = arith.constant 50 : i32
    %dma_wait3A_326 = arith.constant 0 : i32
    %dma_wait3A_327 = tpu.memref_slice %arg9[%dma_wait3A_325, %dma_wait3A_326] : memref<800x32xf32, #tpu.memory_space<vmem>> -> memref<50x32xf32, #tpu.memory_space<vmem>>
    %dma_wait3A_328 = arith.constant 0 : i32
    %dma_wait3A_329 = arith.constant 0 : i32
    %dma_wait3A_330 = tpu.memref_slice %arg4[%add3A_324, %dma_wait3A_328, %dma_wait3A_329] : memref<16384x50x32xf32, #tpu.memory_space<hbm>> -> memref<1x50x32xf32, #tpu.memory_space<hbm>>
    %dma_wait3A_331 = tpu.memref_squeeze %dma_wait3A_330 : memref<1x50x32xf32, #tpu.memory_space<hbm>> -> memref<50x32xf32, #tpu.memory_space<hbm>>
    %dma_wait3A_332 = arith.constant 0 : i32
    %dma_wait3A_333 = arith.constant 0 : i32
    %dma_wait3A_334 = tpu.memref_slice %arg4[%add3A_324, %dma_wait3A_332, %dma_wait3A_333] : memref<16384x50x32xf32, #tpu.memory_space<hbm>> -> memref<1x50x32xf32, #tpu.memory_space<hbm>>
    %dma_wait3A_335 = tpu.memref_squeeze %dma_wait3A_334 : memref<1x50x32xf32, #tpu.memory_space<hbm>> -> memref<50x32xf32, #tpu.memory_space<hbm>>
    %dma_wait3A_336 = arith.constant 50 : i32
    %dma_wait3A_337 = arith.constant 0 : i32
    %dma_wait3A_338 = tpu.memref_slice %arg9[%dma_wait3A_336, %dma_wait3A_337] : memref<800x32xf32, #tpu.memory_space<vmem>> -> memref<50x32xf32, #tpu.memory_space<vmem>>
    tpu.wait_dma2 semaphore(%arg17 : memref<!tpu.dma_semaphore, #tpu.memory_space<semaphore_mem>>) src(%dma_wait3A_338 : memref<50x32xf32, #tpu.memory_space<vmem>>) dst(%dma_wait3A_335 : memref<50x32xf32, #tpu.memory_space<hbm>>)
    %add3A_339 = arith.constant 496 : i32
    %add3A_340 = arith.addi %mul3A_2, %add3A_339 : i32
    %add3A_341 = arith.constant 2 : i32
    %add3A_342 = arith.addi %add3A_340, %add3A_341 : i32
    %dma_wait3A_343 = arith.constant 100 : i32
    %dma_wait3A_344 = arith.constant 0 : i32
    %dma_wait3A_345 = tpu.memref_slice %arg9[%dma_wait3A_343, %dma_wait3A_344] : memref<800x32xf32, #tpu.memory_space<vmem>> -> memref<50x32xf32, #tpu.memory_space<vmem>>
    %dma_wait3A_346 = arith.constant 0 : i32
    %dma_wait3A_347 = arith.constant 0 : i32
    %dma_wait3A_348 = tpu.memref_slice %arg4[%add3A_342, %dma_wait3A_346, %dma_wait3A_347] : memref<16384x50x32xf32, #tpu.memory_space<hbm>> -> memref<1x50x32xf32, #tpu.memory_space<hbm>>
    %dma_wait3A_349 = tpu.memref_squeeze %dma_wait3A_348 : memref<1x50x32xf32, #tpu.memory_space<hbm>> -> memref<50x32xf32, #tpu.memory_space<hbm>>
    %dma_wait3A_350 = arith.constant 0 : i32
    %dma_wait3A_351 = arith.constant 0 : i32
    %dma_wait3A_352 = tpu.memref_slice %arg4[%add3A_342, %dma_wait3A_350, %dma_wait3A_351] : memref<16384x50x32xf32, #tpu.memory_space<hbm>> -> memref<1x50x32xf32, #tpu.memory_space<hbm>>
    %dma_wait3A_353 = tpu.memref_squeeze %dma_wait3A_352 : memref<1x50x32xf32, #tpu.memory_space<hbm>> -> memref<50x32xf32, #tpu.memory_space<hbm>>
    %dma_wait3A_354 = arith.constant 100 : i32
    %dma_wait3A_355 = arith.constant 0 : i32
    %dma_wait3A_356 = tpu.memref_slice %arg9[%dma_wait3A_354, %dma_wait3A_355] : memref<800x32xf32, #tpu.memory_space<vmem>> -> memref<50x32xf32, #tpu.memory_space<vmem>>
    tpu.wait_dma2 semaphore(%arg17 : memref<!tpu.dma_semaphore, #tpu.memory_space<semaphore_mem>>) src(%dma_wait3A_356 : memref<50x32xf32, #tpu.memory_space<vmem>>) dst(%dma_wait3A_353 : memref<50x32xf32, #tpu.memory_space<hbm>>)
    %add3A_357 = arith.constant 496 : i32
    %add3A_358 = arith.addi %mul3A_2, %add3A_357 : i32
    %add3A_359 = arith.constant 3 : i32
    %add3A_360 = arith.addi %add3A_358, %add3A_359 : i32
    %dma_wait3A_361 = arith.constant 150 : i32
    %dma_wait3A_362 = arith.constant 0 : i32
    %dma_wait3A_363 = tpu.memref_slice %arg9[%dma_wait3A_361, %dma_wait3A_362] : memref<800x32xf32, #tpu.memory_space<vmem>> -> memref<50x32xf32, #tpu.memory_space<vmem>>
    %dma_wait3A_364 = arith.constant 0 : i32
    %dma_wait3A_365 = arith.constant 0 : i32
    %dma_wait3A_366 = tpu.memref_slice %arg4[%add3A_360, %dma_wait3A_364, %dma_wait3A_365] : memref<16384x50x32xf32, #tpu.memory_space<hbm>> -> memref<1x50x32xf32, #tpu.memory_space<hbm>>
    %dma_wait3A_367 = tpu.memref_squeeze %dma_wait3A_366 : memref<1x50x32xf32, #tpu.memory_space<hbm>> -> memref<50x32xf32, #tpu.memory_space<hbm>>
    %dma_wait3A_368 = arith.constant 0 : i32
    %dma_wait3A_369 = arith.constant 0 : i32
    %dma_wait3A_370 = tpu.memref_slice %arg4[%add3A_360, %dma_wait3A_368, %dma_wait3A_369] : memref<16384x50x32xf32, #tpu.memory_space<hbm>> -> memref<1x50x32xf32, #tpu.memory_space<hbm>>
    %dma_wait3A_371 = tpu.memref_squeeze %dma_wait3A_370 : memref<1x50x32xf32, #tpu.memory_space<hbm>> -> memref<50x32xf32, #tpu.memory_space<hbm>>
    %dma_wait3A_372 = arith.constant 150 : i32
    %dma_wait3A_373 = arith.constant 0 : i32
    %dma_wait3A_374 = tpu.memref_slice %arg9[%dma_wait3A_372, %dma_wait3A_373] : memref<800x32xf32, #tpu.memory_space<vmem>> -> memref<50x32xf32, #tpu.memory_space<vmem>>
    tpu.wait_dma2 semaphore(%arg17 : memref<!tpu.dma_semaphore, #tpu.memory_space<semaphore_mem>>) src(%dma_wait3A_374 : memref<50x32xf32, #tpu.memory_space<vmem>>) dst(%dma_wait3A_371 : memref<50x32xf32, #tpu.memory_space<hbm>>)
    %add3A_375 = arith.constant 496 : i32
    %add3A_376 = arith.addi %mul3A_2, %add3A_375 : i32
    %add3A_377 = arith.constant 4 : i32
    %add3A_378 = arith.addi %add3A_376, %add3A_377 : i32
    %dma_wait3A_379 = arith.constant 200 : i32
    %dma_wait3A_380 = arith.constant 0 : i32
    %dma_wait3A_381 = tpu.memref_slice %arg9[%dma_wait3A_379, %dma_wait3A_380] : memref<800x32xf32, #tpu.memory_space<vmem>> -> memref<50x32xf32, #tpu.memory_space<vmem>>
    %dma_wait3A_382 = arith.constant 0 : i32
    %dma_wait3A_383 = arith.constant 0 : i32
    %dma_wait3A_384 = tpu.memref_slice %arg4[%add3A_378, %dma_wait3A_382, %dma_wait3A_383] : memref<16384x50x32xf32, #tpu.memory_space<hbm>> -> memref<1x50x32xf32, #tpu.memory_space<hbm>>
    %dma_wait3A_385 = tpu.memref_squeeze %dma_wait3A_384 : memref<1x50x32xf32, #tpu.memory_space<hbm>> -> memref<50x32xf32, #tpu.memory_space<hbm>>
    %dma_wait3A_386 = arith.constant 0 : i32
    %dma_wait3A_387 = arith.constant 0 : i32
    %dma_wait3A_388 = tpu.memref_slice %arg4[%add3A_378, %dma_wait3A_386, %dma_wait3A_387] : memref<16384x50x32xf32, #tpu.memory_space<hbm>> -> memref<1x50x32xf32, #tpu.memory_space<hbm>>
    %dma_wait3A_389 = tpu.memref_squeeze %dma_wait3A_388 : memref<1x50x32xf32, #tpu.memory_space<hbm>> -> memref<50x32xf32, #tpu.memory_space<hbm>>
    %dma_wait3A_390 = arith.constant 200 : i32
    %dma_wait3A_391 = arith.constant 0 : i32
    %dma_wait3A_392 = tpu.memref_slice %arg9[%dma_wait3A_390, %dma_wait3A_391] : memref<800x32xf32, #tpu.memory_space<vmem>> -> memref<50x32xf32, #tpu.memory_space<vmem>>
    tpu.wait_dma2 semaphore(%arg17 : memref<!tpu.dma_semaphore, #tpu.memory_space<semaphore_mem>>) src(%dma_wait3A_392 : memref<50x32xf32, #tpu.memory_space<vmem>>) dst(%dma_wait3A_389 : memref<50x32xf32, #tpu.memory_space<hbm>>)
    %add3A_393 = arith.constant 496 : i32
    %add3A_394 = arith.addi %mul3A_2, %add3A_393 : i32
    %add3A_395 = arith.constant 5 : i32
    %add3A_396 = arith.addi %add3A_394, %add3A_395 : i32
    %dma_wait3A_397 = arith.constant 250 : i32
    %dma_wait3A_398 = arith.constant 0 : i32
    %dma_wait3A_399 = tpu.memref_slice %arg9[%dma_wait3A_397, %dma_wait3A_398] : memref<800x32xf32, #tpu.memory_space<vmem>> -> memref<50x32xf32, #tpu.memory_space<vmem>>
    %dma_wait3A_400 = arith.constant 0 : i32
    %dma_wait3A_401 = arith.constant 0 : i32
    %dma_wait3A_402 = tpu.memref_slice %arg4[%add3A_396, %dma_wait3A_400, %dma_wait3A_401] : memref<16384x50x32xf32, #tpu.memory_space<hbm>> -> memref<1x50x32xf32, #tpu.memory_space<hbm>>
    %dma_wait3A_403 = tpu.memref_squeeze %dma_wait3A_402 : memref<1x50x32xf32, #tpu.memory_space<hbm>> -> memref<50x32xf32, #tpu.memory_space<hbm>>
    %dma_wait3A_404 = arith.constant 0 : i32
    %dma_wait3A_405 = arith.constant 0 : i32
    %dma_wait3A_406 = tpu.memref_slice %arg4[%add3A_396, %dma_wait3A_404, %dma_wait3A_405] : memref<16384x50x32xf32, #tpu.memory_space<hbm>> -> memref<1x50x32xf32, #tpu.memory_space<hbm>>
    %dma_wait3A_407 = tpu.memref_squeeze %dma_wait3A_406 : memref<1x50x32xf32, #tpu.memory_space<hbm>> -> memref<50x32xf32, #tpu.memory_space<hbm>>
    %dma_wait3A_408 = arith.constant 250 : i32
    %dma_wait3A_409 = arith.constant 0 : i32
    %dma_wait3A_410 = tpu.memref_slice %arg9[%dma_wait3A_408, %dma_wait3A_409] : memref<800x32xf32, #tpu.memory_space<vmem>> -> memref<50x32xf32, #tpu.memory_space<vmem>>
    tpu.wait_dma2 semaphore(%arg17 : memref<!tpu.dma_semaphore, #tpu.memory_space<semaphore_mem>>) src(%dma_wait3A_410 : memref<50x32xf32, #tpu.memory_space<vmem>>) dst(%dma_wait3A_407 : memref<50x32xf32, #tpu.memory_space<hbm>>)
    %add3A_411 = arith.constant 496 : i32
    %add3A_412 = arith.addi %mul3A_2, %add3A_411 : i32
    %add3A_413 = arith.constant 6 : i32
    %add3A_414 = arith.addi %add3A_412, %add3A_413 : i32
    %dma_wait3A_415 = arith.constant 300 : i32
    %dma_wait3A_416 = arith.constant 0 : i32
    %dma_wait3A_417 = tpu.memref_slice %arg9[%dma_wait3A_415, %dma_wait3A_416] : memref<800x32xf32, #tpu.memory_space<vmem>> -> memref<50x32xf32, #tpu.memory_space<vmem>>
    %dma_wait3A_418 = arith.constant 0 : i32
    %dma_wait3A_419 = arith.constant 0 : i32
    %dma_wait3A_420 = tpu.memref_slice %arg4[%add3A_414, %dma_wait3A_418, %dma_wait3A_419] : memref<16384x50x32xf32, #tpu.memory_space<hbm>> -> memref<1x50x32xf32, #tpu.memory_space<hbm>>
    %dma_wait3A_421 = tpu.memref_squeeze %dma_wait3A_420 : memref<1x50x32xf32, #tpu.memory_space<hbm>> -> memref<50x32xf32, #tpu.memory_space<hbm>>
    %dma_wait3A_422 = arith.constant 0 : i32
    %dma_wait3A_423 = arith.constant 0 : i32
    %dma_wait3A_424 = tpu.memref_slice %arg4[%add3A_414, %dma_wait3A_422, %dma_wait3A_423] : memref<16384x50x32xf32, #tpu.memory_space<hbm>> -> memref<1x50x32xf32, #tpu.memory_space<hbm>>
    %dma_wait3A_425 = tpu.memref_squeeze %dma_wait3A_424 : memref<1x50x32xf32, #tpu.memory_space<hbm>> -> memref<50x32xf32, #tpu.memory_space<hbm>>
    %dma_wait3A_426 = arith.constant 300 : i32
    %dma_wait3A_427 = arith.constant 0 : i32
    %dma_wait3A_428 = tpu.memref_slice %arg9[%dma_wait3A_426, %dma_wait3A_427] : memref<800x32xf32, #tpu.memory_space<vmem>> -> memref<50x32xf32, #tpu.memory_space<vmem>>
    tpu.wait_dma2 semaphore(%arg17 : memref<!tpu.dma_semaphore, #tpu.memory_space<semaphore_mem>>) src(%dma_wait3A_428 : memref<50x32xf32, #tpu.memory_space<vmem>>) dst(%dma_wait3A_425 : memref<50x32xf32, #tpu.memory_space<hbm>>)
    %add3A_429 = arith.constant 496 : i32
    %add3A_430 = arith.addi %mul3A_2, %add3A_429 : i32
    %add3A_431 = arith.constant 7 : i32
    %add3A_432 = arith.addi %add3A_430, %add3A_431 : i32
    %dma_wait3A_433 = arith.constant 350 : i32
    %dma_wait3A_434 = arith.constant 0 : i32
    %dma_wait3A_435 = tpu.memref_slice %arg9[%dma_wait3A_433, %dma_wait3A_434] : memref<800x32xf32, #tpu.memory_space<vmem>> -> memref<50x32xf32, #tpu.memory_space<vmem>>
    %dma_wait3A_436 = arith.constant 0 : i32
    %dma_wait3A_437 = arith.constant 0 : i32
    %dma_wait3A_438 = tpu.memref_slice %arg4[%add3A_432, %dma_wait3A_436, %dma_wait3A_437] : memref<16384x50x32xf32, #tpu.memory_space<hbm>> -> memref<1x50x32xf32, #tpu.memory_space<hbm>>
    %dma_wait3A_439 = tpu.memref_squeeze %dma_wait3A_438 : memref<1x50x32xf32, #tpu.memory_space<hbm>> -> memref<50x32xf32, #tpu.memory_space<hbm>>
    %dma_wait3A_440 = arith.constant 0 : i32
    %dma_wait3A_441 = arith.constant 0 : i32
    %dma_wait3A_442 = tpu.memref_slice %arg4[%add3A_432, %dma_wait3A_440, %dma_wait3A_441] : memref<16384x50x32xf32, #tpu.memory_space<hbm>> -> memref<1x50x32xf32, #tpu.memory_space<hbm>>
    %dma_wait3A_443 = tpu.memref_squeeze %dma_wait3A_442 : memref<1x50x32xf32, #tpu.memory_space<hbm>> -> memref<50x32xf32, #tpu.memory_space<hbm>>
    %dma_wait3A_444 = arith.constant 350 : i32
    %dma_wait3A_445 = arith.constant 0 : i32
    %dma_wait3A_446 = tpu.memref_slice %arg9[%dma_wait3A_444, %dma_wait3A_445] : memref<800x32xf32, #tpu.memory_space<vmem>> -> memref<50x32xf32, #tpu.memory_space<vmem>>
    tpu.wait_dma2 semaphore(%arg17 : memref<!tpu.dma_semaphore, #tpu.memory_space<semaphore_mem>>) src(%dma_wait3A_446 : memref<50x32xf32, #tpu.memory_space<vmem>>) dst(%dma_wait3A_443 : memref<50x32xf32, #tpu.memory_space<hbm>>)
    %add3A_447 = arith.constant 496 : i32
    %add3A_448 = arith.addi %mul3A_2, %add3A_447 : i32
    %add3A_449 = arith.constant 8 : i32
    %add3A_450 = arith.addi %add3A_448, %add3A_449 : i32
    %dma_wait3A_451 = arith.constant 400 : i32
    %dma_wait3A_452 = arith.constant 0 : i32
    %dma_wait3A_453 = tpu.memref_slice %arg9[%dma_wait3A_451, %dma_wait3A_452] : memref<800x32xf32, #tpu.memory_space<vmem>> -> memref<50x32xf32, #tpu.memory_space<vmem>>
    %dma_wait3A_454 = arith.constant 0 : i32
    %dma_wait3A_455 = arith.constant 0 : i32
    %dma_wait3A_456 = tpu.memref_slice %arg4[%add3A_450, %dma_wait3A_454, %dma_wait3A_455] : memref<16384x50x32xf32, #tpu.memory_space<hbm>> -> memref<1x50x32xf32, #tpu.memory_space<hbm>>
    %dma_wait3A_457 = tpu.memref_squeeze %dma_wait3A_456 : memref<1x50x32xf32, #tpu.memory_space<hbm>> -> memref<50x32xf32, #tpu.memory_space<hbm>>
    %dma_wait3A_458 = arith.constant 0 : i32
    %dma_wait3A_459 = arith.constant 0 : i32
    %dma_wait3A_460 = tpu.memref_slice %arg4[%add3A_450, %dma_wait3A_458, %dma_wait3A_459] : memref<16384x50x32xf32, #tpu.memory_space<hbm>> -> memref<1x50x32xf32, #tpu.memory_space<hbm>>
    %dma_wait3A_461 = tpu.memref_squeeze %dma_wait3A_460 : memref<1x50x32xf32, #tpu.memory_space<hbm>> -> memref<50x32xf32, #tpu.memory_space<hbm>>
    %dma_wait3A_462 = arith.constant 400 : i32
    %dma_wait3A_463 = arith.constant 0 : i32
    %dma_wait3A_464 = tpu.memref_slice %arg9[%dma_wait3A_462, %dma_wait3A_463] : memref<800x32xf32, #tpu.memory_space<vmem>> -> memref<50x32xf32, #tpu.memory_space<vmem>>
    tpu.wait_dma2 semaphore(%arg17 : memref<!tpu.dma_semaphore, #tpu.memory_space<semaphore_mem>>) src(%dma_wait3A_464 : memref<50x32xf32, #tpu.memory_space<vmem>>) dst(%dma_wait3A_461 : memref<50x32xf32, #tpu.memory_space<hbm>>)
    %add3A_465 = arith.constant 496 : i32
    %add3A_466 = arith.addi %mul3A_2, %add3A_465 : i32
    %add3A_467 = arith.constant 9 : i32
    %add3A_468 = arith.addi %add3A_466, %add3A_467 : i32
    %dma_wait3A_469 = arith.constant 450 : i32
    %dma_wait3A_470 = arith.constant 0 : i32
    %dma_wait3A_471 = tpu.memref_slice %arg9[%dma_wait3A_469, %dma_wait3A_470] : memref<800x32xf32, #tpu.memory_space<vmem>> -> memref<50x32xf32, #tpu.memory_space<vmem>>
    %dma_wait3A_472 = arith.constant 0 : i32
    %dma_wait3A_473 = arith.constant 0 : i32
    %dma_wait3A_474 = tpu.memref_slice %arg4[%add3A_468, %dma_wait3A_472, %dma_wait3A_473] : memref<16384x50x32xf32, #tpu.memory_space<hbm>> -> memref<1x50x32xf32, #tpu.memory_space<hbm>>
    %dma_wait3A_475 = tpu.memref_squeeze %dma_wait3A_474 : memref<1x50x32xf32, #tpu.memory_space<hbm>> -> memref<50x32xf32, #tpu.memory_space<hbm>>
    %dma_wait3A_476 = arith.constant 0 : i32
    %dma_wait3A_477 = arith.constant 0 : i32
    %dma_wait3A_478 = tpu.memref_slice %arg4[%add3A_468, %dma_wait3A_476, %dma_wait3A_477] : memref<16384x50x32xf32, #tpu.memory_space<hbm>> -> memref<1x50x32xf32, #tpu.memory_space<hbm>>
    %dma_wait3A_479 = tpu.memref_squeeze %dma_wait3A_478 : memref<1x50x32xf32, #tpu.memory_space<hbm>> -> memref<50x32xf32, #tpu.memory_space<hbm>>
    %dma_wait3A_480 = arith.constant 450 : i32
    %dma_wait3A_481 = arith.constant 0 : i32
    %dma_wait3A_482 = tpu.memref_slice %arg9[%dma_wait3A_480, %dma_wait3A_481] : memref<800x32xf32, #tpu.memory_space<vmem>> -> memref<50x32xf32, #tpu.memory_space<vmem>>
    tpu.wait_dma2 semaphore(%arg17 : memref<!tpu.dma_semaphore, #tpu.memory_space<semaphore_mem>>) src(%dma_wait3A_482 : memref<50x32xf32, #tpu.memory_space<vmem>>) dst(%dma_wait3A_479 : memref<50x32xf32, #tpu.memory_space<hbm>>)
    %add3A_483 = arith.constant 496 : i32
    %add3A_484 = arith.addi %mul3A_2, %add3A_483 : i32
    %add3A_485 = arith.constant 10 : i32
    %add3A_486 = arith.addi %add3A_484, %add3A_485 : i32
    %dma_wait3A_487 = arith.constant 500 : i32
    %dma_wait3A_488 = arith.constant 0 : i32
    %dma_wait3A_489 = tpu.memref_slice %arg9[%dma_wait3A_487, %dma_wait3A_488] : memref<800x32xf32, #tpu.memory_space<vmem>> -> memref<50x32xf32, #tpu.memory_space<vmem>>
    %dma_wait3A_490 = arith.constant 0 : i32
    %dma_wait3A_491 = arith.constant 0 : i32
    %dma_wait3A_492 = tpu.memref_slice %arg4[%add3A_486, %dma_wait3A_490, %dma_wait3A_491] : memref<16384x50x32xf32, #tpu.memory_space<hbm>> -> memref<1x50x32xf32, #tpu.memory_space<hbm>>
    %dma_wait3A_493 = tpu.memref_squeeze %dma_wait3A_492 : memref<1x50x32xf32, #tpu.memory_space<hbm>> -> memref<50x32xf32, #tpu.memory_space<hbm>>
    %dma_wait3A_494 = arith.constant 0 : i32
    %dma_wait3A_495 = arith.constant 0 : i32
    %dma_wait3A_496 = tpu.memref_slice %arg4[%add3A_486, %dma_wait3A_494, %dma_wait3A_495] : memref<16384x50x32xf32, #tpu.memory_space<hbm>> -> memref<1x50x32xf32, #tpu.memory_space<hbm>>
    %dma_wait3A_497 = tpu.memref_squeeze %dma_wait3A_496 : memref<1x50x32xf32, #tpu.memory_space<hbm>> -> memref<50x32xf32, #tpu.memory_space<hbm>>
    %dma_wait3A_498 = arith.constant 500 : i32
    %dma_wait3A_499 = arith.constant 0 : i32
    %dma_wait3A_500 = tpu.memref_slice %arg9[%dma_wait3A_498, %dma_wait3A_499] : memref<800x32xf32, #tpu.memory_space<vmem>> -> memref<50x32xf32, #tpu.memory_space<vmem>>
    tpu.wait_dma2 semaphore(%arg17 : memref<!tpu.dma_semaphore, #tpu.memory_space<semaphore_mem>>) src(%dma_wait3A_500 : memref<50x32xf32, #tpu.memory_space<vmem>>) dst(%dma_wait3A_497 : memref<50x32xf32, #tpu.memory_space<hbm>>)
    %add3A_501 = arith.constant 496 : i32
    %add3A_502 = arith.addi %mul3A_2, %add3A_501 : i32
    %add3A_503 = arith.constant 11 : i32
    %add3A_504 = arith.addi %add3A_502, %add3A_503 : i32
    %dma_wait3A_505 = arith.constant 550 : i32
    %dma_wait3A_506 = arith.constant 0 : i32
    %dma_wait3A_507 = tpu.memref_slice %arg9[%dma_wait3A_505, %dma_wait3A_506] : memref<800x32xf32, #tpu.memory_space<vmem>> -> memref<50x32xf32, #tpu.memory_space<vmem>>
    %dma_wait3A_508 = arith.constant 0 : i32
    %dma_wait3A_509 = arith.constant 0 : i32
    %dma_wait3A_510 = tpu.memref_slice %arg4[%add3A_504, %dma_wait3A_508, %dma_wait3A_509] : memref<16384x50x32xf32, #tpu.memory_space<hbm>> -> memref<1x50x32xf32, #tpu.memory_space<hbm>>
    %dma_wait3A_511 = tpu.memref_squeeze %dma_wait3A_510 : memref<1x50x32xf32, #tpu.memory_space<hbm>> -> memref<50x32xf32, #tpu.memory_space<hbm>>
    %dma_wait3A_512 = arith.constant 0 : i32
    %dma_wait3A_513 = arith.constant 0 : i32
    %dma_wait3A_514 = tpu.memref_slice %arg4[%add3A_504, %dma_wait3A_512, %dma_wait3A_513] : memref<16384x50x32xf32, #tpu.memory_space<hbm>> -> memref<1x50x32xf32, #tpu.memory_space<hbm>>
    %dma_wait3A_515 = tpu.memref_squeeze %dma_wait3A_514 : memref<1x50x32xf32, #tpu.memory_space<hbm>> -> memref<50x32xf32, #tpu.memory_space<hbm>>
    %dma_wait3A_516 = arith.constant 550 : i32
    %dma_wait3A_517 = arith.constant 0 : i32
    %dma_wait3A_518 = tpu.memref_slice %arg9[%dma_wait3A_516, %dma_wait3A_517] : memref<800x32xf32, #tpu.memory_space<vmem>> -> memref<50x32xf32, #tpu.memory_space<vmem>>
    tpu.wait_dma2 semaphore(%arg17 : memref<!tpu.dma_semaphore, #tpu.memory_space<semaphore_mem>>) src(%dma_wait3A_518 : memref<50x32xf32, #tpu.memory_space<vmem>>) dst(%dma_wait3A_515 : memref<50x32xf32, #tpu.memory_space<hbm>>)
    %add3A_519 = arith.constant 496 : i32
    %add3A_520 = arith.addi %mul3A_2, %add3A_519 : i32
    %add3A_521 = arith.constant 12 : i32
    %add3A_522 = arith.addi %add3A_520, %add3A_521 : i32
    %dma_wait3A_523 = arith.constant 600 : i32
    %dma_wait3A_524 = arith.constant 0 : i32
    %dma_wait3A_525 = tpu.memref_slice %arg9[%dma_wait3A_523, %dma_wait3A_524] : memref<800x32xf32, #tpu.memory_space<vmem>> -> memref<50x32xf32, #tpu.memory_space<vmem>>
    %dma_wait3A_526 = arith.constant 0 : i32
    %dma_wait3A_527 = arith.constant 0 : i32
    %dma_wait3A_528 = tpu.memref_slice %arg4[%add3A_522, %dma_wait3A_526, %dma_wait3A_527] : memref<16384x50x32xf32, #tpu.memory_space<hbm>> -> memref<1x50x32xf32, #tpu.memory_space<hbm>>
    %dma_wait3A_529 = tpu.memref_squeeze %dma_wait3A_528 : memref<1x50x32xf32, #tpu.memory_space<hbm>> -> memref<50x32xf32, #tpu.memory_space<hbm>>
    %dma_wait3A_530 = arith.constant 0 : i32
    %dma_wait3A_531 = arith.constant 0 : i32
    %dma_wait3A_532 = tpu.memref_slice %arg4[%add3A_522, %dma_wait3A_530, %dma_wait3A_531] : memref<16384x50x32xf32, #tpu.memory_space<hbm>> -> memref<1x50x32xf32, #tpu.memory_space<hbm>>
    %dma_wait3A_533 = tpu.memref_squeeze %dma_wait3A_532 : memref<1x50x32xf32, #tpu.memory_space<hbm>> -> memref<50x32xf32, #tpu.memory_space<hbm>>
    %dma_wait3A_534 = arith.constant 600 : i32
    %dma_wait3A_535 = arith.constant 0 : i32
    %dma_wait3A_536 = tpu.memref_slice %arg9[%dma_wait3A_534, %dma_wait3A_535] : memref<800x32xf32, #tpu.memory_space<vmem>> -> memref<50x32xf32, #tpu.memory_space<vmem>>
    tpu.wait_dma2 semaphore(%arg17 : memref<!tpu.dma_semaphore, #tpu.memory_space<semaphore_mem>>) src(%dma_wait3A_536 : memref<50x32xf32, #tpu.memory_space<vmem>>) dst(%dma_wait3A_533 : memref<50x32xf32, #tpu.memory_space<hbm>>)
    %add3A_537 = arith.constant 496 : i32
    %add3A_538 = arith.addi %mul3A_2, %add3A_537 : i32
    %add3A_539 = arith.constant 13 : i32
    %add3A_540 = arith.addi %add3A_538, %add3A_539 : i32
    %dma_wait3A_541 = arith.constant 650 : i32
    %dma_wait3A_542 = arith.constant 0 : i32
    %dma_wait3A_543 = tpu.memref_slice %arg9[%dma_wait3A_541, %dma_wait3A_542] : memref<800x32xf32, #tpu.memory_space<vmem>> -> memref<50x32xf32, #tpu.memory_space<vmem>>
    %dma_wait3A_544 = arith.constant 0 : i32
    %dma_wait3A_545 = arith.constant 0 : i32
    %dma_wait3A_546 = tpu.memref_slice %arg4[%add3A_540, %dma_wait3A_544, %dma_wait3A_545] : memref<16384x50x32xf32, #tpu.memory_space<hbm>> -> memref<1x50x32xf32, #tpu.memory_space<hbm>>
    %dma_wait3A_547 = tpu.memref_squeeze %dma_wait3A_546 : memref<1x50x32xf32, #tpu.memory_space<hbm>> -> memref<50x32xf32, #tpu.memory_space<hbm>>
    %dma_wait3A_548 = arith.constant 0 : i32
    %dma_wait3A_549 = arith.constant 0 : i32
    %dma_wait3A_550 = tpu.memref_slice %arg4[%add3A_540, %dma_wait3A_548, %dma_wait3A_549] : memref<16384x50x32xf32, #tpu.memory_space<hbm>> -> memref<1x50x32xf32, #tpu.memory_space<hbm>>
    %dma_wait3A_551 = tpu.memref_squeeze %dma_wait3A_550 : memref<1x50x32xf32, #tpu.memory_space<hbm>> -> memref<50x32xf32, #tpu.memory_space<hbm>>
    %dma_wait3A_552 = arith.constant 650 : i32
    %dma_wait3A_553 = arith.constant 0 : i32
    %dma_wait3A_554 = tpu.memref_slice %arg9[%dma_wait3A_552, %dma_wait3A_553] : memref<800x32xf32, #tpu.memory_space<vmem>> -> memref<50x32xf32, #tpu.memory_space<vmem>>
    tpu.wait_dma2 semaphore(%arg17 : memref<!tpu.dma_semaphore, #tpu.memory_space<semaphore_mem>>) src(%dma_wait3A_554 : memref<50x32xf32, #tpu.memory_space<vmem>>) dst(%dma_wait3A_551 : memref<50x32xf32, #tpu.memory_space<hbm>>)
    %add3A_555 = arith.constant 496 : i32
    %add3A_556 = arith.addi %mul3A_2, %add3A_555 : i32
    %add3A_557 = arith.constant 14 : i32
    %add3A_558 = arith.addi %add3A_556, %add3A_557 : i32
    %dma_wait3A_559 = arith.constant 700 : i32
    %dma_wait3A_560 = arith.constant 0 : i32
    %dma_wait3A_561 = tpu.memref_slice %arg9[%dma_wait3A_559, %dma_wait3A_560] : memref<800x32xf32, #tpu.memory_space<vmem>> -> memref<50x32xf32, #tpu.memory_space<vmem>>
    %dma_wait3A_562 = arith.constant 0 : i32
    %dma_wait3A_563 = arith.constant 0 : i32
    %dma_wait3A_564 = tpu.memref_slice %arg4[%add3A_558, %dma_wait3A_562, %dma_wait3A_563] : memref<16384x50x32xf32, #tpu.memory_space<hbm>> -> memref<1x50x32xf32, #tpu.memory_space<hbm>>
    %dma_wait3A_565 = tpu.memref_squeeze %dma_wait3A_564 : memref<1x50x32xf32, #tpu.memory_space<hbm>> -> memref<50x32xf32, #tpu.memory_space<hbm>>
    %dma_wait3A_566 = arith.constant 0 : i32
    %dma_wait3A_567 = arith.constant 0 : i32
    %dma_wait3A_568 = tpu.memref_slice %arg4[%add3A_558, %dma_wait3A_566, %dma_wait3A_567] : memref<16384x50x32xf32, #tpu.memory_space<hbm>> -> memref<1x50x32xf32, #tpu.memory_space<hbm>>
    %dma_wait3A_569 = tpu.memref_squeeze %dma_wait3A_568 : memref<1x50x32xf32, #tpu.memory_space<hbm>> -> memref<50x32xf32, #tpu.memory_space<hbm>>
    %dma_wait3A_570 = arith.constant 700 : i32
    %dma_wait3A_571 = arith.constant 0 : i32
    %dma_wait3A_572 = tpu.memref_slice %arg9[%dma_wait3A_570, %dma_wait3A_571] : memref<800x32xf32, #tpu.memory_space<vmem>> -> memref<50x32xf32, #tpu.memory_space<vmem>>
    tpu.wait_dma2 semaphore(%arg17 : memref<!tpu.dma_semaphore, #tpu.memory_space<semaphore_mem>>) src(%dma_wait3A_572 : memref<50x32xf32, #tpu.memory_space<vmem>>) dst(%dma_wait3A_569 : memref<50x32xf32, #tpu.memory_space<hbm>>)
    %add3A_573 = arith.constant 496 : i32
    %add3A_574 = arith.addi %mul3A_2, %add3A_573 : i32
    %add3A_575 = arith.constant 15 : i32
    %add3A_576 = arith.addi %add3A_574, %add3A_575 : i32
    %dma_wait3A_577 = arith.constant 750 : i32
    %dma_wait3A_578 = arith.constant 0 : i32
    %dma_wait3A_579 = tpu.memref_slice %arg9[%dma_wait3A_577, %dma_wait3A_578] : memref<800x32xf32, #tpu.memory_space<vmem>> -> memref<50x32xf32, #tpu.memory_space<vmem>>
    %dma_wait3A_580 = arith.constant 0 : i32
    %dma_wait3A_581 = arith.constant 0 : i32
    %dma_wait3A_582 = tpu.memref_slice %arg4[%add3A_576, %dma_wait3A_580, %dma_wait3A_581] : memref<16384x50x32xf32, #tpu.memory_space<hbm>> -> memref<1x50x32xf32, #tpu.memory_space<hbm>>
    %dma_wait3A_583 = tpu.memref_squeeze %dma_wait3A_582 : memref<1x50x32xf32, #tpu.memory_space<hbm>> -> memref<50x32xf32, #tpu.memory_space<hbm>>
    %dma_wait3A_584 = arith.constant 0 : i32
    %dma_wait3A_585 = arith.constant 0 : i32
    %dma_wait3A_586 = tpu.memref_slice %arg4[%add3A_576, %dma_wait3A_584, %dma_wait3A_585] : memref<16384x50x32xf32, #tpu.memory_space<hbm>> -> memref<1x50x32xf32, #tpu.memory_space<hbm>>
    %dma_wait3A_587 = tpu.memref_squeeze %dma_wait3A_586 : memref<1x50x32xf32, #tpu.memory_space<hbm>> -> memref<50x32xf32, #tpu.memory_space<hbm>>
    %dma_wait3A_588 = arith.constant 750 : i32
    %dma_wait3A_589 = arith.constant 0 : i32
    %dma_wait3A_590 = tpu.memref_slice %arg9[%dma_wait3A_588, %dma_wait3A_589] : memref<800x32xf32, #tpu.memory_space<vmem>> -> memref<50x32xf32, #tpu.memory_space<vmem>>
    tpu.wait_dma2 semaphore(%arg17 : memref<!tpu.dma_semaphore, #tpu.memory_space<semaphore_mem>>) src(%dma_wait3A_590 : memref<50x32xf32, #tpu.memory_space<vmem>>) dst(%dma_wait3A_587 : memref<50x32xf32, #tpu.memory_space<hbm>>)
    return
  }
}

</mosaic_0001>

<sc_bundles>
// kernel: kernel.3.cloned.1.call-start
scs
__scs_entry_jumppad:
0x0: {  	(pc) =	sbr.rel $0x88, $3  }
0x1: {  	(tag) =	ssettag $0x0;
	lr =	simm.s32 $0x1  }
0x2: {  	[smem:$0x3F9F] =	sst lr;
	_ =	strace $0xD0000000  }
0x3: {  	_ = 	snop  }
0x4: {  	_ = 	snop  }
0x5: {  	_ = 	snop  }
0x6: {  	_ = 	snop  }
0x7: {  	_ = 	snop  }
__scs_overlays_trampoline_lowered:
0x8: {  	[smem:$0x3FAE] =	sst s0  }
0x9: {  	[smem:$0x3FAF] =	sst s1  }
0xa: {  	[smem:$0x3FB0] =	sst s2  }
0xb: {  	[smem:$0x3FB1] =	sst s3  }
0xc: {  	[smem:$0x3FB2] =	sst s4  }
0xd: {  	[smem:$0x3FB3] =	sst s5  }
0xe: {  	[smem:$0x3FB4] =	sst s6  }
0xf: {  	[smem:$0x3FB5] =	sst s7  }
0x10: {  	[smem:$0x3FB6] =	sst s8  }
0x11: {  	[smem:$0x3FB7] =	sst s9;
	s0 =	simm.s32 @!p0 $0x0  }
0x12: {  	s1 =	sld [smem:$0x3F9D];
	s0 =	simm.s32 @p0 $0x1  }
0x13: {  	[smem:$0x3FB8] =	sst s0;
	s0 =	simm.s32 @!p1 $0x0  }
0x14: {  	s2 =	sld [smem:$0x3F9C];
	s0 =	simm.s32 @p1 $0x1  }
0x15: {  	[smem:$0x3FB9] =	sst s0;
	s0 =	simm.s32 @!p2 $0x0  }
0x16: {  	s3 =	sld [smem:$0x3FDB];
	s0 =	simm.s32 @p2 $0x1  }
0x17: {  	s4 =	simm.s32 $0x1BF5;
	[smem:$0x3FBB] =	sst s0  }
0x18: {  	s0 =	sld [smem:$0x3F9E];
	_ =	swait.ge [sflag:s4], $0x0  }
0x19: {  	s7 =	sld [smem:$0x3F9F]  }
0x1a: {  	s8 =	sadd.s32 $0xFFFFE003, lr  }
0x1b: {  	s9 =	sadd.s32 $0xFFFFFEF7, lr;
	s5 =	simm.s32 $0xFFFFFFFF;
	p2 =	slt.u32 s8, $0xFFFFF086  }
0x1c: {  	p1 =	slt.u32 s9, $0xF7A;
	s5 =	simm.s32 @!p2 $0x0  }
0x1d: {  	s5 =	simm.s32 @p1 $0x1;
	p0 =	seq.s32 s7, s2  }
0x1e: {  	s7 =	smul.u32 @!p0 $0xF7A, s2;
	p2 =	seq.s32 @!p0 s5, $0x0  }
0x1f: {  	s9 =	smul.u32 $0xF7A, s1;
	s8 =	simm.s32 @!p0 $0x1BF5;
	p2 =	por !p2, p0  }
0x20: {  	[sflag:s8] =	ssyncset.s32 @!p0 $0xFFFFF086;
	s6 =	sadd.s32 @!p0 s3, s7;
	s7 =	simm.s32 @!p0 $0x108  }
0x21: {  	s3 =	sadd.s32 s3, s9;
	s6 =	sadd.s32 @!p0 $0x88, s6;
	s7 =	simm.s32 @p2 $0x1082  }
0x22: {  	[simem:s7], [sflag:s8] =	dma.local @!p0 [hbm:s6], $0xF7A  }
0x23: {  	s9 =	sor.u32 $0xD0000000, s2;
	s6 =	simm.s32 $0x108;
	_ =	swait.ge @!p0 [sflag:s8], $0x0  }
0x24: {  	s3 =	sadd.s32 $0x88, s3;
	s6 =	simm.s32 @!p1 $0x1082;
	[sflag:s4] =	ssyncset.s32 $0xFFFFF086  }
0x25: {  	[simem:s6], [sflag:s4] =	dma.local [hbm:s3], $0xF7A  }
0x26: {  	[smem:$0x3F9F] =	sst s1;
	(tag) =	ssettag s2;
	_ =	strace s9  }
0x27: {  	s1 =	sld [smem:$0x3FAF]  }
0x28: {  	s2 =	sld [smem:$0x3FB0]  }
0x29: {  	s4 =	sld [smem:$0x3FB2]  }
0x2a: {  	p0 =	seq.s32 s5, $0x0;
	s5 =	sld [smem:$0x3FB3]  }
0x2b: {  	s6 =	sld [smem:$0x3FB4]  }
0x2c: {  	s7 =	sld [smem:$0x3FB5]  }
0x2d: {  	s3 =	simm.s32 $0x108;
	s8 =	sld [smem:$0x3FB6]  }
0x2e: {  	s3 =	simm.s32 @!p0 $0x1082;
	s9 =	sld [smem:$0x3FB7]  }
0x2f: {  	lr =	sadd.s32 s0, s3;
	s0 =	sld [smem:$0x3FAE]  }
0x30: {  	s3 =	sld [smem:$0x3FB1]  }
0x31: {  	[smem:$0x3FBA] =	sst s10  }
0x32: {  	s10 =	sld [smem:$0x3FB8];
	_ =	sdelay $0x3  }
0x33: {  	p0 =	seq.s32 s10, $0x1;
	s10 =	sld [smem:$0x3FBA];
	_ =	sdelay $0x3  }
0x34: {  	[smem:$0x3FBA] =	sst s10  }
0x35: {  	s10 =	sld [smem:$0x3FB9];
	_ =	sdelay $0x3  }
0x36: {  	p1 =	seq.s32 s10, $0x1;
	s10 =	sld [smem:$0x3FBA];
	_ =	sdelay $0x3  }
0x37: {  	[smem:$0x3FBA] =	sst s10  }
0x38: {  	s10 =	sld [smem:$0x3FBB]  }
0x39: {  	_ = 	snop;
	(pc) =	sbr.ind lr, $3  }
0x3a: {  	_ = 	snop  }
0x3b: {  	_ = 	snop  }
0x3c: {  	p2 =	seq.s32 s10, $0x1;
	s10 =	sld [smem:$0x3FBA]  }
0x3d: {  	_ =	shalt  }
0x3e: {  	_ =	shalt  }
0x3f: {  	_ =	shalt  }
0x40: {  	_ =	shalt  }
0x41: {  	_ =	shalt  }
0x42: {  	_ =	shalt  }
0x43: {  	_ =	shalt  }
0x44: {  	_ =	shalt  }
0x45: {  	_ =	shalt  }
0x46: {  	_ =	shalt  }
0x47: {  	_ =	shalt  }
0x48: {  	_ =	shalt  }
0x49: {  	_ =	shalt  }
0x4a: {  	_ =	shalt  }
0x4b: {  	_ =	shalt  }
0x4c: {  	_ =	shalt  }
0x4d: {  	_ =	shalt  }
0x4e: {  	_ =	shalt  }
0x4f: {  	_ =	shalt  }
0x50: {  	_ =	shalt  }
0x51: {  	_ =	shalt  }
0x52: {  	_ =	shalt  }
0x53: {  	_ =	shalt  }
0x54: {  	_ =	shalt  }
0x55: {  	_ =	shalt  }
0x56: {  	_ =	shalt  }
0x57: {  	_ =	shalt  }
0x58: {  	_ =	shalt  }
0x59: {  	_ =	shalt  }
0x5a: {  	_ =	shalt  }
0x5b: {  	_ =	shalt  }
0x5c: {  	_ =	shalt  }
0x5d: {  	_ =	shalt  }
0x5e: {  	_ =	shalt  }
0x5f: {  	_ =	shalt  }
0x60: {  	_ =	shalt  }
0x61: {  	_ =	shalt  }
0x62: {  	_ =	shalt  }
0x63: {  	_ =	shalt  }
0x64: {  	_ =	shalt  }
0x65: {  	_ =	shalt  }
0x66: {  	_ =	shalt  }
0x67: {  	_ =	shalt  }
0x68: {  	_ =	shalt  }
0x69: {  	_ =	shalt  }
0x6a: {  	_ =	shalt  }
0x6b: {  	_ =	shalt  }
0x6c: {  	_ =	shalt  }
0x6d: {  	_ =	shalt  }
0x6e: {  	_ =	shalt  }
0x6f: {  	_ =	shalt  }
0x70: {  	_ =	shalt  }
0x71: {  	_ =	shalt  }
0x72: {  	_ =	shalt  }
0x73: {  	_ =	shalt  }
0x74: {  	_ =	shalt  }
0x75: {  	_ =	shalt  }
0x76: {  	_ =	shalt  }
0x77: {  	_ =	shalt  }
0x78: {  	_ =	shalt  }
0x79: {  	_ =	shalt  }
0x7a: {  	_ =	shalt  }
0x7b: {  	_ =	shalt  }
0x7c: {  	_ =	shalt  }
0x7d: {  	_ =	shalt  }
0x7e: {  	_ =	shalt  }
0x7f: {  	_ =	shalt  }
0x80: {  	_ =	shalt  }
0x81: {  	_ =	shalt  }
0x82: {  	_ =	shalt  }
0x83: {  	_ =	shalt  }
0x84: {  	_ =	shalt  }
0x85: {  	_ =	shalt  }
0x86: {  	_ =	shalt  }
0x87: {  	_ =	shalt  }
.Lfunc_end0:
.L_simem_size_0:
called_computation.1_lowered:
.L_overlay_start_0:
0x88: {  	s2 =	sld [smem:$0x3FD9]  }
0x89: {  	s3 =	sld [smem:$0x3FFE];
	_ =	sdelay $0x1  }
0x8a: {  	s1 =	srdreg.scid  }
0x8b: {  	s0 =	sand.u32 $0x1, s1  }
0x8c: {  	s17 =	sshll.u32 s0, $0xA;
	s2 =	sadd.s32 s3, s2  }
0x8d: {  	s2 =	sadd.s32 s2, s17  }
0x8e: {  	[smem:$0x3FC6] =	sst s2  }
0x8f: {  	_ = 	snop  }
0x90: {  	s2 =	sld [smem:$0x3FD0];
	(tm) =	ssettm $0x1  }
0x91: {  	s18 =	sld [smem:$0x3FFB];
	_ =	sdelay $0x3  }
0x92: {  	_ =	strace s18  }
0x93: {  	s3 =	sld [smem:$0x3FFC];
	_ =	sdelay $0x3  }
0x94: {  	_ =	strace s3  }
0x95: {  	s3 =	sld [smem:$0x3FFD];
	_ =	sdelay $0x3  }
0x96: {  	_ =	strace s3  }
0x97: {  	_ =	strace $0x8FFFFFFF  }
0x98: {  	s19 =	sld [smem:$0x3FDB];
	_ =	sdelay $0x1  }
0x99: {  	s4 =	simm.s32 $_scs_section_size  }
0x9a: {  	s5 =	simm.s32 $_size__tile_overlayer_lowered;
	s6 =	simm.s32 $_tile_overlayer_lowered  }
0x9b: {  	s22 =	simm.s32 $0x1BFF;
	s21 =	sshll.u32 s6, $0x1;
	s3 =	sadd.s32 s4, s19  }
0x9c: {  	s7 =	simm.s32 $0x0;
	s20 =	sshll.u32 s5, $0x1;
	s5 =	sadd.s32 s21, s3  }
0x9d: {  	[timem:s7], [sflag:s22] =	dma.local [hbm:s5], s20  }
0x9e: {  	_ =	swait.ge [sflag:s22], s20  }
0x9f: {  	s4 =	ssub.s32 $0x0, s20;
	[sflag:s22] =	ssyncset.done $0x0  }
0xa0: {  	[sflag:s22] =	ssyncadd.s32 s4;
	_ =	sdelay $0x1  }
0xa1: {  	s23 =	simm.s32 $0x1B8B  }
0xa2: {  	_ =	swait.ge [sflag:s23], $0x1  }
0xa3: {  	[sflag:s23] =	ssyncset.done $0x0  }
0xa4: {  	s25 =	simm.s32 $0x1B8E;
	s24 =	sld [smem:$0x3FFE];
	[sflag:s23] =	ssyncadd.s32 $0xFFFFFFFF  }
0xa5: {  	s26 =	simm.s32 $execute0_lowered;
	[smem:$0x3FD2] =	sst s25  }
0xa6: {  	s5 =	sshll.u32 s26, $0x1;
	_ =	strace $0x80000046;
	[dreg:$0x1] =	wrdreg $0xFFFFFFFF  }
0xa7: {  	s28 =	simm.s32 $_size_execute0_lowered;
	s3 =	sadd.s32 s3, s5;
	[dreg:$0x0] =	wrdreg $0x0  }
0xa8: {  	s5 =	sshll.u32 s28, $0x1;
	[dreg:$0x2] =	wrdreg s3  }
0xa9: {  	[dreg:$0x3] =	wrdreg s5  }
0xaa: {  	[dreg:$0x4] =	wrdreg $0xC0  }
0xab: {  	_ =	task [dreg:s7], $0x5FFFF  }
0xac: {  	[dreg:$0x1] =	wrdreg $0xFFFFFFFF  }
0xad: {  	[dreg:$0x0] =	wrdreg $0x60  }
0xae: {  	[dreg:$0x2] =	wrdreg s24  }
0xaf: {  	[dreg:$0x3] =	wrdreg s2  }
0xb0: {  	[dreg:$0x4] =	wrdreg $0x9  }
0xb1: {  	_ =	task.clear_ibuf [dreg:s7], $0x5FFFF;
	_ =	strace $0x90000046  }
0xb2: {  	s29 =	simm.s32 $0x9;
	_ =	strace $0x80000048  }
0xb3: {  	_ =	swait.ge [sflag:s29], $0x1  }
0xb4: {  	[sflag:s29] =	ssyncadd.s32 $0xFFFFFFFF  }
0xb5: {  	_ =	strace $0x90000048  }
0xb6: {  	_ =	sfence  }
0xb7: {  	s30 =	sld [smem:$0x0];
	_ =	sdelay $0x2  }
0xb8: {  	s31 =	sshll.u32 s1, $0xD;
	s1 =	sshrl.u32 s1, $0x2  }
0xb9: {  	s3 =	sand.u32 $0x4000, s31;
	s1 =	sadd.s32 s1, s30  }
0xba: {  	s0 =	sor.u32 s3, s0;
	s1 =	sshll.u32 s1, $0x11  }
0xbb: {  	s0 =	sor.u32 s1, s0  }
0xbc: {  	s0 =	sadd.s32 $0x8F2B, s0  }
0xbd: {  	[sflag:s0] =	ssyncadd.remote.s32 $0x1  }
0xbe: {  	_ =	sfence.sel $0xFFFF  }
0xbf: {  	[dreg:$0x0] =	wrdreg $0xFFFFFFFF;
	(pc) =	sbr.abs _section_cstart, $3  }
0xc0: {  	[dreg:$0x1] =	wrdreg $0xFFFFFFFF  }
0xc1: {  	_ =	task.clear_ibuf [dreg:s7], $0x2FFFF;
	_ =	strace $0x9FFFFFFF  }
0xc2: {  	(tm) =	ssettm $0x7FFFFFFF  }
0xc3: {  	_ =	shalt  }
tec
execute0_lowered:
.L_overlay_start_1:
0x0: {  	(tag) =	ssettag $0x1  }
0x1: {  	s1 =	srdreg.scid;
	s0 =	stileid.u32  }
0x2: {  	s4 =	sand.u32 $0x1, s1;
	s24 =	smul.u32 $0x190000, s0  }
0x3: {  	s2 =	smul.u32 $0xC8000, s4  }
0x4: {  	s5 =	rddreg [dreg:$0x0]  }
0x5: {  	s3 =	rddreg [dreg:$0x1];
	s6 =	sadd.s32 s2, s24  }
0x6: {  	s1 =	rddreg [dreg:$0x2];
	s2 =	simm.s32 $0x0;
	s7 =	sadd.s32 $0xC1C0, s6  }
0x7: {  	[smem:$0x7FF] =	sst s2;
	s8 =	sadd.s32 $0xBB80, s6;
	s26 =	sadd.s32 $0xB540, s6  }
0x8: {  	s9 =	sadd.s32 $0xAF00, s6;
	s31 =	sadd.s32 $0xA8C0, s6;
	s10 =	sadd.s32 $0x9C40, s6  }
0x9: {  	s14 =	sadd.s32 $0x9600, s6;
	s16 =	sadd.s32 $0x8FC0, s6;
	s17 =	sadd.s32 $0x8980, s6  }
0xa: {  	s21 =	sadd.s32 $0x8340, s6;
	s23 =	sor.u32 $0x7D00, s6;
	s24 =	sor.u32 $0x76C0, s6  }
0xb: {  	s7 =	sshrl.u32 s7, $0x3;
	_ =	strace $0x80000047;
	s25 =	sshrl.u32 s8, $0x3  }
0xc: {  	s8 =	sshrl.u32 s26, $0x3;
	s29 =	sshrl.u32 s9, $0x3;
	s9 =	sadd.s32 $0xA280, s6  }
0xd: {  	s12 =	sshrl.u32 s10, $0x3;
	s15 =	sshrl.u32 s14, $0x3;
	s19 =	sshrl.u32 s17, $0x3  }
0xe: {  	s22 =	sshrl.u32 s21, $0x3;
	s26 =	sshrl.u32 s24, $0x3;
	s7 =	sadd.s32 s7, s3  }
0xf: {  	s10 =	smul.u32 $0x19000, s4;
	s28 =	sadd.s32 s8, s3;
	[dreg:$0x3] =	wrdreg s7  }
0x10: {  	s30 =	sadd.s32 s29, s3;
	s8 =	sshrl.u32 s31, $0x3;
	[dreg:$0x5] =	wrdreg s28  }
0x11: {  	s13 =	sadd.s32 s12, s3;
	s20 =	sadd.s32 s19, s3;
	[dreg:$0x6] =	wrdreg s30  }
0x12: {  	s29 =	sor.u32 $0x7080, s6;
	s31 =	smul.u32 $0x32000, s0;
	[dreg:$0x9] =	wrdreg s13  }
0x13: {  	s7 =	sadd.s32 s25, s3;
	[dreg:$0xc] =	wrdreg s20;
	s28 =	sadd.s32 s26, s3  }
0x14: {  	s30 =	sor.u32 $0x6A40, s6;
	s13 =	sor.u32 $0x5DC0, s6;
	s20 =	sor.u32 $0x4B00, s6  }
0x15: {  	[dreg:$0x4] =	wrdreg s7;
	s7 =	sadd.s32 s8, s3;
	s8 =	sshrl.u32 s9, $0x3  }
0x16: {  	[dreg:$0xf] =	wrdreg s28;
	s14 =	sshrl.u32 s13, $0x3;
	s21 =	sshrl.u32 s20, $0x3  }
0x17: {  	s28 =	sor.u32 $0x3840, s6;
	s13 =	sor.u32 $0x2580, s6;
	s9 =	simm.s32 $0xA8C0  }
0x18: {  	[dreg:$0x7] =	wrdreg s7;
	s11 =	sadd.s32 s8, s3;
	s7 =	sadd.s32 s15, s3  }
0x19: {  	s8 =	sshrl.u32 s16, $0x3;
	s15 =	sor.u32 $0x5780, s6;
	[smem:$0x7CC] =	sst s9  }
0x1a: {  	s16 =	sor.u32 $0x5140, s6;
	s9 =	simm.s32 $0x15180;
	[dreg:$0x8] =	wrdreg s11  }
0x1b: {  	[dreg:$0xa] =	wrdreg s7;
	s18 =	sadd.s32 s8, s3;
	s7 =	sadd.s32 s22, s3  }
0x1c: {  	s8 =	sshrl.u32 s23, $0x3;
	s11 =	sadd.s32 s31, s3;
	[smem:$0x7E5] =	sst s9  }
0x1d: {  	s22 =	sor.u32 $0x44C0, s6;
	s23 =	sor.u32 $0x3E80, s6;
	[dreg:$0xb] =	wrdreg s18  }
0x1e: {  	s31 =	sor.u32 $0x2BC0, s6;
	[dreg:$0xd] =	wrdreg s7;
	s25 =	sadd.s32 s8, s3  }
0x1f: {  	s7 =	sshrl.u32 s29, $0x3;
	s8 =	sshrl.u32 s30, $0x3;
	s12 =	sadd.s32 s10, s11  }
0x20: {  	s18 =	sshrl.u32 s16, $0x3;
	s29 =	sshrl.u32 s28, $0x3;
	s11 =	sshrl.u32 s31, $0x3  }
0x21: {  	s16 =	sor.u32 $0x1900, s6;
	s31 =	sadd.s32 $0x170C0, s6;
	[dreg:$0xe] =	wrdreg s25  }
0x22: {  	s7 =	sadd.s32 s7, s3;
	s8 =	sadd.s32 s8, s3;
	[dreg:$0x12] =	wrdreg s12  }
0x23: {  	s19 =	sadd.s32 s18, s3;
	s25 =	sshrl.u32 s23, $0x3;
	[dreg:$0x10] =	wrdreg s7  }
0x24: {  	s12 =	sadd.s32 s11, s3;
	s18 =	sshrl.u32 s16, $0x3;
	[dreg:$0x11] =	wrdreg s8  }
0x25: {  	s23 =	sadd.s32 $0x18380, s6;
	s11 =	sshrl.u32 s31, $0x3;
	[dreg:$0x15] =	wrdreg s19  }
0x26: {  	s16 =	sadd.s32 $0x15E00, s6;
	s7 =	sadd.s32 s14, s3;
	[dreg:$0x1b] =	wrdreg s12  }
0x27: {  	s31 =	sadd.s32 $0x13880, s6;
	s26 =	sadd.s32 s25, s3;
	[dreg:$0x13] =	wrdreg s7  }
0x28: {  	s8 =	sshrl.u32 s15, $0x3;
	s19 =	sadd.s32 s18, s3;
	[dreg:$0x18] =	wrdreg s26  }
0x29: {  	s25 =	sshrl.u32 s23, $0x3;
	s12 =	sadd.s32 s11, s3;
	[dreg:$0x1e] =	wrdreg s19  }
0x2a: {  	s18 =	sshrl.u32 s16, $0x3;
	s17 =	sadd.s32 s8, s3;
	[smem:$0x7A9] =	sst s12  }
0x2b: {  	s23 =	sadd.s32 $0x14B40, s6;
	s7 =	sadd.s32 s21, s3;
	[dreg:$0x14] =	wrdreg s17  }
0x2c: {  	s11 =	sshrl.u32 s31, $0x3;
	s26 =	sadd.s32 s25, s3;
	[dreg:$0x16] =	wrdreg s7  }
0x2d: {  	s31 =	sadd.s32 $0xFA00, s6;
	s19 =	sadd.s32 s18, s3;
	[smem:$0x7A6] =	sst s26  }
0x2e: {  	s8 =	sshrl.u32 s22, $0x3;
	s12 =	sadd.s32 s11, s3;
	[smem:$0x7AC] =	sst s19  }
0x2f: {  	s11 =	sshrl.u32 s31, $0x3;
	s31 =	simm.s32 $0x8FC0;
	[smem:$0x7B2] =	sst s12  }
0x30: {  	s16 =	sadd.s32 $0x11F80, s6;
	s24 =	sadd.s32 s8, s3;
	[smem:$0x7C8] =	sst s31  }
0x31: {  	s25 =	sshrl.u32 s23, $0x3;
	s7 =	sadd.s32 s29, s3;
	[dreg:$0x17] =	wrdreg s24  }
0x32: {  	s18 =	sshrl.u32 s16, $0x3;
	s26 =	sadd.s32 s25, s3;
	[dreg:$0x19] =	wrdreg s7  }
0x33: {  	s30 =	sor.u32 $0x3200, s6;
	s19 =	sadd.s32 s18, s3;
	[smem:$0x7AF] =	sst s26  }
0x34: {  	s14 =	sshrl.u32 s13, $0x3;
	s12 =	sadd.s32 s11, s3;
	[smem:$0x7B5] =	sst s19  }
0x35: {  	s16 =	sadd.s32 $0xE740, s6;
	s11 =	simm.s32 $0xB540;
	[smem:$0x7BB] =	sst s12  }
0x36: {  	s18 =	sshrl.u32 s16, $0x3;
	s16 =	simm.s32 $0xDAC0;
	[smem:$0x7CE] =	sst s11  }
0x37: {  	s8 =	sshrl.u32 s30, $0x3;
	s31 =	simm.s32 $0x13880;
	[smem:$0x7D3] =	sst s16  }
0x38: {  	s23 =	sadd.s32 $0x10CC0, s6;
	s10 =	sadd.s32 s8, s3;
	[smem:$0x7E1] =	sst s31  }
0x39: {  	s25 =	sshrl.u32 s23, $0x3;
	s7 =	sadd.s32 s14, s3;
	[dreg:$0x1a] =	wrdreg s10  }
0x3a: {  	s26 =	sadd.s32 s25, s3;
	[dreg:$0x1c] =	wrdreg s7  }
0x3b: {  	s19 =	sadd.s32 s18, s3;
	[smem:$0x7B8] =	sst s26  }
0x3c: {  	s20 =	sor.u32 $0x12C0, s6;
	s25 =	simm.s32 $0x7080;
	[smem:$0x7BE] =	sst s19  }
0x3d: {  	s28 =	sadd.s32 $0x17D40, s6;
	s12 =	simm.s32 $0xBB80;
	[smem:$0x7C3] =	sst s25  }
0x3e: {  	s15 =	sor.u32 $0x1F40, s6;
	s18 =	simm.s32 $0xE740;
	[smem:$0x7CF] =	sst s12  }
0x3f: {  	s13 =	sadd.s32 $0x16A80, s6;
	s11 =	simm.s32 $0x15E00;
	[smem:$0x7D5] =	sst s18  }
0x40: {  	s8 =	sshrl.u32 s15, $0x3;
	s31 =	simm.s32 $0x1CE80;
	[smem:$0x7E7] =	sst s11  }
0x41: {  	s21 =	sshrl.u32 s20, $0x3;
	s17 =	sadd.s32 s8, s3;
	[smem:$0x7F8] =	sst s31  }
0x42: {  	s22 =	sadd.s32 $0x189C0, s6;
	s7 =	sadd.s32 s21, s3;
	[dreg:$0x1d] =	wrdreg s17  }
0x43: {  	s20 =	sadd.s32 $0x157C0, s6;
	s26 =	simm.s32 $0x76C0;
	[dreg:$0x1f] =	wrdreg s7  }
0x44: {  	s29 =	sshrl.u32 s28, $0x3;
	s19 =	simm.s32 $0xED80;
	[smem:$0x7C4] =	sst s26  }
0x45: {  	s30 =	sadd.s32 $0x17700, s6;
	s25 =	simm.s32 $0x11300;
	[smem:$0x7D6] =	sst s19  }
0x46: {  	s28 =	sadd.s32 $0x14500, s6;
	s12 =	simm.s32 $0x16440;
	[smem:$0x7DC] =	sst s25  }
0x47: {  	s14 =	sshrl.u32 s13, $0x3;
	s18 =	simm.s32 $0x18380;
	[smem:$0x7E8] =	sst s12  }
0x48: {  	s8 =	sshrl.u32 s22, $0x3;
	s11 =	simm.s32 $0x1D4C0;
	[smem:$0x7ED] =	sst s18  }
0x49: {  	s15 =	sadd.s32 $0x16440, s6;
	s24 =	sadd.s32 s8, s3;
	[smem:$0x7F9] =	sst s11  }
0x4a: {  	s13 =	sadd.s32 $0x13240, s6;
	s7 =	sadd.s32 s29, s3;
	[smem:$0x7A5] =	sst s24  }
0x4b: {  	s21 =	sshrl.u32 s20, $0x3;
	s26 =	simm.s32 $0x11940;
	[smem:$0x7A7] =	sst s7  }
0x4c: {  	s22 =	sadd.s32 $0x15180, s6;
	s19 =	simm.s32 $0x189C0;
	[smem:$0x7DD] =	sst s26  }
0x4d: {  	s20 =	sadd.s32 $0x11940, s6;
	s25 =	simm.s32 $0x1AF40;
	[smem:$0x7EE] =	sst s19  }
0x4e: {  	s8 =	sshrl.u32 s30, $0x3;
	s12 =	simm.s32 $0x1DB00;
	[smem:$0x7F3] =	sst s25  }
0x4f: {  	s29 =	sshrl.u32 s28, $0x3;
	s10 =	sadd.s32 s8, s3;
	[smem:$0x7FA] =	sst s12  }
0x50: {  	s30 =	sadd.s32 $0x13EC0, s6;
	s7 =	sadd.s32 s14, s3;
	[smem:$0x7A8] =	sst s10  }
0x51: {  	s8 =	sshrl.u32 s15, $0x3;
	s26 =	simm.s32 $0x1B580;
	[smem:$0x7AA] =	sst s7  }
0x52: {  	s28 =	sadd.s32 $0x10680, s6;
	s17 =	sadd.s32 s8, s3;
	[smem:$0x7F4] =	sst s26  }
0x53: {  	s7 =	sadd.s32 s21, s3;
	s8 =	sshrl.u32 s22, $0x3;
	[smem:$0x7AB] =	sst s17  }
0x54: {  	s14 =	sshrl.u32 s13, $0x3;
	[smem:$0x7AD] =	sst s7;
	s24 =	sadd.s32 s8, s3  }
0x55: {  	s7 =	sadd.s32 s29, s3;
	s8 =	sshrl.u32 s30, $0x3;
	[smem:$0x7AE] =	sst s24  }
0x56: {  	s29 =	sshrl.u32 s28, $0x3;
	s28 =	simm.s32 $0x7D00;
	[smem:$0x7B0] =	sst s7  }
0x57: {  	s15 =	sadd.s32 $0x125C0, s6;
	s10 =	sadd.s32 s8, s3;
	[smem:$0x7C5] =	sst s28  }
0x58: {  	s13 =	sadd.s32 $0xF3C0, s6;
	s7 =	sadd.s32 s14, s3;
	[smem:$0x7B1] =	sst s10  }
0x59: {  	s14 =	sshrl.u32 s13, $0x3;
	s13 =	simm.s32 $0xC1C0;
	[smem:$0x7B3] =	sst s7  }
0x5a: {  	s8 =	sshrl.u32 s15, $0x3;
	s28 =	simm.s32 $0x11F80;
	[smem:$0x7D0] =	sst s13  }
0x5b: {  	s21 =	sshrl.u32 s20, $0x3;
	s17 =	sadd.s32 s8, s3;
	[smem:$0x7DE] =	sst s28  }
0x5c: {  	s20 =	sadd.s32 $0xE100, s6;
	s7 =	sadd.s32 s21, s3;
	[smem:$0x7B4] =	sst s17  }
0x5d: {  	s21 =	sshrl.u32 s20, $0x3;
	s20 =	simm.s32 $0xF3C0;
	[smem:$0x7B6] =	sst s7  }
0x5e: {  	s22 =	sadd.s32 $0x11300, s6;
	s13 =	simm.s32 $0x16A80;
	[smem:$0x7D7] =	sst s20  }
0x5f: {  	s8 =	sshrl.u32 s22, $0x3;
	s28 =	simm.s32 $0x1BBC0;
	[smem:$0x7E9] =	sst s13  }
0x60: {  	s24 =	sadd.s32 s8, s3;
	[smem:$0x7F5] =	sst s28  }
0x61: {  	s7 =	sadd.s32 s29, s3;
	[smem:$0x7B7] =	sst s24  }
0x62: {  	s30 =	sadd.s32 $0x10040, s6;
	s29 =	simm.s32 $0x8340;
	[smem:$0x7B9] =	sst s7  }
0x63: {  	s8 =	sshrl.u32 s30, $0x3;
	s30 =	simm.s32 $0x8980;
	[smem:$0x7C6] =	sst s29  }
0x64: {  	s20 =	simm.s32 $0x19640;
	[smem:$0x7C7] =	sst s30  }
0x65: {  	s13 =	simm.s32 $0x1E140;
	[smem:$0x7EF] =	sst s20  }
0x66: {  	s10 =	sadd.s32 s8, s3;
	[smem:$0x7FB] =	sst s13  }
0x67: {  	s7 =	sadd.s32 s14, s3;
	[smem:$0x7BA] =	sst s10  }
0x68: {  	s24 =	simm.s32 $0x6A40;
	[smem:$0x7BC] =	sst s7  }
0x69: {  	s15 =	sadd.s32 $0xED80, s6;
	s14 =	simm.s32 $0xCE40;
	[smem:$0x7C2] =	sst s24  }
0x6a: {  	s8 =	sshrl.u32 s15, $0x3;
	s15 =	simm.s32 $0xD480;
	[smem:$0x7D1] =	sst s14  }
0x6b: {  	s29 =	simm.s32 $0x125C0;
	[smem:$0x7D2] =	sst s15  }
0x6c: {  	s30 =	simm.s32 $0x13240;
	[smem:$0x7DF] =	sst s29  }
0x6d: {  	s17 =	sadd.s32 s8, s3;
	[smem:$0x7E0] =	sst s30  }
0x6e: {  	s7 =	sadd.s32 s21, s3;
	[smem:$0x7BD] =	sst s17  }
0x6f: {  	s10 =	simm.s32 $0xAF00;
	[smem:$0x7BF] =	sst s7  }
0x70: {  	s22 =	sadd.s32 $0xDAC0, s6;
	s21 =	simm.s32 $0xFA00;
	[smem:$0x7CD] =	sst s10  }
0x71: {  	s8 =	sshrl.u32 s22, $0x3;
	s22 =	simm.s32 $0x10040;
	[smem:$0x7D8] =	sst s21  }
0x72: {  	s24 =	simm.s32 $0x10CC0;
	[smem:$0x7D9] =	sst s22  }
0x73: {  	s14 =	simm.s32 $0x170C0;
	[smem:$0x7DB] =	sst s24  }
0x74: {  	s15 =	simm.s32 $0x17700;
	[smem:$0x7EA] =	sst s14  }
0x75: {  	s29 =	simm.s32 $0x1C200;
	[smem:$0x7EB] =	sst s15  }
0x76: {  	s6 =	sadd.s32 $0xD480, s6;
	s30 =	simm.s32 $0x1C840;
	[smem:$0x7F6] =	sst s29  }
0x77: {  	s6 =	sshrl.u32 s6, $0x3;
	s23 =	sadd.s32 s8, s3;
	[smem:$0x7F7] =	sst s30  }
0x78: {  	s3 =	sadd.s32 s6, s3;
	[smem:$0x7C0] =	sst s23  }
0x79: {  	s6 =	simm.s32 $0x9600;
	[smem:$0x7C1] =	sst s3  }
0x7a: {  	s7 =	simm.s32 $0x9C40;
	[smem:$0x7C9] =	sst s6  }
0x7b: {  	s8 =	simm.s32 $0xA280;
	[smem:$0x7CA] =	sst s7  }
0x7c: {  	s9 =	simm.s32 $0xC800;
	s17 =	simm.s32 $0xE100;
	[smem:$0x7CB] =	sst s8  }
0x7d: {  	s16 =	sshll.u32 s0, $0x1;
	s10 =	simm.s32 $0x157C0;
	[smem:$0x7D4] =	sst s17  }
0x7e: {  	s11 =	simm.s32 $0x1;
	s21 =	simm.s32 $0x19C80;
	[smem:$0x7E6] =	sst s10  }
0x7f: {  	s18 =	simm.s32 $0x0;
	s22 =	simm.s32 $0x1A2C0;
	[smem:$0x7F0] =	sst s21  }
0x80: {  	s12 =	simm.s32 $0x19000;
	s24 =	simm.s32 $0x1A900;
	[smem:$0x7F1] =	sst s22  }
0x81: {  	s13 =	simm.s32 $0x2;
	s14 =	simm.s32 $0x1E780;
	[smem:$0x7F2] =	sst s24  }
0x82: {  	s15 =	simm.s32 $0x4;
	s23 =	simm.s32 $0x10680;
	[smem:$0x7FC] =	sst s14  }
0x83: {  	s6 =	simm.s32 $0x13EC0;
	s7 =	simm.s32 $0x14500;
	[smem:$0x7DA] =	sst s23  }
0x84: {  	s8 =	simm.s32 $0x14B40;
	s17 =	simm.s32 $0x17D40;
	[smem:$0x7E2] =	sst s6  }
0x85: {  	s3 =	sadd.s32 $0xF42E00, s5;
	s10 =	simm.s32 $0x12C00;
	[smem:$0x7E3] =	sst s7  }
0x86: {  	s14 =	simm.s32 $0x3;
	[smem:$0x7E4] =	sst s8;
	s6 =	sor.u32 s4, s16  }
0x87: {  	[smem:$0x7EC] =	sst s17;
	s4 =	ssub.s32 $0x2, s4;
	s8 =	simm.s32 $0x6400  }
0x88: {  	s16 =	simm.s32 $0x1EDC0;
	s17 =	simm.s32 $0x8;
	s6 =	smul.u32 $0xC80, s6  }
0x89: {  	s23 =	sshrl.u32 s4, $0x1;
	[smem:$0x7FD] =	sst s16;
	s16 =	simm.s32 $0x7  }
0x8a: {  	s7 =	ssub.s32 s4, s23;
	s5 =	sadd.s32 s6, s5;
	s6 =	simm.s32 $0x9  }
0x8b: {  	s4 =	sadd.s32 $0xA00, s5;
	s5 =	smax.u32 s7, $0x1;
	s7 =	simm.s32 $0x320  }
.LBB2_1:
0x8c: {  	[tilespmem:s2], [sflag:$0x9] =	stream.linear.gather [hbm4b:s4+s2], $0x6400, $0x38;
	[tilespmem:$0x1F400] =	vst v63  }
0x8d: {  	_ =	swait.ge [sflag:s6], $0x6400  }
0x8e: {  	[sflag:s6] =	ssyncset.done $0x0  }
0x8f: {  	[sflag:s6] =	ssyncadd.s32 $0xFFFF9C00  }
0x90: {  	[tilespmem:s8], [sflag:$0x1] =	stream.indirect.gather [hbm4b:s3+s7], $0x20, s2, s7, $0xb8;
	[tilespmem:$0x1F400] =	vst v63  }
0x91: {  	s19 =	simm.s32 $0x0  }
0x92: {  	[tilespmem:s9], [sflag:$0x2] =	stream.indirect.gather [hbm4b:s3+s7], $0x20, s7, s7, $0xb8;
	[tilespmem:$0x1F400] =	vst v63  }
.LBB2_2:
0x93: {  	p0 =	seq.s32 s19, $0x0  }
0x94: {  	s20 =	simm.s32 @!p0 $0x7  }
0x95: {  	_ =	swait.ge @!p0 [sflag:s20], $0x640  }
0x96: {  	[sflag:s20] =	ssyncset.done @!p0 $0x0  }
0x97: {  	[sflag:s20] =	ssyncadd.s32 @!p0 $0xFFFFF9C0  }
0x98: {  	_ =	swait.ge @!p0 [sflag:s20], $0x640  }
0x99: {  	[sflag:s20] =	ssyncset.done @!p0 $0x0  }
0x9a: {  	[sflag:s20] =	ssyncadd.s32 @!p0 $0xFFFFF9C0  }
0x9b: {  	_ =	swait.ge @!p0 [sflag:s20], $0x640  }
0x9c: {  	[sflag:s20] =	ssyncset.done @!p0 $0x0  }
0x9d: {  	[sflag:s20] =	ssyncadd.s32 @!p0 $0xFFFFF9C0  }
0x9e: {  	_ =	swait.ge @!p0 [sflag:s20], $0x640  }
0x9f: {  	[sflag:s20] =	ssyncset.done @!p0 $0x0  }
0xa0: {  	[sflag:s20] =	ssyncadd.s32 @!p0 $0xFFFFF9C0  }
0xa1: {  	_ =	swait.ge @!p0 [sflag:s20], $0x640  }
0xa2: {  	[sflag:s20] =	ssyncset.done @!p0 $0x0  }
0xa3: {  	[sflag:s20] =	ssyncadd.s32 @!p0 $0xFFFFF9C0  }
0xa4: {  	_ =	swait.ge @!p0 [sflag:s20], $0x640  }
0xa5: {  	[sflag:s20] =	ssyncset.done @!p0 $0x0  }
0xa6: {  	[sflag:s20] =	ssyncadd.s32 @!p0 $0xFFFFF9C0  }
0xa7: {  	_ =	swait.ge @!p0 [sflag:s20], $0x640  }
0xa8: {  	[sflag:s20] =	ssyncset.done @!p0 $0x0  }
0xa9: {  	[sflag:s20] =	ssyncadd.s32 @!p0 $0xFFFFF9C0  }
0xaa: {  	_ =	swait.ge @!p0 [sflag:s20], $0x640  }
0xab: {  	[sflag:s20] =	ssyncset.done @!p0 $0x0  }
0xac: {  	[sflag:s20] =	ssyncadd.s32 @!p0 $0xFFFFF9C0  }
0xad: {  	_ =	swait.ge @!p0 [sflag:s20], $0x640  }
0xae: {  	[sflag:s20] =	ssyncset.done @!p0 $0x0  }
0xaf: {  	[sflag:s20] =	ssyncadd.s32 @!p0 $0xFFFFF9C0  }
0xb0: {  	_ =	swait.ge @!p0 [sflag:s20], $0x640  }
0xb1: {  	[sflag:s20] =	ssyncset.done @!p0 $0x0  }
0xb2: {  	[sflag:s20] =	ssyncadd.s32 @!p0 $0xFFFFF9C0  }
0xb3: {  	_ =	swait.ge @!p0 [sflag:s20], $0x640  }
0xb4: {  	[sflag:s20] =	ssyncset.done @!p0 $0x0  }
0xb5: {  	[sflag:s20] =	ssyncadd.s32 @!p0 $0xFFFFF9C0  }
0xb6: {  	_ =	swait.ge @!p0 [sflag:s20], $0x640  }
0xb7: {  	[sflag:s20] =	ssyncset.done @!p0 $0x0  }
0xb8: {  	[sflag:s20] =	ssyncadd.s32 @!p0 $0xFFFFF9C0  }
0xb9: {  	_ =	swait.ge @!p0 [sflag:s20], $0x640  }
0xba: {  	[sflag:s20] =	ssyncset.done @!p0 $0x0  }
0xbb: {  	[sflag:s20] =	ssyncadd.s32 @!p0 $0xFFFFF9C0  }
0xbc: {  	_ =	swait.ge @!p0 [sflag:s20], $0x640  }
0xbd: {  	[sflag:s20] =	ssyncset.done @!p0 $0x0  }
0xbe: {  	[sflag:s20] =	ssyncadd.s32 @!p0 $0xFFFFF9C0  }
0xbf: {  	_ =	swait.ge @!p0 [sflag:s20], $0x640  }
0xc0: {  	[sflag:s20] =	ssyncset.done @!p0 $0x0  }
0xc1: {  	[sflag:s20] =	ssyncadd.s32 @!p0 $0xFFFFF9C0  }
0xc2: {  	_ =	swait.ge @!p0 [sflag:s20], $0x640  }
0xc3: {  	s21 =	sshra.s32 s19, $0x2;
	[sflag:s20] =	ssyncset.done @!p0 $0x0  }
0xc4: {  	s28 =	sadd.s32 $0x640, s21;
	[sflag:s20] =	ssyncadd.s32 @!p0 $0xFFFFF9C0  }
0xc5: {  	[tilespmem:s10], [sflag:$0x3] =	stream.indirect.gather [hbm4b:s3+s7], $0x20, s28, s7, $0xb8;
	[tilespmem:$0x1F400] =	vst v63  }
0xc6: {  	_ =	swait.ge [sflag:s11], $0x6400  }
0xc7: {  	s29 =	rddreg [dreg:$0x12]  }
0xc8: {  	s22 =	sld [smem:$0x7C2]  }
0xc9: {  	s30 =	sld [smem:$0x7C3]  }
0xca: {  	s31 =	rddreg [dreg:$0x1f]  }
0xcb: {  	s25 =	sld [smem:$0x7C4]  }
0xcc: {  	[sflag:s11] =	ssyncset.done $0x0;
	s28 =	rddreg [dreg:$0x1e]  }
0xcd: {  	[sflag:s11] =	ssyncadd.s32 $0xFFFF9C00;
	s20 =	sadd.s32 s19, s29;
	s29 =	sld [smem:$0x7C5]  }
0xce: {  	[hbm4b:s20+s2] =	stream.linear.scatter [tilespmem:s8], [sflag:$0x5], $0x640, $0x38;
	[tilespmem:$0x1F400] =	vst v63  }
0xcf: {  	s26 =	sadd.s32 s19, s31;
	s31 =	sld [smem:$0x7C6];
	s23 =	sadd.s32 $0xC8, s20  }
0xd0: {  	[hbm4b:s23+s2] =	stream.linear.scatter [tilespmem:s22], [sflag:$0x5], $0x640, $0x38;
	[tilespmem:$0x1F400] =	vst v63  }
0xd1: {  	s24 =	sadd.s32 $0x190, s20;
	s22 =	sadd.s32 s19, s28;
	s28 =	rddreg [dreg:$0x1c]  }
0xd2: {  	[hbm4b:s24+s2] =	stream.linear.scatter [tilespmem:s30], [sflag:$0x5], $0x640, $0x38;
	[tilespmem:$0x1F400] =	vst v63  }
0xd3: {  	s30 =	rddreg [dreg:$0x1d]  }
0xd4: {  	[hbm4b:s26+s2] =	stream.linear.scatter [tilespmem:s25], [sflag:$0x5], $0x640, $0x38;
	[tilespmem:$0x1F400] =	vst v63  }
0xd5: {  	s26 =	sadd.s32 s19, s30;
	s30 =	rddreg [dreg:$0x1b]  }
0xd6: {  	[hbm4b:s22+s2] =	stream.linear.scatter [tilespmem:s29], [sflag:$0x5], $0x640, $0x38;
	[tilespmem:$0x1F400] =	vst v63  }
0xd7: {  	s29 =	sld [smem:$0x7C7]  }
0xd8: {  	s22 =	sadd.s32 s19, s28;
	s28 =	rddreg [dreg:$0x1a]  }
0xd9: {  	[hbm4b:s26+s2] =	stream.linear.scatter [tilespmem:s31], [sflag:$0x5], $0x640, $0x38;
	[tilespmem:$0x1F400] =	vst v63  }
0xda: {  	s31 =	sld [smem:$0x7C8]  }
0xdb: {  	s26 =	sadd.s32 s19, s30;
	s30 =	rddreg [dreg:$0x19]  }
0xdc: {  	[hbm4b:s22+s2] =	stream.linear.scatter [tilespmem:s29], [sflag:$0x5], $0x640, $0x38;
	[tilespmem:$0x1F400] =	vst v63  }
0xdd: {  	s29 =	sld [smem:$0x7C9]  }
0xde: {  	s22 =	sadd.s32 s19, s28;
	s28 =	rddreg [dreg:$0x18]  }
0xdf: {  	[hbm4b:s26+s2] =	stream.linear.scatter [tilespmem:s31], [sflag:$0x5], $0x640, $0x38;
	[tilespmem:$0x1F400] =	vst v63  }
0xe0: {  	s31 =	sld [smem:$0x7CA]  }
0xe1: {  	s26 =	sadd.s32 s19, s30;
	s30 =	rddreg [dreg:$0x17]  }
0xe2: {  	[hbm4b:s22+s2] =	stream.linear.scatter [tilespmem:s29], [sflag:$0x5], $0x640, $0x38;
	[tilespmem:$0x1F400] =	vst v63  }
0xe3: {  	s29 =	sld [smem:$0x7CB]  }
0xe4: {  	s22 =	sadd.s32 s19, s28;
	s28 =	rddreg [dreg:$0x16]  }
0xe5: {  	[hbm4b:s26+s2] =	stream.linear.scatter [tilespmem:s31], [sflag:$0x5], $0x640, $0x38;
	[tilespmem:$0x1F400] =	vst v63  }
0xe6: {  	s31 =	sld [smem:$0x7CC]  }
0xe7: {  	s26 =	sadd.s32 s19, s30;
	s30 =	rddreg [dreg:$0x15]  }
0xe8: {  	[hbm4b:s22+s2] =	stream.linear.scatter [tilespmem:s29], [sflag:$0x5], $0x640, $0x38;
	[tilespmem:$0x1F400] =	vst v63  }
0xe9: {  	s29 =	sld [smem:$0x7CD]  }
0xea: {  	s22 =	sadd.s32 s19, s28;
	s28 =	rddreg [dreg:$0x14]  }
0xeb: {  	[hbm4b:s26+s2] =	stream.linear.scatter [tilespmem:s31], [sflag:$0x5], $0x640, $0x38;
	[tilespmem:$0x1F400] =	vst v63  }
0xec: {  	s31 =	sld [smem:$0x7CE]  }
0xed: {  	s26 =	sadd.s32 s19, s30;
	s30 =	rddreg [dreg:$0x13]  }
0xee: {  	[hbm4b:s22+s2] =	stream.linear.scatter [tilespmem:s29], [sflag:$0x5], $0x640, $0x38;
	[tilespmem:$0x1F400] =	vst v63  }
0xef: {  	s29 =	sld [smem:$0x7CF]  }
0xf0: {  	[hbm4b:s26+s2] =	stream.linear.scatter [tilespmem:s31], [sflag:$0x5], $0x640, $0x38;
	[tilespmem:$0x1F400] =	vst v63  }
0xf1: {  	s22 =	sadd.s32 s19, s28;
	s31 =	sld [smem:$0x7D0]  }
0xf2: {  	[hbm4b:s22+s2] =	stream.linear.scatter [tilespmem:s29], [sflag:$0x5], $0x640, $0x38;
	[tilespmem:$0x1F400] =	vst v63  }
0xf3: {  	s23 =	sadd.s32 s19, s30;
	s22 =	simm.s32 @!p0 $0x8  }
0xf4: {  	[hbm4b:s23+s2] =	stream.linear.scatter [tilespmem:s31], [sflag:$0x5], $0x640, $0x38;
	[tilespmem:$0x1F400] =	vst v63  }
0xf5: {  	_ =	swait.ge @!p0 [sflag:s22], $0x640  }
0xf6: {  	[sflag:s22] =	ssyncset.done @!p0 $0x0  }
0xf7: {  	[sflag:s22] =	ssyncadd.s32 @!p0 $0xFFFFF9C0  }
0xf8: {  	_ =	swait.ge @!p0 [sflag:s22], $0x640  }
0xf9: {  	[sflag:s22] =	ssyncset.done @!p0 $0x0  }
0xfa: {  	[sflag:s22] =	ssyncadd.s32 @!p0 $0xFFFFF9C0  }
0xfb: {  	_ =	swait.ge @!p0 [sflag:s22], $0x640  }
0xfc: {  	[sflag:s22] =	ssyncset.done @!p0 $0x0  }
0xfd: {  	[sflag:s22] =	ssyncadd.s32 @!p0 $0xFFFFF9C0  }
0xfe: {  	_ =	swait.ge @!p0 [sflag:s22], $0x640  }
0xff: {  	[sflag:s22] =	ssyncset.done @!p0 $0x0  }
0x100: {  	[sflag:s22] =	ssyncadd.s32 @!p0 $0xFFFFF9C0  }
0x101: {  	_ =	swait.ge @!p0 [sflag:s22], $0x640  }
0x102: {  	[sflag:s22] =	ssyncset.done @!p0 $0x0  }
0x103: {  	[sflag:s22] =	ssyncadd.s32 @!p0 $0xFFFFF9C0  }
0x104: {  	_ =	swait.ge @!p0 [sflag:s22], $0x640  }
0x105: {  	[sflag:s22] =	ssyncset.done @!p0 $0x0  }
0x106: {  	[sflag:s22] =	ssyncadd.s32 @!p0 $0xFFFFF9C0  }
0x107: {  	_ =	swait.ge @!p0 [sflag:s22], $0x640  }
0x108: {  	[sflag:s22] =	ssyncset.done @!p0 $0x0  }
0x109: {  	[sflag:s22] =	ssyncadd.s32 @!p0 $0xFFFFF9C0  }
0x10a: {  	_ =	swait.ge @!p0 [sflag:s22], $0x640  }
0x10b: {  	[sflag:s22] =	ssyncset.done @!p0 $0x0  }
0x10c: {  	[sflag:s22] =	ssyncadd.s32 @!p0 $0xFFFFF9C0  }
0x10d: {  	_ =	swait.ge @!p0 [sflag:s22], $0x640  }
0x10e: {  	[sflag:s22] =	ssyncset.done @!p0 $0x0  }
0x10f: {  	[sflag:s22] =	ssyncadd.s32 @!p0 $0xFFFFF9C0  }
0x110: {  	_ =	swait.ge @!p0 [sflag:s22], $0x640  }
0x111: {  	[sflag:s22] =	ssyncset.done @!p0 $0x0  }
0x112: {  	[sflag:s22] =	ssyncadd.s32 @!p0 $0xFFFFF9C0  }
0x113: {  	_ =	swait.ge @!p0 [sflag:s22], $0x640  }
0x114: {  	[sflag:s22] =	ssyncset.done @!p0 $0x0  }
0x115: {  	[sflag:s22] =	ssyncadd.s32 @!p0 $0xFFFFF9C0  }
0x116: {  	_ =	swait.ge @!p0 [sflag:s22], $0x640  }
0x117: {  	[sflag:s22] =	ssyncset.done @!p0 $0x0  }
0x118: {  	[sflag:s22] =	ssyncadd.s32 @!p0 $0xFFFFF9C0  }
0x119: {  	_ =	swait.ge @!p0 [sflag:s22], $0x640  }
0x11a: {  	[sflag:s22] =	ssyncset.done @!p0 $0x0  }
0x11b: {  	[sflag:s22] =	ssyncadd.s32 @!p0 $0xFFFFF9C0  }
0x11c: {  	_ =	swait.ge @!p0 [sflag:s22], $0x640  }
0x11d: {  	[sflag:s22] =	ssyncset.done @!p0 $0x0  }
0x11e: {  	[sflag:s22] =	ssyncadd.s32 @!p0 $0xFFFFF9C0  }
0x11f: {  	_ =	swait.ge @!p0 [sflag:s22], $0x640  }
0x120: {  	[sflag:s22] =	ssyncset.done @!p0 $0x0  }
0x121: {  	[sflag:s22] =	ssyncadd.s32 @!p0 $0xFFFFF9C0  }
0x122: {  	_ =	swait.ge @!p0 [sflag:s22], $0x640  }
0x123: {  	[sflag:s22] =	ssyncset.done @!p0 $0x0  }
0x124: {  	s21 =	sadd.s32 $0x960, s21;
	[sflag:s22] =	ssyncadd.s32 @!p0 $0xFFFFF9C0  }
0x125: {  	[tilespmem:s12], [sflag:$0x4] =	stream.indirect.gather [hbm4b:s3+s7], $0x20, s21, s7, $0xb8;
	[tilespmem:$0x1F400] =	vst v63  }
0x126: {  	_ =	swait.ge [sflag:s13], $0x6400  }
0x127: {  	s24 =	rddreg [dreg:$0x11]  }
0x128: {  	s26 =	sld [smem:$0x7D1]  }
0x129: {  	s28 =	rddreg [dreg:$0x10]  }
0x12a: {  	s29 =	sld [smem:$0x7D2]  }
0x12b: {  	s30 =	rddreg [dreg:$0xf]  }
0x12c: {  	s31 =	sld [smem:$0x7D3]  }
0x12d: {  	s22 =	rddreg [dreg:$0xc]  }
0x12e: {  	s25 =	sadd.s32 $0xC80, s20;
	[sflag:s13] =	ssyncset.done $0x0;
	s23 =	sld [smem:$0x7D6]  }
0x12f: {  	[sflag:s13] =	ssyncadd.s32 $0xFFFF9C00;
	s21 =	sadd.s32 s19, s24;
	s24 =	rddreg [dreg:$0xb]  }
0x130: {  	[hbm4b:s25+s2] =	stream.linear.scatter [tilespmem:s9], [sflag:$0x6], $0x640, $0x38;
	[tilespmem:$0x1F400] =	vst v63  }
0x131: {  	s25 =	sadd.s32 s19, s30;
	s30 =	sld [smem:$0x7D5]  }
0x132: {  	[hbm4b:s21+s2] =	stream.linear.scatter [tilespmem:s26], [sflag:$0x6], $0x640, $0x38;
	[tilespmem:$0x1F400] =	vst v63  }
0x133: {  	s26 =	rddreg [dreg:$0xe]  }
0x134: {  	s21 =	sadd.s32 s19, s28;
	s28 =	sld [smem:$0x7D4]  }
0x135: {  	[hbm4b:s21+s2] =	stream.linear.scatter [tilespmem:s29], [sflag:$0x6], $0x640, $0x38;
	[tilespmem:$0x1F400] =	vst v63  }
0x136: {  	s29 =	rddreg [dreg:$0xd]  }
0x137: {  	s21 =	sadd.s32 s19, s26;
	s26 =	sadd.s32 s19, s24;
	s24 =	rddreg [dreg:$0x5]  }
0x138: {  	[hbm4b:s25+s2] =	stream.linear.scatter [tilespmem:s31], [sflag:$0x6], $0x640, $0x38;
	[tilespmem:$0x1F400] =	vst v63  }
0x139: {  	s25 =	sld [smem:$0x7D7]  }
0x13a: {  	s31 =	sadd.s32 s19, s29;
	s29 =	sld [smem:$0x7D8]  }
0x13b: {  	[hbm4b:s21+s2] =	stream.linear.scatter [tilespmem:s28], [sflag:$0x6], $0x640, $0x38;
	[tilespmem:$0x1F400] =	vst v63  }
0x13c: {  	s28 =	rddreg [dreg:$0xa]  }
0x13d: {  	s21 =	sadd.s32 s19, s22;
	s22 =	rddreg [dreg:$0x6]  }
0x13e: {  	[hbm4b:s31+s2] =	stream.linear.scatter [tilespmem:s30], [sflag:$0x6], $0x640, $0x38;
	[tilespmem:$0x1F400] =	vst v63  }
0x13f: {  	s30 =	rddreg [dreg:$0x9]  }
0x140: {  	s31 =	sld [smem:$0x7D9]  }
0x141: {  	[hbm4b:s21+s2] =	stream.linear.scatter [tilespmem:s23], [sflag:$0x6], $0x640, $0x38;
	[tilespmem:$0x1F400] =	vst v63  }
0x142: {  	s21 =	sadd.s32 s19, s28;
	s28 =	sld [smem:$0x7DA]  }
0x143: {  	s23 =	sld [smem:$0x7DC]  }
0x144: {  	[hbm4b:s26+s2] =	stream.linear.scatter [tilespmem:s25], [sflag:$0x6], $0x640, $0x38;
	[tilespmem:$0x1F400] =	vst v63  }
0x145: {  	s26 =	rddreg [dreg:$0x8]  }
0x146: {  	s25 =	sadd.s32 s19, s30;
	s30 =	sld [smem:$0x7DB]  }
0x147: {  	[hbm4b:s21+s2] =	stream.linear.scatter [tilespmem:s29], [sflag:$0x6], $0x640, $0x38;
	[tilespmem:$0x1F400] =	vst v63  }
0x148: {  	s29 =	rddreg [dreg:$0x7]  }
0x149: {  	[hbm4b:s25+s2] =	stream.linear.scatter [tilespmem:s31], [sflag:$0x6], $0x640, $0x38;
	[tilespmem:$0x1F400] =	vst v63  }
0x14a: {  	s21 =	sadd.s32 s19, s26;
	s25 =	sld [smem:$0x7DD]  }
0x14b: {  	[hbm4b:s21+s2] =	stream.linear.scatter [tilespmem:s28], [sflag:$0x6], $0x640, $0x38;
	[tilespmem:$0x1F400] =	vst v63  }
0x14c: {  	s31 =	sadd.s32 s19, s29;
	s29 =	sld [smem:$0x7DE]  }
0x14d: {  	[hbm4b:s31+s2] =	stream.linear.scatter [tilespmem:s30], [sflag:$0x6], $0x640, $0x38;
	[tilespmem:$0x1F400] =	vst v63  }
0x14e: {  	s21 =	sadd.s32 s19, s22;
	s28 =	rddreg [dreg:$0x4]  }
0x14f: {  	[hbm4b:s21+s2] =	stream.linear.scatter [tilespmem:s23], [sflag:$0x6], $0x640, $0x38;
	[tilespmem:$0x1F400] =	vst v63  }
0x150: {  	s26 =	sadd.s32 s19, s24;
	s30 =	rddreg [dreg:$0x3]  }
0x151: {  	[hbm4b:s26+s2] =	stream.linear.scatter [tilespmem:s25], [sflag:$0x6], $0x640, $0x38;
	[tilespmem:$0x1F400] =	vst v63  }
0x152: {  	p0 =	seq.s32 s19, $0x15E00;
	s31 =	sld [smem:$0x7DF];
	s21 =	sadd.s32 s19, s28  }
0x153: {  	[hbm4b:s21+s2] =	stream.linear.scatter [tilespmem:s29], [sflag:$0x6], $0x640, $0x38;
	[tilespmem:$0x1F400] =	vst v63  }
0x154: {  	s23 =	sadd.s32 s19, s30;
	s21 =	simm.s32 @!p0 $0x5  }
0x155: {  	[hbm4b:s23+s2] =	stream.linear.scatter [tilespmem:s31], [sflag:$0x6], $0x640, $0x38;
	[tilespmem:$0x1F400] =	vst v63  }
0x156: {  	_ =	swait.ge @!p0 [sflag:s21], $0x640  }
0x157: {  	[sflag:s21] =	ssyncset.done @!p0 $0x0  }
0x158: {  	[sflag:s21] =	ssyncadd.s32 @!p0 $0xFFFFF9C0  }
0x159: {  	_ =	swait.ge @!p0 [sflag:s21], $0x640  }
0x15a: {  	[sflag:s21] =	ssyncset.done @!p0 $0x0  }
0x15b: {  	[sflag:s21] =	ssyncadd.s32 @!p0 $0xFFFFF9C0  }
0x15c: {  	_ =	swait.ge @!p0 [sflag:s21], $0x640  }
0x15d: {  	[sflag:s21] =	ssyncset.done @!p0 $0x0  }
0x15e: {  	[sflag:s21] =	ssyncadd.s32 @!p0 $0xFFFFF9C0  }
0x15f: {  	_ =	swait.ge @!p0 [sflag:s21], $0x640  }
0x160: {  	[sflag:s21] =	ssyncset.done @!p0 $0x0  }
0x161: {  	[sflag:s21] =	ssyncadd.s32 @!p0 $0xFFFFF9C0  }
0x162: {  	_ =	swait.ge @!p0 [sflag:s21], $0x640  }
0x163: {  	[sflag:s21] =	ssyncset.done @!p0 $0x0  }
0x164: {  	[sflag:s21] =	ssyncadd.s32 @!p0 $0xFFFFF9C0  }
0x165: {  	_ =	swait.ge @!p0 [sflag:s21], $0x640  }
0x166: {  	[sflag:s21] =	ssyncset.done @!p0 $0x0  }
0x167: {  	[sflag:s21] =	ssyncadd.s32 @!p0 $0xFFFFF9C0  }
0x168: {  	_ =	swait.ge @!p0 [sflag:s21], $0x640  }
0x169: {  	[sflag:s21] =	ssyncset.done @!p0 $0x0  }
0x16a: {  	[sflag:s21] =	ssyncadd.s32 @!p0 $0xFFFFF9C0  }
0x16b: {  	_ =	swait.ge @!p0 [sflag:s21], $0x640  }
0x16c: {  	[sflag:s21] =	ssyncset.done @!p0 $0x0  }
0x16d: {  	[sflag:s21] =	ssyncadd.s32 @!p0 $0xFFFFF9C0  }
0x16e: {  	_ =	swait.ge @!p0 [sflag:s21], $0x640  }
0x16f: {  	[sflag:s21] =	ssyncset.done @!p0 $0x0  }
0x170: {  	[sflag:s21] =	ssyncadd.s32 @!p0 $0xFFFFF9C0  }
0x171: {  	_ =	swait.ge @!p0 [sflag:s21], $0x640  }
0x172: {  	[sflag:s21] =	ssyncset.done @!p0 $0x0  }
0x173: {  	[sflag:s21] =	ssyncadd.s32 @!p0 $0xFFFFF9C0  }
0x174: {  	_ =	swait.ge @!p0 [sflag:s21], $0x640  }
0x175: {  	[sflag:s21] =	ssyncset.done @!p0 $0x0  }
0x176: {  	[sflag:s21] =	ssyncadd.s32 @!p0 $0xFFFFF9C0  }
0x177: {  	_ =	swait.ge @!p0 [sflag:s21], $0x640  }
0x178: {  	[sflag:s21] =	ssyncset.done @!p0 $0x0  }
0x179: {  	[sflag:s21] =	ssyncadd.s32 @!p0 $0xFFFFF9C0  }
0x17a: {  	_ =	swait.ge @!p0 [sflag:s21], $0x640  }
0x17b: {  	[sflag:s21] =	ssyncset.done @!p0 $0x0  }
0x17c: {  	[sflag:s21] =	ssyncadd.s32 @!p0 $0xFFFFF9C0  }
0x17d: {  	_ =	swait.ge @!p0 [sflag:s21], $0x640  }
0x17e: {  	[sflag:s21] =	ssyncset.done @!p0 $0x0  }
0x17f: {  	[sflag:s21] =	ssyncadd.s32 @!p0 $0xFFFFF9C0  }
0x180: {  	_ =	swait.ge @!p0 [sflag:s21], $0x640  }
0x181: {  	[sflag:s21] =	ssyncset.done @!p0 $0x0  }
0x182: {  	[sflag:s21] =	ssyncadd.s32 @!p0 $0xFFFFF9C0  }
0x183: {  	_ =	swait.ge @!p0 [sflag:s21], $0x640  }
0x184: {  	[sflag:s21] =	ssyncset.done @!p0 $0x0  }
0x185: {  	[sflag:s21] =	ssyncadd.s32 @!p0 $0xFFFFF9C0;
	s21 =	sshra.s32 @!p0 s19, $0x2  }
0x186: {  	s24 =	simm.s32 @!p0 $0x6400;
	s22 =	simm.s32 @!p0 $0x320;
	s23 =	sadd.s32 @!p0 $0xC80, s21  }
0x187: {  	[tilespmem:s24], [sflag:$0x1] =	stream.indirect.gather @!p0 [hbm4b:s3+s22], $0x20, s23, s22, $0xb8;
	[tilespmem:$0x1F400] =	vst v63  }
0x188: {  	_ =	swait.ge [sflag:s14], $0x6400  }
0x189: {  	s26 =	sld [smem:$0x7E0]  }
0x18a: {  	s29 =	sld [smem:$0x7C1]  }
0x18b: {  	[sflag:s14] =	ssyncset.done $0x0;
	s30 =	sld [smem:$0x7E1]  }
0x18c: {  	s25 =	sadd.s32 $0x1900, s20;
	s31 =	sld [smem:$0x7C0];
	[sflag:s14] =	ssyncadd.s32 $0xFFFF9C00  }
0x18d: {  	[hbm4b:s25+s2] =	stream.linear.scatter [tilespmem:s10], [sflag:$0x7], $0x640, $0x38;
	[tilespmem:$0x1F400] =	vst v63  }
0x18e: {  	s23 =	sadd.s32 s19, s29;
	s29 =	sld [smem:$0x7E3]  }
0x18f: {  	s28 =	sadd.s32 $0x19C8, s20;
	s25 =	sadd.s32 s19, s31;
	s31 =	sld [smem:$0x7E4]  }
0x190: {  	[hbm4b:s28+s2] =	stream.linear.scatter [tilespmem:s26], [sflag:$0x7], $0x640, $0x38;
	[tilespmem:$0x1F400] =	vst v63  }
0x191: {  	s26 =	sld [smem:$0x7E2]  }
0x192: {  	s28 =	sld [smem:$0x7BF]  }
0x193: {  	[hbm4b:s23+s2] =	stream.linear.scatter [tilespmem:s30], [sflag:$0x7], $0x640, $0x38;
	[tilespmem:$0x1F400] =	vst v63  }
0x194: {  	s30 =	sld [smem:$0x7BE]  }
0x195: {  	s23 =	sadd.s32 s19, s28;
	s28 =	sld [smem:$0x7BD]  }
0x196: {  	[hbm4b:s25+s2] =	stream.linear.scatter [tilespmem:s26], [sflag:$0x7], $0x640, $0x38;
	[tilespmem:$0x1F400] =	vst v63  }
0x197: {  	s26 =	sld [smem:$0x7B5]  }
0x198: {  	s25 =	sadd.s32 s19, s30;
	s30 =	sld [smem:$0x7BC]  }
0x199: {  	[hbm4b:s23+s2] =	stream.linear.scatter [tilespmem:s29], [sflag:$0x7], $0x640, $0x38;
	[tilespmem:$0x1F400] =	vst v63  }
0x19a: {  	s29 =	sld [smem:$0x7E5]  }
0x19b: {  	s23 =	sadd.s32 s19, s28;
	s28 =	sld [smem:$0x7BB]  }
0x19c: {  	[hbm4b:s25+s2] =	stream.linear.scatter [tilespmem:s31], [sflag:$0x7], $0x640, $0x38;
	[tilespmem:$0x1F400] =	vst v63  }
0x19d: {  	s31 =	sld [smem:$0x7E6]  }
0x19e: {  	s25 =	sadd.s32 s19, s30;
	s30 =	sld [smem:$0x7BA]  }
0x19f: {  	[hbm4b:s23+s2] =	stream.linear.scatter [tilespmem:s29], [sflag:$0x7], $0x640, $0x38;
	[tilespmem:$0x1F400] =	vst v63  }
0x1a0: {  	s29 =	sld [smem:$0x7E7]  }
0x1a1: {  	s23 =	sadd.s32 s19, s28;
	s28 =	sld [smem:$0x7B9]  }
0x1a2: {  	[hbm4b:s25+s2] =	stream.linear.scatter [tilespmem:s31], [sflag:$0x7], $0x640, $0x38;
	[tilespmem:$0x1F400] =	vst v63  }
0x1a3: {  	s31 =	sld [smem:$0x7E8]  }
0x1a4: {  	s25 =	sadd.s32 s19, s30;
	s30 =	sld [smem:$0x7B8]  }
0x1a5: {  	[hbm4b:s23+s2] =	stream.linear.scatter [tilespmem:s29], [sflag:$0x7], $0x640, $0x38;
	[tilespmem:$0x1F400] =	vst v63  }
0x1a6: {  	s29 =	sld [smem:$0x7E9]  }
0x1a7: {  	s23 =	sadd.s32 s19, s28;
	s28 =	sld [smem:$0x7B7]  }
0x1a8: {  	[hbm4b:s25+s2] =	stream.linear.scatter [tilespmem:s31], [sflag:$0x7], $0x640, $0x38;
	[tilespmem:$0x1F400] =	vst v63  }
0x1a9: {  	s31 =	sld [smem:$0x7EA]  }
0x1aa: {  	s25 =	sadd.s32 s19, s30;
	s30 =	sld [smem:$0x7B6]  }
0x1ab: {  	[hbm4b:s23+s2] =	stream.linear.scatter [tilespmem:s29], [sflag:$0x7], $0x640, $0x38;
	[tilespmem:$0x1F400] =	vst v63  }
0x1ac: {  	s29 =	sld [smem:$0x7EB]  }
0x1ad: {  	s23 =	sadd.s32 s19, s28;
	s28 =	sld [smem:$0x7ED]  }
0x1ae: {  	[hbm4b:s25+s2] =	stream.linear.scatter [tilespmem:s31], [sflag:$0x7], $0x640, $0x38;
	[tilespmem:$0x1F400] =	vst v63  }
0x1af: {  	s31 =	sld [smem:$0x7EC]  }
0x1b0: {  	[hbm4b:s23+s2] =	stream.linear.scatter [tilespmem:s29], [sflag:$0x7], $0x640, $0x38;
	[tilespmem:$0x1F400] =	vst v63  }
0x1b1: {  	s25 =	sadd.s32 s19, s30;
	s29 =	sld [smem:$0x7B4]  }
0x1b2: {  	[hbm4b:s25+s2] =	stream.linear.scatter [tilespmem:s31], [sflag:$0x7], $0x640, $0x38;
	[tilespmem:$0x1F400] =	vst v63  }
0x1b3: {  	s30 =	sld [smem:$0x7EE];
	s23 =	sadd.s32 s19, s26  }
0x1b4: {  	[hbm4b:s23+s2] =	stream.linear.scatter [tilespmem:s28], [sflag:$0x7], $0x640, $0x38;
	[tilespmem:$0x1F400] =	vst v63  }
0x1b5: {  	s31 =	sadd.s32 s19, s29;
	s23 =	simm.s32 @!p0 $0x6  }
0x1b6: {  	[hbm4b:s31+s2] =	stream.linear.scatter [tilespmem:s30], [sflag:$0x7], $0x640, $0x38;
	[tilespmem:$0x1F400] =	vst v63  }
0x1b7: {  	_ =	swait.ge @!p0 [sflag:s23], $0x640  }
0x1b8: {  	[sflag:s23] =	ssyncset.done @!p0 $0x0  }
0x1b9: {  	[sflag:s23] =	ssyncadd.s32 @!p0 $0xFFFFF9C0  }
0x1ba: {  	_ =	swait.ge @!p0 [sflag:s23], $0x640  }
0x1bb: {  	[sflag:s23] =	ssyncset.done @!p0 $0x0  }
0x1bc: {  	[sflag:s23] =	ssyncadd.s32 @!p0 $0xFFFFF9C0  }
0x1bd: {  	_ =	swait.ge @!p0 [sflag:s23], $0x640  }
0x1be: {  	[sflag:s23] =	ssyncset.done @!p0 $0x0  }
0x1bf: {  	[sflag:s23] =	ssyncadd.s32 @!p0 $0xFFFFF9C0  }
0x1c0: {  	_ =	swait.ge @!p0 [sflag:s23], $0x640  }
0x1c1: {  	[sflag:s23] =	ssyncset.done @!p0 $0x0  }
0x1c2: {  	[sflag:s23] =	ssyncadd.s32 @!p0 $0xFFFFF9C0  }
0x1c3: {  	_ =	swait.ge @!p0 [sflag:s23], $0x640  }
0x1c4: {  	[sflag:s23] =	ssyncset.done @!p0 $0x0  }
0x1c5: {  	[sflag:s23] =	ssyncadd.s32 @!p0 $0xFFFFF9C0  }
0x1c6: {  	_ =	swait.ge @!p0 [sflag:s23], $0x640  }
0x1c7: {  	[sflag:s23] =	ssyncset.done @!p0 $0x0  }
0x1c8: {  	[sflag:s23] =	ssyncadd.s32 @!p0 $0xFFFFF9C0  }
0x1c9: {  	_ =	swait.ge @!p0 [sflag:s23], $0x640  }
0x1ca: {  	[sflag:s23] =	ssyncset.done @!p0 $0x0  }
0x1cb: {  	[sflag:s23] =	ssyncadd.s32 @!p0 $0xFFFFF9C0  }
0x1cc: {  	_ =	swait.ge @!p0 [sflag:s23], $0x640  }
0x1cd: {  	[sflag:s23] =	ssyncset.done @!p0 $0x0  }
0x1ce: {  	[sflag:s23] =	ssyncadd.s32 @!p0 $0xFFFFF9C0  }
0x1cf: {  	_ =	swait.ge @!p0 [sflag:s23], $0x640  }
0x1d0: {  	[sflag:s23] =	ssyncset.done @!p0 $0x0  }
0x1d1: {  	[sflag:s23] =	ssyncadd.s32 @!p0 $0xFFFFF9C0  }
0x1d2: {  	_ =	swait.ge @!p0 [sflag:s23], $0x640  }
0x1d3: {  	[sflag:s23] =	ssyncset.done @!p0 $0x0  }
0x1d4: {  	[sflag:s23] =	ssyncadd.s32 @!p0 $0xFFFFF9C0  }
0x1d5: {  	_ =	swait.ge @!p0 [sflag:s23], $0x640  }
0x1d6: {  	[sflag:s23] =	ssyncset.done @!p0 $0x0  }
0x1d7: {  	[sflag:s23] =	ssyncadd.s32 @!p0 $0xFFFFF9C0  }
0x1d8: {  	_ =	swait.ge @!p0 [sflag:s23], $0x640  }
0x1d9: {  	[sflag:s23] =	ssyncset.done @!p0 $0x0  }
0x1da: {  	[sflag:s23] =	ssyncadd.s32 @!p0 $0xFFFFF9C0  }
0x1db: {  	_ =	swait.ge @!p0 [sflag:s23], $0x640  }
0x1dc: {  	[sflag:s23] =	ssyncset.done @!p0 $0x0  }
0x1dd: {  	[sflag:s23] =	ssyncadd.s32 @!p0 $0xFFFFF9C0  }
0x1de: {  	_ =	swait.ge @!p0 [sflag:s23], $0x640  }
0x1df: {  	[sflag:s23] =	ssyncset.done @!p0 $0x0  }
0x1e0: {  	[sflag:s23] =	ssyncadd.s32 @!p0 $0xFFFFF9C0  }
0x1e1: {  	_ =	swait.ge @!p0 [sflag:s23], $0x640  }
0x1e2: {  	[sflag:s23] =	ssyncset.done @!p0 $0x0  }
0x1e3: {  	[sflag:s23] =	ssyncadd.s32 @!p0 $0xFFFFF9C0  }
0x1e4: {  	_ =	swait.ge @!p0 [sflag:s23], $0x640  }
0x1e5: {  	[sflag:s23] =	ssyncset.done @!p0 $0x0  }
0x1e6: {  	s21 =	sadd.s32 @!p0 $0xFA0, s21;
	[sflag:s23] =	ssyncadd.s32 @!p0 $0xFFFFF9C0;
	s23 =	simm.s32 @!p0 $0xC800  }
0x1e7: {  	[tilespmem:s23], [sflag:$0x2] =	stream.indirect.gather @!p0 [hbm4b:s3+s22], $0x20, s21, s22, $0xb8;
	[tilespmem:$0x1F400] =	vst v63  }
0x1e8: {  	_ =	swait.ge [sflag:s15], $0x6400  }
0x1e9: {  	s23 =	sld [smem:$0x7B3]  }
0x1ea: {  	s24 =	sld [smem:$0x7EF]  }
0x1eb: {  	s26 =	sld [smem:$0x7B2]  }
0x1ec: {  	s28 =	sld [smem:$0x7F0]  }
0x1ed: {  	s29 =	sld [smem:$0x7B1]  }
0x1ee: {  	s30 =	sld [smem:$0x7F1]  }
0x1ef: {  	[sflag:s15] =	ssyncset.done $0x0;
	s21 =	sld [smem:$0x7B0]  }
0x1f0: {  	s20 =	sadd.s32 $0x2580, s20;
	s22 =	sld [smem:$0x7F2];
	[sflag:s15] =	ssyncadd.s32 $0xFFFF9C00  }
0x1f1: {  	[hbm4b:s20+s2] =	stream.linear.scatter [tilespmem:s12], [sflag:$0x8], $0x640, $0x38;
	[tilespmem:$0x1F400] =	vst v63  }
0x1f2: {  	s25 =	sadd.s32 s19, s23;
	s23 =	sld [smem:$0x7AF]  }
0x1f3: {  	s20 =	sadd.s32 s19, s26;
	s26 =	sld [smem:$0x7AE]  }
0x1f4: {  	s31 =	sadd.s32 s19, s29;
	s29 =	sld [smem:$0x7AD]  }
0x1f5: {  	[hbm4b:s25+s2] =	stream.linear.scatter [tilespmem:s24], [sflag:$0x8], $0x640, $0x38;
	[tilespmem:$0x1F400] =	vst v63  }
0x1f6: {  	s24 =	sld [smem:$0x7F3]  }
0x1f7: {  	[hbm4b:s20+s2] =	stream.linear.scatter [tilespmem:s28], [sflag:$0x8], $0x640, $0x38;
	[tilespmem:$0x1F400] =	vst v63  }
0x1f8: {  	s28 =	sld [smem:$0x7F4]  }
0x1f9: {  	s20 =	sadd.s32 s19, s21;
	s21 =	sld [smem:$0x7AC]  }
0x1fa: {  	s25 =	sadd.s32 s19, s23;
	s23 =	sld [smem:$0x7AB]  }
0x1fb: {  	[hbm4b:s31+s2] =	stream.linear.scatter [tilespmem:s30], [sflag:$0x8], $0x640, $0x38;
	[tilespmem:$0x1F400] =	vst v63  }
0x1fc: {  	s30 =	sld [smem:$0x7F5]  }
0x1fd: {  	s31 =	sadd.s32 s19, s29;
	s29 =	sld [smem:$0x7A9]  }
0x1fe: {  	[hbm4b:s20+s2] =	stream.linear.scatter [tilespmem:s22], [sflag:$0x8], $0x640, $0x38;
	[tilespmem:$0x1F400] =	vst v63  }
0x1ff: {  	s22 =	sld [smem:$0x7F6]  }
0x200: {  	s20 =	sadd.s32 s19, s26;
	s26 =	sld [smem:$0x7AA]  }
0x201: {  	[hbm4b:s25+s2] =	stream.linear.scatter [tilespmem:s24], [sflag:$0x8], $0x640, $0x38;
	[tilespmem:$0x1F400] =	vst v63  }
0x202: {  	s24 =	sld [smem:$0x7F7]  }
0x203: {  	s25 =	sadd.s32 s19, s23;
	s23 =	sld [smem:$0x7A7]  }
0x204: {  	[hbm4b:s20+s2] =	stream.linear.scatter [tilespmem:s28], [sflag:$0x8], $0x640, $0x38;
	[tilespmem:$0x1F400] =	vst v63  }
0x205: {  	s28 =	sld [smem:$0x7F8]  }
0x206: {  	s20 =	sadd.s32 s19, s21;
	s21 =	sld [smem:$0x7A8]  }
0x207: {  	[hbm4b:s31+s2] =	stream.linear.scatter [tilespmem:s30], [sflag:$0x8], $0x640, $0x38;
	[tilespmem:$0x1F400] =	vst v63  }
0x208: {  	s30 =	sld [smem:$0x7F9]  }
0x209: {  	[hbm4b:s20+s2] =	stream.linear.scatter [tilespmem:s22], [sflag:$0x8], $0x640, $0x38;
	[tilespmem:$0x1F400] =	vst v63  }
0x20a: {  	s31 =	sadd.s32 s19, s29;
	s29 =	sld [smem:$0x7A5]  }
0x20b: {  	[hbm4b:s25+s2] =	stream.linear.scatter [tilespmem:s24], [sflag:$0x8], $0x640, $0x38;
	[tilespmem:$0x1F400] =	vst v63  }
0x20c: {  	s20 =	sadd.s32 s19, s26;
	s22 =	sld [smem:$0x7FA]  }
0x20d: {  	[hbm4b:s20+s2] =	stream.linear.scatter [tilespmem:s28], [sflag:$0x8], $0x640, $0x38;
	[tilespmem:$0x1F400] =	vst v63  }
0x20e: {  	s26 =	sld [smem:$0x7A6]  }
0x20f: {  	[hbm4b:s31+s2] =	stream.linear.scatter [tilespmem:s30], [sflag:$0x8], $0x640, $0x38;
	[tilespmem:$0x1F400] =	vst v63  }
0x210: {  	s24 =	sld [smem:$0x7FB];
	s25 =	sadd.s32 s19, s23;
	s20 =	sadd.s32 s19, s21  }
0x211: {  	[hbm4b:s20+s2] =	stream.linear.scatter [tilespmem:s22], [sflag:$0x8], $0x640, $0x38;
	[tilespmem:$0x1F400] =	vst v63  }
0x212: {  	s31 =	sadd.s32 s19, s29;
	s20 =	sadd.s32 s19, s26;
	s19 =	sadd.s32 $0x3200, s19  }
0x213: {  	s28 =	sld [smem:$0x7FC];
	p0 =	sne.s32 s19, $0x19000  }
0x214: {  	[hbm4b:s25+s2] =	stream.linear.scatter [tilespmem:s24], [sflag:$0x8], $0x640, $0x38;
	[tilespmem:$0x1F400] =	vst v63  }
.Ltmp0:
0x215: {  	_ = 	snop;
	(pc) =	sbr.rel @p0 .LBB2_2-.Ltmp0, $4  }
0x216: {  	s30 =	sld [smem:$0x7FD]  }
0x217: {  	[hbm4b:s20+s2] =	stream.linear.scatter [tilespmem:s28], [sflag:$0x8], $0x640, $0x38;
	[tilespmem:$0x1F400] =	vst v63  }
0x218: {  	_ = 	snop  }
0x219: {  	[hbm4b:s31+s2] =	stream.linear.scatter [tilespmem:s30], [sflag:$0x8], $0x640, $0x38;
	[tilespmem:$0x1F400] =	vst v63  }
0x21a: {  	_ =	swait.ge [sflag:s16], $0x640  }
0x21b: {  	[sflag:s16] =	ssyncset.done $0x0  }
0x21c: {  	[sflag:s16] =	ssyncadd.s32 $0xFFFFF9C0  }
0x21d: {  	_ =	swait.ge [sflag:s16], $0x640  }
0x21e: {  	[sflag:s16] =	ssyncset.done $0x0  }
0x21f: {  	[sflag:s16] =	ssyncadd.s32 $0xFFFFF9C0  }
0x220: {  	_ =	swait.ge [sflag:s16], $0x640  }
0x221: {  	[sflag:s16] =	ssyncset.done $0x0  }
0x222: {  	[sflag:s16] =	ssyncadd.s32 $0xFFFFF9C0  }
0x223: {  	_ =	swait.ge [sflag:s16], $0x640  }
0x224: {  	[sflag:s16] =	ssyncset.done $0x0  }
0x225: {  	[sflag:s16] =	ssyncadd.s32 $0xFFFFF9C0  }
0x226: {  	_ =	swait.ge [sflag:s16], $0x640  }
0x227: {  	[sflag:s16] =	ssyncset.done $0x0  }
0x228: {  	[sflag:s16] =	ssyncadd.s32 $0xFFFFF9C0  }
0x229: {  	_ =	swait.ge [sflag:s16], $0x640  }
0x22a: {  	[sflag:s16] =	ssyncset.done $0x0  }
0x22b: {  	[sflag:s16] =	ssyncadd.s32 $0xFFFFF9C0  }
0x22c: {  	_ =	swait.ge [sflag:s16], $0x640  }
0x22d: {  	[sflag:s16] =	ssyncset.done $0x0  }
0x22e: {  	[sflag:s16] =	ssyncadd.s32 $0xFFFFF9C0  }
0x22f: {  	_ =	swait.ge [sflag:s16], $0x640  }
0x230: {  	[sflag:s16] =	ssyncset.done $0x0  }
0x231: {  	[sflag:s16] =	ssyncadd.s32 $0xFFFFF9C0  }
0x232: {  	_ =	swait.ge [sflag:s16], $0x640  }
0x233: {  	[sflag:s16] =	ssyncset.done $0x0  }
0x234: {  	[sflag:s16] =	ssyncadd.s32 $0xFFFFF9C0  }
0x235: {  	_ =	swait.ge [sflag:s16], $0x640  }
0x236: {  	[sflag:s16] =	ssyncset.done $0x0  }
0x237: {  	[sflag:s16] =	ssyncadd.s32 $0xFFFFF9C0  }
0x238: {  	_ =	swait.ge [sflag:s16], $0x640  }
0x239: {  	[sflag:s16] =	ssyncset.done $0x0  }
0x23a: {  	[sflag:s16] =	ssyncadd.s32 $0xFFFFF9C0  }
0x23b: {  	_ =	swait.ge [sflag:s16], $0x640  }
0x23c: {  	[sflag:s16] =	ssyncset.done $0x0  }
0x23d: {  	[sflag:s16] =	ssyncadd.s32 $0xFFFFF9C0  }
0x23e: {  	_ =	swait.ge [sflag:s16], $0x640  }
0x23f: {  	[sflag:s16] =	ssyncset.done $0x0  }
0x240: {  	[sflag:s16] =	ssyncadd.s32 $0xFFFFF9C0  }
0x241: {  	_ =	swait.ge [sflag:s16], $0x640  }
0x242: {  	[sflag:s16] =	ssyncset.done $0x0  }
0x243: {  	[sflag:s16] =	ssyncadd.s32 $0xFFFFF9C0  }
0x244: {  	_ =	swait.ge [sflag:s16], $0x640  }
0x245: {  	[sflag:s16] =	ssyncset.done $0x0  }
0x246: {  	[sflag:s16] =	ssyncadd.s32 $0xFFFFF9C0  }
0x247: {  	_ =	swait.ge [sflag:s16], $0x640  }
0x248: {  	[sflag:s16] =	ssyncset.done $0x0  }
0x249: {  	[sflag:s16] =	ssyncadd.s32 $0xFFFFF9C0  }
0x24a: {  	_ =	swait.ge [sflag:s17], $0x640  }
0x24b: {  	[sflag:s17] =	ssyncset.done $0x0  }
0x24c: {  	[sflag:s17] =	ssyncadd.s32 $0xFFFFF9C0  }
0x24d: {  	_ =	swait.ge [sflag:s17], $0x640  }
0x24e: {  	[sflag:s17] =	ssyncset.done $0x0  }
0x24f: {  	[sflag:s17] =	ssyncadd.s32 $0xFFFFF9C0  }
0x250: {  	_ =	swait.ge [sflag:s17], $0x640  }
0x251: {  	[sflag:s17] =	ssyncset.done $0x0  }
0x252: {  	[sflag:s17] =	ssyncadd.s32 $0xFFFFF9C0  }
0x253: {  	_ =	swait.ge [sflag:s17], $0x640  }
0x254: {  	[sflag:s17] =	ssyncset.done $0x0  }
0x255: {  	[sflag:s17] =	ssyncadd.s32 $0xFFFFF9C0  }
0x256: {  	_ =	swait.ge [sflag:s17], $0x640  }
0x257: {  	[sflag:s17] =	ssyncset.done $0x0  }
0x258: {  	[sflag:s17] =	ssyncadd.s32 $0xFFFFF9C0  }
0x259: {  	_ =	swait.ge [sflag:s17], $0x640  }
0x25a: {  	[sflag:s17] =	ssyncset.done $0x0  }
0x25b: {  	[sflag:s17] =	ssyncadd.s32 $0xFFFFF9C0  }
0x25c: {  	_ =	swait.ge [sflag:s17], $0x640  }
0x25d: {  	[sflag:s17] =	ssyncset.done $0x0  }
0x25e: {  	[sflag:s17] =	ssyncadd.s32 $0xFFFFF9C0  }
0x25f: {  	_ =	swait.ge [sflag:s17], $0x640  }
0x260: {  	[sflag:s17] =	ssyncset.done $0x0  }
0x261: {  	[sflag:s17] =	ssyncadd.s32 $0xFFFFF9C0  }
0x262: {  	_ =	swait.ge [sflag:s17], $0x640  }
0x263: {  	[sflag:s17] =	ssyncset.done $0x0  }
0x264: {  	[sflag:s17] =	ssyncadd.s32 $0xFFFFF9C0  }
0x265: {  	_ =	swait.ge [sflag:s17], $0x640  }
0x266: {  	[sflag:s17] =	ssyncset.done $0x0  }
0x267: {  	[sflag:s17] =	ssyncadd.s32 $0xFFFFF9C0  }
0x268: {  	_ =	swait.ge [sflag:s17], $0x640  }
0x269: {  	[sflag:s17] =	ssyncset.done $0x0  }
0x26a: {  	[sflag:s17] =	ssyncadd.s32 $0xFFFFF9C0  }
0x26b: {  	_ =	swait.ge [sflag:s17], $0x640  }
0x26c: {  	[sflag:s17] =	ssyncset.done $0x0  }
0x26d: {  	[sflag:s17] =	ssyncadd.s32 $0xFFFFF9C0  }
0x26e: {  	_ =	swait.ge [sflag:s17], $0x640  }
0x26f: {  	[sflag:s17] =	ssyncset.done $0x0  }
0x270: {  	[sflag:s17] =	ssyncadd.s32 $0xFFFFF9C0  }
0x271: {  	_ =	swait.ge [sflag:s17], $0x640  }
0x272: {  	[sflag:s17] =	ssyncset.done $0x0  }
0x273: {  	s18 =	sadd.s32 $0x1, s18;
	[sflag:s17] =	ssyncadd.s32 $0xFFFFF9C0  }
0x274: {  	p0 =	sne.s32 s18, s5;
	_ =	swait.ge [sflag:s17], $0x640  }
.Ltmp1:
0x275: {  	[sflag:s17] =	ssyncset.done $0x0;
	(pc) =	sbr.rel @p0 .LBB2_1-.Ltmp1, $4  }
0x276: {  	[sflag:s17] =	ssyncadd.s32 $0xFFFFF9C0  }
0x277: {  	_ =	swait.ge [sflag:s17], $0x640  }
0x278: {  	[sflag:s17] =	ssyncset.done $0x0  }
0x279: {  	[sflag:s17] =	ssyncadd.s32 $0xFFFFF9C0  }
0x27a: {  	_ =	sfence.sel $0x180000  }
0x27b: {  	[bflag:$0x0] =	sbarrier.arrive $0xFFFF  }
0x27c: {  	p0 =	sne.s32 s0, $0x0;
	_ =	strace $0x90000047  }
0x27d: {  	s0 =	sadd.s32 @!p0 $0x100000, s1;
	[bflag:$0x2] =	sbarrier.arrive $0xFFFF  }
0x27e: {  	[sflag:s0] =	ssyncadd.tile.s32 @!p0 $0x1;
	_ =	shalt  }
.Lfunc_end2:
_tile_overlayer_lowered:
.L_overlay_start_2:
0x27f: {  	(tag) =	ssettag $0x2  }
0x280: {  	s0 =	rddreg [dreg:$0x0];
	s2 =	stileid.u32  }
0x281: {  	s1 =	rddreg [dreg:$0x1];
	p0 =	sne.s32 s2, $0x0  }
0x282: {  	s3 =	rddreg [dreg:$0x2];
	[bflag:$0x3] =	sbarrier.arrive $0xFFFF;
	s2 =	simm.s32 @!p0 $0x1C09  }
0x283: {  	[timem:s3], [sflag:s2] =	dma.local @!p0 [hbm:s0], s1  }
0x284: {  	s0 =	simm.s32 @!p0 $0x9  }
0x285: {  	_ =	swait.ge @!p0 [sflag:s0], s1  }
0x286: {  	s1 =	ssub.s32 @!p0 $0x0, s1;
	[sflag:s0] =	ssyncset.done @!p0 $0x0  }
0x287: {  	[sflag:s0] =	ssyncadd.s32 @!p0 s1  }
0x288: {  	[bflag:$0x3] =	sbarrier.arrive $0xFFFF  }
0x289: {  	_ =	shalt  }

// kernel: sparse-core-data-format-call.cloned.1.call-start
scs
called_computation_lowered:
.L_overlay_start_0:
0x0: {  	s2 =	sld [smem:$0x3FD9]  }
0x1: {  	s3 =	sld [smem:$0x3FFE];
	_ =	sdelay $0x1  }
0x2: {  	s1 =	srdreg.scid  }
0x3: {  	s0 =	sand.u32 $0x1, s1  }
0x4: {  	s18 =	sshll.u32 s0, $0xA;
	s2 =	sadd.s32 s3, s2  }
0x5: {  	s2 =	sadd.s32 s2, s18  }
0x6: {  	[smem:$0x3FC6] =	sst s2  }
0x7: {  	_ = 	snop  }
0x8: {  	s2 =	sld [smem:$0x3FD0];
	(tm) =	ssettm $0x1  }
0x9: {  	s19 =	sld [smem:$0x3FFB];
	_ =	sdelay $0x3  }
0xa: {  	_ =	strace s19  }
0xb: {  	s3 =	sld [smem:$0x3FFC];
	_ =	sdelay $0x3  }
0xc: {  	_ =	strace s3  }
0xd: {  	s3 =	sld [smem:$0x3FFD];
	_ =	sdelay $0x3  }
0xe: {  	_ =	strace s3  }
0xf: {  	_ =	strace $0x8FFFFFFF  }
0x10: {  	s20 =	sld [smem:$0x3FDB];
	_ =	sdelay $0x1  }
0x11: {  	s4 =	simm.s32 $_scs_section_size  }
0x12: {  	s5 =	simm.s32 $_size__tile_overlayer_lowered;
	s6 =	simm.s32 $_tile_overlayer_lowered  }
0x13: {  	s23 =	simm.s32 $0x1BFF;
	s22 =	sshll.u32 s6, $0x1;
	s3 =	sadd.s32 s4, s20  }
0x14: {  	s7 =	simm.s32 $0x0;
	s21 =	sshll.u32 s5, $0x1;
	s5 =	sadd.s32 s22, s3  }
0x15: {  	[timem:s7], [sflag:s23] =	dma.local [hbm:s5], s21  }
0x16: {  	_ =	swait.ge [sflag:s23], s21  }
0x17: {  	s4 =	ssub.s32 $0x0, s21;
	[sflag:s23] =	ssyncset.done $0x0  }
0x18: {  	[sflag:s23] =	ssyncadd.s32 s4;
	_ =	sdelay $0x1  }
0x19: {  	s24 =	simm.s32 $0x1B8B  }
0x1a: {  	_ =	swait.ge [sflag:s24], $0x1  }
0x1b: {  	[sflag:s24] =	ssyncset.done $0x0  }
0x1c: {  	s26 =	simm.s32 $0x1B8E;
	s25 =	sld [smem:$0x3FFE];
	[sflag:s24] =	ssyncadd.s32 $0xFFFFFFFF  }
0x1d: {  	s27 =	simm.s32 $execute0_lowered;
	[smem:$0x3FD2] =	sst s26  }
0x1e: {  	s5 =	sshll.u32 s27, $0x1;
	_ =	strace $0x80000049;
	[dreg:$0x1] =	wrdreg $0xFFFFFFFF  }
0x1f: {  	s28 =	simm.s32 $_size_execute0_lowered;
	s3 =	sadd.s32 s3, s5;
	[dreg:$0x0] =	wrdreg $0x0  }
0x20: {  	s5 =	sshll.u32 s28, $0x1;
	[dreg:$0x2] =	wrdreg s3  }
0x21: {  	[dreg:$0x3] =	wrdreg s5  }
0x22: {  	[dreg:$0x4] =	wrdreg $0xC0  }
0x23: {  	_ =	task [dreg:s7], $0x5FFFF  }
0x24: {  	[dreg:$0x1] =	wrdreg $0xFFFFFFFF  }
0x25: {  	[dreg:$0x0] =	wrdreg $0x60  }
0x26: {  	[dreg:$0x2] =	wrdreg s25  }
0x27: {  	[dreg:$0x3] =	wrdreg s2  }
0x28: {  	[dreg:$0x4] =	wrdreg $0x9  }
0x29: {  	_ =	task.clear_ibuf [dreg:s7], $0x5FFFF;
	_ =	strace $0x90000049  }
0x2a: {  	s29 =	simm.s32 $0x9;
	_ =	strace $0x8000004B  }
0x2b: {  	_ =	swait.ge [sflag:s29], $0x1  }
0x2c: {  	[sflag:s29] =	ssyncadd.s32 $0xFFFFFFFF  }
0x2d: {  	_ =	strace $0x9000004B  }
0x2e: {  	_ =	sfence  }
0x2f: {  	s30 =	sld [smem:$0x0];
	_ =	sdelay $0x2  }
0x30: {  	s31 =	sshll.u32 s1, $0xD;
	s1 =	sshrl.u32 s1, $0x2  }
0x31: {  	s3 =	sand.u32 $0x4000, s31;
	s1 =	sadd.s32 s1, s30  }
0x32: {  	s0 =	sor.u32 s3, s0;
	s1 =	sshll.u32 s1, $0x11  }
0x33: {  	s0 =	sor.u32 s1, s0  }
0x34: {  	s0 =	sadd.s32 $0x8F2B, s0  }
0x35: {  	[sflag:s0] =	ssyncadd.remote.s32 $0x1  }
0x36: {  	_ =	sfence.sel $0xFFFF  }
0x37: {  	[dreg:$0x0] =	wrdreg $0xFFFFFFFF;
	(pc) =	sbr.abs _section_cstart, $3  }
0x38: {  	[dreg:$0x1] =	wrdreg $0xFFFFFFFF  }
0x39: {  	_ =	task.clear_ibuf [dreg:s7], $0x2FFFF;
	_ =	strace $0x9FFFFFFF  }
0x3a: {  	(tm) =	ssettm $0x7FFFFFFF  }
0x3b: {  	_ =	shalt  }
tec
execute0_lowered:
.L_overlay_start_1:
0x0: {  	(tag) =	ssettag $0x1  }
0x1: {  	s0 =	srdreg.scid  }
0x2: {  	s1 =	sshll.u32 s0, $0x4  }
0x3: {  	s0 =	stileid.u32;
	s1 =	sand.u32 $0x10, s1  }
0x4: {  	s1 =	sor.u32 s0, s1  }
0x5: {  	s6 =	rddreg [dreg:$0x0];
	s4 =	simm.s32 $0x1;
	s2 =	sshll.u32 s1, $0x7  }
0x6: {  	s7 =	simm.s32 $0x2;
	s12 =	simm.s32 $0x0;
	s1 =	ssub.s32 $0x4000, s2  }
0x7: {  	s8 =	simm.s32 $0x20000;
	s13 =	simm.s32 $0x0;
	s3 =	sand.u32 $0xF80, s1  }
0x8: {  	s9 =	simm.s32 $0x0;
	s5 =	sshrl.u32 s1, $0xC;
	p0 =	sne.s32 s3, $0x0  }
.Ltmp0:
0x9: {  	s1 =	rddreg [dreg:$0x2];
	s4 =	simm.s32 @!p0 $0x0;
	(pc) =	sbr.rel .LBB1_1-.Ltmp0, $4  }
0xa: {  	s11 =	simm.s32 $0x0;
	s3 =	rddreg [dreg:$0x1];
	s5 =	sadd.s32 s4, s5  }
0xb: {  	_ =	strace $0x8000004A;
	s4 =	simm.s32 $0x1;
	s5 =	smul.u32 $0x32, s5  }
0xc: {  	s6 =	sadd.s32 $0xA00, s6;
	s10 =	smov.u32 s2;
	[sflag:s4] =	ssyncpa.u1 $0x0  }
0xd: {  	p0 =	por $0x0, $0x0;
	[sflag:s7] =	ssyncpa.u1 $0x0;
	s7 =	sor.u32 $0x1, s5  }
.LBB1_4:
0xe: {  	s16 =	sshll.u32 s13, $0x3;
	s17 =	sand.u32 $0x78, s13  }
0xf: {  	s30 =	sand.u32 $0xF800, s13;
	s12 =	sshll.u32 s12, $0x10;
	s16 =	sand.u32 $0x3C00, s16  }
0x10: {  	s31 =	sand.u32 $0x7, s13;
	s16 =	sor.u32 s17, s16;
	s17 =	sadd.s32 s3, s30  }
0x11: {  	s13 =	sshll.u32 s31, $0x12;
	s16 =	sshrl.u32 s16, $0x3;
	s12 =	sadd.s32 s12, s17  }
0x12: {  	[tilespmem:s15+$0x0 ss:$0x81] =	vst.msk $0xffff, v0;
	s13 =	sor.u32 $0x400, s13;
	s12 =	sadd.s32 s16, s12  }
0x13: {  	[hbm4b:s12+s13] =	stream.strided.scatter [tilespmem:s14], [sflag:$0x2], $0x1000, s8, s13, $0x20;
	[tilespmem:$0x4040] =	vst v63  }
.LBB1_5:
0x14: {  	s14 =	sadd.s32 $0x1, s9  }
0x15: {  	s12 =	sadd.s32 $0x1000, s10;
	s16 =	smov.u32 s10;
	p2 =	sgt.s32 s14, $0x31  }
0x16: {  	s16 =	smov.u32 @p2 s12  }
0x17: {  	s14 =	simm.s32 @p2 $0x0;
	p2 =	sgt.s32 s16, $0x3FFF  }
0x18: {  	s16 =	smov.u32 @p2 s2;
	p2 =	sne.s32 s11, s7  }
.Ltmp1:
0x19: {  	p1 =	slt.u32 s11, $0x2;
	(pc) =	sbr.rel @!p2 .LBB1_6-.Ltmp1, $4  }
0x1a: {  	s15 =	simm.s32 @!p1 $0x2  }
0x1b: {  	s13 =	smov.u32 s10;
	p0 =	por !p0, !p0;
	_ =	swait.ge @!p1 [sflag:s15], $0x1000  }
0x1c: {  	s12 =	smov.u32 s9;
	[sflag:s15] =	ssyncset.done @!p1 $0x0;
	s9 =	smov.u32 s14  }
0x1d: {  	s11 =	sadd.s32 $0x1, s11;
	[sflag:s15] =	ssyncadd.s32 @!p1 $0xFFFFF000;
	s10 =	smov.u32 s16  }
.LBB1_1:
0x1e: {  	p1 =	sge.u32 s11, s5  }
0x1f: {  	s14 =	sand.u32 @!p1 $0x1FFFFFF, s9  }
0x20: {  	s15 =	smulhi.u32 @!p1 $0x4924925, s14;
	_ =	sdelay $0x1  }
0x21: {  	s15 =	smul.u32 @!p1 $0x38, s15  }
0x22: {  	s16 =	sxor.u32 @!p1 $0xFFFFFFFF, s11;
	s17 =	smul.u32 @!p1 $0x380, s10  }
0x23: {  	s31 =	sadd.s32 $0xFFFFFFFF, s11;
	s16 =	sshll.u32 @!p1 s16, $0xC;
	s14 =	ssub.s32 @!p1 s14, s15  }
0x24: {  	s15 =	sand.u32 @!p1 $0x1000, s16;
	s16 =	sadd.s32 @!p1 s6, s17;
	s14 =	sshll.u32 @!p1 s14, $0x4  }
0x25: {  	s17 =	simm.s32 @!p1 $0x1C00;
	s14 =	sadd.s32 @!p1 s14, s16;
	s16 =	simm.s32 @!p1 $0x20  }
0x26: {  	[tilespmem:s15], [sflag:$0x1] =	stream.strided.gather @!p1 [hbm4b:s14+s16], $0x1000, s17, s16, $0x38;
	[tilespmem:$0x4040] =	vst v63  }
0x27: {  	p1 =	sge.u32 s31, s5  }
.Ltmp2:
0x28: {  	_ = 	snop;
	(pc) =	sbr.rel @p1 .LBB1_5-.Ltmp2, $1  }
0x29: {  	_ =	sdelay $0x3  }
0x2a: {  	s14 =	simm.s32 $0x1  }
0x2b: {  	_ =	swait.ge [sflag:s4], $0x1000;
	s14 =	simm.s32 @!p0 $0x0  }
0x2c: {  	[sflag:s4] =	ssyncset.done $0x0;
	s15 =	sshll.u32 s14, $0xC  }
0x2d: {  	[sflag:s4] =	ssyncadd.s32 $0xFFFFF000;
	s18 =	sor.u32 $0x10, s15  }
0x2e: {  	s14 =	smul.u32 $0x4080, s14;
	v1 =	vld [tilespmem:s18+$0x0]  }
0x2f: {  	s30 =	sand.u32 $0x1, s11;
	v0 =	vld [tilespmem:s18+$0xFFFFFFF0]  }
0x30: {  	s15 =	smul.u32 $0x4080, s30;
	s14 =	sshrl.u32 s14, $0x2  }
0x31: {  	s16 =	sor.u32 $0x2000, s14  }
0x32: {  	s31 =	sshrl.u32 s15, $0x2;
	s15 =	sadd.s32 $0x0, s16  }
0x33: {  	s17 =	simm.s32 $0x4;
	s18 =	sadd.s32 $0x20, s18;
	s14 =	sor.u32 $0x2000, s31;
	[tilespmem:s15+$0x810 ss:$0x81] =	vst.msk $0xffff, v1  }
.LBB1_3:
0x34: {  	v1 =	vld [tilespmem:s18+$0x0];
	p1 =	sne.s32 s17, $0x1FC;
	[tilespmem:s15+$0x0 ss:$0x81] =	vst.msk $0xffff, v0;
	s15 =	smov.u32 s17;
	s17 =	sadd.s32 $0x4, s17  }
.Ltmp3:
0x35: {  	v0 =	vld [tilespmem:s18+$0xFFFFFFF0];
	(pc) =	sbr.rel @p1 .LBB1_3-.Ltmp3, $4  }
0x36: {  	_ = 	snop  }
0x37: {  	s15 =	sshra.s32 s15, $0x2  }
0x38: {  	s15 =	sadd.s32 s15, s16  }
0x39: {  	s18 =	sadd.s32 $0x20, s18;
	[tilespmem:s15+$0x810 ss:$0x81] =	vst.msk $0xffff, v1  }
.Ltmp4:
0x3a: {  	_ = 	snop;
	(pc) =	sbr.rel .LBB1_4-.Ltmp4, $1  }
0x3b: {  	_ =	sdelay $0x3  }
.LBB1_6:
0x3c: {  	_ =	sfence.sel $0x180000  }
0x3d: {  	s2 =	simm.s32 $0x1;
	[bflag:$0x0] =	sbarrier.arrive $0xFFFF  }
0x3e: {  	s31 =	simm.s32 $0x2;
	[sflag:s2] =	ssyncpa.u1 $0x1  }
0x3f: {  	[sflag:s31] =	ssyncpa.u1 $0x1  }
0x40: {  	p0 =	sne.s32 s0, $0x0;
	_ =	strace $0x9000004A  }
0x41: {  	s0 =	sadd.s32 @!p0 $0x100000, s1;
	[bflag:$0x2] =	sbarrier.arrive $0xFFFF  }
0x42: {  	[sflag:s0] =	ssyncadd.tile.s32 @!p0 $0x1;
	_ =	shalt  }
.Lfunc_end1:
_tile_overlayer_lowered:
.L_overlay_start_2:
0x43: {  	(tag) =	ssettag $0x2  }
0x44: {  	s0 =	rddreg [dreg:$0x0];
	s2 =	stileid.u32  }
0x45: {  	s1 =	rddreg [dreg:$0x1];
	p0 =	sne.s32 s2, $0x0  }
0x46: {  	s3 =	rddreg [dreg:$0x2];
	[bflag:$0x3] =	sbarrier.arrive $0xFFFF;
	s2 =	simm.s32 @!p0 $0x1C01  }
0x47: {  	[timem:s3], [sflag:s2] =	dma.local @!p0 [hbm:s0], s1  }
0x48: {  	s0 =	simm.s32 @!p0 $0x1  }
0x49: {  	_ =	swait.ge @!p0 [sflag:s0], s1  }
0x4a: {  	s1 =	ssub.s32 @!p0 $0x0, s1;
	[sflag:s0] =	ssyncset.done @!p0 $0x0  }
0x4b: {  	[sflag:s0] =	ssyncadd.s32 @!p0 s1  }
0x4c: {  	[bflag:$0x3] =	sbarrier.arrive $0xFFFF  }
0x4d: {  	_ =	shalt  }

</sc_bundles>
